<compile_context>
chip_gen: v7x
topology: tpu7x:2x2x1
jax: 0.10.2.dev20260603
libtpu: 0.0.44.dev20260713+nightly
codegen_flags: <defaults>
</compile_context>

<pallas_src>
import functools

import jax
import jax.numpy as jnp
from jax import lax
from jax.experimental import pallas as pl
from jax.experimental.pallas import tpu as pltpu
from jax.experimental.pallas import tpu_sc as plsc

N = 10000
NP = 10240
E = 320000
D_IN = 128
PDIM = 16
HID = 128
D = 128
DH = 64
NC = 2
NS = 16
L = 16
NW = NC * NS
EPW = E // NW
CH = 125
NCH = EPW // CH
RING = 4
RPT = NP // NS
DW = 16
GPW = EPW // L

_mesh = plsc.VectorSubcoreMesh(core_axis_name="c", subcore_axis_name="s")


@functools.partial(
    pl.kernel,
    out_type=jax.ShapeDtypeStruct((NC, NP, DW), jnp.float32),
    mesh=_mesh,
    compiler_params=pltpu.CompilerParams(use_tc_tiling_on_sc=False, needs_layout_passes=False),
    scratch_types=[
        pltpu.VMEM((NCH, CH), jnp.int32),
        pltpu.VMEM((CH, DW), jnp.float32),
        pltpu.VMEM_SHARED((NP, DW), jnp.float32),
    ] + [pltpu.SemaphoreType.DMA] * 2,
)
def _deg_kernel(dst_hbm, ones_hbm, zeros_hbm, degp_hbm, idx_v, ones_v, acc_sh,
                *sems):
    cid = lax.axis_index("c")
    sid = lax.axis_index("s")
    wid = sid * NC + cid
    pltpu.sync_copy(dst_hbm.at[wid], idx_v)
    pltpu.sync_copy(ones_hbm, ones_v)
    pltpu.sync_copy(zeros_hbm.at[pl.ds(sid * RPT, RPT)],
                    acc_sh.at[pl.ds(sid * RPT, RPT)])
    plsc.subcore_barrier()

    def scat(j, k):
        pltpu.make_async_copy(ones_v, acc_sh.at[idx_v.at[j]], sems[k]).start(add=True)

    def scat_wait(j, k):
        pltpu.make_async_copy(ones_v, acc_sh.at[idx_v.at[j]], sems[k]).wait()

    scat(0, 0)
    scat(1, 1)

    def body(i, carry):
        j0 = i * 2
        scat_wait(j0 - 2, 0)
        scat(j0, 0)
        scat_wait(j0 - 1, 1)
        scat(j0 + 1, 1)
        return carry

    lax.fori_loop(1, NCH // 2, body, 0)
    scat_wait(NCH - 2, 0)
    scat_wait(NCH - 1, 1)
    plsc.subcore_barrier()
    pltpu.sync_copy(acc_sh.at[pl.ds(sid * RPT, RPT)],
                    degp_hbm.at[cid, pl.ds(sid * RPT, RPT)])


@functools.partial(
    pl.kernel,
    out_type=[
        jax.ShapeDtypeStruct((NC, NP, DH), jnp.float32),
        jax.ShapeDtypeStruct((NC, NP, DH), jnp.float32),
    ],
    mesh=_mesh,
    compiler_params=pltpu.CompilerParams(use_tc_tiling_on_sc=False, needs_layout_passes=False),
    scratch_types=[
        pltpu.VMEM((NCH, CH), jnp.int32),
        pltpu.VMEM((NCH, CH), jnp.int32),
    ] + [pltpu.VMEM((CH, DH), jnp.float32)] * RING
      + [pltpu.VMEM_SHARED((NP, DH), jnp.float32)]
      + [pltpu.SemaphoreType.DMA] * (2 * RING),
)
def _scatter_kernel(ul_hbm, ur_hbm, src_hbm, dst_hbm, zeros_hbm,
                    pl_hbm, pr_hbm,
                    src_v, dst_v, *rest):
    bufs = rest[:RING]
    acc_sh = rest[RING]
    gsem = rest[RING + 1:RING + 1 + RING]
    ssem = rest[RING + 1 + RING:]
    cid = lax.axis_index("c")
    sid = lax.axis_index("s")
    wid = sid * NC + cid
    pltpu.sync_copy(src_hbm.at[wid], src_v)
    pltpu.sync_copy(dst_hbm.at[wid], dst_v)

    HL = RING // 2

    for u_hbm, out_hbm in ((ul_hbm, pl_hbm), (ur_hbm, pr_hbm)):
        pltpu.sync_copy(zeros_hbm.at[pl.ds(sid * RPT, RPT)],
                        acc_sh.at[pl.ds(sid * RPT, RPT)])
        plsc.subcore_barrier()

        def gather(j, k):
            pltpu.make_async_copy(u_hbm.at[src_v.at[j]], bufs[k], gsem[k]).start()

        def gather_wait(j, k):
            pltpu.make_async_copy(u_hbm.at[src_v.at[j]], bufs[k], gsem[k]).wait()

        def scat(j, k):
            pltpu.make_async_copy(
                bufs[k], acc_sh.at[dst_v.at[j]], ssem[k]).start(add=True)

        def scat_wait(j, k):
            pltpu.make_async_copy(
                bufs[k], acc_sh.at[dst_v.at[j]], ssem[k]).wait()

        def slot(j, k, wait_s, fire_g):
            gather_wait(j, k)
            scat(j, k)
            if wait_s:
                scat_wait(j - HL, (k - HL) % RING)
            if fire_g:
                gather(j + HL, (k + HL) % RING)

        for j in range(HL):
            gather(j, j)
        for j in range(RING):
            slot(j, j, wait_s=(j >= HL), fire_g=True)

        def body(i, carry):
            j0 = i * RING
            for k in range(RING):
                slot(j0 + k, k, wait_s=True, fire_g=True)
            return carry

        lax.fori_loop(1, NCH // RING - 1, body, 0)
        e = NCH - RING
        for j in range(e, NCH):
            slot(j, j % RING, wait_s=True, fire_g=(j + HL < NCH))
        for j in range(NCH - HL, NCH):
            scat_wait(j, j % RING)
        plsc.subcore_barrier()
        pltpu.sync_copy(acc_sh.at[pl.ds(sid * RPT, RPT)],
                        out_hbm.at[cid, pl.ds(sid * RPT, RPT)])


@functools.partial(
    pl.kernel,
    out_type=jax.ShapeDtypeStruct((NW, GPW, L), jnp.float32),
    mesh=_mesh,
    compiler_params=pltpu.CompilerParams(use_tc_tiling_on_sc=False, needs_layout_passes=False),
    scratch_types=[
        pltpu.VMEM((N, 2), jnp.float32),
        pltpu.VMEM((GPW, L), jnp.int32),
        pltpu.VMEM((GPW, L), jnp.int32),
        pltpu.VMEM((GPW, L), jnp.float32),
        pltpu.VMEM((L,), jnp.float32),
    ],
)
def _decode_kernel(ac_hbm, ls_hbm, ld_hbm, bl_hbm, out_hbm,
                   ac_v, ls_v, ld_v, o_v, bl_v):
    cid = lax.axis_index("c")
    sid = lax.axis_index("s")
    wid = sid * NC + cid
    pltpu.sync_copy(ac_hbm, ac_v)
    pltpu.sync_copy(ls_hbm.at[wid], ls_v)
    pltpu.sync_copy(ld_hbm.at[wid], ld_v)
    pltpu.sync_copy(bl_hbm, bl_v)
    bv = bl_v[...]
    col_a = jnp.zeros((L,), jnp.int32)
    col_c = jnp.ones((L,), jnp.int32)

    def body(i, carry):
        j0 = i * 5
        for k in range(5):
            j = j0 + k
            si = ls_v[j]
            di = ld_v[j]
            av = plsc.load_gather(ac_v, [si, col_a])
            cv = plsc.load_gather(ac_v, [di, col_c])
            o_v[j] = av + cv + bv
        return carry

    lax.fori_loop(0, GPW // 5, body, 0)
    pltpu.sync_copy(o_v, out_hbm.at[wid])


def _dinv_of(degp_ref):
    d = degp_ref[...]
    deg = jnp.sum(d[0] + d[1], axis=-1) * (1.0 / DW) + 1.0
    return lax.rsqrt(deg)


def _tca_body(x_ref, pe_ref, w1_ref, degp_ref, ul_ref, ur_ref):
    dinv = _dinv_of(degp_ref)
    xw = jnp.dot(x_ref[...], w1_ref[:D_IN, :], preferred_element_type=jnp.float32)
    xw = xw + jnp.dot(pe_ref[...], w1_ref[D_IN:, :], preferred_element_type=jnp.float32)
    u = xw * dinv[:, None]
    ul_ref[...] = u[:, :DH]
    ur_ref[...] = u[:, DH:]


def _tcb_body(ul_ref, ur_ref, pl_ref, pr_ref, degp_ref, b1_ref, w2_ref,
              ol_ref, or_ref):
    dinv = _dinv_of(degp_ref)
    aggl = ul_ref[...] + pl_ref[0] + pl_ref[1]
    aggr = ur_ref[...] + pr_ref[0] + pr_ref[1]
    agg = jnp.concatenate([aggl, aggr], axis=-1)
    h = jnp.maximum(agg * dinv[:, None] + b1_ref[...][None, :], 0.0)
    u2 = jnp.dot(h, w2_ref[...], preferred_element_type=jnp.float32) * dinv[:, None]
    ol_ref[...] = u2[:, :DH]
    or_ref[...] = u2[:, DH:]


def _tcc_body(ul_ref, ur_ref, pl_ref, pr_ref, degp_ref, b2_ref, wac_ref,
              z_ref, ac_ref):
    dinv = _dinv_of(degp_ref)
    aggl = ul_ref[...] + pl_ref[0] + pl_ref[1]
    aggr = ur_ref[...] + pr_ref[0] + pr_ref[1]
    agg = jnp.concatenate([aggl, aggr], axis=-1)
    z = agg * dinv[:, None] + b2_ref[...][None, :]
    z_ref[...] = z
    ac_ref[...] = jnp.dot(z, wac_ref[...], preferred_element_type=jnp.float32)


BLK = 2000

_tc_a = pl.pallas_call(
    _tca_body,
    grid=(N // BLK,),
    in_specs=[
        pl.BlockSpec((BLK, D_IN), lambda i: (i, 0)),
        pl.BlockSpec((BLK, PDIM), lambda i: (i, 0)),
        pl.BlockSpec((D_IN + PDIM, HID), lambda i: (0, 0)),
        pl.BlockSpec((NC, BLK, DW), lambda i: (0, i, 0)),
    ],
    out_specs=[
        pl.BlockSpec((BLK, DH), lambda i: (i, 0)),
        pl.BlockSpec((BLK, DH), lambda i: (i, 0)),
    ],
    out_shape=[
        jax.ShapeDtypeStruct((N, DH), jnp.float32),
        jax.ShapeDtypeStruct((N, DH), jnp.float32),
    ],
)

_tc_b = pl.pallas_call(
    _tcb_body,
    grid=(N // BLK,),
    in_specs=[
        pl.BlockSpec((BLK, DH), lambda i: (i, 0)),
        pl.BlockSpec((BLK, DH), lambda i: (i, 0)),
        pl.BlockSpec((NC, BLK, DH), lambda i: (0, i, 0)),
        pl.BlockSpec((NC, BLK, DH), lambda i: (0, i, 0)),
        pl.BlockSpec((NC, BLK, DW), lambda i: (0, i, 0)),
        pl.BlockSpec((HID,), lambda i: (0,)),
        pl.BlockSpec((HID, D), lambda i: (0, 0)),
    ],
    out_specs=[
        pl.BlockSpec((BLK, DH), lambda i: (i, 0)),
        pl.BlockSpec((BLK, DH), lambda i: (i, 0)),
    ],
    out_shape=[
        jax.ShapeDtypeStruct((N, DH), jnp.float32),
        jax.ShapeDtypeStruct((N, DH), jnp.float32),
    ],
)

_tc_c = pl.pallas_call(
    _tcc_body,
    grid=(N // BLK,),
    in_specs=[
        pl.BlockSpec((BLK, DH), lambda i: (i, 0)),
        pl.BlockSpec((BLK, DH), lambda i: (i, 0)),
        pl.BlockSpec((NC, BLK, DH), lambda i: (0, i, 0)),
        pl.BlockSpec((NC, BLK, DH), lambda i: (0, i, 0)),
        pl.BlockSpec((NC, BLK, DW), lambda i: (0, i, 0)),
        pl.BlockSpec((D,), lambda i: (0,)),
        pl.BlockSpec((D, 2), lambda i: (0, 0)),
    ],
    out_specs=[
        pl.BlockSpec((BLK, D), lambda i: (i, 0)),
        pl.BlockSpec((BLK, 2), lambda i: (i, 0)),
    ],
    out_shape=[
        jax.ShapeDtypeStruct((N, D), jnp.float32),
        jax.ShapeDtypeStruct((N, 2), jnp.float32),
    ],
)


def kernel(x, edge_index, edge_label_index, pos_emb, W1, b1, W2, b2, Wl, bl):
    src_r = edge_index[0].reshape(NW, NCH, CH)
    dst_r = edge_index[1].reshape(NW, NCH, CH)
    ls_r = edge_label_index[0].reshape(NW, GPW, L)
    ld_r = edge_label_index[1].reshape(NW, GPW, L)
    zeros_half = jnp.zeros((NP, DH), jnp.float32)
    zeros_deg = jnp.zeros((NP, DW), jnp.float32)
    ones_deg = jnp.ones((CH, DW), jnp.float32)
    bl16 = jnp.full((L,), bl[0], jnp.float32)
    wac = jnp.stack([Wl[:HID, 0], Wl[HID:, 0]], axis=1)

    degp = _deg_kernel(dst_r, ones_deg, zeros_deg)
    u1l, u1r = _tc_a(x, pos_emb, W1, degp)
    p1l, p1r = _scatter_kernel(u1l, u1r, src_r, dst_r, zeros_half)
    u2l, u2r = _tc_b(u1l, u1r, p1l, p1r, degp, b1, W2)
    p2l, p2r = _scatter_kernel(u2l, u2r, src_r, dst_r, zeros_half)
    z, ac = _tc_c(u2l, u2r, p2l, p2r, degp, b2, wac)
    ep = _decode_kernel(ac, ls_r, ld_r, bl16).reshape(E)
    return (z, ep)

# --- scband reference (transcript-rebuilt; emitter-appended) ---
"""Pipeline reference for scband-gcn-26044681683459 (READ-ONLY COPY).

The authoritative reference and input builder live on the scoring server;
editing this copy changes nothing except your own understanding.
"""

import jax, jax.numpy as jnp
import numpy as np

N = 10000
E = 320000
D_IN = 128
HID = 128
D_OUT = 128
P = 16


def gcn_conv(x, edge_index, W, b, num_nodes):
    # PyG GCNConv semantics: linear transform, add self-loops, symmetric norm, sum-aggregate, add bias
    xw = x @ W
    loop = jnp.arange(num_nodes, dtype=edge_index.dtype)
    src = jnp.concatenate([edge_index[0], loop])
    dst = jnp.concatenate([edge_index[1], loop])
    deg = jnp.zeros((num_nodes,), dtype=xw.dtype).at[dst].add(1.0)
    dinv = jnp.where(deg > 0, deg ** -0.5, 0.0)
    norm = dinv[src] * dinv[dst]
    msg = xw[src] * norm[:, None]
    out = jnp.zeros((num_nodes, W.shape[1]), dtype=xw.dtype).at[dst].add(msg)
    return out + b


def setup_inputs(seed: int = 0) -> dict:
    key = jax.random.key(seed)
    ks = jax.random.split(key, 10)
    x = jax.random.normal(ks[0], (N, D_IN), dtype=jnp.float32)
    edge_index = jax.random.randint(ks[1], (2, E), 0, N, dtype=jnp.int32)
    edge_label_index = jax.random.randint(ks[2], (2, E), 0, N, dtype=jnp.int32)
    pos_emb = jax.random.normal(ks[3], (N, P), dtype=jnp.float32) * 0.02
    W1 = jax.random.normal(ks[4], (D_IN + P, HID), dtype=jnp.float32) * (1.0 / np.sqrt(D_IN + P))
    b1 = jnp.zeros((HID,), dtype=jnp.float32)
    W2 = jax.random.normal(ks[5], (HID, D_OUT), dtype=jnp.float32) * (1.0 / np.sqrt(HID))
    b2 = jnp.zeros((D_OUT,), dtype=jnp.float32)
    Wl = jax.random.normal(ks[6], (D_OUT * 2, 1), dtype=jnp.float32) * (1.0 / np.sqrt(D_OUT * 2))
    bl = jnp.zeros((1,), dtype=jnp.float32)
    return {"x": x, "edge_index": edge_index, "edge_label_index": edge_label_index,
            "pos_emb": pos_emb, "W1": W1, "b1": b1, "W2": W2, "b2": b2, "Wl": Wl, "bl": bl}


def reference(x, edge_index, edge_label_index, pos_emb, W1, b1, W2, b2, Wl, bl):
    num_nodes = x.shape[0]
    node_indices = jnp.arange(num_nodes)
    pe = jnp.take(pos_emb, node_indices, axis=0)
    h = jnp.concatenate([x, pe], axis=1)
    h = gcn_conv(h, edge_index, W1, b1, num_nodes)
    h = jax.nn.relu(h)
    # dropout is identity in eval mode
    z = gcn_conv(h, edge_index, W2, b2, num_nodes)
    src = edge_label_index[0]
    dst = edge_label_index[1]
    z_src = jnp.take(z, src, axis=0)
    z_dst = jnp.take(z, dst, axis=0)
    z_concat = jnp.concatenate([z_src, z_dst], axis=1)
    edge_pred = (z_concat @ Wl + bl).squeeze(-1)
    return (z, edge_pred)

if __name__ == "__main__":
    import jax
    _d = setup_inputs()
    print(jax.jit(kernel)(*tuple(_d.values())))

</pallas_src>

<mosaic_0001>
#map = affine_map<(d0, d1) -> (0, 0)>
#map1 = affine_map<(d0, d1) -> (0, 0, 0)>
module attributes {stable_mosaic.version = 14 : i64} {
  func.func @_scatter_kernel(%arg0: i32, %arg1: i32, %arg2: memref<10000x64xf32, #tpu.memory_space<hbm>>, %arg3: memref<10000x64xf32, #tpu.memory_space<hbm>>, %arg4: memref<32x80x125xi32, #tpu.memory_space<hbm>>, %arg5: memref<32x80x125xi32, #tpu.memory_space<hbm>>, %arg6: memref<10240x64xf32, #tpu.memory_space<hbm>>, %arg7: memref<2x10240x64xf32, #tpu.memory_space<hbm>>, %arg8: memref<2x10240x64xf32, #tpu.memory_space<hbm>>, %arg9: memref<80x125xi32, #tpu.memory_space<vmem>>, %arg10: memref<80x125xi32, #tpu.memory_space<vmem>>, %arg11: memref<125x64xf32, #tpu.memory_space<vmem>>, %arg12: memref<125x64xf32, #tpu.memory_space<vmem>>, %arg13: memref<125x64xf32, #tpu.memory_space<vmem>>, %arg14: memref<125x64xf32, #tpu.memory_space<vmem>>, %arg15: memref<10240x64xf32, #tpu.memory_space<vmem_shared>>, %arg16: memref<!tpu.dma_semaphore, #tpu.memory_space<semaphore_mem>>, %arg17: memref<!tpu.dma_semaphore, #tpu.memory_space<semaphore_mem>>, %arg18: memref<!tpu.dma_semaphore, #tpu.memory_space<semaphore_mem>>, %arg19: memref<!tpu.dma_semaphore, #tpu.memory_space<semaphore_mem>>, %arg20: memref<!tpu.dma_semaphore, #tpu.memory_space<semaphore_mem>>, %arg21: memref<!tpu.dma_semaphore, #tpu.memory_space<semaphore_mem>>, %arg22: memref<!tpu.dma_semaphore, #tpu.memory_space<semaphore_mem>>, %arg23: memref<!tpu.dma_semaphore, #tpu.memory_space<semaphore_mem>>) attributes {dimension_semantics = [#tpu.dimension_semantics<core_parallel>, #tpu.dimension_semantics<subcore_parallel>], iteration_bounds = array<i64: 2, 16>, scalar_prefetch = 0 : i64, scratch_operands = 15 : i64, tpu.core_type = #tpu.core_type<sc_vector_subcore>, window_params = [{transform_indices = #map}, {transform_indices = #map}, {transform_indices = #map1}, {transform_indices = #map1}, {transform_indices = #map}, {transform_indices = #map1}, {transform_indices = #map1}]} {
    %mul3A = arith.constant 2 : i32
    %mul3A_0 = arith.muli %arg1, %mul3A : i32
    %add3A = arith.addi %mul3A_0, %arg0 : i32
    "tpu.region"() ({
      %run_scoped3A = tpu.sem_alloc : memref<!tpu.dma_semaphore, #tpu.memory_space<semaphore_mem>>
      %dma_start3A_477 = arith.constant 0 : i32
      %dma_start3A_478 = arith.constant 0 : i32
      %dma_start3A_479 = tpu.memref_slice %arg4[%add3A, %dma_start3A_477, %dma_start3A_478] : memref<32x80x125xi32, #tpu.memory_space<hbm>> -> memref<1x80x125xi32, #tpu.memory_space<hbm>>
      %dma_start3A_480 = tpu.memref_squeeze %dma_start3A_479 : memref<1x80x125xi32, #tpu.memory_space<hbm>> -> memref<80x125xi32, #tpu.memory_space<hbm>>
      %dma_start3A_481 = arith.constant 0 : i32
      %dma_start3A_482 = arith.constant 0 : i32
      %dma_start3A_483 = tpu.memref_slice %arg4[%add3A, %dma_start3A_481, %dma_start3A_482] : memref<32x80x125xi32, #tpu.memory_space<hbm>> -> memref<1x80x125xi32, #tpu.memory_space<hbm>>
      %dma_start3A_484 = tpu.memref_squeeze %dma_start3A_483 : memref<1x80x125xi32, #tpu.memory_space<hbm>> -> memref<80x125xi32, #tpu.memory_space<hbm>>
      tpu.enqueue_dma source(%dma_start3A_484 : memref<80x125xi32, #tpu.memory_space<hbm>>) target(%arg9 : memref<80x125xi32, #tpu.memory_space<vmem>>) target_semaphore(%run_scoped3A : memref<!tpu.dma_semaphore, #tpu.memory_space<semaphore_mem>>)
      %dma_wait3A_485 = arith.constant 0 : i32
      %dma_wait3A_486 = arith.constant 0 : i32
      %dma_wait3A_487 = tpu.memref_slice %arg4[%add3A, %dma_wait3A_485, %dma_wait3A_486] : memref<32x80x125xi32, #tpu.memory_space<hbm>> -> memref<1x80x125xi32, #tpu.memory_space<hbm>>
      %dma_wait3A_488 = tpu.memref_squeeze %dma_wait3A_487 : memref<1x80x125xi32, #tpu.memory_space<hbm>> -> memref<80x125xi32, #tpu.memory_space<hbm>>
      %dma_wait3A_489 = arith.constant 0 : i32
      %dma_wait3A_490 = arith.constant 0 : i32
      %dma_wait3A_491 = tpu.memref_slice %arg4[%add3A, %dma_wait3A_489, %dma_wait3A_490] : memref<32x80x125xi32, #tpu.memory_space<hbm>> -> memref<1x80x125xi32, #tpu.memory_space<hbm>>
      %dma_wait3A_492 = tpu.memref_squeeze %dma_wait3A_491 : memref<1x80x125xi32, #tpu.memory_space<hbm>> -> memref<80x125xi32, #tpu.memory_space<hbm>>
      tpu.wait_dma2 semaphore(%run_scoped3A : memref<!tpu.dma_semaphore, #tpu.memory_space<semaphore_mem>>) src(%dma_wait3A_492 : memref<80x125xi32, #tpu.memory_space<hbm>>) dst(%arg9 : memref<80x125xi32, #tpu.memory_space<vmem>>)
      tpu.yield
    }) : () -> ()
    "tpu.region"() ({
      %run_scoped3A = tpu.sem_alloc : memref<!tpu.dma_semaphore, #tpu.memory_space<semaphore_mem>>
      %dma_start3A_477 = arith.constant 0 : i32
      %dma_start3A_478 = arith.constant 0 : i32
      %dma_start3A_479 = tpu.memref_slice %arg5[%add3A, %dma_start3A_477, %dma_start3A_478] : memref<32x80x125xi32, #tpu.memory_space<hbm>> -> memref<1x80x125xi32, #tpu.memory_space<hbm>>
      %dma_start3A_480 = tpu.memref_squeeze %dma_start3A_479 : memref<1x80x125xi32, #tpu.memory_space<hbm>> -> memref<80x125xi32, #tpu.memory_space<hbm>>
      %dma_start3A_481 = arith.constant 0 : i32
      %dma_start3A_482 = arith.constant 0 : i32
      %dma_start3A_483 = tpu.memref_slice %arg5[%add3A, %dma_start3A_481, %dma_start3A_482] : memref<32x80x125xi32, #tpu.memory_space<hbm>> -> memref<1x80x125xi32, #tpu.memory_space<hbm>>
      %dma_start3A_484 = tpu.memref_squeeze %dma_start3A_483 : memref<1x80x125xi32, #tpu.memory_space<hbm>> -> memref<80x125xi32, #tpu.memory_space<hbm>>
      tpu.enqueue_dma source(%dma_start3A_484 : memref<80x125xi32, #tpu.memory_space<hbm>>) target(%arg10 : memref<80x125xi32, #tpu.memory_space<vmem>>) target_semaphore(%run_scoped3A : memref<!tpu.dma_semaphore, #tpu.memory_space<semaphore_mem>>)
      %dma_wait3A_485 = arith.constant 0 : i32
      %dma_wait3A_486 = arith.constant 0 : i32
      %dma_wait3A_487 = tpu.memref_slice %arg5[%add3A, %dma_wait3A_485, %dma_wait3A_486] : memref<32x80x125xi32, #tpu.memory_space<hbm>> -> memref<1x80x125xi32, #tpu.memory_space<hbm>>
      %dma_wait3A_488 = tpu.memref_squeeze %dma_wait3A_487 : memref<1x80x125xi32, #tpu.memory_space<hbm>> -> memref<80x125xi32, #tpu.memory_space<hbm>>
      %dma_wait3A_489 = arith.constant 0 : i32
      %dma_wait3A_490 = arith.constant 0 : i32
      %dma_wait3A_491 = tpu.memref_slice %arg5[%add3A, %dma_wait3A_489, %dma_wait3A_490] : memref<32x80x125xi32, #tpu.memory_space<hbm>> -> memref<1x80x125xi32, #tpu.memory_space<hbm>>
      %dma_wait3A_492 = tpu.memref_squeeze %dma_wait3A_491 : memref<1x80x125xi32, #tpu.memory_space<hbm>> -> memref<80x125xi32, #tpu.memory_space<hbm>>
      tpu.wait_dma2 semaphore(%run_scoped3A : memref<!tpu.dma_semaphore, #tpu.memory_space<semaphore_mem>>) src(%dma_wait3A_492 : memref<80x125xi32, #tpu.memory_space<hbm>>) dst(%arg10 : memref<80x125xi32, #tpu.memory_space<vmem>>)
      tpu.yield
    }) : () -> ()
    %mul3A_1 = arith.constant 640 : i32
    %mul3A_2 = arith.muli %arg1, %mul3A_1 : i32
    %mul3A_3 = arith.constant 640 : i32
    %mul3A_4 = arith.muli %arg1, %mul3A_3 : i32
    "tpu.region"() ({
      %run_scoped3A = tpu.sem_alloc : memref<!tpu.dma_semaphore, #tpu.memory_space<semaphore_mem>>
      %dma_start3A_477 = arith.constant 0 : i32
      %dma_start3A_478 = tpu.memref_slice %arg15[%mul3A_4, %dma_start3A_477] : memref<10240x64xf32, #tpu.memory_space<vmem_shared>> -> memref<640x64xf32, #tpu.memory_space<vmem_shared>>
      %dma_start3A_479 = arith.constant 0 : i32
      %dma_start3A_480 = tpu.memref_slice %arg6[%mul3A_2, %dma_start3A_479] : memref<10240x64xf32, #tpu.memory_space<hbm>> -> memref<640x64xf32, #tpu.memory_space<hbm>>
      tpu.enqueue_dma source(%dma_start3A_480 : memref<640x64xf32, #tpu.memory_space<hbm>>) target(%dma_start3A_478 : memref<640x64xf32, #tpu.memory_space<vmem_shared>>) target_semaphore(%run_scoped3A : memref<!tpu.dma_semaphore, #tpu.memory_space<semaphore_mem>>)
      %dma_wait3A_481 = arith.constant 0 : i32
      %dma_wait3A_482 = tpu.memref_slice %arg15[%mul3A_4, %dma_wait3A_481] : memref<10240x64xf32, #tpu.memory_space<vmem_shared>> -> memref<640x64xf32, #tpu.memory_space<vmem_shared>>
      %dma_wait3A_483 = arith.constant 0 : i32
      %dma_wait3A_484 = tpu.memref_slice %arg6[%mul3A_2, %dma_wait3A_483] : memref<10240x64xf32, #tpu.memory_space<hbm>> -> memref<640x64xf32, #tpu.memory_space<hbm>>
      tpu.wait_dma2 semaphore(%run_scoped3A : memref<!tpu.dma_semaphore, #tpu.memory_space<semaphore_mem>>) src(%dma_wait3A_484 : memref<640x64xf32, #tpu.memory_space<hbm>>) dst(%dma_wait3A_482 : memref<640x64xf32, #tpu.memory_space<vmem_shared>>)
      tpu.yield
    }) : () -> ()
    %barrier3A = arith.constant 0 : index
    tpu.barrier barrier_id(%barrier3A)
    %dma_start3A = arith.constant 0 : i32
    %dma_start3A_5 = arith.constant 0 : i32
    %dma_start3A_6 = tpu.memref_slice %arg9[%dma_start3A, %dma_start3A_5] : memref<80x125xi32, #tpu.memory_space<vmem>> -> memref<1x125xi32, #tpu.memory_space<vmem>>
    %dma_start3A_7 = tpu.memref_squeeze %dma_start3A_6 : memref<1x125xi32, #tpu.memory_space<vmem>> -> memref<125xi32, #tpu.memory_space<vmem>>
    %dma_start3A_8 = arith.constant 0 : i32
    %dma_start3A_9 = arith.constant 0 : i32
    %dma_start3A_10 = tpu.memref_slice %arg2[%dma_start3A_8, %dma_start3A_9] : memref<10000x64xf32, #tpu.memory_space<hbm>> -> memref<10000x64xf32, #tpu.memory_space<hbm>>
    tpu.enqueue_indirect_dma source(%dma_start3A_10 : memref<10000x64xf32, #tpu.memory_space<hbm>>) target(%arg11 : memref<125x64xf32, #tpu.memory_space<vmem>>) offsets(%dma_start3A_7 : memref<125xi32, #tpu.memory_space<vmem>>) semaphore(%arg16 : memref<!tpu.dma_semaphore, #tpu.memory_space<semaphore_mem>>)
    %dma_start3A_11 = arith.constant 1 : i32
    %dma_start3A_12 = arith.constant 0 : i32
    %dma_start3A_13 = tpu.memref_slice %arg9[%dma_start3A_11, %dma_start3A_12] : memref<80x125xi32, #tpu.memory_space<vmem>> -> memref<1x125xi32, #tpu.memory_space<vmem>>
    %dma_start3A_14 = tpu.memref_squeeze %dma_start3A_13 : memref<1x125xi32, #tpu.memory_space<vmem>> -> memref<125xi32, #tpu.memory_space<vmem>>
    %dma_start3A_15 = arith.constant 0 : i32
    %dma_start3A_16 = arith.constant 0 : i32
    %dma_start3A_17 = tpu.memref_slice %arg2[%dma_start3A_15, %dma_start3A_16] : memref<10000x64xf32, #tpu.memory_space<hbm>> -> memref<10000x64xf32, #tpu.memory_space<hbm>>
    tpu.enqueue_indirect_dma source(%dma_start3A_17 : memref<10000x64xf32, #tpu.memory_space<hbm>>) target(%arg12 : memref<125x64xf32, #tpu.memory_space<vmem>>) offsets(%dma_start3A_14 : memref<125xi32, #tpu.memory_space<vmem>>) semaphore(%arg17 : memref<!tpu.dma_semaphore, #tpu.memory_space<semaphore_mem>>)
    %dma_wait3A = arith.constant 0 : i32
    %dma_wait3A_18 = arith.constant 0 : i32
    %dma_wait3A_19 = tpu.memref_slice %arg9[%dma_wait3A, %dma_wait3A_18] : memref<80x125xi32, #tpu.memory_space<vmem>> -> memref<1x125xi32, #tpu.memory_space<vmem>>
    %dma_wait3A_20 = tpu.memref_squeeze %dma_wait3A_19 : memref<1x125xi32, #tpu.memory_space<vmem>> -> memref<125xi32, #tpu.memory_space<vmem>>
    %dma_wait3A_21 = arith.constant 0 : i32
    %dma_wait3A_22 = arith.constant 0 : i32
    %dma_wait3A_23 = tpu.memref_slice %arg2[%dma_wait3A_21, %dma_wait3A_22] : memref<10000x64xf32, #tpu.memory_space<hbm>> -> memref<10000x64xf32, #tpu.memory_space<hbm>>
    tpu.wait_indirect_dma semaphore(%arg16 : memref<!tpu.dma_semaphore, #tpu.memory_space<semaphore_mem>>) src(%dma_wait3A_23 : memref<10000x64xf32, #tpu.memory_space<hbm>>) dst(%arg11 : memref<125x64xf32, #tpu.memory_space<vmem>>)
    %dma_start3A_24 = arith.constant 0 : i32
    %dma_start3A_25 = arith.constant 0 : i32
    %dma_start3A_26 = tpu.memref_slice %arg10[%dma_start3A_24, %dma_start3A_25] : memref<80x125xi32, #tpu.memory_space<vmem>> -> memref<1x125xi32, #tpu.memory_space<vmem>>
    %dma_start3A_27 = tpu.memref_squeeze %dma_start3A_26 : memref<1x125xi32, #tpu.memory_space<vmem>> -> memref<125xi32, #tpu.memory_space<vmem>>
    %dma_start3A_28 = arith.constant 0 : i32
    %dma_start3A_29 = arith.constant 0 : i32
    %dma_start3A_30 = tpu.memref_slice %arg15[%dma_start3A_28, %dma_start3A_29] : memref<10240x64xf32, #tpu.memory_space<vmem_shared>> -> memref<10240x64xf32, #tpu.memory_space<vmem_shared>>
    tpu.enqueue_indirect_dma source(%arg11 : memref<125x64xf32, #tpu.memory_space<vmem>>) target(%dma_start3A_30 : memref<10240x64xf32, #tpu.memory_space<vmem_shared>>) offsets(%dma_start3A_27 : memref<125xi32, #tpu.memory_space<vmem>>) semaphore(%arg20 : memref<!tpu.dma_semaphore, #tpu.memory_space<semaphore_mem>>) {add = true}
    %dma_start3A_31 = arith.constant 2 : i32
    %dma_start3A_32 = arith.constant 0 : i32
    %dma_start3A_33 = tpu.memref_slice %arg9[%dma_start3A_31, %dma_start3A_32] : memref<80x125xi32, #tpu.memory_space<vmem>> -> memref<1x125xi32, #tpu.memory_space<vmem>>
    %dma_start3A_34 = tpu.memref_squeeze %dma_start3A_33 : memref<1x125xi32, #tpu.memory_space<vmem>> -> memref<125xi32, #tpu.memory_space<vmem>>
    %dma_start3A_35 = arith.constant 0 : i32
    %dma_start3A_36 = arith.constant 0 : i32
    %dma_start3A_37 = tpu.memref_slice %arg2[%dma_start3A_35, %dma_start3A_36] : memref<10000x64xf32, #tpu.memory_space<hbm>> -> memref<10000x64xf32, #tpu.memory_space<hbm>>
    tpu.enqueue_indirect_dma source(%dma_start3A_37 : memref<10000x64xf32, #tpu.memory_space<hbm>>) target(%arg13 : memref<125x64xf32, #tpu.memory_space<vmem>>) offsets(%dma_start3A_34 : memref<125xi32, #tpu.memory_space<vmem>>) semaphore(%arg18 : memref<!tpu.dma_semaphore, #tpu.memory_space<semaphore_mem>>)
    %dma_wait3A_38 = arith.constant 1 : i32
    %dma_wait3A_39 = arith.constant 0 : i32
    %dma_wait3A_40 = tpu.memref_slice %arg9[%dma_wait3A_38, %dma_wait3A_39] : memref<80x125xi32, #tpu.memory_space<vmem>> -> memref<1x125xi32, #tpu.memory_space<vmem>>
    %dma_wait3A_41 = tpu.memref_squeeze %dma_wait3A_40 : memref<1x125xi32, #tpu.memory_space<vmem>> -> memref<125xi32, #tpu.memory_space<vmem>>
    %dma_wait3A_42 = arith.constant 0 : i32
    %dma_wait3A_43 = arith.constant 0 : i32
    %dma_wait3A_44 = tpu.memref_slice %arg2[%dma_wait3A_42, %dma_wait3A_43] : memref<10000x64xf32, #tpu.memory_space<hbm>> -> memref<10000x64xf32, #tpu.memory_space<hbm>>
    tpu.wait_indirect_dma semaphore(%arg17 : memref<!tpu.dma_semaphore, #tpu.memory_space<semaphore_mem>>) src(%dma_wait3A_44 : memref<10000x64xf32, #tpu.memory_space<hbm>>) dst(%arg12 : memref<125x64xf32, #tpu.memory_space<vmem>>)
    %dma_start3A_45 = arith.constant 1 : i32
    %dma_start3A_46 = arith.constant 0 : i32
    %dma_start3A_47 = tpu.memref_slice %arg10[%dma_start3A_45, %dma_start3A_46] : memref<80x125xi32, #tpu.memory_space<vmem>> -> memref<1x125xi32, #tpu.memory_space<vmem>>
    %dma_start3A_48 = tpu.memref_squeeze %dma_start3A_47 : memref<1x125xi32, #tpu.memory_space<vmem>> -> memref<125xi32, #tpu.memory_space<vmem>>
    %dma_start3A_49 = arith.constant 0 : i32
    %dma_start3A_50 = arith.constant 0 : i32
    %dma_start3A_51 = tpu.memref_slice %arg15[%dma_start3A_49, %dma_start3A_50] : memref<10240x64xf32, #tpu.memory_space<vmem_shared>> -> memref<10240x64xf32, #tpu.memory_space<vmem_shared>>
    tpu.enqueue_indirect_dma source(%arg12 : memref<125x64xf32, #tpu.memory_space<vmem>>) target(%dma_start3A_51 : memref<10240x64xf32, #tpu.memory_space<vmem_shared>>) offsets(%dma_start3A_48 : memref<125xi32, #tpu.memory_space<vmem>>) semaphore(%arg21 : memref<!tpu.dma_semaphore, #tpu.memory_space<semaphore_mem>>) {add = true}
    %dma_start3A_52 = arith.constant 3 : i32
    %dma_start3A_53 = arith.constant 0 : i32
    %dma_start3A_54 = tpu.memref_slice %arg9[%dma_start3A_52, %dma_start3A_53] : memref<80x125xi32, #tpu.memory_space<vmem>> -> memref<1x125xi32, #tpu.memory_space<vmem>>
    %dma_start3A_55 = tpu.memref_squeeze %dma_start3A_54 : memref<1x125xi32, #tpu.memory_space<vmem>> -> memref<125xi32, #tpu.memory_space<vmem>>
    %dma_start3A_56 = arith.constant 0 : i32
    %dma_start3A_57 = arith.constant 0 : i32
    %dma_start3A_58 = tpu.memref_slice %arg2[%dma_start3A_56, %dma_start3A_57] : memref<10000x64xf32, #tpu.memory_space<hbm>> -> memref<10000x64xf32, #tpu.memory_space<hbm>>
    tpu.enqueue_indirect_dma source(%dma_start3A_58 : memref<10000x64xf32, #tpu.memory_space<hbm>>) target(%arg14 : memref<125x64xf32, #tpu.memory_space<vmem>>) offsets(%dma_start3A_55 : memref<125xi32, #tpu.memory_space<vmem>>) semaphore(%arg19 : memref<!tpu.dma_semaphore, #tpu.memory_space<semaphore_mem>>)
    %dma_wait3A_59 = arith.constant 2 : i32
    %dma_wait3A_60 = arith.constant 0 : i32
    %dma_wait3A_61 = tpu.memref_slice %arg9[%dma_wait3A_59, %dma_wait3A_60] : memref<80x125xi32, #tpu.memory_space<vmem>> -> memref<1x125xi32, #tpu.memory_space<vmem>>
    %dma_wait3A_62 = tpu.memref_squeeze %dma_wait3A_61 : memref<1x125xi32, #tpu.memory_space<vmem>> -> memref<125xi32, #tpu.memory_space<vmem>>
    %dma_wait3A_63 = arith.constant 0 : i32
    %dma_wait3A_64 = arith.constant 0 : i32
    %dma_wait3A_65 = tpu.memref_slice %arg2[%dma_wait3A_63, %dma_wait3A_64] : memref<10000x64xf32, #tpu.memory_space<hbm>> -> memref<10000x64xf32, #tpu.memory_space<hbm>>
    tpu.wait_indirect_dma semaphore(%arg18 : memref<!tpu.dma_semaphore, #tpu.memory_space<semaphore_mem>>) src(%dma_wait3A_65 : memref<10000x64xf32, #tpu.memory_space<hbm>>) dst(%arg13 : memref<125x64xf32, #tpu.memory_space<vmem>>)
    %dma_start3A_66 = arith.constant 2 : i32
    %dma_start3A_67 = arith.constant 0 : i32
    %dma_start3A_68 = tpu.memref_slice %arg10[%dma_start3A_66, %dma_start3A_67] : memref<80x125xi32, #tpu.memory_space<vmem>> -> memref<1x125xi32, #tpu.memory_space<vmem>>
    %dma_start3A_69 = tpu.memref_squeeze %dma_start3A_68 : memref<1x125xi32, #tpu.memory_space<vmem>> -> memref<125xi32, #tpu.memory_space<vmem>>
    %dma_start3A_70 = arith.constant 0 : i32
    %dma_start3A_71 = arith.constant 0 : i32
    %dma_start3A_72 = tpu.memref_slice %arg15[%dma_start3A_70, %dma_start3A_71] : memref<10240x64xf32, #tpu.memory_space<vmem_shared>> -> memref<10240x64xf32, #tpu.memory_space<vmem_shared>>
    tpu.enqueue_indirect_dma source(%arg13 : memref<125x64xf32, #tpu.memory_space<vmem>>) target(%dma_start3A_72 : memref<10240x64xf32, #tpu.memory_space<vmem_shared>>) offsets(%dma_start3A_69 : memref<125xi32, #tpu.memory_space<vmem>>) semaphore(%arg22 : memref<!tpu.dma_semaphore, #tpu.memory_space<semaphore_mem>>) {add = true}
    %dma_wait3A_73 = arith.constant 0 : i32
    %dma_wait3A_74 = arith.constant 0 : i32
    %dma_wait3A_75 = tpu.memref_slice %arg10[%dma_wait3A_73, %dma_wait3A_74] : memref<80x125xi32, #tpu.memory_space<vmem>> -> memref<1x125xi32, #tpu.memory_space<vmem>>
    %dma_wait3A_76 = tpu.memref_squeeze %dma_wait3A_75 : memref<1x125xi32, #tpu.memory_space<vmem>> -> memref<125xi32, #tpu.memory_space<vmem>>
    %dma_wait3A_77 = arith.constant 0 : i32
    %dma_wait3A_78 = arith.constant 0 : i32
    %dma_wait3A_79 = tpu.memref_slice %arg15[%dma_wait3A_77, %dma_wait3A_78] : memref<10240x64xf32, #tpu.memory_space<vmem_shared>> -> memref<10240x64xf32, #tpu.memory_space<vmem_shared>>
    tpu.wait_indirect_dma semaphore(%arg20 : memref<!tpu.dma_semaphore, #tpu.memory_space<semaphore_mem>>) src(%arg11 : memref<125x64xf32, #tpu.memory_space<vmem>>) dst(%dma_wait3A_79 : memref<10240x64xf32, #tpu.memory_space<vmem_shared>>)
    %dma_start3A_80 = arith.constant 4 : i32
    %dma_start3A_81 = arith.constant 0 : i32
    %dma_start3A_82 = tpu.memref_slice %arg9[%dma_start3A_80, %dma_start3A_81] : memref<80x125xi32, #tpu.memory_space<vmem>> -> memref<1x125xi32, #tpu.memory_space<vmem>>
    %dma_start3A_83 = tpu.memref_squeeze %dma_start3A_82 : memref<1x125xi32, #tpu.memory_space<vmem>> -> memref<125xi32, #tpu.memory_space<vmem>>
    %dma_start3A_84 = arith.constant 0 : i32
    %dma_start3A_85 = arith.constant 0 : i32
    %dma_start3A_86 = tpu.memref_slice %arg2[%dma_start3A_84, %dma_start3A_85] : memref<10000x64xf32, #tpu.memory_space<hbm>> -> memref<10000x64xf32, #tpu.memory_space<hbm>>
    tpu.enqueue_indirect_dma source(%dma_start3A_86 : memref<10000x64xf32, #tpu.memory_space<hbm>>) target(%arg11 : memref<125x64xf32, #tpu.memory_space<vmem>>) offsets(%dma_start3A_83 : memref<125xi32, #tpu.memory_space<vmem>>) semaphore(%arg16 : memref<!tpu.dma_semaphore, #tpu.memory_space<semaphore_mem>>)
    %dma_wait3A_87 = arith.constant 3 : i32
    %dma_wait3A_88 = arith.constant 0 : i32
    %dma_wait3A_89 = tpu.memref_slice %arg9[%dma_wait3A_87, %dma_wait3A_88] : memref<80x125xi32, #tpu.memory_space<vmem>> -> memref<1x125xi32, #tpu.memory_space<vmem>>
    %dma_wait3A_90 = tpu.memref_squeeze %dma_wait3A_89 : memref<1x125xi32, #tpu.memory_space<vmem>> -> memref<125xi32, #tpu.memory_space<vmem>>
    %dma_wait3A_91 = arith.constant 0 : i32
    %dma_wait3A_92 = arith.constant 0 : i32
    %dma_wait3A_93 = tpu.memref_slice %arg2[%dma_wait3A_91, %dma_wait3A_92] : memref<10000x64xf32, #tpu.memory_space<hbm>> -> memref<10000x64xf32, #tpu.memory_space<hbm>>
    tpu.wait_indirect_dma semaphore(%arg19 : memref<!tpu.dma_semaphore, #tpu.memory_space<semaphore_mem>>) src(%dma_wait3A_93 : memref<10000x64xf32, #tpu.memory_space<hbm>>) dst(%arg14 : memref<125x64xf32, #tpu.memory_space<vmem>>)
    %dma_start3A_94 = arith.constant 3 : i32
    %dma_start3A_95 = arith.constant 0 : i32
    %dma_start3A_96 = tpu.memref_slice %arg10[%dma_start3A_94, %dma_start3A_95] : memref<80x125xi32, #tpu.memory_space<vmem>> -> memref<1x125xi32, #tpu.memory_space<vmem>>
    %dma_start3A_97 = tpu.memref_squeeze %dma_start3A_96 : memref<1x125xi32, #tpu.memory_space<vmem>> -> memref<125xi32, #tpu.memory_space<vmem>>
    %dma_start3A_98 = arith.constant 0 : i32
    %dma_start3A_99 = arith.constant 0 : i32
    %dma_start3A_100 = tpu.memref_slice %arg15[%dma_start3A_98, %dma_start3A_99] : memref<10240x64xf32, #tpu.memory_space<vmem_shared>> -> memref<10240x64xf32, #tpu.memory_space<vmem_shared>>
    tpu.enqueue_indirect_dma source(%arg14 : memref<125x64xf32, #tpu.memory_space<vmem>>) target(%dma_start3A_100 : memref<10240x64xf32, #tpu.memory_space<vmem_shared>>) offsets(%dma_start3A_97 : memref<125xi32, #tpu.memory_space<vmem>>) semaphore(%arg23 : memref<!tpu.dma_semaphore, #tpu.memory_space<semaphore_mem>>) {add = true}
    %dma_wait3A_101 = arith.constant 1 : i32
    %dma_wait3A_102 = arith.constant 0 : i32
    %dma_wait3A_103 = tpu.memref_slice %arg10[%dma_wait3A_101, %dma_wait3A_102] : memref<80x125xi32, #tpu.memory_space<vmem>> -> memref<1x125xi32, #tpu.memory_space<vmem>>
    %dma_wait3A_104 = tpu.memref_squeeze %dma_wait3A_103 : memref<1x125xi32, #tpu.memory_space<vmem>> -> memref<125xi32, #tpu.memory_space<vmem>>
    %dma_wait3A_105 = arith.constant 0 : i32
    %dma_wait3A_106 = arith.constant 0 : i32
    %dma_wait3A_107 = tpu.memref_slice %arg15[%dma_wait3A_105, %dma_wait3A_106] : memref<10240x64xf32, #tpu.memory_space<vmem_shared>> -> memref<10240x64xf32, #tpu.memory_space<vmem_shared>>
    tpu.wait_indirect_dma semaphore(%arg21 : memref<!tpu.dma_semaphore, #tpu.memory_space<semaphore_mem>>) src(%arg12 : memref<125x64xf32, #tpu.memory_space<vmem>>) dst(%dma_wait3A_107 : memref<10240x64xf32, #tpu.memory_space<vmem_shared>>)
    %dma_start3A_108 = arith.constant 5 : i32
    %dma_start3A_109 = arith.constant 0 : i32
    %dma_start3A_110 = tpu.memref_slice %arg9[%dma_start3A_108, %dma_start3A_109] : memref<80x125xi32, #tpu.memory_space<vmem>> -> memref<1x125xi32, #tpu.memory_space<vmem>>
    %dma_start3A_111 = tpu.memref_squeeze %dma_start3A_110 : memref<1x125xi32, #tpu.memory_space<vmem>> -> memref<125xi32, #tpu.memory_space<vmem>>
    %dma_start3A_112 = arith.constant 0 : i32
    %dma_start3A_113 = arith.constant 0 : i32
    %dma_start3A_114 = tpu.memref_slice %arg2[%dma_start3A_112, %dma_start3A_113] : memref<10000x64xf32, #tpu.memory_space<hbm>> -> memref<10000x64xf32, #tpu.memory_space<hbm>>
    tpu.enqueue_indirect_dma source(%dma_start3A_114 : memref<10000x64xf32, #tpu.memory_space<hbm>>) target(%arg12 : memref<125x64xf32, #tpu.memory_space<vmem>>) offsets(%dma_start3A_111 : memref<125xi32, #tpu.memory_space<vmem>>) semaphore(%arg17 : memref<!tpu.dma_semaphore, #tpu.memory_space<semaphore_mem>>)
    %scan3A = arith.constant 0 : i32
    %scan3A_115 = arith.constant 1 : i32
    %scan3A_116 = arith.constant 18 : i32
    %scan3A_117 = arith.addi %scan3A_115, %scan3A_116 : i32
    %scan3A_118 = arith.constant 1 : i32
    scf.for %scan3A_477 = %scan3A_115 to %scan3A_117 step %scan3A_118  : i32 {
      %mul3A_478 = arith.constant 4 : i32
      %mul3A_479 = arith.muli %scan3A_477, %mul3A_478 : i32
      %add3A_480 = arith.constant 0 : i32
      %add3A_481 = arith.addi %mul3A_479, %add3A_480 : i32
      %dma_wait3A_482 = arith.constant 0 : i32
      %dma_wait3A_483 = tpu.memref_slice %arg9[%add3A_481, %dma_wait3A_482] : memref<80x125xi32, #tpu.memory_space<vmem>> -> memref<1x125xi32, #tpu.memory_space<vmem>>
      %dma_wait3A_484 = tpu.memref_squeeze %dma_wait3A_483 : memref<1x125xi32, #tpu.memory_space<vmem>> -> memref<125xi32, #tpu.memory_space<vmem>>
      %dma_wait3A_485 = arith.constant 0 : i32
      %dma_wait3A_486 = arith.constant 0 : i32
      %dma_wait3A_487 = tpu.memref_slice %arg2[%dma_wait3A_485, %dma_wait3A_486] : memref<10000x64xf32, #tpu.memory_space<hbm>> -> memref<10000x64xf32, #tpu.memory_space<hbm>>
      tpu.wait_indirect_dma semaphore(%arg16 : memref<!tpu.dma_semaphore, #tpu.memory_space<semaphore_mem>>) src(%dma_wait3A_487 : memref<10000x64xf32, #tpu.memory_space<hbm>>) dst(%arg11 : memref<125x64xf32, #tpu.memory_space<vmem>>)
      %dma_start3A_488 = arith.constant 0 : i32
      %dma_start3A_489 = tpu.memref_slice %arg10[%add3A_481, %dma_start3A_488] : memref<80x125xi32, #tpu.memory_space<vmem>> -> memref<1x125xi32, #tpu.memory_space<vmem>>
      %dma_start3A_490 = tpu.memref_squeeze %dma_start3A_489 : memref<1x125xi32, #tpu.memory_space<vmem>> -> memref<125xi32, #tpu.memory_space<vmem>>
      %dma_start3A_491 = arith.constant 0 : i32
      %dma_start3A_492 = arith.constant 0 : i32
      %dma_start3A_493 = tpu.memref_slice %arg15[%dma_start3A_491, %dma_start3A_492] : memref<10240x64xf32, #tpu.memory_space<vmem_shared>> -> memref<10240x64xf32, #tpu.memory_space<vmem_shared>>
      tpu.enqueue_indirect_dma source(%arg11 : memref<125x64xf32, #tpu.memory_space<vmem>>) target(%dma_start3A_493 : memref<10240x64xf32, #tpu.memory_space<vmem_shared>>) offsets(%dma_start3A_490 : memref<125xi32, #tpu.memory_space<vmem>>) semaphore(%arg20 : memref<!tpu.dma_semaphore, #tpu.memory_space<semaphore_mem>>) {add = true}
      %sub3A = arith.constant 2 : i32
      %sub3A_494 = arith.subi %add3A_481, %sub3A : i32
      %dma_wait3A_495 = arith.constant 0 : i32
      %dma_wait3A_496 = tpu.memref_slice %arg10[%sub3A_494, %dma_wait3A_495] : memref<80x125xi32, #tpu.memory_space<vmem>> -> memref<1x125xi32, #tpu.memory_space<vmem>>
      %dma_wait3A_497 = tpu.memref_squeeze %dma_wait3A_496 : memref<1x125xi32, #tpu.memory_space<vmem>> -> memref<125xi32, #tpu.memory_space<vmem>>
      %dma_wait3A_498 = arith.constant 0 : i32
      %dma_wait3A_499 = arith.constant 0 : i32
      %dma_wait3A_500 = tpu.memref_slice %arg15[%dma_wait3A_498, %dma_wait3A_499] : memref<10240x64xf32, #tpu.memory_space<vmem_shared>> -> memref<10240x64xf32, #tpu.memory_space<vmem_shared>>
      tpu.wait_indirect_dma semaphore(%arg22 : memref<!tpu.dma_semaphore, #tpu.memory_space<semaphore_mem>>) src(%arg13 : memref<125x64xf32, #tpu.memory_space<vmem>>) dst(%dma_wait3A_500 : memref<10240x64xf32, #tpu.memory_space<vmem_shared>>)
      %add3A_501 = arith.constant 2 : i32
      %add3A_502 = arith.addi %add3A_481, %add3A_501 : i32
      %dma_start3A_503 = arith.constant 0 : i32
      %dma_start3A_504 = tpu.memref_slice %arg9[%add3A_502, %dma_start3A_503] : memref<80x125xi32, #tpu.memory_space<vmem>> -> memref<1x125xi32, #tpu.memory_space<vmem>>
      %dma_start3A_505 = tpu.memref_squeeze %dma_start3A_504 : memref<1x125xi32, #tpu.memory_space<vmem>> -> memref<125xi32, #tpu.memory_space<vmem>>
      %dma_start3A_506 = arith.constant 0 : i32
      %dma_start3A_507 = arith.constant 0 : i32
      %dma_start3A_508 = tpu.memref_slice %arg2[%dma_start3A_506, %dma_start3A_507] : memref<10000x64xf32, #tpu.memory_space<hbm>> -> memref<10000x64xf32, #tpu.memory_space<hbm>>
      tpu.enqueue_indirect_dma source(%dma_start3A_508 : memref<10000x64xf32, #tpu.memory_space<hbm>>) target(%arg13 : memref<125x64xf32, #tpu.memory_space<vmem>>) offsets(%dma_start3A_505 : memref<125xi32, #tpu.memory_space<vmem>>) semaphore(%arg18 : memref<!tpu.dma_semaphore, #tpu.memory_space<semaphore_mem>>)
      %add3A_509 = arith.constant 1 : i32
      %add3A_510 = arith.addi %mul3A_479, %add3A_509 : i32
      %dma_wait3A_511 = arith.constant 0 : i32
      %dma_wait3A_512 = tpu.memref_slice %arg9[%add3A_510, %dma_wait3A_511] : memref<80x125xi32, #tpu.memory_space<vmem>> -> memref<1x125xi32, #tpu.memory_space<vmem>>
      %dma_wait3A_513 = tpu.memref_squeeze %dma_wait3A_512 : memref<1x125xi32, #tpu.memory_space<vmem>> -> memref<125xi32, #tpu.memory_space<vmem>>
      %dma_wait3A_514 = arith.constant 0 : i32
      %dma_wait3A_515 = arith.constant 0 : i32
      %dma_wait3A_516 = tpu.memref_slice %arg2[%dma_wait3A_514, %dma_wait3A_515] : memref<10000x64xf32, #tpu.memory_space<hbm>> -> memref<10000x64xf32, #tpu.memory_space<hbm>>
      tpu.wait_indirect_dma semaphore(%arg17 : memref<!tpu.dma_semaphore, #tpu.memory_space<semaphore_mem>>) src(%dma_wait3A_516 : memref<10000x64xf32, #tpu.memory_space<hbm>>) dst(%arg12 : memref<125x64xf32, #tpu.memory_space<vmem>>)
      %dma_start3A_517 = arith.constant 0 : i32
      %dma_start3A_518 = tpu.memref_slice %arg10[%add3A_510, %dma_start3A_517] : memref<80x125xi32, #tpu.memory_space<vmem>> -> memref<1x125xi32, #tpu.memory_space<vmem>>
      %dma_start3A_519 = tpu.memref_squeeze %dma_start3A_518 : memref<1x125xi32, #tpu.memory_space<vmem>> -> memref<125xi32, #tpu.memory_space<vmem>>
      %dma_start3A_520 = arith.constant 0 : i32
      %dma_start3A_521 = arith.constant 0 : i32
      %dma_start3A_522 = tpu.memref_slice %arg15[%dma_start3A_520, %dma_start3A_521] : memref<10240x64xf32, #tpu.memory_space<vmem_shared>> -> memref<10240x64xf32, #tpu.memory_space<vmem_shared>>
      tpu.enqueue_indirect_dma source(%arg12 : memref<125x64xf32, #tpu.memory_space<vmem>>) target(%dma_start3A_522 : memref<10240x64xf32, #tpu.memory_space<vmem_shared>>) offsets(%dma_start3A_519 : memref<125xi32, #tpu.memory_space<vmem>>) semaphore(%arg21 : memref<!tpu.dma_semaphore, #tpu.memory_space<semaphore_mem>>) {add = true}
      %sub3A_523 = arith.constant 2 : i32
      %sub3A_524 = arith.subi %add3A_510, %sub3A_523 : i32
      %dma_wait3A_525 = arith.constant 0 : i32
      %dma_wait3A_526 = tpu.memref_slice %arg10[%sub3A_524, %dma_wait3A_525] : memref<80x125xi32, #tpu.memory_space<vmem>> -> memref<1x125xi32, #tpu.memory_space<vmem>>
      %dma_wait3A_527 = tpu.memref_squeeze %dma_wait3A_526 : memref<1x125xi32, #tpu.memory_space<vmem>> -> memref<125xi32, #tpu.memory_space<vmem>>
      %dma_wait3A_528 = arith.constant 0 : i32
      %dma_wait3A_529 = arith.constant 0 : i32
      %dma_wait3A_530 = tpu.memref_slice %arg15[%dma_wait3A_528, %dma_wait3A_529] : memref<10240x64xf32, #tpu.memory_space<vmem_shared>> -> memref<10240x64xf32, #tpu.memory_space<vmem_shared>>
      tpu.wait_indirect_dma semaphore(%arg23 : memref<!tpu.dma_semaphore, #tpu.memory_space<semaphore_mem>>) src(%arg14 : memref<125x64xf32, #tpu.memory_space<vmem>>) dst(%dma_wait3A_530 : memref<10240x64xf32, #tpu.memory_space<vmem_shared>>)
      %add3A_531 = arith.constant 2 : i32
      %add3A_532 = arith.addi %add3A_510, %add3A_531 : i32
      %dma_start3A_533 = arith.constant 0 : i32
      %dma_start3A_534 = tpu.memref_slice %arg9[%add3A_532, %dma_start3A_533] : memref<80x125xi32, #tpu.memory_space<vmem>> -> memref<1x125xi32, #tpu.memory_space<vmem>>
      %dma_start3A_535 = tpu.memref_squeeze %dma_start3A_534 : memref<1x125xi32, #tpu.memory_space<vmem>> -> memref<125xi32, #tpu.memory_space<vmem>>
      %dma_start3A_536 = arith.constant 0 : i32
      %dma_start3A_537 = arith.constant 0 : i32
      %dma_start3A_538 = tpu.memref_slice %arg2[%dma_start3A_536, %dma_start3A_537] : memref<10000x64xf32, #tpu.memory_space<hbm>> -> memref<10000x64xf32, #tpu.memory_space<hbm>>
      tpu.enqueue_indirect_dma source(%dma_start3A_538 : memref<10000x64xf32, #tpu.memory_space<hbm>>) target(%arg14 : memref<125x64xf32, #tpu.memory_space<vmem>>) offsets(%dma_start3A_535 : memref<125xi32, #tpu.memory_space<vmem>>) semaphore(%arg19 : memref<!tpu.dma_semaphore, #tpu.memory_space<semaphore_mem>>)
      %add3A_539 = arith.constant 2 : i32
      %add3A_540 = arith.addi %mul3A_479, %add3A_539 : i32
      %dma_wait3A_541 = arith.constant 0 : i32
      %dma_wait3A_542 = tpu.memref_slice %arg9[%add3A_540, %dma_wait3A_541] : memref<80x125xi32, #tpu.memory_space<vmem>> -> memref<1x125xi32, #tpu.memory_space<vmem>>
      %dma_wait3A_543 = tpu.memref_squeeze %dma_wait3A_542 : memref<1x125xi32, #tpu.memory_space<vmem>> -> memref<125xi32, #tpu.memory_space<vmem>>
      %dma_wait3A_544 = arith.constant 0 : i32
      %dma_wait3A_545 = arith.constant 0 : i32
      %dma_wait3A_546 = tpu.memref_slice %arg2[%dma_wait3A_544, %dma_wait3A_545] : memref<10000x64xf32, #tpu.memory_space<hbm>> -> memref<10000x64xf32, #tpu.memory_space<hbm>>
      tpu.wait_indirect_dma semaphore(%arg18 : memref<!tpu.dma_semaphore, #tpu.memory_space<semaphore_mem>>) src(%dma_wait3A_546 : memref<10000x64xf32, #tpu.memory_space<hbm>>) dst(%arg13 : memref<125x64xf32, #tpu.memory_space<vmem>>)
      %dma_start3A_547 = arith.constant 0 : i32
      %dma_start3A_548 = tpu.memref_slice %arg10[%add3A_540, %dma_start3A_547] : memref<80x125xi32, #tpu.memory_space<vmem>> -> memref<1x125xi32, #tpu.memory_space<vmem>>
      %dma_start3A_549 = tpu.memref_squeeze %dma_start3A_548 : memref<1x125xi32, #tpu.memory_space<vmem>> -> memref<125xi32, #tpu.memory_space<vmem>>
      %dma_start3A_550 = arith.constant 0 : i32
      %dma_start3A_551 = arith.constant 0 : i32
      %dma_start3A_552 = tpu.memref_slice %arg15[%dma_start3A_550, %dma_start3A_551] : memref<10240x64xf32, #tpu.memory_space<vmem_shared>> -> memref<10240x64xf32, #tpu.memory_space<vmem_shared>>
      tpu.enqueue_indirect_dma source(%arg13 : memref<125x64xf32, #tpu.memory_space<vmem>>) target(%dma_start3A_552 : memref<10240x64xf32, #tpu.memory_space<vmem_shared>>) offsets(%dma_start3A_549 : memref<125xi32, #tpu.memory_space<vmem>>) semaphore(%arg22 : memref<!tpu.dma_semaphore, #tpu.memory_space<semaphore_mem>>) {add = true}
      %sub3A_553 = arith.constant 2 : i32
      %sub3A_554 = arith.subi %add3A_540, %sub3A_553 : i32
      %dma_wait3A_555 = arith.constant 0 : i32
      %dma_wait3A_556 = tpu.memref_slice %arg10[%sub3A_554, %dma_wait3A_555] : memref<80x125xi32, #tpu.memory_space<vmem>> -> memref<1x125xi32, #tpu.memory_space<vmem>>
      %dma_wait3A_557 = tpu.memref_squeeze %dma_wait3A_556 : memref<1x125xi32, #tpu.memory_space<vmem>> -> memref<125xi32, #tpu.memory_space<vmem>>
      %dma_wait3A_558 = arith.constant 0 : i32
      %dma_wait3A_559 = arith.constant 0 : i32
      %dma_wait3A_560 = tpu.memref_slice %arg15[%dma_wait3A_558, %dma_wait3A_559] : memref<10240x64xf32, #tpu.memory_space<vmem_shared>> -> memref<10240x64xf32, #tpu.memory_space<vmem_shared>>
      tpu.wait_indirect_dma semaphore(%arg20 : memref<!tpu.dma_semaphore, #tpu.memory_space<semaphore_mem>>) src(%arg11 : memref<125x64xf32, #tpu.memory_space<vmem>>) dst(%dma_wait3A_560 : memref<10240x64xf32, #tpu.memory_space<vmem_shared>>)
      %add3A_561 = arith.constant 2 : i32
      %add3A_562 = arith.addi %add3A_540, %add3A_561 : i32
      %dma_start3A_563 = arith.constant 0 : i32
      %dma_start3A_564 = tpu.memref_slice %arg9[%add3A_562, %dma_start3A_563] : memref<80x125xi32, #tpu.memory_space<vmem>> -> memref<1x125xi32, #tpu.memory_space<vmem>>
      %dma_start3A_565 = tpu.memref_squeeze %dma_start3A_564 : memref<1x125xi32, #tpu.memory_space<vmem>> -> memref<125xi32, #tpu.memory_space<vmem>>
      %dma_start3A_566 = arith.constant 0 : i32
      %dma_start3A_567 = arith.constant 0 : i32
      %dma_start3A_568 = tpu.memref_slice %arg2[%dma_start3A_566, %dma_start3A_567] : memref<10000x64xf32, #tpu.memory_space<hbm>> -> memref<10000x64xf32, #tpu.memory_space<hbm>>
      tpu.enqueue_indirect_dma source(%dma_start3A_568 : memref<10000x64xf32, #tpu.memory_space<hbm>>) target(%arg11 : memref<125x64xf32, #tpu.memory_space<vmem>>) offsets(%dma_start3A_565 : memref<125xi32, #tpu.memory_space<vmem>>) semaphore(%arg16 : memref<!tpu.dma_semaphore, #tpu.memory_space<semaphore_mem>>)
      %add3A_569 = arith.constant 3 : i32
      %add3A_570 = arith.addi %mul3A_479, %add3A_569 : i32
      %dma_wait3A_571 = arith.constant 0 : i32
      %dma_wait3A_572 = tpu.memref_slice %arg9[%add3A_570, %dma_wait3A_571] : memref<80x125xi32, #tpu.memory_space<vmem>> -> memref<1x125xi32, #tpu.memory_space<vmem>>
      %dma_wait3A_573 = tpu.memref_squeeze %dma_wait3A_572 : memref<1x125xi32, #tpu.memory_space<vmem>> -> memref<125xi32, #tpu.memory_space<vmem>>
      %dma_wait3A_574 = arith.constant 0 : i32
      %dma_wait3A_575 = arith.constant 0 : i32
      %dma_wait3A_576 = tpu.memref_slice %arg2[%dma_wait3A_574, %dma_wait3A_575] : memref<10000x64xf32, #tpu.memory_space<hbm>> -> memref<10000x64xf32, #tpu.memory_space<hbm>>
      tpu.wait_indirect_dma semaphore(%arg19 : memref<!tpu.dma_semaphore, #tpu.memory_space<semaphore_mem>>) src(%dma_wait3A_576 : memref<10000x64xf32, #tpu.memory_space<hbm>>) dst(%arg14 : memref<125x64xf32, #tpu.memory_space<vmem>>)
      %dma_start3A_577 = arith.constant 0 : i32
      %dma_start3A_578 = tpu.memref_slice %arg10[%add3A_570, %dma_start3A_577] : memref<80x125xi32, #tpu.memory_space<vmem>> -> memref<1x125xi32, #tpu.memory_space<vmem>>
      %dma_start3A_579 = tpu.memref_squeeze %dma_start3A_578 : memref<1x125xi32, #tpu.memory_space<vmem>> -> memref<125xi32, #tpu.memory_space<vmem>>
      %dma_start3A_580 = arith.constant 0 : i32
      %dma_start3A_581 = arith.constant 0 : i32
      %dma_start3A_582 = tpu.memref_slice %arg15[%dma_start3A_580, %dma_start3A_581] : memref<10240x64xf32, #tpu.memory_space<vmem_shared>> -> memref<10240x64xf32, #tpu.memory_space<vmem_shared>>
      tpu.enqueue_indirect_dma source(%arg14 : memref<125x64xf32, #tpu.memory_space<vmem>>) target(%dma_start3A_582 : memref<10240x64xf32, #tpu.memory_space<vmem_shared>>) offsets(%dma_start3A_579 : memref<125xi32, #tpu.memory_space<vmem>>) semaphore(%arg23 : memref<!tpu.dma_semaphore, #tpu.memory_space<semaphore_mem>>) {add = true}
      %sub3A_583 = arith.constant 2 : i32
      %sub3A_584 = arith.subi %add3A_570, %sub3A_583 : i32
      %dma_wait3A_585 = arith.constant 0 : i32
      %dma_wait3A_586 = tpu.memref_slice %arg10[%sub3A_584, %dma_wait3A_585] : memref<80x125xi32, #tpu.memory_space<vmem>> -> memref<1x125xi32, #tpu.memory_space<vmem>>
      %dma_wait3A_587 = tpu.memref_squeeze %dma_wait3A_586 : memref<1x125xi32, #tpu.memory_space<vmem>> -> memref<125xi32, #tpu.memory_space<vmem>>
      %dma_wait3A_588 = arith.constant 0 : i32
      %dma_wait3A_589 = arith.constant 0 : i32
      %dma_wait3A_590 = tpu.memref_slice %arg15[%dma_wait3A_588, %dma_wait3A_589] : memref<10240x64xf32, #tpu.memory_space<vmem_shared>> -> memref<10240x64xf32, #tpu.memory_space<vmem_shared>>
      tpu.wait_indirect_dma semaphore(%arg21 : memref<!tpu.dma_semaphore, #tpu.memory_space<semaphore_mem>>) src(%arg12 : memref<125x64xf32, #tpu.memory_space<vmem>>) dst(%dma_wait3A_590 : memref<10240x64xf32, #tpu.memory_space<vmem_shared>>)
      %add3A_591 = arith.constant 2 : i32
      %add3A_592 = arith.addi %add3A_570, %add3A_591 : i32
      %dma_start3A_593 = arith.constant 0 : i32
      %dma_start3A_594 = tpu.memref_slice %arg9[%add3A_592, %dma_start3A_593] : memref<80x125xi32, #tpu.memory_space<vmem>> -> memref<1x125xi32, #tpu.memory_space<vmem>>
      %dma_start3A_595 = tpu.memref_squeeze %dma_start3A_594 : memref<1x125xi32, #tpu.memory_space<vmem>> -> memref<125xi32, #tpu.memory_space<vmem>>
      %dma_start3A_596 = arith.constant 0 : i32
      %dma_start3A_597 = arith.constant 0 : i32
      %dma_start3A_598 = tpu.memref_slice %arg2[%dma_start3A_596, %dma_start3A_597] : memref<10000x64xf32, #tpu.memory_space<hbm>> -> memref<10000x64xf32, #tpu.memory_space<hbm>>
      tpu.enqueue_indirect_dma source(%dma_start3A_598 : memref<10000x64xf32, #tpu.memory_space<hbm>>) target(%arg12 : memref<125x64xf32, #tpu.memory_space<vmem>>) offsets(%dma_start3A_595 : memref<125xi32, #tpu.memory_space<vmem>>) semaphore(%arg17 : memref<!tpu.dma_semaphore, #tpu.memory_space<semaphore_mem>>)
    }
    %scan3A_119 = arith.constant 18 : i32
    %dma_wait3A_120 = arith.constant 76 : i32
    %dma_wait3A_121 = arith.constant 0 : i32
    %dma_wait3A_122 = tpu.memref_slice %arg9[%dma_wait3A_120, %dma_wait3A_121] : memref<80x125xi32, #tpu.memory_space<vmem>> -> memref<1x125xi32, #tpu.memory_space<vmem>>
    %dma_wait3A_123 = tpu.memref_squeeze %dma_wait3A_122 : memref<1x125xi32, #tpu.memory_space<vmem>> -> memref<125xi32, #tpu.memory_space<vmem>>
    %dma_wait3A_124 = arith.constant 0 : i32
    %dma_wait3A_125 = arith.constant 0 : i32
    %dma_wait3A_126 = tpu.memref_slice %arg2[%dma_wait3A_124, %dma_wait3A_125] : memref<10000x64xf32, #tpu.memory_space<hbm>> -> memref<10000x64xf32, #tpu.memory_space<hbm>>
    tpu.wait_indirect_dma semaphore(%arg16 : memref<!tpu.dma_semaphore, #tpu.memory_space<semaphore_mem>>) src(%dma_wait3A_126 : memref<10000x64xf32, #tpu.memory_space<hbm>>) dst(%arg11 : memref<125x64xf32, #tpu.memory_space<vmem>>)
    %dma_start3A_127 = arith.constant 76 : i32
    %dma_start3A_128 = arith.constant 0 : i32
    %dma_start3A_129 = tpu.memref_slice %arg10[%dma_start3A_127, %dma_start3A_128] : memref<80x125xi32, #tpu.memory_space<vmem>> -> memref<1x125xi32, #tpu.memory_space<vmem>>
    %dma_start3A_130 = tpu.memref_squeeze %dma_start3A_129 : memref<1x125xi32, #tpu.memory_space<vmem>> -> memref<125xi32, #tpu.memory_space<vmem>>
    %dma_start3A_131 = arith.constant 0 : i32
    %dma_start3A_132 = arith.constant 0 : i32
    %dma_start3A_133 = tpu.memref_slice %arg15[%dma_start3A_131, %dma_start3A_132] : memref<10240x64xf32, #tpu.memory_space<vmem_shared>> -> memref<10240x64xf32, #tpu.memory_space<vmem_shared>>
    tpu.enqueue_indirect_dma source(%arg11 : memref<125x64xf32, #tpu.memory_space<vmem>>) target(%dma_start3A_133 : memref<10240x64xf32, #tpu.memory_space<vmem_shared>>) offsets(%dma_start3A_130 : memref<125xi32, #tpu.memory_space<vmem>>) semaphore(%arg20 : memref<!tpu.dma_semaphore, #tpu.memory_space<semaphore_mem>>) {add = true}
    %dma_wait3A_134 = arith.constant 74 : i32
    %dma_wait3A_135 = arith.constant 0 : i32
    %dma_wait3A_136 = tpu.memref_slice %arg10[%dma_wait3A_134, %dma_wait3A_135] : memref<80x125xi32, #tpu.memory_space<vmem>> -> memref<1x125xi32, #tpu.memory_space<vmem>>
    %dma_wait3A_137 = tpu.memref_squeeze %dma_wait3A_136 : memref<1x125xi32, #tpu.memory_space<vmem>> -> memref<125xi32, #tpu.memory_space<vmem>>
    %dma_wait3A_138 = arith.constant 0 : i32
    %dma_wait3A_139 = arith.constant 0 : i32
    %dma_wait3A_140 = tpu.memref_slice %arg15[%dma_wait3A_138, %dma_wait3A_139] : memref<10240x64xf32, #tpu.memory_space<vmem_shared>> -> memref<10240x64xf32, #tpu.memory_space<vmem_shared>>
    tpu.wait_indirect_dma semaphore(%arg22 : memref<!tpu.dma_semaphore, #tpu.memory_space<semaphore_mem>>) src(%arg13 : memref<125x64xf32, #tpu.memory_space<vmem>>) dst(%dma_wait3A_140 : memref<10240x64xf32, #tpu.memory_space<vmem_shared>>)
    %dma_start3A_141 = arith.constant 78 : i32
    %dma_start3A_142 = arith.constant 0 : i32
    %dma_start3A_143 = tpu.memref_slice %arg9[%dma_start3A_141, %dma_start3A_142] : memref<80x125xi32, #tpu.memory_space<vmem>> -> memref<1x125xi32, #tpu.memory_space<vmem>>
    %dma_start3A_144 = tpu.memref_squeeze %dma_start3A_143 : memref<1x125xi32, #tpu.memory_space<vmem>> -> memref<125xi32, #tpu.memory_space<vmem>>
    %dma_start3A_145 = arith.constant 0 : i32
    %dma_start3A_146 = arith.constant 0 : i32
    %dma_start3A_147 = tpu.memref_slice %arg2[%dma_start3A_145, %dma_start3A_146] : memref<10000x64xf32, #tpu.memory_space<hbm>> -> memref<10000x64xf32, #tpu.memory_space<hbm>>
    tpu.enqueue_indirect_dma source(%dma_start3A_147 : memref<10000x64xf32, #tpu.memory_space<hbm>>) target(%arg13 : memref<125x64xf32, #tpu.memory_space<vmem>>) offsets(%dma_start3A_144 : memref<125xi32, #tpu.memory_space<vmem>>) semaphore(%arg18 : memref<!tpu.dma_semaphore, #tpu.memory_space<semaphore_mem>>)
    %dma_wait3A_148 = arith.constant 77 : i32
    %dma_wait3A_149 = arith.constant 0 : i32
    %dma_wait3A_150 = tpu.memref_slice %arg9[%dma_wait3A_148, %dma_wait3A_149] : memref<80x125xi32, #tpu.memory_space<vmem>> -> memref<1x125xi32, #tpu.memory_space<vmem>>
    %dma_wait3A_151 = tpu.memref_squeeze %dma_wait3A_150 : memref<1x125xi32, #tpu.memory_space<vmem>> -> memref<125xi32, #tpu.memory_space<vmem>>
    %dma_wait3A_152 = arith.constant 0 : i32
    %dma_wait3A_153 = arith.constant 0 : i32
    %dma_wait3A_154 = tpu.memref_slice %arg2[%dma_wait3A_152, %dma_wait3A_153] : memref<10000x64xf32, #tpu.memory_space<hbm>> -> memref<10000x64xf32, #tpu.memory_space<hbm>>
    tpu.wait_indirect_dma semaphore(%arg17 : memref<!tpu.dma_semaphore, #tpu.memory_space<semaphore_mem>>) src(%dma_wait3A_154 : memref<10000x64xf32, #tpu.memory_space<hbm>>) dst(%arg12 : memref<125x64xf32, #tpu.memory_space<vmem>>)
    %dma_start3A_155 = arith.constant 77 : i32
    %dma_start3A_156 = arith.constant 0 : i32
    %dma_start3A_157 = tpu.memref_slice %arg10[%dma_start3A_155, %dma_start3A_156] : memref<80x125xi32, #tpu.memory_space<vmem>> -> memref<1x125xi32, #tpu.memory_space<vmem>>
    %dma_start3A_158 = tpu.memref_squeeze %dma_start3A_157 : memref<1x125xi32, #tpu.memory_space<vmem>> -> memref<125xi32, #tpu.memory_space<vmem>>
    %dma_start3A_159 = arith.constant 0 : i32
    %dma_start3A_160 = arith.constant 0 : i32
    %dma_start3A_161 = tpu.memref_slice %arg15[%dma_start3A_159, %dma_start3A_160] : memref<10240x64xf32, #tpu.memory_space<vmem_shared>> -> memref<10240x64xf32, #tpu.memory_space<vmem_shared>>
    tpu.enqueue_indirect_dma source(%arg12 : memref<125x64xf32, #tpu.memory_space<vmem>>) target(%dma_start3A_161 : memref<10240x64xf32, #tpu.memory_space<vmem_shared>>) offsets(%dma_start3A_158 : memref<125xi32, #tpu.memory_space<vmem>>) semaphore(%arg21 : memref<!tpu.dma_semaphore, #tpu.memory_space<semaphore_mem>>) {add = true}
    %dma_wait3A_162 = arith.constant 75 : i32
    %dma_wait3A_163 = arith.constant 0 : i32
    %dma_wait3A_164 = tpu.memref_slice %arg10[%dma_wait3A_162, %dma_wait3A_163] : memref<80x125xi32, #tpu.memory_space<vmem>> -> memref<1x125xi32, #tpu.memory_space<vmem>>
    %dma_wait3A_165 = tpu.memref_squeeze %dma_wait3A_164 : memref<1x125xi32, #tpu.memory_space<vmem>> -> memref<125xi32, #tpu.memory_space<vmem>>
    %dma_wait3A_166 = arith.constant 0 : i32
    %dma_wait3A_167 = arith.constant 0 : i32
    %dma_wait3A_168 = tpu.memref_slice %arg15[%dma_wait3A_166, %dma_wait3A_167] : memref<10240x64xf32, #tpu.memory_space<vmem_shared>> -> memref<10240x64xf32, #tpu.memory_space<vmem_shared>>
    tpu.wait_indirect_dma semaphore(%arg23 : memref<!tpu.dma_semaphore, #tpu.memory_space<semaphore_mem>>) src(%arg14 : memref<125x64xf32, #tpu.memory_space<vmem>>) dst(%dma_wait3A_168 : memref<10240x64xf32, #tpu.memory_space<vmem_shared>>)
    %dma_start3A_169 = arith.constant 79 : i32
    %dma_start3A_170 = arith.constant 0 : i32
    %dma_start3A_171 = tpu.memref_slice %arg9[%dma_start3A_169, %dma_start3A_170] : memref<80x125xi32, #tpu.memory_space<vmem>> -> memref<1x125xi32, #tpu.memory_space<vmem>>
    %dma_start3A_172 = tpu.memref_squeeze %dma_start3A_171 : memref<1x125xi32, #tpu.memory_space<vmem>> -> memref<125xi32, #tpu.memory_space<vmem>>
    %dma_start3A_173 = arith.constant 0 : i32
    %dma_start3A_174 = arith.constant 0 : i32
    %dma_start3A_175 = tpu.memref_slice %arg2[%dma_start3A_173, %dma_start3A_174] : memref<10000x64xf32, #tpu.memory_space<hbm>> -> memref<10000x64xf32, #tpu.memory_space<hbm>>
    tpu.enqueue_indirect_dma source(%dma_start3A_175 : memref<10000x64xf32, #tpu.memory_space<hbm>>) target(%arg14 : memref<125x64xf32, #tpu.memory_space<vmem>>) offsets(%dma_start3A_172 : memref<125xi32, #tpu.memory_space<vmem>>) semaphore(%arg19 : memref<!tpu.dma_semaphore, #tpu.memory_space<semaphore_mem>>)
    %dma_wait3A_176 = arith.constant 78 : i32
    %dma_wait3A_177 = arith.constant 0 : i32
    %dma_wait3A_178 = tpu.memref_slice %arg9[%dma_wait3A_176, %dma_wait3A_177] : memref<80x125xi32, #tpu.memory_space<vmem>> -> memref<1x125xi32, #tpu.memory_space<vmem>>
    %dma_wait3A_179 = tpu.memref_squeeze %dma_wait3A_178 : memref<1x125xi32, #tpu.memory_space<vmem>> -> memref<125xi32, #tpu.memory_space<vmem>>
    %dma_wait3A_180 = arith.constant 0 : i32
    %dma_wait3A_181 = arith.constant 0 : i32
    %dma_wait3A_182 = tpu.memref_slice %arg2[%dma_wait3A_180, %dma_wait3A_181] : memref<10000x64xf32, #tpu.memory_space<hbm>> -> memref<10000x64xf32, #tpu.memory_space<hbm>>
    tpu.wait_indirect_dma semaphore(%arg18 : memref<!tpu.dma_semaphore, #tpu.memory_space<semaphore_mem>>) src(%dma_wait3A_182 : memref<10000x64xf32, #tpu.memory_space<hbm>>) dst(%arg13 : memref<125x64xf32, #tpu.memory_space<vmem>>)
    %dma_start3A_183 = arith.constant 78 : i32
    %dma_start3A_184 = arith.constant 0 : i32
    %dma_start3A_185 = tpu.memref_slice %arg10[%dma_start3A_183, %dma_start3A_184] : memref<80x125xi32, #tpu.memory_space<vmem>> -> memref<1x125xi32, #tpu.memory_space<vmem>>
    %dma_start3A_186 = tpu.memref_squeeze %dma_start3A_185 : memref<1x125xi32, #tpu.memory_space<vmem>> -> memref<125xi32, #tpu.memory_space<vmem>>
    %dma_start3A_187 = arith.constant 0 : i32
    %dma_start3A_188 = arith.constant 0 : i32
    %dma_start3A_189 = tpu.memref_slice %arg15[%dma_start3A_187, %dma_start3A_188] : memref<10240x64xf32, #tpu.memory_space<vmem_shared>> -> memref<10240x64xf32, #tpu.memory_space<vmem_shared>>
    tpu.enqueue_indirect_dma source(%arg13 : memref<125x64xf32, #tpu.memory_space<vmem>>) target(%dma_start3A_189 : memref<10240x64xf32, #tpu.memory_space<vmem_shared>>) offsets(%dma_start3A_186 : memref<125xi32, #tpu.memory_space<vmem>>) semaphore(%arg22 : memref<!tpu.dma_semaphore, #tpu.memory_space<semaphore_mem>>) {add = true}
    %dma_wait3A_190 = arith.constant 76 : i32
    %dma_wait3A_191 = arith.constant 0 : i32
    %dma_wait3A_192 = tpu.memref_slice %arg10[%dma_wait3A_190, %dma_wait3A_191] : memref<80x125xi32, #tpu.memory_space<vmem>> -> memref<1x125xi32, #tpu.memory_space<vmem>>
    %dma_wait3A_193 = tpu.memref_squeeze %dma_wait3A_192 : memref<1x125xi32, #tpu.memory_space<vmem>> -> memref<125xi32, #tpu.memory_space<vmem>>
    %dma_wait3A_194 = arith.constant 0 : i32
    %dma_wait3A_195 = arith.constant 0 : i32
    %dma_wait3A_196 = tpu.memref_slice %arg15[%dma_wait3A_194, %dma_wait3A_195] : memref<10240x64xf32, #tpu.memory_space<vmem_shared>> -> memref<10240x64xf32, #tpu.memory_space<vmem_shared>>
    tpu.wait_indirect_dma semaphore(%arg20 : memref<!tpu.dma_semaphore, #tpu.memory_space<semaphore_mem>>) src(%arg11 : memref<125x64xf32, #tpu.memory_space<vmem>>) dst(%dma_wait3A_196 : memref<10240x64xf32, #tpu.memory_space<vmem_shared>>)
    %dma_wait3A_197 = arith.constant 79 : i32
    %dma_wait3A_198 = arith.constant 0 : i32
    %dma_wait3A_199 = tpu.memref_slice %arg9[%dma_wait3A_197, %dma_wait3A_198] : memref<80x125xi32, #tpu.memory_space<vmem>> -> memref<1x125xi32, #tpu.memory_space<vmem>>
    %dma_wait3A_200 = tpu.memref_squeeze %dma_wait3A_199 : memref<1x125xi32, #tpu.memory_space<vmem>> -> memref<125xi32, #tpu.memory_space<vmem>>
    %dma_wait3A_201 = arith.constant 0 : i32
    %dma_wait3A_202 = arith.constant 0 : i32
    %dma_wait3A_203 = tpu.memref_slice %arg2[%dma_wait3A_201, %dma_wait3A_202] : memref<10000x64xf32, #tpu.memory_space<hbm>> -> memref<10000x64xf32, #tpu.memory_space<hbm>>
    tpu.wait_indirect_dma semaphore(%arg19 : memref<!tpu.dma_semaphore, #tpu.memory_space<semaphore_mem>>) src(%dma_wait3A_203 : memref<10000x64xf32, #tpu.memory_space<hbm>>) dst(%arg14 : memref<125x64xf32, #tpu.memory_space<vmem>>)
    %dma_start3A_204 = arith.constant 79 : i32
    %dma_start3A_205 = arith.constant 0 : i32
    %dma_start3A_206 = tpu.memref_slice %arg10[%dma_start3A_204, %dma_start3A_205] : memref<80x125xi32, #tpu.memory_space<vmem>> -> memref<1x125xi32, #tpu.memory_space<vmem>>
    %dma_start3A_207 = tpu.memref_squeeze %dma_start3A_206 : memref<1x125xi32, #tpu.memory_space<vmem>> -> memref<125xi32, #tpu.memory_space<vmem>>
    %dma_start3A_208 = arith.constant 0 : i32
    %dma_start3A_209 = arith.constant 0 : i32
    %dma_start3A_210 = tpu.memref_slice %arg15[%dma_start3A_208, %dma_start3A_209] : memref<10240x64xf32, #tpu.memory_space<vmem_shared>> -> memref<10240x64xf32, #tpu.memory_space<vmem_shared>>
    tpu.enqueue_indirect_dma source(%arg14 : memref<125x64xf32, #tpu.memory_space<vmem>>) target(%dma_start3A_210 : memref<10240x64xf32, #tpu.memory_space<vmem_shared>>) offsets(%dma_start3A_207 : memref<125xi32, #tpu.memory_space<vmem>>) semaphore(%arg23 : memref<!tpu.dma_semaphore, #tpu.memory_space<semaphore_mem>>) {add = true}
    %dma_wait3A_211 = arith.constant 77 : i32
    %dma_wait3A_212 = arith.constant 0 : i32
    %dma_wait3A_213 = tpu.memref_slice %arg10[%dma_wait3A_211, %dma_wait3A_212] : memref<80x125xi32, #tpu.memory_space<vmem>> -> memref<1x125xi32, #tpu.memory_space<vmem>>
    %dma_wait3A_214 = tpu.memref_squeeze %dma_wait3A_213 : memref<1x125xi32, #tpu.memory_space<vmem>> -> memref<125xi32, #tpu.memory_space<vmem>>
    %dma_wait3A_215 = arith.constant 0 : i32
    %dma_wait3A_216 = arith.constant 0 : i32
    %dma_wait3A_217 = tpu.memref_slice %arg15[%dma_wait3A_215, %dma_wait3A_216] : memref<10240x64xf32, #tpu.memory_space<vmem_shared>> -> memref<10240x64xf32, #tpu.memory_space<vmem_shared>>
    tpu.wait_indirect_dma semaphore(%arg21 : memref<!tpu.dma_semaphore, #tpu.memory_space<semaphore_mem>>) src(%arg12 : memref<125x64xf32, #tpu.memory_space<vmem>>) dst(%dma_wait3A_217 : memref<10240x64xf32, #tpu.memory_space<vmem_shared>>)
    %dma_wait3A_218 = arith.constant 78 : i32
    %dma_wait3A_219 = arith.constant 0 : i32
    %dma_wait3A_220 = tpu.memref_slice %arg10[%dma_wait3A_218, %dma_wait3A_219] : memref<80x125xi32, #tpu.memory_space<vmem>> -> memref<1x125xi32, #tpu.memory_space<vmem>>
    %dma_wait3A_221 = tpu.memref_squeeze %dma_wait3A_220 : memref<1x125xi32, #tpu.memory_space<vmem>> -> memref<125xi32, #tpu.memory_space<vmem>>
    %dma_wait3A_222 = arith.constant 0 : i32
    %dma_wait3A_223 = arith.constant 0 : i32
    %dma_wait3A_224 = tpu.memref_slice %arg15[%dma_wait3A_222, %dma_wait3A_223] : memref<10240x64xf32, #tpu.memory_space<vmem_shared>> -> memref<10240x64xf32, #tpu.memory_space<vmem_shared>>
    tpu.wait_indirect_dma semaphore(%arg22 : memref<!tpu.dma_semaphore, #tpu.memory_space<semaphore_mem>>) src(%arg13 : memref<125x64xf32, #tpu.memory_space<vmem>>) dst(%dma_wait3A_224 : memref<10240x64xf32, #tpu.memory_space<vmem_shared>>)
    %dma_wait3A_225 = arith.constant 79 : i32
    %dma_wait3A_226 = arith.constant 0 : i32
    %dma_wait3A_227 = tpu.memref_slice %arg10[%dma_wait3A_225, %dma_wait3A_226] : memref<80x125xi32, #tpu.memory_space<vmem>> -> memref<1x125xi32, #tpu.memory_space<vmem>>
    %dma_wait3A_228 = tpu.memref_squeeze %dma_wait3A_227 : memref<1x125xi32, #tpu.memory_space<vmem>> -> memref<125xi32, #tpu.memory_space<vmem>>
    %dma_wait3A_229 = arith.constant 0 : i32
    %dma_wait3A_230 = arith.constant 0 : i32
    %dma_wait3A_231 = tpu.memref_slice %arg15[%dma_wait3A_229, %dma_wait3A_230] : memref<10240x64xf32, #tpu.memory_space<vmem_shared>> -> memref<10240x64xf32, #tpu.memory_space<vmem_shared>>
    tpu.wait_indirect_dma semaphore(%arg23 : memref<!tpu.dma_semaphore, #tpu.memory_space<semaphore_mem>>) src(%arg14 : memref<125x64xf32, #tpu.memory_space<vmem>>) dst(%dma_wait3A_231 : memref<10240x64xf32, #tpu.memory_space<vmem_shared>>)
    %barrier3A_232 = arith.constant 0 : index
    tpu.barrier barrier_id(%barrier3A_232)
    %mul3A_233 = arith.constant 640 : i32
    %mul3A_234 = arith.muli %arg1, %mul3A_233 : i32
    %mul3A_235 = arith.constant 640 : i32
    %mul3A_236 = arith.muli %arg1, %mul3A_235 : i32
    "tpu.region"() ({
      %run_scoped3A = tpu.sem_alloc : memref<!tpu.dma_semaphore, #tpu.memory_space<semaphore_mem>>
      %dma_start3A_477 = arith.constant 0 : i32
      %dma_start3A_478 = tpu.memref_slice %arg7[%arg0, %mul3A_236, %dma_start3A_477] : memref<2x10240x64xf32, #tpu.memory_space<hbm>> -> memref<1x640x64xf32, #tpu.memory_space<hbm>>
      %dma_start3A_479 = tpu.memref_squeeze %dma_start3A_478 : memref<1x640x64xf32, #tpu.memory_space<hbm>> -> memref<640x64xf32, #tpu.memory_space<hbm>>
      %dma_start3A_480 = arith.constant 0 : i32
      %dma_start3A_481 = tpu.memref_slice %arg15[%mul3A_234, %dma_start3A_480] : memref<10240x64xf32, #tpu.memory_space<vmem_shared>> -> memref<640x64xf32, #tpu.memory_space<vmem_shared>>
      tpu.enqueue_dma source(%dma_start3A_481 : memref<640x64xf32, #tpu.memory_space<vmem_shared>>) target(%dma_start3A_479 : memref<640x64xf32, #tpu.memory_space<hbm>>) target_semaphore(%run_scoped3A : memref<!tpu.dma_semaphore, #tpu.memory_space<semaphore_mem>>)
      %dma_wait3A_482 = arith.constant 0 : i32
      %dma_wait3A_483 = tpu.memref_slice %arg7[%arg0, %mul3A_236, %dma_wait3A_482] : memref<2x10240x64xf32, #tpu.memory_space<hbm>> -> memref<1x640x64xf32, #tpu.memory_space<hbm>>
      %dma_wait3A_484 = tpu.memref_squeeze %dma_wait3A_483 : memref<1x640x64xf32, #tpu.memory_space<hbm>> -> memref<640x64xf32, #tpu.memory_space<hbm>>
      %dma_wait3A_485 = arith.constant 0 : i32
      %dma_wait3A_486 = tpu.memref_slice %arg15[%mul3A_234, %dma_wait3A_485] : memref<10240x64xf32, #tpu.memory_space<vmem_shared>> -> memref<640x64xf32, #tpu.memory_space<vmem_shared>>
      tpu.wait_dma2 semaphore(%run_scoped3A : memref<!tpu.dma_semaphore, #tpu.memory_space<semaphore_mem>>) src(%dma_wait3A_486 : memref<640x64xf32, #tpu.memory_space<vmem_shared>>) dst(%dma_wait3A_484 : memref<640x64xf32, #tpu.memory_space<hbm>>)
      tpu.yield
    }) : () -> ()
    %mul3A_237 = arith.constant 640 : i32
    %mul3A_238 = arith.muli %arg1, %mul3A_237 : i32
    %mul3A_239 = arith.constant 640 : i32
    %mul3A_240 = arith.muli %arg1, %mul3A_239 : i32
    "tpu.region"() ({
      %run_scoped3A = tpu.sem_alloc : memref<!tpu.dma_semaphore, #tpu.memory_space<semaphore_mem>>
      %dma_start3A_477 = arith.constant 0 : i32
      %dma_start3A_478 = tpu.memref_slice %arg15[%mul3A_240, %dma_start3A_477] : memref<10240x64xf32, #tpu.memory_space<vmem_shared>> -> memref<640x64xf32, #tpu.memory_space<vmem_shared>>
      %dma_start3A_479 = arith.constant 0 : i32
      %dma_start3A_480 = tpu.memref_slice %arg6[%mul3A_238, %dma_start3A_479] : memref<10240x64xf32, #tpu.memory_space<hbm>> -> memref<640x64xf32, #tpu.memory_space<hbm>>
      tpu.enqueue_dma source(%dma_start3A_480 : memref<640x64xf32, #tpu.memory_space<hbm>>) target(%dma_start3A_478 : memref<640x64xf32, #tpu.memory_space<vmem_shared>>) target_semaphore(%run_scoped3A : memref<!tpu.dma_semaphore, #tpu.memory_space<semaphore_mem>>)
      %dma_wait3A_481 = arith.constant 0 : i32
      %dma_wait3A_482 = tpu.memref_slice %arg15[%mul3A_240, %dma_wait3A_481] : memref<10240x64xf32, #tpu.memory_space<vmem_shared>> -> memref<640x64xf32, #tpu.memory_space<vmem_shared>>
      %dma_wait3A_483 = arith.constant 0 : i32
      %dma_wait3A_484 = tpu.memref_slice %arg6[%mul3A_238, %dma_wait3A_483] : memref<10240x64xf32, #tpu.memory_space<hbm>> -> memref<640x64xf32, #tpu.memory_space<hbm>>
      tpu.wait_dma2 semaphore(%run_scoped3A : memref<!tpu.dma_semaphore, #tpu.memory_space<semaphore_mem>>) src(%dma_wait3A_484 : memref<640x64xf32, #tpu.memory_space<hbm>>) dst(%dma_wait3A_482 : memref<640x64xf32, #tpu.memory_space<vmem_shared>>)
      tpu.yield
    }) : () -> ()
    %barrier3A_241 = arith.constant 0 : index
    tpu.barrier barrier_id(%barrier3A_241)
    %dma_start3A_242 = arith.constant 0 : i32
    %dma_start3A_243 = arith.constant 0 : i32
    %dma_start3A_244 = tpu.memref_slice %arg9[%dma_start3A_242, %dma_start3A_243] : memref<80x125xi32, #tpu.memory_space<vmem>> -> memref<1x125xi32, #tpu.memory_space<vmem>>
    %dma_start3A_245 = tpu.memref_squeeze %dma_start3A_244 : memref<1x125xi32, #tpu.memory_space<vmem>> -> memref<125xi32, #tpu.memory_space<vmem>>
    %dma_start3A_246 = arith.constant 0 : i32
    %dma_start3A_247 = arith.constant 0 : i32
    %dma_start3A_248 = tpu.memref_slice %arg3[%dma_start3A_246, %dma_start3A_247] : memref<10000x64xf32, #tpu.memory_space<hbm>> -> memref<10000x64xf32, #tpu.memory_space<hbm>>
    tpu.enqueue_indirect_dma source(%dma_start3A_248 : memref<10000x64xf32, #tpu.memory_space<hbm>>) target(%arg11 : memref<125x64xf32, #tpu.memory_space<vmem>>) offsets(%dma_start3A_245 : memref<125xi32, #tpu.memory_space<vmem>>) semaphore(%arg16 : memref<!tpu.dma_semaphore, #tpu.memory_space<semaphore_mem>>)
    %dma_start3A_249 = arith.constant 1 : i32
    %dma_start3A_250 = arith.constant 0 : i32
    %dma_start3A_251 = tpu.memref_slice %arg9[%dma_start3A_249, %dma_start3A_250] : memref<80x125xi32, #tpu.memory_space<vmem>> -> memref<1x125xi32, #tpu.memory_space<vmem>>
    %dma_start3A_252 = tpu.memref_squeeze %dma_start3A_251 : memref<1x125xi32, #tpu.memory_space<vmem>> -> memref<125xi32, #tpu.memory_space<vmem>>
    %dma_start3A_253 = arith.constant 0 : i32
    %dma_start3A_254 = arith.constant 0 : i32
    %dma_start3A_255 = tpu.memref_slice %arg3[%dma_start3A_253, %dma_start3A_254] : memref<10000x64xf32, #tpu.memory_space<hbm>> -> memref<10000x64xf32, #tpu.memory_space<hbm>>
    tpu.enqueue_indirect_dma source(%dma_start3A_255 : memref<10000x64xf32, #tpu.memory_space<hbm>>) target(%arg12 : memref<125x64xf32, #tpu.memory_space<vmem>>) offsets(%dma_start3A_252 : memref<125xi32, #tpu.memory_space<vmem>>) semaphore(%arg17 : memref<!tpu.dma_semaphore, #tpu.memory_space<semaphore_mem>>)
    %dma_wait3A_256 = arith.constant 0 : i32
    %dma_wait3A_257 = arith.constant 0 : i32
    %dma_wait3A_258 = tpu.memref_slice %arg9[%dma_wait3A_256, %dma_wait3A_257] : memref<80x125xi32, #tpu.memory_space<vmem>> -> memref<1x125xi32, #tpu.memory_space<vmem>>
    %dma_wait3A_259 = tpu.memref_squeeze %dma_wait3A_258 : memref<1x125xi32, #tpu.memory_space<vmem>> -> memref<125xi32, #tpu.memory_space<vmem>>
    %dma_wait3A_260 = arith.constant 0 : i32
    %dma_wait3A_261 = arith.constant 0 : i32
    %dma_wait3A_262 = tpu.memref_slice %arg3[%dma_wait3A_260, %dma_wait3A_261] : memref<10000x64xf32, #tpu.memory_space<hbm>> -> memref<10000x64xf32, #tpu.memory_space<hbm>>
    tpu.wait_indirect_dma semaphore(%arg16 : memref<!tpu.dma_semaphore, #tpu.memory_space<semaphore_mem>>) src(%dma_wait3A_262 : memref<10000x64xf32, #tpu.memory_space<hbm>>) dst(%arg11 : memref<125x64xf32, #tpu.memory_space<vmem>>)
    %dma_start3A_263 = arith.constant 0 : i32
    %dma_start3A_264 = arith.constant 0 : i32
    %dma_start3A_265 = tpu.memref_slice %arg10[%dma_start3A_263, %dma_start3A_264] : memref<80x125xi32, #tpu.memory_space<vmem>> -> memref<1x125xi32, #tpu.memory_space<vmem>>
    %dma_start3A_266 = tpu.memref_squeeze %dma_start3A_265 : memref<1x125xi32, #tpu.memory_space<vmem>> -> memref<125xi32, #tpu.memory_space<vmem>>
    %dma_start3A_267 = arith.constant 0 : i32
    %dma_start3A_268 = arith.constant 0 : i32
    %dma_start3A_269 = tpu.memref_slice %arg15[%dma_start3A_267, %dma_start3A_268] : memref<10240x64xf32, #tpu.memory_space<vmem_shared>> -> memref<10240x64xf32, #tpu.memory_space<vmem_shared>>
    tpu.enqueue_indirect_dma source(%arg11 : memref<125x64xf32, #tpu.memory_space<vmem>>) target(%dma_start3A_269 : memref<10240x64xf32, #tpu.memory_space<vmem_shared>>) offsets(%dma_start3A_266 : memref<125xi32, #tpu.memory_space<vmem>>) semaphore(%arg20 : memref<!tpu.dma_semaphore, #tpu.memory_space<semaphore_mem>>) {add = true}
    %dma_start3A_270 = arith.constant 2 : i32
    %dma_start3A_271 = arith.constant 0 : i32
    %dma_start3A_272 = tpu.memref_slice %arg9[%dma_start3A_270, %dma_start3A_271] : memref<80x125xi32, #tpu.memory_space<vmem>> -> memref<1x125xi32, #tpu.memory_space<vmem>>
    %dma_start3A_273 = tpu.memref_squeeze %dma_start3A_272 : memref<1x125xi32, #tpu.memory_space<vmem>> -> memref<125xi32, #tpu.memory_space<vmem>>
    %dma_start3A_274 = arith.constant 0 : i32
    %dma_start3A_275 = arith.constant 0 : i32
    %dma_start3A_276 = tpu.memref_slice %arg3[%dma_start3A_274, %dma_start3A_275] : memref<10000x64xf32, #tpu.memory_space<hbm>> -> memref<10000x64xf32, #tpu.memory_space<hbm>>
    tpu.enqueue_indirect_dma source(%dma_start3A_276 : memref<10000x64xf32, #tpu.memory_space<hbm>>) target(%arg13 : memref<125x64xf32, #tpu.memory_space<vmem>>) offsets(%dma_start3A_273 : memref<125xi32, #tpu.memory_space<vmem>>) semaphore(%arg18 : memref<!tpu.dma_semaphore, #tpu.memory_space<semaphore_mem>>)
    %dma_wait3A_277 = arith.constant 1 : i32
    %dma_wait3A_278 = arith.constant 0 : i32
    %dma_wait3A_279 = tpu.memref_slice %arg9[%dma_wait3A_277, %dma_wait3A_278] : memref<80x125xi32, #tpu.memory_space<vmem>> -> memref<1x125xi32, #tpu.memory_space<vmem>>
    %dma_wait3A_280 = tpu.memref_squeeze %dma_wait3A_279 : memref<1x125xi32, #tpu.memory_space<vmem>> -> memref<125xi32, #tpu.memory_space<vmem>>
    %dma_wait3A_281 = arith.constant 0 : i32
    %dma_wait3A_282 = arith.constant 0 : i32
    %dma_wait3A_283 = tpu.memref_slice %arg3[%dma_wait3A_281, %dma_wait3A_282] : memref<10000x64xf32, #tpu.memory_space<hbm>> -> memref<10000x64xf32, #tpu.memory_space<hbm>>
    tpu.wait_indirect_dma semaphore(%arg17 : memref<!tpu.dma_semaphore, #tpu.memory_space<semaphore_mem>>) src(%dma_wait3A_283 : memref<10000x64xf32, #tpu.memory_space<hbm>>) dst(%arg12 : memref<125x64xf32, #tpu.memory_space<vmem>>)
    %dma_start3A_284 = arith.constant 1 : i32
    %dma_start3A_285 = arith.constant 0 : i32
    %dma_start3A_286 = tpu.memref_slice %arg10[%dma_start3A_284, %dma_start3A_285] : memref<80x125xi32, #tpu.memory_space<vmem>> -> memref<1x125xi32, #tpu.memory_space<vmem>>
    %dma_start3A_287 = tpu.memref_squeeze %dma_start3A_286 : memref<1x125xi32, #tpu.memory_space<vmem>> -> memref<125xi32, #tpu.memory_space<vmem>>
    %dma_start3A_288 = arith.constant 0 : i32
    %dma_start3A_289 = arith.constant 0 : i32
    %dma_start3A_290 = tpu.memref_slice %arg15[%dma_start3A_288, %dma_start3A_289] : memref<10240x64xf32, #tpu.memory_space<vmem_shared>> -> memref<10240x64xf32, #tpu.memory_space<vmem_shared>>
    tpu.enqueue_indirect_dma source(%arg12 : memref<125x64xf32, #tpu.memory_space<vmem>>) target(%dma_start3A_290 : memref<10240x64xf32, #tpu.memory_space<vmem_shared>>) offsets(%dma_start3A_287 : memref<125xi32, #tpu.memory_space<vmem>>) semaphore(%arg21 : memref<!tpu.dma_semaphore, #tpu.memory_space<semaphore_mem>>) {add = true}
    %dma_start3A_291 = arith.constant 3 : i32
    %dma_start3A_292 = arith.constant 0 : i32
    %dma_start3A_293 = tpu.memref_slice %arg9[%dma_start3A_291, %dma_start3A_292] : memref<80x125xi32, #tpu.memory_space<vmem>> -> memref<1x125xi32, #tpu.memory_space<vmem>>
    %dma_start3A_294 = tpu.memref_squeeze %dma_start3A_293 : memref<1x125xi32, #tpu.memory_space<vmem>> -> memref<125xi32, #tpu.memory_space<vmem>>
    %dma_start3A_295 = arith.constant 0 : i32
    %dma_start3A_296 = arith.constant 0 : i32
    %dma_start3A_297 = tpu.memref_slice %arg3[%dma_start3A_295, %dma_start3A_296] : memref<10000x64xf32, #tpu.memory_space<hbm>> -> memref<10000x64xf32, #tpu.memory_space<hbm>>
    tpu.enqueue_indirect_dma source(%dma_start3A_297 : memref<10000x64xf32, #tpu.memory_space<hbm>>) target(%arg14 : memref<125x64xf32, #tpu.memory_space<vmem>>) offsets(%dma_start3A_294 : memref<125xi32, #tpu.memory_space<vmem>>) semaphore(%arg19 : memref<!tpu.dma_semaphore, #tpu.memory_space<semaphore_mem>>)
    %dma_wait3A_298 = arith.constant 2 : i32
    %dma_wait3A_299 = arith.constant 0 : i32
    %dma_wait3A_300 = tpu.memref_slice %arg9[%dma_wait3A_298, %dma_wait3A_299] : memref<80x125xi32, #tpu.memory_space<vmem>> -> memref<1x125xi32, #tpu.memory_space<vmem>>
    %dma_wait3A_301 = tpu.memref_squeeze %dma_wait3A_300 : memref<1x125xi32, #tpu.memory_space<vmem>> -> memref<125xi32, #tpu.memory_space<vmem>>
    %dma_wait3A_302 = arith.constant 0 : i32
    %dma_wait3A_303 = arith.constant 0 : i32
    %dma_wait3A_304 = tpu.memref_slice %arg3[%dma_wait3A_302, %dma_wait3A_303] : memref<10000x64xf32, #tpu.memory_space<hbm>> -> memref<10000x64xf32, #tpu.memory_space<hbm>>
    tpu.wait_indirect_dma semaphore(%arg18 : memref<!tpu.dma_semaphore, #tpu.memory_space<semaphore_mem>>) src(%dma_wait3A_304 : memref<10000x64xf32, #tpu.memory_space<hbm>>) dst(%arg13 : memref<125x64xf32, #tpu.memory_space<vmem>>)
    %dma_start3A_305 = arith.constant 2 : i32
    %dma_start3A_306 = arith.constant 0 : i32
    %dma_start3A_307 = tpu.memref_slice %arg10[%dma_start3A_305, %dma_start3A_306] : memref<80x125xi32, #tpu.memory_space<vmem>> -> memref<1x125xi32, #tpu.memory_space<vmem>>
    %dma_start3A_308 = tpu.memref_squeeze %dma_start3A_307 : memref<1x125xi32, #tpu.memory_space<vmem>> -> memref<125xi32, #tpu.memory_space<vmem>>
    %dma_start3A_309 = arith.constant 0 : i32
    %dma_start3A_310 = arith.constant 0 : i32
    %dma_start3A_311 = tpu.memref_slice %arg15[%dma_start3A_309, %dma_start3A_310] : memref<10240x64xf32, #tpu.memory_space<vmem_shared>> -> memref<10240x64xf32, #tpu.memory_space<vmem_shared>>
    tpu.enqueue_indirect_dma source(%arg13 : memref<125x64xf32, #tpu.memory_space<vmem>>) target(%dma_start3A_311 : memref<10240x64xf32, #tpu.memory_space<vmem_shared>>) offsets(%dma_start3A_308 : memref<125xi32, #tpu.memory_space<vmem>>) semaphore(%arg22 : memref<!tpu.dma_semaphore, #tpu.memory_space<semaphore_mem>>) {add = true}
    %dma_wait3A_312 = arith.constant 0 : i32
    %dma_wait3A_313 = arith.constant 0 : i32
    %dma_wait3A_314 = tpu.memref_slice %arg10[%dma_wait3A_312, %dma_wait3A_313] : memref<80x125xi32, #tpu.memory_space<vmem>> -> memref<1x125xi32, #tpu.memory_space<vmem>>
    %dma_wait3A_315 = tpu.memref_squeeze %dma_wait3A_314 : memref<1x125xi32, #tpu.memory_space<vmem>> -> memref<125xi32, #tpu.memory_space<vmem>>
    %dma_wait3A_316 = arith.constant 0 : i32
    %dma_wait3A_317 = arith.constant 0 : i32
    %dma_wait3A_318 = tpu.memref_slice %arg15[%dma_wait3A_316, %dma_wait3A_317] : memref<10240x64xf32, #tpu.memory_space<vmem_shared>> -> memref<10240x64xf32, #tpu.memory_space<vmem_shared>>
    tpu.wait_indirect_dma semaphore(%arg20 : memref<!tpu.dma_semaphore, #tpu.memory_space<semaphore_mem>>) src(%arg11 : memref<125x64xf32, #tpu.memory_space<vmem>>) dst(%dma_wait3A_318 : memref<10240x64xf32, #tpu.memory_space<vmem_shared>>)
    %dma_start3A_319 = arith.constant 4 : i32
    %dma_start3A_320 = arith.constant 0 : i32
    %dma_start3A_321 = tpu.memref_slice %arg9[%dma_start3A_319, %dma_start3A_320] : memref<80x125xi32, #tpu.memory_space<vmem>> -> memref<1x125xi32, #tpu.memory_space<vmem>>
    %dma_start3A_322 = tpu.memref_squeeze %dma_start3A_321 : memref<1x125xi32, #tpu.memory_space<vmem>> -> memref<125xi32, #tpu.memory_space<vmem>>
    %dma_start3A_323 = arith.constant 0 : i32
    %dma_start3A_324 = arith.constant 0 : i32
    %dma_start3A_325 = tpu.memref_slice %arg3[%dma_start3A_323, %dma_start3A_324] : memref<10000x64xf32, #tpu.memory_space<hbm>> -> memref<10000x64xf32, #tpu.memory_space<hbm>>
    tpu.enqueue_indirect_dma source(%dma_start3A_325 : memref<10000x64xf32, #tpu.memory_space<hbm>>) target(%arg11 : memref<125x64xf32, #tpu.memory_space<vmem>>) offsets(%dma_start3A_322 : memref<125xi32, #tpu.memory_space<vmem>>) semaphore(%arg16 : memref<!tpu.dma_semaphore, #tpu.memory_space<semaphore_mem>>)
    %dma_wait3A_326 = arith.constant 3 : i32
    %dma_wait3A_327 = arith.constant 0 : i32
    %dma_wait3A_328 = tpu.memref_slice %arg9[%dma_wait3A_326, %dma_wait3A_327] : memref<80x125xi32, #tpu.memory_space<vmem>> -> memref<1x125xi32, #tpu.memory_space<vmem>>
    %dma_wait3A_329 = tpu.memref_squeeze %dma_wait3A_328 : memref<1x125xi32, #tpu.memory_space<vmem>> -> memref<125xi32, #tpu.memory_space<vmem>>
    %dma_wait3A_330 = arith.constant 0 : i32
    %dma_wait3A_331 = arith.constant 0 : i32
    %dma_wait3A_332 = tpu.memref_slice %arg3[%dma_wait3A_330, %dma_wait3A_331] : memref<10000x64xf32, #tpu.memory_space<hbm>> -> memref<10000x64xf32, #tpu.memory_space<hbm>>
    tpu.wait_indirect_dma semaphore(%arg19 : memref<!tpu.dma_semaphore, #tpu.memory_space<semaphore_mem>>) src(%dma_wait3A_332 : memref<10000x64xf32, #tpu.memory_space<hbm>>) dst(%arg14 : memref<125x64xf32, #tpu.memory_space<vmem>>)
    %dma_start3A_333 = arith.constant 3 : i32
    %dma_start3A_334 = arith.constant 0 : i32
    %dma_start3A_335 = tpu.memref_slice %arg10[%dma_start3A_333, %dma_start3A_334] : memref<80x125xi32, #tpu.memory_space<vmem>> -> memref<1x125xi32, #tpu.memory_space<vmem>>
    %dma_start3A_336 = tpu.memref_squeeze %dma_start3A_335 : memref<1x125xi32, #tpu.memory_space<vmem>> -> memref<125xi32, #tpu.memory_space<vmem>>
    %dma_start3A_337 = arith.constant 0 : i32
    %dma_start3A_338 = arith.constant 0 : i32
    %dma_start3A_339 = tpu.memref_slice %arg15[%dma_start3A_337, %dma_start3A_338] : memref<10240x64xf32, #tpu.memory_space<vmem_shared>> -> memref<10240x64xf32, #tpu.memory_space<vmem_shared>>
    tpu.enqueue_indirect_dma source(%arg14 : memref<125x64xf32, #tpu.memory_space<vmem>>) target(%dma_start3A_339 : memref<10240x64xf32, #tpu.memory_space<vmem_shared>>) offsets(%dma_start3A_336 : memref<125xi32, #tpu.memory_space<vmem>>) semaphore(%arg23 : memref<!tpu.dma_semaphore, #tpu.memory_space<semaphore_mem>>) {add = true}
    %dma_wait3A_340 = arith.constant 1 : i32
    %dma_wait3A_341 = arith.constant 0 : i32
    %dma_wait3A_342 = tpu.memref_slice %arg10[%dma_wait3A_340, %dma_wait3A_341] : memref<80x125xi32, #tpu.memory_space<vmem>> -> memref<1x125xi32, #tpu.memory_space<vmem>>
    %dma_wait3A_343 = tpu.memref_squeeze %dma_wait3A_342 : memref<1x125xi32, #tpu.memory_space<vmem>> -> memref<125xi32, #tpu.memory_space<vmem>>
    %dma_wait3A_344 = arith.constant 0 : i32
    %dma_wait3A_345 = arith.constant 0 : i32
    %dma_wait3A_346 = tpu.memref_slice %arg15[%dma_wait3A_344, %dma_wait3A_345] : memref<10240x64xf32, #tpu.memory_space<vmem_shared>> -> memref<10240x64xf32, #tpu.memory_space<vmem_shared>>
    tpu.wait_indirect_dma semaphore(%arg21 : memref<!tpu.dma_semaphore, #tpu.memory_space<semaphore_mem>>) src(%arg12 : memref<125x64xf32, #tpu.memory_space<vmem>>) dst(%dma_wait3A_346 : memref<10240x64xf32, #tpu.memory_space<vmem_shared>>)
    %dma_start3A_347 = arith.constant 5 : i32
    %dma_start3A_348 = arith.constant 0 : i32
    %dma_start3A_349 = tpu.memref_slice %arg9[%dma_start3A_347, %dma_start3A_348] : memref<80x125xi32, #tpu.memory_space<vmem>> -> memref<1x125xi32, #tpu.memory_space<vmem>>
    %dma_start3A_350 = tpu.memref_squeeze %dma_start3A_349 : memref<1x125xi32, #tpu.memory_space<vmem>> -> memref<125xi32, #tpu.memory_space<vmem>>
    %dma_start3A_351 = arith.constant 0 : i32
    %dma_start3A_352 = arith.constant 0 : i32
    %dma_start3A_353 = tpu.memref_slice %arg3[%dma_start3A_351, %dma_start3A_352] : memref<10000x64xf32, #tpu.memory_space<hbm>> -> memref<10000x64xf32, #tpu.memory_space<hbm>>
    tpu.enqueue_indirect_dma source(%dma_start3A_353 : memref<10000x64xf32, #tpu.memory_space<hbm>>) target(%arg12 : memref<125x64xf32, #tpu.memory_space<vmem>>) offsets(%dma_start3A_350 : memref<125xi32, #tpu.memory_space<vmem>>) semaphore(%arg17 : memref<!tpu.dma_semaphore, #tpu.memory_space<semaphore_mem>>)
    %scan3A_354 = arith.constant 0 : i32
    %scan3A_355 = arith.constant 1 : i32
    %scan3A_356 = arith.constant 18 : i32
    %scan3A_357 = arith.addi %scan3A_355, %scan3A_356 : i32
    %scan3A_358 = arith.constant 1 : i32
    scf.for %scan3A_477 = %scan3A_355 to %scan3A_357 step %scan3A_358  : i32 {
      %mul3A_478 = arith.constant 4 : i32
      %mul3A_479 = arith.muli %scan3A_477, %mul3A_478 : i32
      %add3A_480 = arith.constant 0 : i32
      %add3A_481 = arith.addi %mul3A_479, %add3A_480 : i32
      %dma_wait3A_482 = arith.constant 0 : i32
      %dma_wait3A_483 = tpu.memref_slice %arg9[%add3A_481, %dma_wait3A_482] : memref<80x125xi32, #tpu.memory_space<vmem>> -> memref<1x125xi32, #tpu.memory_space<vmem>>
      %dma_wait3A_484 = tpu.memref_squeeze %dma_wait3A_483 : memref<1x125xi32, #tpu.memory_space<vmem>> -> memref<125xi32, #tpu.memory_space<vmem>>
      %dma_wait3A_485 = arith.constant 0 : i32
      %dma_wait3A_486 = arith.constant 0 : i32
      %dma_wait3A_487 = tpu.memref_slice %arg3[%dma_wait3A_485, %dma_wait3A_486] : memref<10000x64xf32, #tpu.memory_space<hbm>> -> memref<10000x64xf32, #tpu.memory_space<hbm>>
      tpu.wait_indirect_dma semaphore(%arg16 : memref<!tpu.dma_semaphore, #tpu.memory_space<semaphore_mem>>) src(%dma_wait3A_487 : memref<10000x64xf32, #tpu.memory_space<hbm>>) dst(%arg11 : memref<125x64xf32, #tpu.memory_space<vmem>>)
      %dma_start3A_488 = arith.constant 0 : i32
      %dma_start3A_489 = tpu.memref_slice %arg10[%add3A_481, %dma_start3A_488] : memref<80x125xi32, #tpu.memory_space<vmem>> -> memref<1x125xi32, #tpu.memory_space<vmem>>
      %dma_start3A_490 = tpu.memref_squeeze %dma_start3A_489 : memref<1x125xi32, #tpu.memory_space<vmem>> -> memref<125xi32, #tpu.memory_space<vmem>>
      %dma_start3A_491 = arith.constant 0 : i32
      %dma_start3A_492 = arith.constant 0 : i32
      %dma_start3A_493 = tpu.memref_slice %arg15[%dma_start3A_491, %dma_start3A_492] : memref<10240x64xf32, #tpu.memory_space<vmem_shared>> -> memref<10240x64xf32, #tpu.memory_space<vmem_shared>>
      tpu.enqueue_indirect_dma source(%arg11 : memref<125x64xf32, #tpu.memory_space<vmem>>) target(%dma_start3A_493 : memref<10240x64xf32, #tpu.memory_space<vmem_shared>>) offsets(%dma_start3A_490 : memref<125xi32, #tpu.memory_space<vmem>>) semaphore(%arg20 : memref<!tpu.dma_semaphore, #tpu.memory_space<semaphore_mem>>) {add = true}
      %sub3A = arith.constant 2 : i32
      %sub3A_494 = arith.subi %add3A_481, %sub3A : i32
      %dma_wait3A_495 = arith.constant 0 : i32
      %dma_wait3A_496 = tpu.memref_slice %arg10[%sub3A_494, %dma_wait3A_495] : memref<80x125xi32, #tpu.memory_space<vmem>> -> memref<1x125xi32, #tpu.memory_space<vmem>>
      %dma_wait3A_497 = tpu.memref_squeeze %dma_wait3A_496 : memref<1x125xi32, #tpu.memory_space<vmem>> -> memref<125xi32, #tpu.memory_space<vmem>>
      %dma_wait3A_498 = arith.constant 0 : i32
      %dma_wait3A_499 = arith.constant 0 : i32
      %dma_wait3A_500 = tpu.memref_slice %arg15[%dma_wait3A_498, %dma_wait3A_499] : memref<10240x64xf32, #tpu.memory_space<vmem_shared>> -> memref<10240x64xf32, #tpu.memory_space<vmem_shared>>
      tpu.wait_indirect_dma semaphore(%arg22 : memref<!tpu.dma_semaphore, #tpu.memory_space<semaphore_mem>>) src(%arg13 : memref<125x64xf32, #tpu.memory_space<vmem>>) dst(%dma_wait3A_500 : memref<10240x64xf32, #tpu.memory_space<vmem_shared>>)
      %add3A_501 = arith.constant 2 : i32
      %add3A_502 = arith.addi %add3A_481, %add3A_501 : i32
      %dma_start3A_503 = arith.constant 0 : i32
      %dma_start3A_504 = tpu.memref_slice %arg9[%add3A_502, %dma_start3A_503] : memref<80x125xi32, #tpu.memory_space<vmem>> -> memref<1x125xi32, #tpu.memory_space<vmem>>
      %dma_start3A_505 = tpu.memref_squeeze %dma_start3A_504 : memref<1x125xi32, #tpu.memory_space<vmem>> -> memref<125xi32, #tpu.memory_space<vmem>>
      %dma_start3A_506 = arith.constant 0 : i32
      %dma_start3A_507 = arith.constant 0 : i32
      %dma_start3A_508 = tpu.memref_slice %arg3[%dma_start3A_506, %dma_start3A_507] : memref<10000x64xf32, #tpu.memory_space<hbm>> -> memref<10000x64xf32, #tpu.memory_space<hbm>>
      tpu.enqueue_indirect_dma source(%dma_start3A_508 : memref<10000x64xf32, #tpu.memory_space<hbm>>) target(%arg13 : memref<125x64xf32, #tpu.memory_space<vmem>>) offsets(%dma_start3A_505 : memref<125xi32, #tpu.memory_space<vmem>>) semaphore(%arg18 : memref<!tpu.dma_semaphore, #tpu.memory_space<semaphore_mem>>)
      %add3A_509 = arith.constant 1 : i32
      %add3A_510 = arith.addi %mul3A_479, %add3A_509 : i32
      %dma_wait3A_511 = arith.constant 0 : i32
      %dma_wait3A_512 = tpu.memref_slice %arg9[%add3A_510, %dma_wait3A_511] : memref<80x125xi32, #tpu.memory_space<vmem>> -> memref<1x125xi32, #tpu.memory_space<vmem>>
      %dma_wait3A_513 = tpu.memref_squeeze %dma_wait3A_512 : memref<1x125xi32, #tpu.memory_space<vmem>> -> memref<125xi32, #tpu.memory_space<vmem>>
      %dma_wait3A_514 = arith.constant 0 : i32
      %dma_wait3A_515 = arith.constant 0 : i32
      %dma_wait3A_516 = tpu.memref_slice %arg3[%dma_wait3A_514, %dma_wait3A_515] : memref<10000x64xf32, #tpu.memory_space<hbm>> -> memref<10000x64xf32, #tpu.memory_space<hbm>>
      tpu.wait_indirect_dma semaphore(%arg17 : memref<!tpu.dma_semaphore, #tpu.memory_space<semaphore_mem>>) src(%dma_wait3A_516 : memref<10000x64xf32, #tpu.memory_space<hbm>>) dst(%arg12 : memref<125x64xf32, #tpu.memory_space<vmem>>)
      %dma_start3A_517 = arith.constant 0 : i32
      %dma_start3A_518 = tpu.memref_slice %arg10[%add3A_510, %dma_start3A_517] : memref<80x125xi32, #tpu.memory_space<vmem>> -> memref<1x125xi32, #tpu.memory_space<vmem>>
      %dma_start3A_519 = tpu.memref_squeeze %dma_start3A_518 : memref<1x125xi32, #tpu.memory_space<vmem>> -> memref<125xi32, #tpu.memory_space<vmem>>
      %dma_start3A_520 = arith.constant 0 : i32
      %dma_start3A_521 = arith.constant 0 : i32
      %dma_start3A_522 = tpu.memref_slice %arg15[%dma_start3A_520, %dma_start3A_521] : memref<10240x64xf32, #tpu.memory_space<vmem_shared>> -> memref<10240x64xf32, #tpu.memory_space<vmem_shared>>
      tpu.enqueue_indirect_dma source(%arg12 : memref<125x64xf32, #tpu.memory_space<vmem>>) target(%dma_start3A_522 : memref<10240x64xf32, #tpu.memory_space<vmem_shared>>) offsets(%dma_start3A_519 : memref<125xi32, #tpu.memory_space<vmem>>) semaphore(%arg21 : memref<!tpu.dma_semaphore, #tpu.memory_space<semaphore_mem>>) {add = true}
      %sub3A_523 = arith.constant 2 : i32
      %sub3A_524 = arith.subi %add3A_510, %sub3A_523 : i32
      %dma_wait3A_525 = arith.constant 0 : i32
      %dma_wait3A_526 = tpu.memref_slice %arg10[%sub3A_524, %dma_wait3A_525] : memref<80x125xi32, #tpu.memory_space<vmem>> -> memref<1x125xi32, #tpu.memory_space<vmem>>
      %dma_wait3A_527 = tpu.memref_squeeze %dma_wait3A_526 : memref<1x125xi32, #tpu.memory_space<vmem>> -> memref<125xi32, #tpu.memory_space<vmem>>
      %dma_wait3A_528 = arith.constant 0 : i32
      %dma_wait3A_529 = arith.constant 0 : i32
      %dma_wait3A_530 = tpu.memref_slice %arg15[%dma_wait3A_528, %dma_wait3A_529] : memref<10240x64xf32, #tpu.memory_space<vmem_shared>> -> memref<10240x64xf32, #tpu.memory_space<vmem_shared>>
      tpu.wait_indirect_dma semaphore(%arg23 : memref<!tpu.dma_semaphore, #tpu.memory_space<semaphore_mem>>) src(%arg14 : memref<125x64xf32, #tpu.memory_space<vmem>>) dst(%dma_wait3A_530 : memref<10240x64xf32, #tpu.memory_space<vmem_shared>>)
      %add3A_531 = arith.constant 2 : i32
      %add3A_532 = arith.addi %add3A_510, %add3A_531 : i32
      %dma_start3A_533 = arith.constant 0 : i32
      %dma_start3A_534 = tpu.memref_slice %arg9[%add3A_532, %dma_start3A_533] : memref<80x125xi32, #tpu.memory_space<vmem>> -> memref<1x125xi32, #tpu.memory_space<vmem>>
      %dma_start3A_535 = tpu.memref_squeeze %dma_start3A_534 : memref<1x125xi32, #tpu.memory_space<vmem>> -> memref<125xi32, #tpu.memory_space<vmem>>
      %dma_start3A_536 = arith.constant 0 : i32
      %dma_start3A_537 = arith.constant 0 : i32
      %dma_start3A_538 = tpu.memref_slice %arg3[%dma_start3A_536, %dma_start3A_537] : memref<10000x64xf32, #tpu.memory_space<hbm>> -> memref<10000x64xf32, #tpu.memory_space<hbm>>
      tpu.enqueue_indirect_dma source(%dma_start3A_538 : memref<10000x64xf32, #tpu.memory_space<hbm>>) target(%arg14 : memref<125x64xf32, #tpu.memory_space<vmem>>) offsets(%dma_start3A_535 : memref<125xi32, #tpu.memory_space<vmem>>) semaphore(%arg19 : memref<!tpu.dma_semaphore, #tpu.memory_space<semaphore_mem>>)
      %add3A_539 = arith.constant 2 : i32
      %add3A_540 = arith.addi %mul3A_479, %add3A_539 : i32
      %dma_wait3A_541 = arith.constant 0 : i32
      %dma_wait3A_542 = tpu.memref_slice %arg9[%add3A_540, %dma_wait3A_541] : memref<80x125xi32, #tpu.memory_space<vmem>> -> memref<1x125xi32, #tpu.memory_space<vmem>>
      %dma_wait3A_543 = tpu.memref_squeeze %dma_wait3A_542 : memref<1x125xi32, #tpu.memory_space<vmem>> -> memref<125xi32, #tpu.memory_space<vmem>>
      %dma_wait3A_544 = arith.constant 0 : i32
      %dma_wait3A_545 = arith.constant 0 : i32
      %dma_wait3A_546 = tpu.memref_slice %arg3[%dma_wait3A_544, %dma_wait3A_545] : memref<10000x64xf32, #tpu.memory_space<hbm>> -> memref<10000x64xf32, #tpu.memory_space<hbm>>
      tpu.wait_indirect_dma semaphore(%arg18 : memref<!tpu.dma_semaphore, #tpu.memory_space<semaphore_mem>>) src(%dma_wait3A_546 : memref<10000x64xf32, #tpu.memory_space<hbm>>) dst(%arg13 : memref<125x64xf32, #tpu.memory_space<vmem>>)
      %dma_start3A_547 = arith.constant 0 : i32
      %dma_start3A_548 = tpu.memref_slice %arg10[%add3A_540, %dma_start3A_547] : memref<80x125xi32, #tpu.memory_space<vmem>> -> memref<1x125xi32, #tpu.memory_space<vmem>>
      %dma_start3A_549 = tpu.memref_squeeze %dma_start3A_548 : memref<1x125xi32, #tpu.memory_space<vmem>> -> memref<125xi32, #tpu.memory_space<vmem>>
      %dma_start3A_550 = arith.constant 0 : i32
      %dma_start3A_551 = arith.constant 0 : i32
      %dma_start3A_552 = tpu.memref_slice %arg15[%dma_start3A_550, %dma_start3A_551] : memref<10240x64xf32, #tpu.memory_space<vmem_shared>> -> memref<10240x64xf32, #tpu.memory_space<vmem_shared>>
      tpu.enqueue_indirect_dma source(%arg13 : memref<125x64xf32, #tpu.memory_space<vmem>>) target(%dma_start3A_552 : memref<10240x64xf32, #tpu.memory_space<vmem_shared>>) offsets(%dma_start3A_549 : memref<125xi32, #tpu.memory_space<vmem>>) semaphore(%arg22 : memref<!tpu.dma_semaphore, #tpu.memory_space<semaphore_mem>>) {add = true}
      %sub3A_553 = arith.constant 2 : i32
      %sub3A_554 = arith.subi %add3A_540, %sub3A_553 : i32
      %dma_wait3A_555 = arith.constant 0 : i32
      %dma_wait3A_556 = tpu.memref_slice %arg10[%sub3A_554, %dma_wait3A_555] : memref<80x125xi32, #tpu.memory_space<vmem>> -> memref<1x125xi32, #tpu.memory_space<vmem>>
      %dma_wait3A_557 = tpu.memref_squeeze %dma_wait3A_556 : memref<1x125xi32, #tpu.memory_space<vmem>> -> memref<125xi32, #tpu.memory_space<vmem>>
      %dma_wait3A_558 = arith.constant 0 : i32
      %dma_wait3A_559 = arith.constant 0 : i32
      %dma_wait3A_560 = tpu.memref_slice %arg15[%dma_wait3A_558, %dma_wait3A_559] : memref<10240x64xf32, #tpu.memory_space<vmem_shared>> -> memref<10240x64xf32, #tpu.memory_space<vmem_shared>>
      tpu.wait_indirect_dma semaphore(%arg20 : memref<!tpu.dma_semaphore, #tpu.memory_space<semaphore_mem>>) src(%arg11 : memref<125x64xf32, #tpu.memory_space<vmem>>) dst(%dma_wait3A_560 : memref<10240x64xf32, #tpu.memory_space<vmem_shared>>)
      %add3A_561 = arith.constant 2 : i32
      %add3A_562 = arith.addi %add3A_540, %add3A_561 : i32
      %dma_start3A_563 = arith.constant 0 : i32
      %dma_start3A_564 = tpu.memref_slice %arg9[%add3A_562, %dma_start3A_563] : memref<80x125xi32, #tpu.memory_space<vmem>> -> memref<1x125xi32, #tpu.memory_space<vmem>>
      %dma_start3A_565 = tpu.memref_squeeze %dma_start3A_564 : memref<1x125xi32, #tpu.memory_space<vmem>> -> memref<125xi32, #tpu.memory_space<vmem>>
      %dma_start3A_566 = arith.constant 0 : i32
      %dma_start3A_567 = arith.constant 0 : i32
      %dma_start3A_568 = tpu.memref_slice %arg3[%dma_start3A_566, %dma_start3A_567] : memref<10000x64xf32, #tpu.memory_space<hbm>> -> memref<10000x64xf32, #tpu.memory_space<hbm>>
      tpu.enqueue_indirect_dma source(%dma_start3A_568 : memref<10000x64xf32, #tpu.memory_space<hbm>>) target(%arg11 : memref<125x64xf32, #tpu.memory_space<vmem>>) offsets(%dma_start3A_565 : memref<125xi32, #tpu.memory_space<vmem>>) semaphore(%arg16 : memref<!tpu.dma_semaphore, #tpu.memory_space<semaphore_mem>>)
      %add3A_569 = arith.constant 3 : i32
      %add3A_570 = arith.addi %mul3A_479, %add3A_569 : i32
      %dma_wait3A_571 = arith.constant 0 : i32
      %dma_wait3A_572 = tpu.memref_slice %arg9[%add3A_570, %dma_wait3A_571] : memref<80x125xi32, #tpu.memory_space<vmem>> -> memref<1x125xi32, #tpu.memory_space<vmem>>
      %dma_wait3A_573 = tpu.memref_squeeze %dma_wait3A_572 : memref<1x125xi32, #tpu.memory_space<vmem>> -> memref<125xi32, #tpu.memory_space<vmem>>
      %dma_wait3A_574 = arith.constant 0 : i32
      %dma_wait3A_575 = arith.constant 0 : i32
      %dma_wait3A_576 = tpu.memref_slice %arg3[%dma_wait3A_574, %dma_wait3A_575] : memref<10000x64xf32, #tpu.memory_space<hbm>> -> memref<10000x64xf32, #tpu.memory_space<hbm>>
      tpu.wait_indirect_dma semaphore(%arg19 : memref<!tpu.dma_semaphore, #tpu.memory_space<semaphore_mem>>) src(%dma_wait3A_576 : memref<10000x64xf32, #tpu.memory_space<hbm>>) dst(%arg14 : memref<125x64xf32, #tpu.memory_space<vmem>>)
      %dma_start3A_577 = arith.constant 0 : i32
      %dma_start3A_578 = tpu.memref_slice %arg10[%add3A_570, %dma_start3A_577] : memref<80x125xi32, #tpu.memory_space<vmem>> -> memref<1x125xi32, #tpu.memory_space<vmem>>
      %dma_start3A_579 = tpu.memref_squeeze %dma_start3A_578 : memref<1x125xi32, #tpu.memory_space<vmem>> -> memref<125xi32, #tpu.memory_space<vmem>>
      %dma_start3A_580 = arith.constant 0 : i32
      %dma_start3A_581 = arith.constant 0 : i32
      %dma_start3A_582 = tpu.memref_slice %arg15[%dma_start3A_580, %dma_start3A_581] : memref<10240x64xf32, #tpu.memory_space<vmem_shared>> -> memref<10240x64xf32, #tpu.memory_space<vmem_shared>>
      tpu.enqueue_indirect_dma source(%arg14 : memref<125x64xf32, #tpu.memory_space<vmem>>) target(%dma_start3A_582 : memref<10240x64xf32, #tpu.memory_space<vmem_shared>>) offsets(%dma_start3A_579 : memref<125xi32, #tpu.memory_space<vmem>>) semaphore(%arg23 : memref<!tpu.dma_semaphore, #tpu.memory_space<semaphore_mem>>) {add = true}
      %sub3A_583 = arith.constant 2 : i32
      %sub3A_584 = arith.subi %add3A_570, %sub3A_583 : i32
      %dma_wait3A_585 = arith.constant 0 : i32
      %dma_wait3A_586 = tpu.memref_slice %arg10[%sub3A_584, %dma_wait3A_585] : memref<80x125xi32, #tpu.memory_space<vmem>> -> memref<1x125xi32, #tpu.memory_space<vmem>>
      %dma_wait3A_587 = tpu.memref_squeeze %dma_wait3A_586 : memref<1x125xi32, #tpu.memory_space<vmem>> -> memref<125xi32, #tpu.memory_space<vmem>>
      %dma_wait3A_588 = arith.constant 0 : i32
      %dma_wait3A_589 = arith.constant 0 : i32
      %dma_wait3A_590 = tpu.memref_slice %arg15[%dma_wait3A_588, %dma_wait3A_589] : memref<10240x64xf32, #tpu.memory_space<vmem_shared>> -> memref<10240x64xf32, #tpu.memory_space<vmem_shared>>
      tpu.wait_indirect_dma semaphore(%arg21 : memref<!tpu.dma_semaphore, #tpu.memory_space<semaphore_mem>>) src(%arg12 : memref<125x64xf32, #tpu.memory_space<vmem>>) dst(%dma_wait3A_590 : memref<10240x64xf32, #tpu.memory_space<vmem_shared>>)
      %add3A_591 = arith.constant 2 : i32
      %add3A_592 = arith.addi %add3A_570, %add3A_591 : i32
      %dma_start3A_593 = arith.constant 0 : i32
      %dma_start3A_594 = tpu.memref_slice %arg9[%add3A_592, %dma_start3A_593] : memref<80x125xi32, #tpu.memory_space<vmem>> -> memref<1x125xi32, #tpu.memory_space<vmem>>
      %dma_start3A_595 = tpu.memref_squeeze %dma_start3A_594 : memref<1x125xi32, #tpu.memory_space<vmem>> -> memref<125xi32, #tpu.memory_space<vmem>>
      %dma_start3A_596 = arith.constant 0 : i32
      %dma_start3A_597 = arith.constant 0 : i32
      %dma_start3A_598 = tpu.memref_slice %arg3[%dma_start3A_596, %dma_start3A_597] : memref<10000x64xf32, #tpu.memory_space<hbm>> -> memref<10000x64xf32, #tpu.memory_space<hbm>>
      tpu.enqueue_indirect_dma source(%dma_start3A_598 : memref<10000x64xf32, #tpu.memory_space<hbm>>) target(%arg12 : memref<125x64xf32, #tpu.memory_space<vmem>>) offsets(%dma_start3A_595 : memref<125xi32, #tpu.memory_space<vmem>>) semaphore(%arg17 : memref<!tpu.dma_semaphore, #tpu.memory_space<semaphore_mem>>)
    }
    %scan3A_359 = arith.constant 18 : i32
    %dma_wait3A_360 = arith.constant 76 : i32
    %dma_wait3A_361 = arith.constant 0 : i32
    %dma_wait3A_362 = tpu.memref_slice %arg9[%dma_wait3A_360, %dma_wait3A_361] : memref<80x125xi32, #tpu.memory_space<vmem>> -> memref<1x125xi32, #tpu.memory_space<vmem>>
    %dma_wait3A_363 = tpu.memref_squeeze %dma_wait3A_362 : memref<1x125xi32, #tpu.memory_space<vmem>> -> memref<125xi32, #tpu.memory_space<vmem>>
    %dma_wait3A_364 = arith.constant 0 : i32
    %dma_wait3A_365 = arith.constant 0 : i32
    %dma_wait3A_366 = tpu.memref_slice %arg3[%dma_wait3A_364, %dma_wait3A_365] : memref<10000x64xf32, #tpu.memory_space<hbm>> -> memref<10000x64xf32, #tpu.memory_space<hbm>>
    tpu.wait_indirect_dma semaphore(%arg16 : memref<!tpu.dma_semaphore, #tpu.memory_space<semaphore_mem>>) src(%dma_wait3A_366 : memref<10000x64xf32, #tpu.memory_space<hbm>>) dst(%arg11 : memref<125x64xf32, #tpu.memory_space<vmem>>)
    %dma_start3A_367 = arith.constant 76 : i32
    %dma_start3A_368 = arith.constant 0 : i32
    %dma_start3A_369 = tpu.memref_slice %arg10[%dma_start3A_367, %dma_start3A_368] : memref<80x125xi32, #tpu.memory_space<vmem>> -> memref<1x125xi32, #tpu.memory_space<vmem>>
    %dma_start3A_370 = tpu.memref_squeeze %dma_start3A_369 : memref<1x125xi32, #tpu.memory_space<vmem>> -> memref<125xi32, #tpu.memory_space<vmem>>
    %dma_start3A_371 = arith.constant 0 : i32
    %dma_start3A_372 = arith.constant 0 : i32
    %dma_start3A_373 = tpu.memref_slice %arg15[%dma_start3A_371, %dma_start3A_372] : memref<10240x64xf32, #tpu.memory_space<vmem_shared>> -> memref<10240x64xf32, #tpu.memory_space<vmem_shared>>
    tpu.enqueue_indirect_dma source(%arg11 : memref<125x64xf32, #tpu.memory_space<vmem>>) target(%dma_start3A_373 : memref<10240x64xf32, #tpu.memory_space<vmem_shared>>) offsets(%dma_start3A_370 : memref<125xi32, #tpu.memory_space<vmem>>) semaphore(%arg20 : memref<!tpu.dma_semaphore, #tpu.memory_space<semaphore_mem>>) {add = true}
    %dma_wait3A_374 = arith.constant 74 : i32
    %dma_wait3A_375 = arith.constant 0 : i32
    %dma_wait3A_376 = tpu.memref_slice %arg10[%dma_wait3A_374, %dma_wait3A_375] : memref<80x125xi32, #tpu.memory_space<vmem>> -> memref<1x125xi32, #tpu.memory_space<vmem>>
    %dma_wait3A_377 = tpu.memref_squeeze %dma_wait3A_376 : memref<1x125xi32, #tpu.memory_space<vmem>> -> memref<125xi32, #tpu.memory_space<vmem>>
    %dma_wait3A_378 = arith.constant 0 : i32
    %dma_wait3A_379 = arith.constant 0 : i32
    %dma_wait3A_380 = tpu.memref_slice %arg15[%dma_wait3A_378, %dma_wait3A_379] : memref<10240x64xf32, #tpu.memory_space<vmem_shared>> -> memref<10240x64xf32, #tpu.memory_space<vmem_shared>>
    tpu.wait_indirect_dma semaphore(%arg22 : memref<!tpu.dma_semaphore, #tpu.memory_space<semaphore_mem>>) src(%arg13 : memref<125x64xf32, #tpu.memory_space<vmem>>) dst(%dma_wait3A_380 : memref<10240x64xf32, #tpu.memory_space<vmem_shared>>)
    %dma_start3A_381 = arith.constant 78 : i32
    %dma_start3A_382 = arith.constant 0 : i32
    %dma_start3A_383 = tpu.memref_slice %arg9[%dma_start3A_381, %dma_start3A_382] : memref<80x125xi32, #tpu.memory_space<vmem>> -> memref<1x125xi32, #tpu.memory_space<vmem>>
    %dma_start3A_384 = tpu.memref_squeeze %dma_start3A_383 : memref<1x125xi32, #tpu.memory_space<vmem>> -> memref<125xi32, #tpu.memory_space<vmem>>
    %dma_start3A_385 = arith.constant 0 : i32
    %dma_start3A_386 = arith.constant 0 : i32
    %dma_start3A_387 = tpu.memref_slice %arg3[%dma_start3A_385, %dma_start3A_386] : memref<10000x64xf32, #tpu.memory_space<hbm>> -> memref<10000x64xf32, #tpu.memory_space<hbm>>
    tpu.enqueue_indirect_dma source(%dma_start3A_387 : memref<10000x64xf32, #tpu.memory_space<hbm>>) target(%arg13 : memref<125x64xf32, #tpu.memory_space<vmem>>) offsets(%dma_start3A_384 : memref<125xi32, #tpu.memory_space<vmem>>) semaphore(%arg18 : memref<!tpu.dma_semaphore, #tpu.memory_space<semaphore_mem>>)
    %dma_wait3A_388 = arith.constant 77 : i32
    %dma_wait3A_389 = arith.constant 0 : i32
    %dma_wait3A_390 = tpu.memref_slice %arg9[%dma_wait3A_388, %dma_wait3A_389] : memref<80x125xi32, #tpu.memory_space<vmem>> -> memref<1x125xi32, #tpu.memory_space<vmem>>
    %dma_wait3A_391 = tpu.memref_squeeze %dma_wait3A_390 : memref<1x125xi32, #tpu.memory_space<vmem>> -> memref<125xi32, #tpu.memory_space<vmem>>
    %dma_wait3A_392 = arith.constant 0 : i32
    %dma_wait3A_393 = arith.constant 0 : i32
    %dma_wait3A_394 = tpu.memref_slice %arg3[%dma_wait3A_392, %dma_wait3A_393] : memref<10000x64xf32, #tpu.memory_space<hbm>> -> memref<10000x64xf32, #tpu.memory_space<hbm>>
    tpu.wait_indirect_dma semaphore(%arg17 : memref<!tpu.dma_semaphore, #tpu.memory_space<semaphore_mem>>) src(%dma_wait3A_394 : memref<10000x64xf32, #tpu.memory_space<hbm>>) dst(%arg12 : memref<125x64xf32, #tpu.memory_space<vmem>>)
    %dma_start3A_395 = arith.constant 77 : i32
    %dma_start3A_396 = arith.constant 0 : i32
    %dma_start3A_397 = tpu.memref_slice %arg10[%dma_start3A_395, %dma_start3A_396] : memref<80x125xi32, #tpu.memory_space<vmem>> -> memref<1x125xi32, #tpu.memory_space<vmem>>
    %dma_start3A_398 = tpu.memref_squeeze %dma_start3A_397 : memref<1x125xi32, #tpu.memory_space<vmem>> -> memref<125xi32, #tpu.memory_space<vmem>>
    %dma_start3A_399 = arith.constant 0 : i32
    %dma_start3A_400 = arith.constant 0 : i32
    %dma_start3A_401 = tpu.memref_slice %arg15[%dma_start3A_399, %dma_start3A_400] : memref<10240x64xf32, #tpu.memory_space<vmem_shared>> -> memref<10240x64xf32, #tpu.memory_space<vmem_shared>>
    tpu.enqueue_indirect_dma source(%arg12 : memref<125x64xf32, #tpu.memory_space<vmem>>) target(%dma_start3A_401 : memref<10240x64xf32, #tpu.memory_space<vmem_shared>>) offsets(%dma_start3A_398 : memref<125xi32, #tpu.memory_space<vmem>>) semaphore(%arg21 : memref<!tpu.dma_semaphore, #tpu.memory_space<semaphore_mem>>) {add = true}
    %dma_wait3A_402 = arith.constant 75 : i32
    %dma_wait3A_403 = arith.constant 0 : i32
    %dma_wait3A_404 = tpu.memref_slice %arg10[%dma_wait3A_402, %dma_wait3A_403] : memref<80x125xi32, #tpu.memory_space<vmem>> -> memref<1x125xi32, #tpu.memory_space<vmem>>
    %dma_wait3A_405 = tpu.memref_squeeze %dma_wait3A_404 : memref<1x125xi32, #tpu.memory_space<vmem>> -> memref<125xi32, #tpu.memory_space<vmem>>
    %dma_wait3A_406 = arith.constant 0 : i32
    %dma_wait3A_407 = arith.constant 0 : i32
    %dma_wait3A_408 = tpu.memref_slice %arg15[%dma_wait3A_406, %dma_wait3A_407] : memref<10240x64xf32, #tpu.memory_space<vmem_shared>> -> memref<10240x64xf32, #tpu.memory_space<vmem_shared>>
    tpu.wait_indirect_dma semaphore(%arg23 : memref<!tpu.dma_semaphore, #tpu.memory_space<semaphore_mem>>) src(%arg14 : memref<125x64xf32, #tpu.memory_space<vmem>>) dst(%dma_wait3A_408 : memref<10240x64xf32, #tpu.memory_space<vmem_shared>>)
    %dma_start3A_409 = arith.constant 79 : i32
    %dma_start3A_410 = arith.constant 0 : i32
    %dma_start3A_411 = tpu.memref_slice %arg9[%dma_start3A_409, %dma_start3A_410] : memref<80x125xi32, #tpu.memory_space<vmem>> -> memref<1x125xi32, #tpu.memory_space<vmem>>
    %dma_start3A_412 = tpu.memref_squeeze %dma_start3A_411 : memref<1x125xi32, #tpu.memory_space<vmem>> -> memref<125xi32, #tpu.memory_space<vmem>>
    %dma_start3A_413 = arith.constant 0 : i32
    %dma_start3A_414 = arith.constant 0 : i32
    %dma_start3A_415 = tpu.memref_slice %arg3[%dma_start3A_413, %dma_start3A_414] : memref<10000x64xf32, #tpu.memory_space<hbm>> -> memref<10000x64xf32, #tpu.memory_space<hbm>>
    tpu.enqueue_indirect_dma source(%dma_start3A_415 : memref<10000x64xf32, #tpu.memory_space<hbm>>) target(%arg14 : memref<125x64xf32, #tpu.memory_space<vmem>>) offsets(%dma_start3A_412 : memref<125xi32, #tpu.memory_space<vmem>>) semaphore(%arg19 : memref<!tpu.dma_semaphore, #tpu.memory_space<semaphore_mem>>)
    %dma_wait3A_416 = arith.constant 78 : i32
    %dma_wait3A_417 = arith.constant 0 : i32
    %dma_wait3A_418 = tpu.memref_slice %arg9[%dma_wait3A_416, %dma_wait3A_417] : memref<80x125xi32, #tpu.memory_space<vmem>> -> memref<1x125xi32, #tpu.memory_space<vmem>>
    %dma_wait3A_419 = tpu.memref_squeeze %dma_wait3A_418 : memref<1x125xi32, #tpu.memory_space<vmem>> -> memref<125xi32, #tpu.memory_space<vmem>>
    %dma_wait3A_420 = arith.constant 0 : i32
    %dma_wait3A_421 = arith.constant 0 : i32
    %dma_wait3A_422 = tpu.memref_slice %arg3[%dma_wait3A_420, %dma_wait3A_421] : memref<10000x64xf32, #tpu.memory_space<hbm>> -> memref<10000x64xf32, #tpu.memory_space<hbm>>
    tpu.wait_indirect_dma semaphore(%arg18 : memref<!tpu.dma_semaphore, #tpu.memory_space<semaphore_mem>>) src(%dma_wait3A_422 : memref<10000x64xf32, #tpu.memory_space<hbm>>) dst(%arg13 : memref<125x64xf32, #tpu.memory_space<vmem>>)
    %dma_start3A_423 = arith.constant 78 : i32
    %dma_start3A_424 = arith.constant 0 : i32
    %dma_start3A_425 = tpu.memref_slice %arg10[%dma_start3A_423, %dma_start3A_424] : memref<80x125xi32, #tpu.memory_space<vmem>> -> memref<1x125xi32, #tpu.memory_space<vmem>>
    %dma_start3A_426 = tpu.memref_squeeze %dma_start3A_425 : memref<1x125xi32, #tpu.memory_space<vmem>> -> memref<125xi32, #tpu.memory_space<vmem>>
    %dma_start3A_427 = arith.constant 0 : i32
    %dma_start3A_428 = arith.constant 0 : i32
    %dma_start3A_429 = tpu.memref_slice %arg15[%dma_start3A_427, %dma_start3A_428] : memref<10240x64xf32, #tpu.memory_space<vmem_shared>> -> memref<10240x64xf32, #tpu.memory_space<vmem_shared>>
    tpu.enqueue_indirect_dma source(%arg13 : memref<125x64xf32, #tpu.memory_space<vmem>>) target(%dma_start3A_429 : memref<10240x64xf32, #tpu.memory_space<vmem_shared>>) offsets(%dma_start3A_426 : memref<125xi32, #tpu.memory_space<vmem>>) semaphore(%arg22 : memref<!tpu.dma_semaphore, #tpu.memory_space<semaphore_mem>>) {add = true}
    %dma_wait3A_430 = arith.constant 76 : i32
    %dma_wait3A_431 = arith.constant 0 : i32
    %dma_wait3A_432 = tpu.memref_slice %arg10[%dma_wait3A_430, %dma_wait3A_431] : memref<80x125xi32, #tpu.memory_space<vmem>> -> memref<1x125xi32, #tpu.memory_space<vmem>>
    %dma_wait3A_433 = tpu.memref_squeeze %dma_wait3A_432 : memref<1x125xi32, #tpu.memory_space<vmem>> -> memref<125xi32, #tpu.memory_space<vmem>>
    %dma_wait3A_434 = arith.constant 0 : i32
    %dma_wait3A_435 = arith.constant 0 : i32
    %dma_wait3A_436 = tpu.memref_slice %arg15[%dma_wait3A_434, %dma_wait3A_435] : memref<10240x64xf32, #tpu.memory_space<vmem_shared>> -> memref<10240x64xf32, #tpu.memory_space<vmem_shared>>
    tpu.wait_indirect_dma semaphore(%arg20 : memref<!tpu.dma_semaphore, #tpu.memory_space<semaphore_mem>>) src(%arg11 : memref<125x64xf32, #tpu.memory_space<vmem>>) dst(%dma_wait3A_436 : memref<10240x64xf32, #tpu.memory_space<vmem_shared>>)
    %dma_wait3A_437 = arith.constant 79 : i32
    %dma_wait3A_438 = arith.constant 0 : i32
    %dma_wait3A_439 = tpu.memref_slice %arg9[%dma_wait3A_437, %dma_wait3A_438] : memref<80x125xi32, #tpu.memory_space<vmem>> -> memref<1x125xi32, #tpu.memory_space<vmem>>
    %dma_wait3A_440 = tpu.memref_squeeze %dma_wait3A_439 : memref<1x125xi32, #tpu.memory_space<vmem>> -> memref<125xi32, #tpu.memory_space<vmem>>
    %dma_wait3A_441 = arith.constant 0 : i32
    %dma_wait3A_442 = arith.constant 0 : i32
    %dma_wait3A_443 = tpu.memref_slice %arg3[%dma_wait3A_441, %dma_wait3A_442] : memref<10000x64xf32, #tpu.memory_space<hbm>> -> memref<10000x64xf32, #tpu.memory_space<hbm>>
    tpu.wait_indirect_dma semaphore(%arg19 : memref<!tpu.dma_semaphore, #tpu.memory_space<semaphore_mem>>) src(%dma_wait3A_443 : memref<10000x64xf32, #tpu.memory_space<hbm>>) dst(%arg14 : memref<125x64xf32, #tpu.memory_space<vmem>>)
    %dma_start3A_444 = arith.constant 79 : i32
    %dma_start3A_445 = arith.constant 0 : i32
    %dma_start3A_446 = tpu.memref_slice %arg10[%dma_start3A_444, %dma_start3A_445] : memref<80x125xi32, #tpu.memory_space<vmem>> -> memref<1x125xi32, #tpu.memory_space<vmem>>
    %dma_start3A_447 = tpu.memref_squeeze %dma_start3A_446 : memref<1x125xi32, #tpu.memory_space<vmem>> -> memref<125xi32, #tpu.memory_space<vmem>>
    %dma_start3A_448 = arith.constant 0 : i32
    %dma_start3A_449 = arith.constant 0 : i32
    %dma_start3A_450 = tpu.memref_slice %arg15[%dma_start3A_448, %dma_start3A_449] : memref<10240x64xf32, #tpu.memory_space<vmem_shared>> -> memref<10240x64xf32, #tpu.memory_space<vmem_shared>>
    tpu.enqueue_indirect_dma source(%arg14 : memref<125x64xf32, #tpu.memory_space<vmem>>) target(%dma_start3A_450 : memref<10240x64xf32, #tpu.memory_space<vmem_shared>>) offsets(%dma_start3A_447 : memref<125xi32, #tpu.memory_space<vmem>>) semaphore(%arg23 : memref<!tpu.dma_semaphore, #tpu.memory_space<semaphore_mem>>) {add = true}
    %dma_wait3A_451 = arith.constant 77 : i32
    %dma_wait3A_452 = arith.constant 0 : i32
    %dma_wait3A_453 = tpu.memref_slice %arg10[%dma_wait3A_451, %dma_wait3A_452] : memref<80x125xi32, #tpu.memory_space<vmem>> -> memref<1x125xi32, #tpu.memory_space<vmem>>
    %dma_wait3A_454 = tpu.memref_squeeze %dma_wait3A_453 : memref<1x125xi32, #tpu.memory_space<vmem>> -> memref<125xi32, #tpu.memory_space<vmem>>
    %dma_wait3A_455 = arith.constant 0 : i32
    %dma_wait3A_456 = arith.constant 0 : i32
    %dma_wait3A_457 = tpu.memref_slice %arg15[%dma_wait3A_455, %dma_wait3A_456] : memref<10240x64xf32, #tpu.memory_space<vmem_shared>> -> memref<10240x64xf32, #tpu.memory_space<vmem_shared>>
    tpu.wait_indirect_dma semaphore(%arg21 : memref<!tpu.dma_semaphore, #tpu.memory_space<semaphore_mem>>) src(%arg12 : memref<125x64xf32, #tpu.memory_space<vmem>>) dst(%dma_wait3A_457 : memref<10240x64xf32, #tpu.memory_space<vmem_shared>>)
    %dma_wait3A_458 = arith.constant 78 : i32
    %dma_wait3A_459 = arith.constant 0 : i32
    %dma_wait3A_460 = tpu.memref_slice %arg10[%dma_wait3A_458, %dma_wait3A_459] : memref<80x125xi32, #tpu.memory_space<vmem>> -> memref<1x125xi32, #tpu.memory_space<vmem>>
    %dma_wait3A_461 = tpu.memref_squeeze %dma_wait3A_460 : memref<1x125xi32, #tpu.memory_space<vmem>> -> memref<125xi32, #tpu.memory_space<vmem>>
    %dma_wait3A_462 = arith.constant 0 : i32
    %dma_wait3A_463 = arith.constant 0 : i32
    %dma_wait3A_464 = tpu.memref_slice %arg15[%dma_wait3A_462, %dma_wait3A_463] : memref<10240x64xf32, #tpu.memory_space<vmem_shared>> -> memref<10240x64xf32, #tpu.memory_space<vmem_shared>>
    tpu.wait_indirect_dma semaphore(%arg22 : memref<!tpu.dma_semaphore, #tpu.memory_space<semaphore_mem>>) src(%arg13 : memref<125x64xf32, #tpu.memory_space<vmem>>) dst(%dma_wait3A_464 : memref<10240x64xf32, #tpu.memory_space<vmem_shared>>)
    %dma_wait3A_465 = arith.constant 79 : i32
    %dma_wait3A_466 = arith.constant 0 : i32
    %dma_wait3A_467 = tpu.memref_slice %arg10[%dma_wait3A_465, %dma_wait3A_466] : memref<80x125xi32, #tpu.memory_space<vmem>> -> memref<1x125xi32, #tpu.memory_space<vmem>>
    %dma_wait3A_468 = tpu.memref_squeeze %dma_wait3A_467 : memref<1x125xi32, #tpu.memory_space<vmem>> -> memref<125xi32, #tpu.memory_space<vmem>>
    %dma_wait3A_469 = arith.constant 0 : i32
    %dma_wait3A_470 = arith.constant 0 : i32
    %dma_wait3A_471 = tpu.memref_slice %arg15[%dma_wait3A_469, %dma_wait3A_470] : memref<10240x64xf32, #tpu.memory_space<vmem_shared>> -> memref<10240x64xf32, #tpu.memory_space<vmem_shared>>
    tpu.wait_indirect_dma semaphore(%arg23 : memref<!tpu.dma_semaphore, #tpu.memory_space<semaphore_mem>>) src(%arg14 : memref<125x64xf32, #tpu.memory_space<vmem>>) dst(%dma_wait3A_471 : memref<10240x64xf32, #tpu.memory_space<vmem_shared>>)
    %barrier3A_472 = arith.constant 0 : index
    tpu.barrier barrier_id(%barrier3A_472)
    %mul3A_473 = arith.constant 640 : i32
    %mul3A_474 = arith.muli %arg1, %mul3A_473 : i32
    %mul3A_475 = arith.constant 640 : i32
    %mul3A_476 = arith.muli %arg1, %mul3A_475 : i32
    "tpu.region"() ({
      %run_scoped3A = tpu.sem_alloc : memref<!tpu.dma_semaphore, #tpu.memory_space<semaphore_mem>>
      %dma_start3A_477 = arith.constant 0 : i32
      %dma_start3A_478 = tpu.memref_slice %arg8[%arg0, %mul3A_476, %dma_start3A_477] : memref<2x10240x64xf32, #tpu.memory_space<hbm>> -> memref<1x640x64xf32, #tpu.memory_space<hbm>>
      %dma_start3A_479 = tpu.memref_squeeze %dma_start3A_478 : memref<1x640x64xf32, #tpu.memory_space<hbm>> -> memref<640x64xf32, #tpu.memory_space<hbm>>
      %dma_start3A_480 = arith.constant 0 : i32
      %dma_start3A_481 = tpu.memref_slice %arg15[%mul3A_474, %dma_start3A_480] : memref<10240x64xf32, #tpu.memory_space<vmem_shared>> -> memref<640x64xf32, #tpu.memory_space<vmem_shared>>
      tpu.enqueue_dma source(%dma_start3A_481 : memref<640x64xf32, #tpu.memory_space<vmem_shared>>) target(%dma_start3A_479 : memref<640x64xf32, #tpu.memory_space<hbm>>) target_semaphore(%run_scoped3A : memref<!tpu.dma_semaphore, #tpu.memory_space<semaphore_mem>>)
      %dma_wait3A_482 = arith.constant 0 : i32
      %dma_wait3A_483 = tpu.memref_slice %arg8[%arg0, %mul3A_476, %dma_wait3A_482] : memref<2x10240x64xf32, #tpu.memory_space<hbm>> -> memref<1x640x64xf32, #tpu.memory_space<hbm>>
      %dma_wait3A_484 = tpu.memref_squeeze %dma_wait3A_483 : memref<1x640x64xf32, #tpu.memory_space<hbm>> -> memref<640x64xf32, #tpu.memory_space<hbm>>
      %dma_wait3A_485 = arith.constant 0 : i32
      %dma_wait3A_486 = tpu.memref_slice %arg15[%mul3A_474, %dma_wait3A_485] : memref<10240x64xf32, #tpu.memory_space<vmem_shared>> -> memref<640x64xf32, #tpu.memory_space<vmem_shared>>
      tpu.wait_dma2 semaphore(%run_scoped3A : memref<!tpu.dma_semaphore, #tpu.memory_space<semaphore_mem>>) src(%dma_wait3A_486 : memref<640x64xf32, #tpu.memory_space<vmem_shared>>) dst(%dma_wait3A_484 : memref<640x64xf32, #tpu.memory_space<hbm>>)
      tpu.yield
    }) : () -> ()
    return
  }
}

#map = affine_map<(d0, d1) -> (0, 0, 0)>
#map1 = affine_map<(d0, d1) -> (0, 0)>
module attributes {stable_mosaic.version = 14 : i64} {
  func.func @_deg_kernel(%arg0: i32, %arg1: i32, %arg2: memref<32x80x125xi32, #tpu.memory_space<hbm>>, %arg3: memref<125x16xf32, #tpu.memory_space<hbm>>, %arg4: memref<10240x16xf32, #tpu.memory_space<hbm>>, %arg5: memref<2x10240x16xf32, #tpu.memory_space<hbm>>, %arg6: memref<80x125xi32, #tpu.memory_space<vmem>>, %arg7: memref<125x16xf32, #tpu.memory_space<vmem>>, %arg8: memref<10240x16xf32, #tpu.memory_space<vmem_shared>>, %arg9: memref<!tpu.dma_semaphore, #tpu.memory_space<semaphore_mem>>, %arg10: memref<!tpu.dma_semaphore, #tpu.memory_space<semaphore_mem>>) attributes {dimension_semantics = [#tpu.dimension_semantics<core_parallel>, #tpu.dimension_semantics<subcore_parallel>], iteration_bounds = array<i64: 2, 16>, scalar_prefetch = 0 : i64, scratch_operands = 5 : i64, tpu.core_type = #tpu.core_type<sc_vector_subcore>, window_params = [{transform_indices = #map}, {transform_indices = #map1}, {transform_indices = #map1}, {transform_indices = #map}]} {
    %mul3A = arith.constant 2 : i32
    %mul3A_0 = arith.muli %arg1, %mul3A : i32
    %add3A = arith.addi %mul3A_0, %arg0 : i32
    "tpu.region"() ({
      %run_scoped3A = tpu.sem_alloc : memref<!tpu.dma_semaphore, #tpu.memory_space<semaphore_mem>>
      %dma_start3A_41 = arith.constant 0 : i32
      %dma_start3A_42 = arith.constant 0 : i32
      %dma_start3A_43 = tpu.memref_slice %arg2[%add3A, %dma_start3A_41, %dma_start3A_42] : memref<32x80x125xi32, #tpu.memory_space<hbm>> -> memref<1x80x125xi32, #tpu.memory_space<hbm>>
      %dma_start3A_44 = tpu.memref_squeeze %dma_start3A_43 : memref<1x80x125xi32, #tpu.memory_space<hbm>> -> memref<80x125xi32, #tpu.memory_space<hbm>>
      %dma_start3A_45 = arith.constant 0 : i32
      %dma_start3A_46 = arith.constant 0 : i32
      %dma_start3A_47 = tpu.memref_slice %arg2[%add3A, %dma_start3A_45, %dma_start3A_46] : memref<32x80x125xi32, #tpu.memory_space<hbm>> -> memref<1x80x125xi32, #tpu.memory_space<hbm>>
      %dma_start3A_48 = tpu.memref_squeeze %dma_start3A_47 : memref<1x80x125xi32, #tpu.memory_space<hbm>> -> memref<80x125xi32, #tpu.memory_space<hbm>>
      tpu.enqueue_dma source(%dma_start3A_48 : memref<80x125xi32, #tpu.memory_space<hbm>>) target(%arg6 : memref<80x125xi32, #tpu.memory_space<vmem>>) target_semaphore(%run_scoped3A : memref<!tpu.dma_semaphore, #tpu.memory_space<semaphore_mem>>)
      %dma_wait3A_49 = arith.constant 0 : i32
      %dma_wait3A_50 = arith.constant 0 : i32
      %dma_wait3A_51 = tpu.memref_slice %arg2[%add3A, %dma_wait3A_49, %dma_wait3A_50] : memref<32x80x125xi32, #tpu.memory_space<hbm>> -> memref<1x80x125xi32, #tpu.memory_space<hbm>>
      %dma_wait3A_52 = tpu.memref_squeeze %dma_wait3A_51 : memref<1x80x125xi32, #tpu.memory_space<hbm>> -> memref<80x125xi32, #tpu.memory_space<hbm>>
      %dma_wait3A_53 = arith.constant 0 : i32
      %dma_wait3A_54 = arith.constant 0 : i32
      %dma_wait3A_55 = tpu.memref_slice %arg2[%add3A, %dma_wait3A_53, %dma_wait3A_54] : memref<32x80x125xi32, #tpu.memory_space<hbm>> -> memref<1x80x125xi32, #tpu.memory_space<hbm>>
      %dma_wait3A_56 = tpu.memref_squeeze %dma_wait3A_55 : memref<1x80x125xi32, #tpu.memory_space<hbm>> -> memref<80x125xi32, #tpu.memory_space<hbm>>
      tpu.wait_dma2 semaphore(%run_scoped3A : memref<!tpu.dma_semaphore, #tpu.memory_space<semaphore_mem>>) src(%dma_wait3A_56 : memref<80x125xi32, #tpu.memory_space<hbm>>) dst(%arg6 : memref<80x125xi32, #tpu.memory_space<vmem>>)
      tpu.yield
    }) : () -> ()
    "tpu.region"() ({
      %run_scoped3A = tpu.sem_alloc : memref<!tpu.dma_semaphore, #tpu.memory_space<semaphore_mem>>
      tpu.enqueue_dma source(%arg3 : memref<125x16xf32, #tpu.memory_space<hbm>>) target(%arg7 : memref<125x16xf32, #tpu.memory_space<vmem>>) target_semaphore(%run_scoped3A : memref<!tpu.dma_semaphore, #tpu.memory_space<semaphore_mem>>)
      tpu.wait_dma2 semaphore(%run_scoped3A : memref<!tpu.dma_semaphore, #tpu.memory_space<semaphore_mem>>) src(%arg3 : memref<125x16xf32, #tpu.memory_space<hbm>>) dst(%arg7 : memref<125x16xf32, #tpu.memory_space<vmem>>)
      tpu.yield
    }) : () -> ()
    %mul3A_1 = arith.constant 640 : i32
    %mul3A_2 = arith.muli %arg1, %mul3A_1 : i32
    %mul3A_3 = arith.constant 640 : i32
    %mul3A_4 = arith.muli %arg1, %mul3A_3 : i32
    "tpu.region"() ({
      %run_scoped3A = tpu.sem_alloc : memref<!tpu.dma_semaphore, #tpu.memory_space<semaphore_mem>>
      %dma_start3A_41 = arith.constant 0 : i32
      %dma_start3A_42 = tpu.memref_slice %arg8[%mul3A_4, %dma_start3A_41] : memref<10240x16xf32, #tpu.memory_space<vmem_shared>> -> memref<640x16xf32, #tpu.memory_space<vmem_shared>>
      %dma_start3A_43 = arith.constant 0 : i32
      %dma_start3A_44 = tpu.memref_slice %arg4[%mul3A_2, %dma_start3A_43] : memref<10240x16xf32, #tpu.memory_space<hbm>> -> memref<640x16xf32, #tpu.memory_space<hbm>>
      tpu.enqueue_dma source(%dma_start3A_44 : memref<640x16xf32, #tpu.memory_space<hbm>>) target(%dma_start3A_42 : memref<640x16xf32, #tpu.memory_space<vmem_shared>>) target_semaphore(%run_scoped3A : memref<!tpu.dma_semaphore, #tpu.memory_space<semaphore_mem>>)
      %dma_wait3A_45 = arith.constant 0 : i32
      %dma_wait3A_46 = tpu.memref_slice %arg8[%mul3A_4, %dma_wait3A_45] : memref<10240x16xf32, #tpu.memory_space<vmem_shared>> -> memref<640x16xf32, #tpu.memory_space<vmem_shared>>
      %dma_wait3A_47 = arith.constant 0 : i32
      %dma_wait3A_48 = tpu.memref_slice %arg4[%mul3A_2, %dma_wait3A_47] : memref<10240x16xf32, #tpu.memory_space<hbm>> -> memref<640x16xf32, #tpu.memory_space<hbm>>
      tpu.wait_dma2 semaphore(%run_scoped3A : memref<!tpu.dma_semaphore, #tpu.memory_space<semaphore_mem>>) src(%dma_wait3A_48 : memref<640x16xf32, #tpu.memory_space<hbm>>) dst(%dma_wait3A_46 : memref<640x16xf32, #tpu.memory_space<vmem_shared>>)
      tpu.yield
    }) : () -> ()
    %barrier3A = arith.constant 0 : index
    tpu.barrier barrier_id(%barrier3A)
    %dma_start3A = arith.constant 0 : i32
    %dma_start3A_5 = arith.constant 0 : i32
    %dma_start3A_6 = tpu.memref_slice %arg6[%dma_start3A, %dma_start3A_5] : memref<80x125xi32, #tpu.memory_space<vmem>> -> memref<1x125xi32, #tpu.memory_space<vmem>>
    %dma_start3A_7 = tpu.memref_squeeze %dma_start3A_6 : memref<1x125xi32, #tpu.memory_space<vmem>> -> memref<125xi32, #tpu.memory_space<vmem>>
    %dma_start3A_8 = arith.constant 0 : i32
    %dma_start3A_9 = arith.constant 0 : i32
    %dma_start3A_10 = tpu.memref_slice %arg8[%dma_start3A_8, %dma_start3A_9] : memref<10240x16xf32, #tpu.memory_space<vmem_shared>> -> memref<10240x16xf32, #tpu.memory_space<vmem_shared>>
    tpu.enqueue_indirect_dma source(%arg7 : memref<125x16xf32, #tpu.memory_space<vmem>>) target(%dma_start3A_10 : memref<10240x16xf32, #tpu.memory_space<vmem_shared>>) offsets(%dma_start3A_7 : memref<125xi32, #tpu.memory_space<vmem>>) semaphore(%arg9 : memref<!tpu.dma_semaphore, #tpu.memory_space<semaphore_mem>>) {add = true}
    %dma_start3A_11 = arith.constant 1 : i32
    %dma_start3A_12 = arith.constant 0 : i32
    %dma_start3A_13 = tpu.memref_slice %arg6[%dma_start3A_11, %dma_start3A_12] : memref<80x125xi32, #tpu.memory_space<vmem>> -> memref<1x125xi32, #tpu.memory_space<vmem>>
    %dma_start3A_14 = tpu.memref_squeeze %dma_start3A_13 : memref<1x125xi32, #tpu.memory_space<vmem>> -> memref<125xi32, #tpu.memory_space<vmem>>
    %dma_start3A_15 = arith.constant 0 : i32
    %dma_start3A_16 = arith.constant 0 : i32
    %dma_start3A_17 = tpu.memref_slice %arg8[%dma_start3A_15, %dma_start3A_16] : memref<10240x16xf32, #tpu.memory_space<vmem_shared>> -> memref<10240x16xf32, #tpu.memory_space<vmem_shared>>
    tpu.enqueue_indirect_dma source(%arg7 : memref<125x16xf32, #tpu.memory_space<vmem>>) target(%dma_start3A_17 : memref<10240x16xf32, #tpu.memory_space<vmem_shared>>) offsets(%dma_start3A_14 : memref<125xi32, #tpu.memory_space<vmem>>) semaphore(%arg10 : memref<!tpu.dma_semaphore, #tpu.memory_space<semaphore_mem>>) {add = true}
    %scan3A = arith.constant 0 : i32
    %scan3A_18 = arith.constant 1 : i32
    %scan3A_19 = arith.constant 39 : i32
    %scan3A_20 = arith.addi %scan3A_18, %scan3A_19 : i32
    %scan3A_21 = arith.constant 1 : i32
    scf.for %scan3A_41 = %scan3A_18 to %scan3A_20 step %scan3A_21  : i32 {
      %mul3A_42 = arith.constant 2 : i32
      %mul3A_43 = arith.muli %scan3A_41, %mul3A_42 : i32
      %sub3A = arith.constant 2 : i32
      %sub3A_44 = arith.subi %mul3A_43, %sub3A : i32
      %dma_wait3A_45 = arith.constant 0 : i32
      %dma_wait3A_46 = tpu.memref_slice %arg6[%sub3A_44, %dma_wait3A_45] : memref<80x125xi32, #tpu.memory_space<vmem>> -> memref<1x125xi32, #tpu.memory_space<vmem>>
      %dma_wait3A_47 = tpu.memref_squeeze %dma_wait3A_46 : memref<1x125xi32, #tpu.memory_space<vmem>> -> memref<125xi32, #tpu.memory_space<vmem>>
      %dma_wait3A_48 = arith.constant 0 : i32
      %dma_wait3A_49 = arith.constant 0 : i32
      %dma_wait3A_50 = tpu.memref_slice %arg8[%dma_wait3A_48, %dma_wait3A_49] : memref<10240x16xf32, #tpu.memory_space<vmem_shared>> -> memref<10240x16xf32, #tpu.memory_space<vmem_shared>>
      tpu.wait_indirect_dma semaphore(%arg9 : memref<!tpu.dma_semaphore, #tpu.memory_space<semaphore_mem>>) src(%arg7 : memref<125x16xf32, #tpu.memory_space<vmem>>) dst(%dma_wait3A_50 : memref<10240x16xf32, #tpu.memory_space<vmem_shared>>)
      %dma_start3A_51 = arith.constant 0 : i32
      %dma_start3A_52 = tpu.memref_slice %arg6[%mul3A_43, %dma_start3A_51] : memref<80x125xi32, #tpu.memory_space<vmem>> -> memref<1x125xi32, #tpu.memory_space<vmem>>
      %dma_start3A_53 = tpu.memref_squeeze %dma_start3A_52 : memref<1x125xi32, #tpu.memory_space<vmem>> -> memref<125xi32, #tpu.memory_space<vmem>>
      %dma_start3A_54 = arith.constant 0 : i32
      %dma_start3A_55 = arith.constant 0 : i32
      %dma_start3A_56 = tpu.memref_slice %arg8[%dma_start3A_54, %dma_start3A_55] : memref<10240x16xf32, #tpu.memory_space<vmem_shared>> -> memref<10240x16xf32, #tpu.memory_space<vmem_shared>>
      tpu.enqueue_indirect_dma source(%arg7 : memref<125x16xf32, #tpu.memory_space<vmem>>) target(%dma_start3A_56 : memref<10240x16xf32, #tpu.memory_space<vmem_shared>>) offsets(%dma_start3A_53 : memref<125xi32, #tpu.memory_space<vmem>>) semaphore(%arg9 : memref<!tpu.dma_semaphore, #tpu.memory_space<semaphore_mem>>) {add = true}
      %sub3A_57 = arith.constant 1 : i32
      %sub3A_58 = arith.subi %mul3A_43, %sub3A_57 : i32
      %dma_wait3A_59 = arith.constant 0 : i32
      %dma_wait3A_60 = tpu.memref_slice %arg6[%sub3A_58, %dma_wait3A_59] : memref<80x125xi32, #tpu.memory_space<vmem>> -> memref<1x125xi32, #tpu.memory_space<vmem>>
      %dma_wait3A_61 = tpu.memref_squeeze %dma_wait3A_60 : memref<1x125xi32, #tpu.memory_space<vmem>> -> memref<125xi32, #tpu.memory_space<vmem>>
      %dma_wait3A_62 = arith.constant 0 : i32
      %dma_wait3A_63 = arith.constant 0 : i32
      %dma_wait3A_64 = tpu.memref_slice %arg8[%dma_wait3A_62, %dma_wait3A_63] : memref<10240x16xf32, #tpu.memory_space<vmem_shared>> -> memref<10240x16xf32, #tpu.memory_space<vmem_shared>>
      tpu.wait_indirect_dma semaphore(%arg10 : memref<!tpu.dma_semaphore, #tpu.memory_space<semaphore_mem>>) src(%arg7 : memref<125x16xf32, #tpu.memory_space<vmem>>) dst(%dma_wait3A_64 : memref<10240x16xf32, #tpu.memory_space<vmem_shared>>)
      %add3A_65 = arith.constant 1 : i32
      %add3A_66 = arith.addi %mul3A_43, %add3A_65 : i32
      %dma_start3A_67 = arith.constant 0 : i32
      %dma_start3A_68 = tpu.memref_slice %arg6[%add3A_66, %dma_start3A_67] : memref<80x125xi32, #tpu.memory_space<vmem>> -> memref<1x125xi32, #tpu.memory_space<vmem>>
      %dma_start3A_69 = tpu.memref_squeeze %dma_start3A_68 : memref<1x125xi32, #tpu.memory_space<vmem>> -> memref<125xi32, #tpu.memory_space<vmem>>
      %dma_start3A_70 = arith.constant 0 : i32
      %dma_start3A_71 = arith.constant 0 : i32
      %dma_start3A_72 = tpu.memref_slice %arg8[%dma_start3A_70, %dma_start3A_71] : memref<10240x16xf32, #tpu.memory_space<vmem_shared>> -> memref<10240x16xf32, #tpu.memory_space<vmem_shared>>
      tpu.enqueue_indirect_dma source(%arg7 : memref<125x16xf32, #tpu.memory_space<vmem>>) target(%dma_start3A_72 : memref<10240x16xf32, #tpu.memory_space<vmem_shared>>) offsets(%dma_start3A_69 : memref<125xi32, #tpu.memory_space<vmem>>) semaphore(%arg10 : memref<!tpu.dma_semaphore, #tpu.memory_space<semaphore_mem>>) {add = true}
    }
    %scan3A_22 = arith.constant 39 : i32
    %dma_wait3A = arith.constant 78 : i32
    %dma_wait3A_23 = arith.constant 0 : i32
    %dma_wait3A_24 = tpu.memref_slice %arg6[%dma_wait3A, %dma_wait3A_23] : memref<80x125xi32, #tpu.memory_space<vmem>> -> memref<1x125xi32, #tpu.memory_space<vmem>>
    %dma_wait3A_25 = tpu.memref_squeeze %dma_wait3A_24 : memref<1x125xi32, #tpu.memory_space<vmem>> -> memref<125xi32, #tpu.memory_space<vmem>>
    %dma_wait3A_26 = arith.constant 0 : i32
    %dma_wait3A_27 = arith.constant 0 : i32
    %dma_wait3A_28 = tpu.memref_slice %arg8[%dma_wait3A_26, %dma_wait3A_27] : memref<10240x16xf32, #tpu.memory_space<vmem_shared>> -> memref<10240x16xf32, #tpu.memory_space<vmem_shared>>
    tpu.wait_indirect_dma semaphore(%arg9 : memref<!tpu.dma_semaphore, #tpu.memory_space<semaphore_mem>>) src(%arg7 : memref<125x16xf32, #tpu.memory_space<vmem>>) dst(%dma_wait3A_28 : memref<10240x16xf32, #tpu.memory_space<vmem_shared>>)
    %dma_wait3A_29 = arith.constant 79 : i32
    %dma_wait3A_30 = arith.constant 0 : i32
    %dma_wait3A_31 = tpu.memref_slice %arg6[%dma_wait3A_29, %dma_wait3A_30] : memref<80x125xi32, #tpu.memory_space<vmem>> -> memref<1x125xi32, #tpu.memory_space<vmem>>
    %dma_wait3A_32 = tpu.memref_squeeze %dma_wait3A_31 : memref<1x125xi32, #tpu.memory_space<vmem>> -> memref<125xi32, #tpu.memory_space<vmem>>
    %dma_wait3A_33 = arith.constant 0 : i32
    %dma_wait3A_34 = arith.constant 0 : i32
    %dma_wait3A_35 = tpu.memref_slice %arg8[%dma_wait3A_33, %dma_wait3A_34] : memref<10240x16xf32, #tpu.memory_space<vmem_shared>> -> memref<10240x16xf32, #tpu.memory_space<vmem_shared>>
    tpu.wait_indirect_dma semaphore(%arg10 : memref<!tpu.dma_semaphore, #tpu.memory_space<semaphore_mem>>) src(%arg7 : memref<125x16xf32, #tpu.memory_space<vmem>>) dst(%dma_wait3A_35 : memref<10240x16xf32, #tpu.memory_space<vmem_shared>>)
    %barrier3A_36 = arith.constant 0 : index
    tpu.barrier barrier_id(%barrier3A_36)
    %mul3A_37 = arith.constant 640 : i32
    %mul3A_38 = arith.muli %arg1, %mul3A_37 : i32
    %mul3A_39 = arith.constant 640 : i32
    %mul3A_40 = arith.muli %arg1, %mul3A_39 : i32
    "tpu.region"() ({
      %run_scoped3A = tpu.sem_alloc : memref<!tpu.dma_semaphore, #tpu.memory_space<semaphore_mem>>
      %dma_start3A_41 = arith.constant 0 : i32
      %dma_start3A_42 = tpu.memref_slice %arg5[%arg0, %mul3A_40, %dma_start3A_41] : memref<2x10240x16xf32, #tpu.memory_space<hbm>> -> memref<1x640x16xf32, #tpu.memory_space<hbm>>
      %dma_start3A_43 = tpu.memref_squeeze %dma_start3A_42 : memref<1x640x16xf32, #tpu.memory_space<hbm>> -> memref<640x16xf32, #tpu.memory_space<hbm>>
      %dma_start3A_44 = arith.constant 0 : i32
      %dma_start3A_45 = tpu.memref_slice %arg8[%mul3A_38, %dma_start3A_44] : memref<10240x16xf32, #tpu.memory_space<vmem_shared>> -> memref<640x16xf32, #tpu.memory_space<vmem_shared>>
      tpu.enqueue_dma source(%dma_start3A_45 : memref<640x16xf32, #tpu.memory_space<vmem_shared>>) target(%dma_start3A_43 : memref<640x16xf32, #tpu.memory_space<hbm>>) target_semaphore(%run_scoped3A : memref<!tpu.dma_semaphore, #tpu.memory_space<semaphore_mem>>)
      %dma_wait3A_46 = arith.constant 0 : i32
      %dma_wait3A_47 = tpu.memref_slice %arg5[%arg0, %mul3A_40, %dma_wait3A_46] : memref<2x10240x16xf32, #tpu.memory_space<hbm>> -> memref<1x640x16xf32, #tpu.memory_space<hbm>>
      %dma_wait3A_48 = tpu.memref_squeeze %dma_wait3A_47 : memref<1x640x16xf32, #tpu.memory_space<hbm>> -> memref<640x16xf32, #tpu.memory_space<hbm>>
      %dma_wait3A_49 = arith.constant 0 : i32
      %dma_wait3A_50 = tpu.memref_slice %arg8[%mul3A_38, %dma_wait3A_49] : memref<10240x16xf32, #tpu.memory_space<vmem_shared>> -> memref<640x16xf32, #tpu.memory_space<vmem_shared>>
      tpu.wait_dma2 semaphore(%run_scoped3A : memref<!tpu.dma_semaphore, #tpu.memory_space<semaphore_mem>>) src(%dma_wait3A_50 : memref<640x16xf32, #tpu.memory_space<vmem_shared>>) dst(%dma_wait3A_48 : memref<640x16xf32, #tpu.memory_space<hbm>>)
      tpu.yield
    }) : () -> ()
    return
  }
}

#map = affine_map<(d0, d1) -> (0, 0)>
#map1 = affine_map<(d0, d1) -> (0, 0, 0)>
#map2 = affine_map<(d0, d1) -> (0)>
module attributes {stable_mosaic.version = 14 : i64} {
  func.func @_decode_kernel(%arg0: i32, %arg1: i32, %arg2: memref<10000x2xf32, #tpu.memory_space<hbm>>, %arg3: memref<32x625x16xi32, #tpu.memory_space<hbm>>, %arg4: memref<32x625x16xi32, #tpu.memory_space<hbm>>, %arg5: memref<16xf32, #tpu.memory_space<hbm>>, %arg6: memref<32x625x16xf32, #tpu.memory_space<hbm>>, %arg7: memref<10000x2xf32, #tpu.memory_space<vmem>>, %arg8: memref<625x16xi32, #tpu.memory_space<vmem>>, %arg9: memref<625x16xi32, #tpu.memory_space<vmem>>, %arg10: memref<625x16xf32, #tpu.memory_space<vmem>>, %arg11: memref<16xf32, #tpu.memory_space<vmem>>) attributes {dimension_semantics = [#tpu.dimension_semantics<core_parallel>, #tpu.dimension_semantics<subcore_parallel>], iteration_bounds = array<i64: 2, 16>, scalar_prefetch = 0 : i64, scratch_operands = 5 : i64, tpu.core_type = #tpu.core_type<sc_vector_subcore>, window_params = [{transform_indices = #map}, {transform_indices = #map1}, {transform_indices = #map1}, {transform_indices = #map2}, {transform_indices = #map1}]} {
    %mul3A = arith.constant 2 : i32
    %mul3A_0 = arith.muli %arg1, %mul3A : i32
    %add3A = arith.addi %mul3A_0, %arg0 : i32
    "tpu.region"() ({
      %run_scoped3A = tpu.sem_alloc : memref<!tpu.dma_semaphore, #tpu.memory_space<semaphore_mem>>
      tpu.enqueue_dma source(%arg2 : memref<10000x2xf32, #tpu.memory_space<hbm>>) target(%arg7 : memref<10000x2xf32, #tpu.memory_space<vmem>>) target_semaphore(%run_scoped3A : memref<!tpu.dma_semaphore, #tpu.memory_space<semaphore_mem>>)
      tpu.wait_dma2 semaphore(%run_scoped3A : memref<!tpu.dma_semaphore, #tpu.memory_space<semaphore_mem>>) src(%arg2 : memref<10000x2xf32, #tpu.memory_space<hbm>>) dst(%arg7 : memref<10000x2xf32, #tpu.memory_space<vmem>>)
      tpu.yield
    }) : () -> ()
    "tpu.region"() ({
      %run_scoped3A = tpu.sem_alloc : memref<!tpu.dma_semaphore, #tpu.memory_space<semaphore_mem>>
      %dma_start3A = arith.constant 0 : i32
      %dma_start3A_10 = arith.constant 0 : i32
      %dma_start3A_11 = tpu.memref_slice %arg3[%add3A, %dma_start3A, %dma_start3A_10] : memref<32x625x16xi32, #tpu.memory_space<hbm>> -> memref<1x625x16xi32, #tpu.memory_space<hbm>>
      %dma_start3A_12 = tpu.memref_squeeze %dma_start3A_11 : memref<1x625x16xi32, #tpu.memory_space<hbm>> -> memref<625x16xi32, #tpu.memory_space<hbm>>
      %dma_start3A_13 = arith.constant 0 : i32
      %dma_start3A_14 = arith.constant 0 : i32
      %dma_start3A_15 = tpu.memref_slice %arg3[%add3A, %dma_start3A_13, %dma_start3A_14] : memref<32x625x16xi32, #tpu.memory_space<hbm>> -> memref<1x625x16xi32, #tpu.memory_space<hbm>>
      %dma_start3A_16 = tpu.memref_squeeze %dma_start3A_15 : memref<1x625x16xi32, #tpu.memory_space<hbm>> -> memref<625x16xi32, #tpu.memory_space<hbm>>
      tpu.enqueue_dma source(%dma_start3A_16 : memref<625x16xi32, #tpu.memory_space<hbm>>) target(%arg8 : memref<625x16xi32, #tpu.memory_space<vmem>>) target_semaphore(%run_scoped3A : memref<!tpu.dma_semaphore, #tpu.memory_space<semaphore_mem>>)
      %dma_wait3A = arith.constant 0 : i32
      %dma_wait3A_17 = arith.constant 0 : i32
      %dma_wait3A_18 = tpu.memref_slice %arg3[%add3A, %dma_wait3A, %dma_wait3A_17] : memref<32x625x16xi32, #tpu.memory_space<hbm>> -> memref<1x625x16xi32, #tpu.memory_space<hbm>>
      %dma_wait3A_19 = tpu.memref_squeeze %dma_wait3A_18 : memref<1x625x16xi32, #tpu.memory_space<hbm>> -> memref<625x16xi32, #tpu.memory_space<hbm>>
      %dma_wait3A_20 = arith.constant 0 : i32
      %dma_wait3A_21 = arith.constant 0 : i32
      %dma_wait3A_22 = tpu.memref_slice %arg3[%add3A, %dma_wait3A_20, %dma_wait3A_21] : memref<32x625x16xi32, #tpu.memory_space<hbm>> -> memref<1x625x16xi32, #tpu.memory_space<hbm>>
      %dma_wait3A_23 = tpu.memref_squeeze %dma_wait3A_22 : memref<1x625x16xi32, #tpu.memory_space<hbm>> -> memref<625x16xi32, #tpu.memory_space<hbm>>
      tpu.wait_dma2 semaphore(%run_scoped3A : memref<!tpu.dma_semaphore, #tpu.memory_space<semaphore_mem>>) src(%dma_wait3A_23 : memref<625x16xi32, #tpu.memory_space<hbm>>) dst(%arg8 : memref<625x16xi32, #tpu.memory_space<vmem>>)
      tpu.yield
    }) : () -> ()
    "tpu.region"() ({
      %run_scoped3A = tpu.sem_alloc : memref<!tpu.dma_semaphore, #tpu.memory_space<semaphore_mem>>
      %dma_start3A = arith.constant 0 : i32
      %dma_start3A_10 = arith.constant 0 : i32
      %dma_start3A_11 = tpu.memref_slice %arg4[%add3A, %dma_start3A, %dma_start3A_10] : memref<32x625x16xi32, #tpu.memory_space<hbm>> -> memref<1x625x16xi32, #tpu.memory_space<hbm>>
      %dma_start3A_12 = tpu.memref_squeeze %dma_start3A_11 : memref<1x625x16xi32, #tpu.memory_space<hbm>> -> memref<625x16xi32, #tpu.memory_space<hbm>>
      %dma_start3A_13 = arith.constant 0 : i32
      %dma_start3A_14 = arith.constant 0 : i32
      %dma_start3A_15 = tpu.memref_slice %arg4[%add3A, %dma_start3A_13, %dma_start3A_14] : memref<32x625x16xi32, #tpu.memory_space<hbm>> -> memref<1x625x16xi32, #tpu.memory_space<hbm>>
      %dma_start3A_16 = tpu.memref_squeeze %dma_start3A_15 : memref<1x625x16xi32, #tpu.memory_space<hbm>> -> memref<625x16xi32, #tpu.memory_space<hbm>>
      tpu.enqueue_dma source(%dma_start3A_16 : memref<625x16xi32, #tpu.memory_space<hbm>>) target(%arg9 : memref<625x16xi32, #tpu.memory_space<vmem>>) target_semaphore(%run_scoped3A : memref<!tpu.dma_semaphore, #tpu.memory_space<semaphore_mem>>)
      %dma_wait3A = arith.constant 0 : i32
      %dma_wait3A_17 = arith.constant 0 : i32
      %dma_wait3A_18 = tpu.memref_slice %arg4[%add3A, %dma_wait3A, %dma_wait3A_17] : memref<32x625x16xi32, #tpu.memory_space<hbm>> -> memref<1x625x16xi32, #tpu.memory_space<hbm>>
      %dma_wait3A_19 = tpu.memref_squeeze %dma_wait3A_18 : memref<1x625x16xi32, #tpu.memory_space<hbm>> -> memref<625x16xi32, #tpu.memory_space<hbm>>
      %dma_wait3A_20 = arith.constant 0 : i32
      %dma_wait3A_21 = arith.constant 0 : i32
      %dma_wait3A_22 = tpu.memref_slice %arg4[%add3A, %dma_wait3A_20, %dma_wait3A_21] : memref<32x625x16xi32, #tpu.memory_space<hbm>> -> memref<1x625x16xi32, #tpu.memory_space<hbm>>
      %dma_wait3A_23 = tpu.memref_squeeze %dma_wait3A_22 : memref<1x625x16xi32, #tpu.memory_space<hbm>> -> memref<625x16xi32, #tpu.memory_space<hbm>>
      tpu.wait_dma2 semaphore(%run_scoped3A : memref<!tpu.dma_semaphore, #tpu.memory_space<semaphore_mem>>) src(%dma_wait3A_23 : memref<625x16xi32, #tpu.memory_space<hbm>>) dst(%arg9 : memref<625x16xi32, #tpu.memory_space<vmem>>)
      tpu.yield
    }) : () -> ()
    "tpu.region"() ({
      %run_scoped3A = tpu.sem_alloc : memref<!tpu.dma_semaphore, #tpu.memory_space<semaphore_mem>>
      tpu.enqueue_dma source(%arg5 : memref<16xf32, #tpu.memory_space<hbm>>) target(%arg11 : memref<16xf32, #tpu.memory_space<vmem>>) target_semaphore(%run_scoped3A : memref<!tpu.dma_semaphore, #tpu.memory_space<semaphore_mem>>)
      tpu.wait_dma2 semaphore(%run_scoped3A : memref<!tpu.dma_semaphore, #tpu.memory_space<semaphore_mem>>) src(%arg5 : memref<16xf32, #tpu.memory_space<hbm>>) dst(%arg11 : memref<16xf32, #tpu.memory_space<vmem>>)
      tpu.yield
    }) : () -> ()
    %get3A = arith.constant 0 : index
    %get3A_1 = tpu.vector_load %arg11[%get3A] {strides = array<i32>} : memref<16xf32, #tpu.memory_space<vmem>>, vector<16xf32>,
    %broadcast_in_dim3A = arith.constant 0 : i32
    %broadcast_in_dim3A_2 = vector.broadcast %broadcast_in_dim3A : i32 to vector<16xi32>
    %broadcast_in_dim3A_3 = arith.constant 1 : i32
    %broadcast_in_dim3A_4 = vector.broadcast %broadcast_in_dim3A_3 : i32 to vector<16xi32>
    %scan3A = arith.constant 0 : i32
    %scan3A_5 = arith.constant 0 : i32
    %scan3A_6 = arith.constant 125 : i32
    %scan3A_7 = arith.addi %scan3A_5, %scan3A_6 : i32
    %scan3A_8 = arith.constant 1 : i32
    scf.for %scan3A_10 = %scan3A_5 to %scan3A_7 step %scan3A_8  : i32 {
      %mul3A_11 = arith.constant 5 : i32
      %mul3A_12 = arith.muli %scan3A_10, %mul3A_11 : i32
      %add3A_13 = arith.constant 0 : i32
      %add3A_14 = arith.addi %mul3A_12, %add3A_13 : i32
      %get3A_15 = arith.index_cast %add3A_14 : i32 to index
      %get3A_16 = arith.constant 0 : index
      %get3A_17 = tpu.vector_load %arg8[%get3A_15, %get3A_16] {strides = array<i32>} : memref<625x16xi32, #tpu.memory_space<vmem>>, vector<16xi32>,
      %get3A_18 = arith.index_cast %add3A_14 : i32 to index
      %get3A_19 = arith.constant 0 : index
      %get3A_20 = tpu.vector_load %arg9[%get3A_18, %get3A_19] {strides = array<i32>} : memref<625x16xi32, #tpu.memory_space<vmem>>, vector<16xi32>,
      %gather3A = tpu.vector_load_idx %arg7[%get3A_17, %broadcast_in_dim3A_2] : memref<10000x2xf32, #tpu.memory_space<vmem>>[vector<16xi32>, vector<16xi32>], vector<16xf32>,
      %gather3A_21 = tpu.vector_load_idx %arg7[%get3A_20, %broadcast_in_dim3A_4] : memref<10000x2xf32, #tpu.memory_space<vmem>>[vector<16xi32>, vector<16xi32>], vector<16xf32>,
      %add3A_22 = arith.addf %gather3A, %gather3A_21 : vector<16xf32>
      %add3A_23 = arith.addf %add3A_22, %get3A_1 : vector<16xf32>
      %swap3A = arith.index_cast %add3A_14 : i32 to index
      %swap3A_24 = arith.constant 0 : index
      %swap3A_25 = tpu.vector_load %arg10[%swap3A, %swap3A_24] {strides = array<i32>} : memref<625x16xf32, #tpu.memory_space<vmem>>, vector<16xf32>,
      tpu.vector_store %arg10[%swap3A, %swap3A_24], %add3A_23 {strides = array<i32>} : memref<625x16xf32, #tpu.memory_space<vmem>>, vector<16xf32>,
      %add3A_26 = arith.constant 1 : i32
      %add3A_27 = arith.addi %mul3A_12, %add3A_26 : i32
      %get3A_28 = arith.index_cast %add3A_27 : i32 to index
      %get3A_29 = arith.constant 0 : index
      %get3A_30 = tpu.vector_load %arg8[%get3A_28, %get3A_29] {strides = array<i32>} : memref<625x16xi32, #tpu.memory_space<vmem>>, vector<16xi32>,
      %get3A_31 = arith.index_cast %add3A_27 : i32 to index
      %get3A_32 = arith.constant 0 : index
      %get3A_33 = tpu.vector_load %arg9[%get3A_31, %get3A_32] {strides = array<i32>} : memref<625x16xi32, #tpu.memory_space<vmem>>, vector<16xi32>,
      %gather3A_34 = tpu.vector_load_idx %arg7[%get3A_30, %broadcast_in_dim3A_2] : memref<10000x2xf32, #tpu.memory_space<vmem>>[vector<16xi32>, vector<16xi32>], vector<16xf32>,
      %gather3A_35 = tpu.vector_load_idx %arg7[%get3A_33, %broadcast_in_dim3A_4] : memref<10000x2xf32, #tpu.memory_space<vmem>>[vector<16xi32>, vector<16xi32>], vector<16xf32>,
      %add3A_36 = arith.addf %gather3A_34, %gather3A_35 : vector<16xf32>
      %add3A_37 = arith.addf %add3A_36, %get3A_1 : vector<16xf32>
      %swap3A_38 = arith.index_cast %add3A_27 : i32 to index
      %swap3A_39 = arith.constant 0 : index
      %swap3A_40 = tpu.vector_load %arg10[%swap3A_38, %swap3A_39] {strides = array<i32>} : memref<625x16xf32, #tpu.memory_space<vmem>>, vector<16xf32>,
      tpu.vector_store %arg10[%swap3A_38, %swap3A_39], %add3A_37 {strides = array<i32>} : memref<625x16xf32, #tpu.memory_space<vmem>>, vector<16xf32>,
      %add3A_41 = arith.constant 2 : i32
      %add3A_42 = arith.addi %mul3A_12, %add3A_41 : i32
      %get3A_43 = arith.index_cast %add3A_42 : i32 to index
      %get3A_44 = arith.constant 0 : index
      %get3A_45 = tpu.vector_load %arg8[%get3A_43, %get3A_44] {strides = array<i32>} : memref<625x16xi32, #tpu.memory_space<vmem>>, vector<16xi32>,
      %get3A_46 = arith.index_cast %add3A_42 : i32 to index
      %get3A_47 = arith.constant 0 : index
      %get3A_48 = tpu.vector_load %arg9[%get3A_46, %get3A_47] {strides = array<i32>} : memref<625x16xi32, #tpu.memory_space<vmem>>, vector<16xi32>,
      %gather3A_49 = tpu.vector_load_idx %arg7[%get3A_45, %broadcast_in_dim3A_2] : memref<10000x2xf32, #tpu.memory_space<vmem>>[vector<16xi32>, vector<16xi32>], vector<16xf32>,
      %gather3A_50 = tpu.vector_load_idx %arg7[%get3A_48, %broadcast_in_dim3A_4] : memref<10000x2xf32, #tpu.memory_space<vmem>>[vector<16xi32>, vector<16xi32>], vector<16xf32>,
      %add3A_51 = arith.addf %gather3A_49, %gather3A_50 : vector<16xf32>
      %add3A_52 = arith.addf %add3A_51, %get3A_1 : vector<16xf32>
      %swap3A_53 = arith.index_cast %add3A_42 : i32 to index
      %swap3A_54 = arith.constant 0 : index
      %swap3A_55 = tpu.vector_load %arg10[%swap3A_53, %swap3A_54] {strides = array<i32>} : memref<625x16xf32, #tpu.memory_space<vmem>>, vector<16xf32>,
      tpu.vector_store %arg10[%swap3A_53, %swap3A_54], %add3A_52 {strides = array<i32>} : memref<625x16xf32, #tpu.memory_space<vmem>>, vector<16xf32>,
      %add3A_56 = arith.constant 3 : i32
      %add3A_57 = arith.addi %mul3A_12, %add3A_56 : i32
      %get3A_58 = arith.index_cast %add3A_57 : i32 to index
      %get3A_59 = arith.constant 0 : index
      %get3A_60 = tpu.vector_load %arg8[%get3A_58, %get3A_59] {strides = array<i32>} : memref<625x16xi32, #tpu.memory_space<vmem>>, vector<16xi32>,
      %get3A_61 = arith.index_cast %add3A_57 : i32 to index
      %get3A_62 = arith.constant 0 : index
      %get3A_63 = tpu.vector_load %arg9[%get3A_61, %get3A_62] {strides = array<i32>} : memref<625x16xi32, #tpu.memory_space<vmem>>, vector<16xi32>,
      %gather3A_64 = tpu.vector_load_idx %arg7[%get3A_60, %broadcast_in_dim3A_2] : memref<10000x2xf32, #tpu.memory_space<vmem>>[vector<16xi32>, vector<16xi32>], vector<16xf32>,
      %gather3A_65 = tpu.vector_load_idx %arg7[%get3A_63, %broadcast_in_dim3A_4] : memref<10000x2xf32, #tpu.memory_space<vmem>>[vector<16xi32>, vector<16xi32>], vector<16xf32>,
      %add3A_66 = arith.addf %gather3A_64, %gather3A_65 : vector<16xf32>
      %add3A_67 = arith.addf %add3A_66, %get3A_1 : vector<16xf32>
      %swap3A_68 = arith.index_cast %add3A_57 : i32 to index
      %swap3A_69 = arith.constant 0 : index
      %swap3A_70 = tpu.vector_load %arg10[%swap3A_68, %swap3A_69] {strides = array<i32>} : memref<625x16xf32, #tpu.memory_space<vmem>>, vector<16xf32>,
      tpu.vector_store %arg10[%swap3A_68, %swap3A_69], %add3A_67 {strides = array<i32>} : memref<625x16xf32, #tpu.memory_space<vmem>>, vector<16xf32>,
      %add3A_71 = arith.constant 4 : i32
      %add3A_72 = arith.addi %mul3A_12, %add3A_71 : i32
      %get3A_73 = arith.index_cast %add3A_72 : i32 to index
      %get3A_74 = arith.constant 0 : index
      %get3A_75 = tpu.vector_load %arg8[%get3A_73, %get3A_74] {strides = array<i32>} : memref<625x16xi32, #tpu.memory_space<vmem>>, vector<16xi32>,
      %get3A_76 = arith.index_cast %add3A_72 : i32 to index
      %get3A_77 = arith.constant 0 : index
      %get3A_78 = tpu.vector_load %arg9[%get3A_76, %get3A_77] {strides = array<i32>} : memref<625x16xi32, #tpu.memory_space<vmem>>, vector<16xi32>,
      %gather3A_79 = tpu.vector_load_idx %arg7[%get3A_75, %broadcast_in_dim3A_2] : memref<10000x2xf32, #tpu.memory_space<vmem>>[vector<16xi32>, vector<16xi32>], vector<16xf32>,
      %gather3A_80 = tpu.vector_load_idx %arg7[%get3A_78, %broadcast_in_dim3A_4] : memref<10000x2xf32, #tpu.memory_space<vmem>>[vector<16xi32>, vector<16xi32>], vector<16xf32>,
      %add3A_81 = arith.addf %gather3A_79, %gather3A_80 : vector<16xf32>
      %add3A_82 = arith.addf %add3A_81, %get3A_1 : vector<16xf32>
      %swap3A_83 = arith.index_cast %add3A_72 : i32 to index
      %swap3A_84 = arith.constant 0 : index
      %swap3A_85 = tpu.vector_load %arg10[%swap3A_83, %swap3A_84] {strides = array<i32>} : memref<625x16xf32, #tpu.memory_space<vmem>>, vector<16xf32>,
      tpu.vector_store %arg10[%swap3A_83, %swap3A_84], %add3A_82 {strides = array<i32>} : memref<625x16xf32, #tpu.memory_space<vmem>>, vector<16xf32>,
    }
    %scan3A_9 = arith.constant 125 : i32
    "tpu.region"() ({
      %run_scoped3A = tpu.sem_alloc : memref<!tpu.dma_semaphore, #tpu.memory_space<semaphore_mem>>
      %dma_start3A = arith.constant 0 : i32
      %dma_start3A_10 = arith.constant 0 : i32
      %dma_start3A_11 = tpu.memref_slice %arg6[%add3A, %dma_start3A, %dma_start3A_10] : memref<32x625x16xf32, #tpu.memory_space<hbm>> -> memref<1x625x16xf32, #tpu.memory_space<hbm>>
      %dma_start3A_12 = tpu.memref_squeeze %dma_start3A_11 : memref<1x625x16xf32, #tpu.memory_space<hbm>> -> memref<625x16xf32, #tpu.memory_space<hbm>>
      %dma_start3A_13 = arith.constant 0 : i32
      %dma_start3A_14 = arith.constant 0 : i32
      %dma_start3A_15 = tpu.memref_slice %arg6[%add3A, %dma_start3A_13, %dma_start3A_14] : memref<32x625x16xf32, #tpu.memory_space<hbm>> -> memref<1x625x16xf32, #tpu.memory_space<hbm>>
      %dma_start3A_16 = tpu.memref_squeeze %dma_start3A_15 : memref<1x625x16xf32, #tpu.memory_space<hbm>> -> memref<625x16xf32, #tpu.memory_space<hbm>>
      tpu.enqueue_dma source(%arg10 : memref<625x16xf32, #tpu.memory_space<vmem>>) target(%dma_start3A_16 : memref<625x16xf32, #tpu.memory_space<hbm>>) target_semaphore(%run_scoped3A : memref<!tpu.dma_semaphore, #tpu.memory_space<semaphore_mem>>)
      %dma_wait3A = arith.constant 0 : i32
      %dma_wait3A_17 = arith.constant 0 : i32
      %dma_wait3A_18 = tpu.memref_slice %arg6[%add3A, %dma_wait3A, %dma_wait3A_17] : memref<32x625x16xf32, #tpu.memory_space<hbm>> -> memref<1x625x16xf32, #tpu.memory_space<hbm>>
      %dma_wait3A_19 = tpu.memref_squeeze %dma_wait3A_18 : memref<1x625x16xf32, #tpu.memory_space<hbm>> -> memref<625x16xf32, #tpu.memory_space<hbm>>
      %dma_wait3A_20 = arith.constant 0 : i32
      %dma_wait3A_21 = arith.constant 0 : i32
      %dma_wait3A_22 = tpu.memref_slice %arg6[%add3A, %dma_wait3A_20, %dma_wait3A_21] : memref<32x625x16xf32, #tpu.memory_space<hbm>> -> memref<1x625x16xf32, #tpu.memory_space<hbm>>
      %dma_wait3A_23 = tpu.memref_squeeze %dma_wait3A_22 : memref<1x625x16xf32, #tpu.memory_space<hbm>> -> memref<625x16xf32, #tpu.memory_space<hbm>>
      tpu.wait_dma2 semaphore(%run_scoped3A : memref<!tpu.dma_semaphore, #tpu.memory_space<semaphore_mem>>) src(%arg10 : memref<625x16xf32, #tpu.memory_space<vmem>>) dst(%dma_wait3A_23 : memref<625x16xf32, #tpu.memory_space<hbm>>)
      tpu.yield
    }) : () -> ()
    return
  }
}

#map = affine_map<(d0, d1) -> (0, 0)>
#map1 = affine_map<(d0, d1) -> (0, 0, 0)>
module attributes {stable_mosaic.version = 14 : i64} {
  func.func @_scatter_kernel(%arg0: i32, %arg1: i32, %arg2: memref<10000x64xf32, #tpu.memory_space<hbm>>, %arg3: memref<10000x64xf32, #tpu.memory_space<hbm>>, %arg4: memref<32x80x125xi32, #tpu.memory_space<hbm>>, %arg5: memref<32x80x125xi32, #tpu.memory_space<hbm>>, %arg6: memref<10240x64xf32, #tpu.memory_space<hbm>>, %arg7: memref<2x10240x64xf32, #tpu.memory_space<hbm>>, %arg8: memref<2x10240x64xf32, #tpu.memory_space<hbm>>, %arg9: memref<80x125xi32, #tpu.memory_space<vmem>>, %arg10: memref<80x125xi32, #tpu.memory_space<vmem>>, %arg11: memref<125x64xf32, #tpu.memory_space<vmem>>, %arg12: memref<125x64xf32, #tpu.memory_space<vmem>>, %arg13: memref<125x64xf32, #tpu.memory_space<vmem>>, %arg14: memref<125x64xf32, #tpu.memory_space<vmem>>, %arg15: memref<10240x64xf32, #tpu.memory_space<vmem_shared>>, %arg16: memref<!tpu.dma_semaphore, #tpu.memory_space<semaphore_mem>>, %arg17: memref<!tpu.dma_semaphore, #tpu.memory_space<semaphore_mem>>, %arg18: memref<!tpu.dma_semaphore, #tpu.memory_space<semaphore_mem>>, %arg19: memref<!tpu.dma_semaphore, #tpu.memory_space<semaphore_mem>>, %arg20: memref<!tpu.dma_semaphore, #tpu.memory_space<semaphore_mem>>, %arg21: memref<!tpu.dma_semaphore, #tpu.memory_space<semaphore_mem>>, %arg22: memref<!tpu.dma_semaphore, #tpu.memory_space<semaphore_mem>>, %arg23: memref<!tpu.dma_semaphore, #tpu.memory_space<semaphore_mem>>) attributes {dimension_semantics = [#tpu.dimension_semantics<core_parallel>, #tpu.dimension_semantics<subcore_parallel>], iteration_bounds = array<i64: 2, 16>, scalar_prefetch = 0 : i64, scratch_operands = 15 : i64, tpu.core_type = #tpu.core_type<sc_vector_subcore>, window_params = [{transform_indices = #map}, {transform_indices = #map}, {transform_indices = #map1}, {transform_indices = #map1}, {transform_indices = #map}, {transform_indices = #map1}, {transform_indices = #map1}]} {
    %mul3A = arith.constant 2 : i32
    %mul3A_0 = arith.muli %arg1, %mul3A : i32
    %add3A = arith.addi %mul3A_0, %arg0 : i32
    "tpu.region"() ({
      %run_scoped3A = tpu.sem_alloc : memref<!tpu.dma_semaphore, #tpu.memory_space<semaphore_mem>>
      %dma_start3A_477 = arith.constant 0 : i32
      %dma_start3A_478 = arith.constant 0 : i32
      %dma_start3A_479 = tpu.memref_slice %arg4[%add3A, %dma_start3A_477, %dma_start3A_478] : memref<32x80x125xi32, #tpu.memory_space<hbm>> -> memref<1x80x125xi32, #tpu.memory_space<hbm>>
      %dma_start3A_480 = tpu.memref_squeeze %dma_start3A_479 : memref<1x80x125xi32, #tpu.memory_space<hbm>> -> memref<80x125xi32, #tpu.memory_space<hbm>>
      %dma_start3A_481 = arith.constant 0 : i32
      %dma_start3A_482 = arith.constant 0 : i32
      %dma_start3A_483 = tpu.memref_slice %arg4[%add3A, %dma_start3A_481, %dma_start3A_482] : memref<32x80x125xi32, #tpu.memory_space<hbm>> -> memref<1x80x125xi32, #tpu.memory_space<hbm>>
      %dma_start3A_484 = tpu.memref_squeeze %dma_start3A_483 : memref<1x80x125xi32, #tpu.memory_space<hbm>> -> memref<80x125xi32, #tpu.memory_space<hbm>>
      tpu.enqueue_dma source(%dma_start3A_484 : memref<80x125xi32, #tpu.memory_space<hbm>>) target(%arg9 : memref<80x125xi32, #tpu.memory_space<vmem>>) target_semaphore(%run_scoped3A : memref<!tpu.dma_semaphore, #tpu.memory_space<semaphore_mem>>)
      %dma_wait3A_485 = arith.constant 0 : i32
      %dma_wait3A_486 = arith.constant 0 : i32
      %dma_wait3A_487 = tpu.memref_slice %arg4[%add3A, %dma_wait3A_485, %dma_wait3A_486] : memref<32x80x125xi32, #tpu.memory_space<hbm>> -> memref<1x80x125xi32, #tpu.memory_space<hbm>>
      %dma_wait3A_488 = tpu.memref_squeeze %dma_wait3A_487 : memref<1x80x125xi32, #tpu.memory_space<hbm>> -> memref<80x125xi32, #tpu.memory_space<hbm>>
      %dma_wait3A_489 = arith.constant 0 : i32
      %dma_wait3A_490 = arith.constant 0 : i32
      %dma_wait3A_491 = tpu.memref_slice %arg4[%add3A, %dma_wait3A_489, %dma_wait3A_490] : memref<32x80x125xi32, #tpu.memory_space<hbm>> -> memref<1x80x125xi32, #tpu.memory_space<hbm>>
      %dma_wait3A_492 = tpu.memref_squeeze %dma_wait3A_491 : memref<1x80x125xi32, #tpu.memory_space<hbm>> -> memref<80x125xi32, #tpu.memory_space<hbm>>
      tpu.wait_dma2 semaphore(%run_scoped3A : memref<!tpu.dma_semaphore, #tpu.memory_space<semaphore_mem>>) src(%dma_wait3A_492 : memref<80x125xi32, #tpu.memory_space<hbm>>) dst(%arg9 : memref<80x125xi32, #tpu.memory_space<vmem>>)
      tpu.yield
    }) : () -> ()
    "tpu.region"() ({
      %run_scoped3A = tpu.sem_alloc : memref<!tpu.dma_semaphore, #tpu.memory_space<semaphore_mem>>
      %dma_start3A_477 = arith.constant 0 : i32
      %dma_start3A_478 = arith.constant 0 : i32
      %dma_start3A_479 = tpu.memref_slice %arg5[%add3A, %dma_start3A_477, %dma_start3A_478] : memref<32x80x125xi32, #tpu.memory_space<hbm>> -> memref<1x80x125xi32, #tpu.memory_space<hbm>>
      %dma_start3A_480 = tpu.memref_squeeze %dma_start3A_479 : memref<1x80x125xi32, #tpu.memory_space<hbm>> -> memref<80x125xi32, #tpu.memory_space<hbm>>
      %dma_start3A_481 = arith.constant 0 : i32
      %dma_start3A_482 = arith.constant 0 : i32
      %dma_start3A_483 = tpu.memref_slice %arg5[%add3A, %dma_start3A_481, %dma_start3A_482] : memref<32x80x125xi32, #tpu.memory_space<hbm>> -> memref<1x80x125xi32, #tpu.memory_space<hbm>>
      %dma_start3A_484 = tpu.memref_squeeze %dma_start3A_483 : memref<1x80x125xi32, #tpu.memory_space<hbm>> -> memref<80x125xi32, #tpu.memory_space<hbm>>
      tpu.enqueue_dma source(%dma_start3A_484 : memref<80x125xi32, #tpu.memory_space<hbm>>) target(%arg10 : memref<80x125xi32, #tpu.memory_space<vmem>>) target_semaphore(%run_scoped3A : memref<!tpu.dma_semaphore, #tpu.memory_space<semaphore_mem>>)
      %dma_wait3A_485 = arith.constant 0 : i32
      %dma_wait3A_486 = arith.constant 0 : i32
      %dma_wait3A_487 = tpu.memref_slice %arg5[%add3A, %dma_wait3A_485, %dma_wait3A_486] : memref<32x80x125xi32, #tpu.memory_space<hbm>> -> memref<1x80x125xi32, #tpu.memory_space<hbm>>
      %dma_wait3A_488 = tpu.memref_squeeze %dma_wait3A_487 : memref<1x80x125xi32, #tpu.memory_space<hbm>> -> memref<80x125xi32, #tpu.memory_space<hbm>>
      %dma_wait3A_489 = arith.constant 0 : i32
      %dma_wait3A_490 = arith.constant 0 : i32
      %dma_wait3A_491 = tpu.memref_slice %arg5[%add3A, %dma_wait3A_489, %dma_wait3A_490] : memref<32x80x125xi32, #tpu.memory_space<hbm>> -> memref<1x80x125xi32, #tpu.memory_space<hbm>>
      %dma_wait3A_492 = tpu.memref_squeeze %dma_wait3A_491 : memref<1x80x125xi32, #tpu.memory_space<hbm>> -> memref<80x125xi32, #tpu.memory_space<hbm>>
      tpu.wait_dma2 semaphore(%run_scoped3A : memref<!tpu.dma_semaphore, #tpu.memory_space<semaphore_mem>>) src(%dma_wait3A_492 : memref<80x125xi32, #tpu.memory_space<hbm>>) dst(%arg10 : memref<80x125xi32, #tpu.memory_space<vmem>>)
      tpu.yield
    }) : () -> ()
    %mul3A_1 = arith.constant 640 : i32
    %mul3A_2 = arith.muli %arg1, %mul3A_1 : i32
    %mul3A_3 = arith.constant 640 : i32
    %mul3A_4 = arith.muli %arg1, %mul3A_3 : i32
    "tpu.region"() ({
      %run_scoped3A = tpu.sem_alloc : memref<!tpu.dma_semaphore, #tpu.memory_space<semaphore_mem>>
      %dma_start3A_477 = arith.constant 0 : i32
      %dma_start3A_478 = tpu.memref_slice %arg15[%mul3A_4, %dma_start3A_477] : memref<10240x64xf32, #tpu.memory_space<vmem_shared>> -> memref<640x64xf32, #tpu.memory_space<vmem_shared>>
      %dma_start3A_479 = arith.constant 0 : i32
      %dma_start3A_480 = tpu.memref_slice %arg6[%mul3A_2, %dma_start3A_479] : memref<10240x64xf32, #tpu.memory_space<hbm>> -> memref<640x64xf32, #tpu.memory_space<hbm>>
      tpu.enqueue_dma source(%dma_start3A_480 : memref<640x64xf32, #tpu.memory_space<hbm>>) target(%dma_start3A_478 : memref<640x64xf32, #tpu.memory_space<vmem_shared>>) target_semaphore(%run_scoped3A : memref<!tpu.dma_semaphore, #tpu.memory_space<semaphore_mem>>)
      %dma_wait3A_481 = arith.constant 0 : i32
      %dma_wait3A_482 = tpu.memref_slice %arg15[%mul3A_4, %dma_wait3A_481] : memref<10240x64xf32, #tpu.memory_space<vmem_shared>> -> memref<640x64xf32, #tpu.memory_space<vmem_shared>>
      %dma_wait3A_483 = arith.constant 0 : i32
      %dma_wait3A_484 = tpu.memref_slice %arg6[%mul3A_2, %dma_wait3A_483] : memref<10240x64xf32, #tpu.memory_space<hbm>> -> memref<640x64xf32, #tpu.memory_space<hbm>>
      tpu.wait_dma2 semaphore(%run_scoped3A : memref<!tpu.dma_semaphore, #tpu.memory_space<semaphore_mem>>) src(%dma_wait3A_484 : memref<640x64xf32, #tpu.memory_space<hbm>>) dst(%dma_wait3A_482 : memref<640x64xf32, #tpu.memory_space<vmem_shared>>)
      tpu.yield
    }) : () -> ()
    %barrier3A = arith.constant 0 : index
    tpu.barrier barrier_id(%barrier3A)
    %dma_start3A = arith.constant 0 : i32
    %dma_start3A_5 = arith.constant 0 : i32
    %dma_start3A_6 = tpu.memref_slice %arg9[%dma_start3A, %dma_start3A_5] : memref<80x125xi32, #tpu.memory_space<vmem>> -> memref<1x125xi32, #tpu.memory_space<vmem>>
    %dma_start3A_7 = tpu.memref_squeeze %dma_start3A_6 : memref<1x125xi32, #tpu.memory_space<vmem>> -> memref<125xi32, #tpu.memory_space<vmem>>
    %dma_start3A_8 = arith.constant 0 : i32
    %dma_start3A_9 = arith.constant 0 : i32
    %dma_start3A_10 = tpu.memref_slice %arg2[%dma_start3A_8, %dma_start3A_9] : memref<10000x64xf32, #tpu.memory_space<hbm>> -> memref<10000x64xf32, #tpu.memory_space<hbm>>
    tpu.enqueue_indirect_dma source(%dma_start3A_10 : memref<10000x64xf32, #tpu.memory_space<hbm>>) target(%arg11 : memref<125x64xf32, #tpu.memory_space<vmem>>) offsets(%dma_start3A_7 : memref<125xi32, #tpu.memory_space<vmem>>) semaphore(%arg16 : memref<!tpu.dma_semaphore, #tpu.memory_space<semaphore_mem>>)
    %dma_start3A_11 = arith.constant 1 : i32
    %dma_start3A_12 = arith.constant 0 : i32
    %dma_start3A_13 = tpu.memref_slice %arg9[%dma_start3A_11, %dma_start3A_12] : memref<80x125xi32, #tpu.memory_space<vmem>> -> memref<1x125xi32, #tpu.memory_space<vmem>>
    %dma_start3A_14 = tpu.memref_squeeze %dma_start3A_13 : memref<1x125xi32, #tpu.memory_space<vmem>> -> memref<125xi32, #tpu.memory_space<vmem>>
    %dma_start3A_15 = arith.constant 0 : i32
    %dma_start3A_16 = arith.constant 0 : i32
    %dma_start3A_17 = tpu.memref_slice %arg2[%dma_start3A_15, %dma_start3A_16] : memref<10000x64xf32, #tpu.memory_space<hbm>> -> memref<10000x64xf32, #tpu.memory_space<hbm>>
    tpu.enqueue_indirect_dma source(%dma_start3A_17 : memref<10000x64xf32, #tpu.memory_space<hbm>>) target(%arg12 : memref<125x64xf32, #tpu.memory_space<vmem>>) offsets(%dma_start3A_14 : memref<125xi32, #tpu.memory_space<vmem>>) semaphore(%arg17 : memref<!tpu.dma_semaphore, #tpu.memory_space<semaphore_mem>>)
    %dma_wait3A = arith.constant 0 : i32
    %dma_wait3A_18 = arith.constant 0 : i32
    %dma_wait3A_19 = tpu.memref_slice %arg9[%dma_wait3A, %dma_wait3A_18] : memref<80x125xi32, #tpu.memory_space<vmem>> -> memref<1x125xi32, #tpu.memory_space<vmem>>
    %dma_wait3A_20 = tpu.memref_squeeze %dma_wait3A_19 : memref<1x125xi32, #tpu.memory_space<vmem>> -> memref<125xi32, #tpu.memory_space<vmem>>
    %dma_wait3A_21 = arith.constant 0 : i32
    %dma_wait3A_22 = arith.constant 0 : i32
    %dma_wait3A_23 = tpu.memref_slice %arg2[%dma_wait3A_21, %dma_wait3A_22] : memref<10000x64xf32, #tpu.memory_space<hbm>> -> memref<10000x64xf32, #tpu.memory_space<hbm>>
    tpu.wait_indirect_dma semaphore(%arg16 : memref<!tpu.dma_semaphore, #tpu.memory_space<semaphore_mem>>) src(%dma_wait3A_23 : memref<10000x64xf32, #tpu.memory_space<hbm>>) dst(%arg11 : memref<125x64xf32, #tpu.memory_space<vmem>>)
    %dma_start3A_24 = arith.constant 0 : i32
    %dma_start3A_25 = arith.constant 0 : i32
    %dma_start3A_26 = tpu.memref_slice %arg10[%dma_start3A_24, %dma_start3A_25] : memref<80x125xi32, #tpu.memory_space<vmem>> -> memref<1x125xi32, #tpu.memory_space<vmem>>
    %dma_start3A_27 = tpu.memref_squeeze %dma_start3A_26 : memref<1x125xi32, #tpu.memory_space<vmem>> -> memref<125xi32, #tpu.memory_space<vmem>>
    %dma_start3A_28 = arith.constant 0 : i32
    %dma_start3A_29 = arith.constant 0 : i32
    %dma_start3A_30 = tpu.memref_slice %arg15[%dma_start3A_28, %dma_start3A_29] : memref<10240x64xf32, #tpu.memory_space<vmem_shared>> -> memref<10240x64xf32, #tpu.memory_space<vmem_shared>>
    tpu.enqueue_indirect_dma source(%arg11 : memref<125x64xf32, #tpu.memory_space<vmem>>) target(%dma_start3A_30 : memref<10240x64xf32, #tpu.memory_space<vmem_shared>>) offsets(%dma_start3A_27 : memref<125xi32, #tpu.memory_space<vmem>>) semaphore(%arg20 : memref<!tpu.dma_semaphore, #tpu.memory_space<semaphore_mem>>) {add = true}
    %dma_start3A_31 = arith.constant 2 : i32
    %dma_start3A_32 = arith.constant 0 : i32
    %dma_start3A_33 = tpu.memref_slice %arg9[%dma_start3A_31, %dma_start3A_32] : memref<80x125xi32, #tpu.memory_space<vmem>> -> memref<1x125xi32, #tpu.memory_space<vmem>>
    %dma_start3A_34 = tpu.memref_squeeze %dma_start3A_33 : memref<1x125xi32, #tpu.memory_space<vmem>> -> memref<125xi32, #tpu.memory_space<vmem>>
    %dma_start3A_35 = arith.constant 0 : i32
    %dma_start3A_36 = arith.constant 0 : i32
    %dma_start3A_37 = tpu.memref_slice %arg2[%dma_start3A_35, %dma_start3A_36] : memref<10000x64xf32, #tpu.memory_space<hbm>> -> memref<10000x64xf32, #tpu.memory_space<hbm>>
    tpu.enqueue_indirect_dma source(%dma_start3A_37 : memref<10000x64xf32, #tpu.memory_space<hbm>>) target(%arg13 : memref<125x64xf32, #tpu.memory_space<vmem>>) offsets(%dma_start3A_34 : memref<125xi32, #tpu.memory_space<vmem>>) semaphore(%arg18 : memref<!tpu.dma_semaphore, #tpu.memory_space<semaphore_mem>>)
    %dma_wait3A_38 = arith.constant 1 : i32
    %dma_wait3A_39 = arith.constant 0 : i32
    %dma_wait3A_40 = tpu.memref_slice %arg9[%dma_wait3A_38, %dma_wait3A_39] : memref<80x125xi32, #tpu.memory_space<vmem>> -> memref<1x125xi32, #tpu.memory_space<vmem>>
    %dma_wait3A_41 = tpu.memref_squeeze %dma_wait3A_40 : memref<1x125xi32, #tpu.memory_space<vmem>> -> memref<125xi32, #tpu.memory_space<vmem>>
    %dma_wait3A_42 = arith.constant 0 : i32
    %dma_wait3A_43 = arith.constant 0 : i32
    %dma_wait3A_44 = tpu.memref_slice %arg2[%dma_wait3A_42, %dma_wait3A_43] : memref<10000x64xf32, #tpu.memory_space<hbm>> -> memref<10000x64xf32, #tpu.memory_space<hbm>>
    tpu.wait_indirect_dma semaphore(%arg17 : memref<!tpu.dma_semaphore, #tpu.memory_space<semaphore_mem>>) src(%dma_wait3A_44 : memref<10000x64xf32, #tpu.memory_space<hbm>>) dst(%arg12 : memref<125x64xf32, #tpu.memory_space<vmem>>)
    %dma_start3A_45 = arith.constant 1 : i32
    %dma_start3A_46 = arith.constant 0 : i32
    %dma_start3A_47 = tpu.memref_slice %arg10[%dma_start3A_45, %dma_start3A_46] : memref<80x125xi32, #tpu.memory_space<vmem>> -> memref<1x125xi32, #tpu.memory_space<vmem>>
    %dma_start3A_48 = tpu.memref_squeeze %dma_start3A_47 : memref<1x125xi32, #tpu.memory_space<vmem>> -> memref<125xi32, #tpu.memory_space<vmem>>
    %dma_start3A_49 = arith.constant 0 : i32
    %dma_start3A_50 = arith.constant 0 : i32
    %dma_start3A_51 = tpu.memref_slice %arg15[%dma_start3A_49, %dma_start3A_50] : memref<10240x64xf32, #tpu.memory_space<vmem_shared>> -> memref<10240x64xf32, #tpu.memory_space<vmem_shared>>
    tpu.enqueue_indirect_dma source(%arg12 : memref<125x64xf32, #tpu.memory_space<vmem>>) target(%dma_start3A_51 : memref<10240x64xf32, #tpu.memory_space<vmem_shared>>) offsets(%dma_start3A_48 : memref<125xi32, #tpu.memory_space<vmem>>) semaphore(%arg21 : memref<!tpu.dma_semaphore, #tpu.memory_space<semaphore_mem>>) {add = true}
    %dma_start3A_52 = arith.constant 3 : i32
    %dma_start3A_53 = arith.constant 0 : i32
    %dma_start3A_54 = tpu.memref_slice %arg9[%dma_start3A_52, %dma_start3A_53] : memref<80x125xi32, #tpu.memory_space<vmem>> -> memref<1x125xi32, #tpu.memory_space<vmem>>
    %dma_start3A_55 = tpu.memref_squeeze %dma_start3A_54 : memref<1x125xi32, #tpu.memory_space<vmem>> -> memref<125xi32, #tpu.memory_space<vmem>>
    %dma_start3A_56 = arith.constant 0 : i32
    %dma_start3A_57 = arith.constant 0 : i32
    %dma_start3A_58 = tpu.memref_slice %arg2[%dma_start3A_56, %dma_start3A_57] : memref<10000x64xf32, #tpu.memory_space<hbm>> -> memref<10000x64xf32, #tpu.memory_space<hbm>>
    tpu.enqueue_indirect_dma source(%dma_start3A_58 : memref<10000x64xf32, #tpu.memory_space<hbm>>) target(%arg14 : memref<125x64xf32, #tpu.memory_space<vmem>>) offsets(%dma_start3A_55 : memref<125xi32, #tpu.memory_space<vmem>>) semaphore(%arg19 : memref<!tpu.dma_semaphore, #tpu.memory_space<semaphore_mem>>)
    %dma_wait3A_59 = arith.constant 2 : i32
    %dma_wait3A_60 = arith.constant 0 : i32
    %dma_wait3A_61 = tpu.memref_slice %arg9[%dma_wait3A_59, %dma_wait3A_60] : memref<80x125xi32, #tpu.memory_space<vmem>> -> memref<1x125xi32, #tpu.memory_space<vmem>>
    %dma_wait3A_62 = tpu.memref_squeeze %dma_wait3A_61 : memref<1x125xi32, #tpu.memory_space<vmem>> -> memref<125xi32, #tpu.memory_space<vmem>>
    %dma_wait3A_63 = arith.constant 0 : i32
    %dma_wait3A_64 = arith.constant 0 : i32
    %dma_wait3A_65 = tpu.memref_slice %arg2[%dma_wait3A_63, %dma_wait3A_64] : memref<10000x64xf32, #tpu.memory_space<hbm>> -> memref<10000x64xf32, #tpu.memory_space<hbm>>
    tpu.wait_indirect_dma semaphore(%arg18 : memref<!tpu.dma_semaphore, #tpu.memory_space<semaphore_mem>>) src(%dma_wait3A_65 : memref<10000x64xf32, #tpu.memory_space<hbm>>) dst(%arg13 : memref<125x64xf32, #tpu.memory_space<vmem>>)
    %dma_start3A_66 = arith.constant 2 : i32
    %dma_start3A_67 = arith.constant 0 : i32
    %dma_start3A_68 = tpu.memref_slice %arg10[%dma_start3A_66, %dma_start3A_67] : memref<80x125xi32, #tpu.memory_space<vmem>> -> memref<1x125xi32, #tpu.memory_space<vmem>>
    %dma_start3A_69 = tpu.memref_squeeze %dma_start3A_68 : memref<1x125xi32, #tpu.memory_space<vmem>> -> memref<125xi32, #tpu.memory_space<vmem>>
    %dma_start3A_70 = arith.constant 0 : i32
    %dma_start3A_71 = arith.constant 0 : i32
    %dma_start3A_72 = tpu.memref_slice %arg15[%dma_start3A_70, %dma_start3A_71] : memref<10240x64xf32, #tpu.memory_space<vmem_shared>> -> memref<10240x64xf32, #tpu.memory_space<vmem_shared>>
    tpu.enqueue_indirect_dma source(%arg13 : memref<125x64xf32, #tpu.memory_space<vmem>>) target(%dma_start3A_72 : memref<10240x64xf32, #tpu.memory_space<vmem_shared>>) offsets(%dma_start3A_69 : memref<125xi32, #tpu.memory_space<vmem>>) semaphore(%arg22 : memref<!tpu.dma_semaphore, #tpu.memory_space<semaphore_mem>>) {add = true}
    %dma_wait3A_73 = arith.constant 0 : i32
    %dma_wait3A_74 = arith.constant 0 : i32
    %dma_wait3A_75 = tpu.memref_slice %arg10[%dma_wait3A_73, %dma_wait3A_74] : memref<80x125xi32, #tpu.memory_space<vmem>> -> memref<1x125xi32, #tpu.memory_space<vmem>>
    %dma_wait3A_76 = tpu.memref_squeeze %dma_wait3A_75 : memref<1x125xi32, #tpu.memory_space<vmem>> -> memref<125xi32, #tpu.memory_space<vmem>>
    %dma_wait3A_77 = arith.constant 0 : i32
    %dma_wait3A_78 = arith.constant 0 : i32
    %dma_wait3A_79 = tpu.memref_slice %arg15[%dma_wait3A_77, %dma_wait3A_78] : memref<10240x64xf32, #tpu.memory_space<vmem_shared>> -> memref<10240x64xf32, #tpu.memory_space<vmem_shared>>
    tpu.wait_indirect_dma semaphore(%arg20 : memref<!tpu.dma_semaphore, #tpu.memory_space<semaphore_mem>>) src(%arg11 : memref<125x64xf32, #tpu.memory_space<vmem>>) dst(%dma_wait3A_79 : memref<10240x64xf32, #tpu.memory_space<vmem_shared>>)
    %dma_start3A_80 = arith.constant 4 : i32
    %dma_start3A_81 = arith.constant 0 : i32
    %dma_start3A_82 = tpu.memref_slice %arg9[%dma_start3A_80, %dma_start3A_81] : memref<80x125xi32, #tpu.memory_space<vmem>> -> memref<1x125xi32, #tpu.memory_space<vmem>>
    %dma_start3A_83 = tpu.memref_squeeze %dma_start3A_82 : memref<1x125xi32, #tpu.memory_space<vmem>> -> memref<125xi32, #tpu.memory_space<vmem>>
    %dma_start3A_84 = arith.constant 0 : i32
    %dma_start3A_85 = arith.constant 0 : i32
    %dma_start3A_86 = tpu.memref_slice %arg2[%dma_start3A_84, %dma_start3A_85] : memref<10000x64xf32, #tpu.memory_space<hbm>> -> memref<10000x64xf32, #tpu.memory_space<hbm>>
    tpu.enqueue_indirect_dma source(%dma_start3A_86 : memref<10000x64xf32, #tpu.memory_space<hbm>>) target(%arg11 : memref<125x64xf32, #tpu.memory_space<vmem>>) offsets(%dma_start3A_83 : memref<125xi32, #tpu.memory_space<vmem>>) semaphore(%arg16 : memref<!tpu.dma_semaphore, #tpu.memory_space<semaphore_mem>>)
    %dma_wait3A_87 = arith.constant 3 : i32
    %dma_wait3A_88 = arith.constant 0 : i32
    %dma_wait3A_89 = tpu.memref_slice %arg9[%dma_wait3A_87, %dma_wait3A_88] : memref<80x125xi32, #tpu.memory_space<vmem>> -> memref<1x125xi32, #tpu.memory_space<vmem>>
    %dma_wait3A_90 = tpu.memref_squeeze %dma_wait3A_89 : memref<1x125xi32, #tpu.memory_space<vmem>> -> memref<125xi32, #tpu.memory_space<vmem>>
    %dma_wait3A_91 = arith.constant 0 : i32
    %dma_wait3A_92 = arith.constant 0 : i32
    %dma_wait3A_93 = tpu.memref_slice %arg2[%dma_wait3A_91, %dma_wait3A_92] : memref<10000x64xf32, #tpu.memory_space<hbm>> -> memref<10000x64xf32, #tpu.memory_space<hbm>>
    tpu.wait_indirect_dma semaphore(%arg19 : memref<!tpu.dma_semaphore, #tpu.memory_space<semaphore_mem>>) src(%dma_wait3A_93 : memref<10000x64xf32, #tpu.memory_space<hbm>>) dst(%arg14 : memref<125x64xf32, #tpu.memory_space<vmem>>)
    %dma_start3A_94 = arith.constant 3 : i32
    %dma_start3A_95 = arith.constant 0 : i32
    %dma_start3A_96 = tpu.memref_slice %arg10[%dma_start3A_94, %dma_start3A_95] : memref<80x125xi32, #tpu.memory_space<vmem>> -> memref<1x125xi32, #tpu.memory_space<vmem>>
    %dma_start3A_97 = tpu.memref_squeeze %dma_start3A_96 : memref<1x125xi32, #tpu.memory_space<vmem>> -> memref<125xi32, #tpu.memory_space<vmem>>
    %dma_start3A_98 = arith.constant 0 : i32
    %dma_start3A_99 = arith.constant 0 : i32
    %dma_start3A_100 = tpu.memref_slice %arg15[%dma_start3A_98, %dma_start3A_99] : memref<10240x64xf32, #tpu.memory_space<vmem_shared>> -> memref<10240x64xf32, #tpu.memory_space<vmem_shared>>
    tpu.enqueue_indirect_dma source(%arg14 : memref<125x64xf32, #tpu.memory_space<vmem>>) target(%dma_start3A_100 : memref<10240x64xf32, #tpu.memory_space<vmem_shared>>) offsets(%dma_start3A_97 : memref<125xi32, #tpu.memory_space<vmem>>) semaphore(%arg23 : memref<!tpu.dma_semaphore, #tpu.memory_space<semaphore_mem>>) {add = true}
    %dma_wait3A_101 = arith.constant 1 : i32
    %dma_wait3A_102 = arith.constant 0 : i32
    %dma_wait3A_103 = tpu.memref_slice %arg10[%dma_wait3A_101, %dma_wait3A_102] : memref<80x125xi32, #tpu.memory_space<vmem>> -> memref<1x125xi32, #tpu.memory_space<vmem>>
    %dma_wait3A_104 = tpu.memref_squeeze %dma_wait3A_103 : memref<1x125xi32, #tpu.memory_space<vmem>> -> memref<125xi32, #tpu.memory_space<vmem>>
    %dma_wait3A_105 = arith.constant 0 : i32
    %dma_wait3A_106 = arith.constant 0 : i32
    %dma_wait3A_107 = tpu.memref_slice %arg15[%dma_wait3A_105, %dma_wait3A_106] : memref<10240x64xf32, #tpu.memory_space<vmem_shared>> -> memref<10240x64xf32, #tpu.memory_space<vmem_shared>>
    tpu.wait_indirect_dma semaphore(%arg21 : memref<!tpu.dma_semaphore, #tpu.memory_space<semaphore_mem>>) src(%arg12 : memref<125x64xf32, #tpu.memory_space<vmem>>) dst(%dma_wait3A_107 : memref<10240x64xf32, #tpu.memory_space<vmem_shared>>)
    %dma_start3A_108 = arith.constant 5 : i32
    %dma_start3A_109 = arith.constant 0 : i32
    %dma_start3A_110 = tpu.memref_slice %arg9[%dma_start3A_108, %dma_start3A_109] : memref<80x125xi32, #tpu.memory_space<vmem>> -> memref<1x125xi32, #tpu.memory_space<vmem>>
    %dma_start3A_111 = tpu.memref_squeeze %dma_start3A_110 : memref<1x125xi32, #tpu.memory_space<vmem>> -> memref<125xi32, #tpu.memory_space<vmem>>
    %dma_start3A_112 = arith.constant 0 : i32
    %dma_start3A_113 = arith.constant 0 : i32
    %dma_start3A_114 = tpu.memref_slice %arg2[%dma_start3A_112, %dma_start3A_113] : memref<10000x64xf32, #tpu.memory_space<hbm>> -> memref<10000x64xf32, #tpu.memory_space<hbm>>
    tpu.enqueue_indirect_dma source(%dma_start3A_114 : memref<10000x64xf32, #tpu.memory_space<hbm>>) target(%arg12 : memref<125x64xf32, #tpu.memory_space<vmem>>) offsets(%dma_start3A_111 : memref<125xi32, #tpu.memory_space<vmem>>) semaphore(%arg17 : memref<!tpu.dma_semaphore, #tpu.memory_space<semaphore_mem>>)
    %scan3A = arith.constant 0 : i32
    %scan3A_115 = arith.constant 1 : i32
    %scan3A_116 = arith.constant 18 : i32
    %scan3A_117 = arith.addi %scan3A_115, %scan3A_116 : i32
    %scan3A_118 = arith.constant 1 : i32
    scf.for %scan3A_477 = %scan3A_115 to %scan3A_117 step %scan3A_118  : i32 {
      %mul3A_478 = arith.constant 4 : i32
      %mul3A_479 = arith.muli %scan3A_477, %mul3A_478 : i32
      %add3A_480 = arith.constant 0 : i32
      %add3A_481 = arith.addi %mul3A_479, %add3A_480 : i32
      %dma_wait3A_482 = arith.constant 0 : i32
      %dma_wait3A_483 = tpu.memref_slice %arg9[%add3A_481, %dma_wait3A_482] : memref<80x125xi32, #tpu.memory_space<vmem>> -> memref<1x125xi32, #tpu.memory_space<vmem>>
      %dma_wait3A_484 = tpu.memref_squeeze %dma_wait3A_483 : memref<1x125xi32, #tpu.memory_space<vmem>> -> memref<125xi32, #tpu.memory_space<vmem>>
      %dma_wait3A_485 = arith.constant 0 : i32
      %dma_wait3A_486 = arith.constant 0 : i32
      %dma_wait3A_487 = tpu.memref_slice %arg2[%dma_wait3A_485, %dma_wait3A_486] : memref<10000x64xf32, #tpu.memory_space<hbm>> -> memref<10000x64xf32, #tpu.memory_space<hbm>>
      tpu.wait_indirect_dma semaphore(%arg16 : memref<!tpu.dma_semaphore, #tpu.memory_space<semaphore_mem>>) src(%dma_wait3A_487 : memref<10000x64xf32, #tpu.memory_space<hbm>>) dst(%arg11 : memref<125x64xf32, #tpu.memory_space<vmem>>)
      %dma_start3A_488 = arith.constant 0 : i32
      %dma_start3A_489 = tpu.memref_slice %arg10[%add3A_481, %dma_start3A_488] : memref<80x125xi32, #tpu.memory_space<vmem>> -> memref<1x125xi32, #tpu.memory_space<vmem>>
      %dma_start3A_490 = tpu.memref_squeeze %dma_start3A_489 : memref<1x125xi32, #tpu.memory_space<vmem>> -> memref<125xi32, #tpu.memory_space<vmem>>
      %dma_start3A_491 = arith.constant 0 : i32
      %dma_start3A_492 = arith.constant 0 : i32
      %dma_start3A_493 = tpu.memref_slice %arg15[%dma_start3A_491, %dma_start3A_492] : memref<10240x64xf32, #tpu.memory_space<vmem_shared>> -> memref<10240x64xf32, #tpu.memory_space<vmem_shared>>
      tpu.enqueue_indirect_dma source(%arg11 : memref<125x64xf32, #tpu.memory_space<vmem>>) target(%dma_start3A_493 : memref<10240x64xf32, #tpu.memory_space<vmem_shared>>) offsets(%dma_start3A_490 : memref<125xi32, #tpu.memory_space<vmem>>) semaphore(%arg20 : memref<!tpu.dma_semaphore, #tpu.memory_space<semaphore_mem>>) {add = true}
      %sub3A = arith.constant 2 : i32
      %sub3A_494 = arith.subi %add3A_481, %sub3A : i32
      %dma_wait3A_495 = arith.constant 0 : i32
      %dma_wait3A_496 = tpu.memref_slice %arg10[%sub3A_494, %dma_wait3A_495] : memref<80x125xi32, #tpu.memory_space<vmem>> -> memref<1x125xi32, #tpu.memory_space<vmem>>
      %dma_wait3A_497 = tpu.memref_squeeze %dma_wait3A_496 : memref<1x125xi32, #tpu.memory_space<vmem>> -> memref<125xi32, #tpu.memory_space<vmem>>
      %dma_wait3A_498 = arith.constant 0 : i32
      %dma_wait3A_499 = arith.constant 0 : i32
      %dma_wait3A_500 = tpu.memref_slice %arg15[%dma_wait3A_498, %dma_wait3A_499] : memref<10240x64xf32, #tpu.memory_space<vmem_shared>> -> memref<10240x64xf32, #tpu.memory_space<vmem_shared>>
      tpu.wait_indirect_dma semaphore(%arg22 : memref<!tpu.dma_semaphore, #tpu.memory_space<semaphore_mem>>) src(%arg13 : memref<125x64xf32, #tpu.memory_space<vmem>>) dst(%dma_wait3A_500 : memref<10240x64xf32, #tpu.memory_space<vmem_shared>>)
      %add3A_501 = arith.constant 2 : i32
      %add3A_502 = arith.addi %add3A_481, %add3A_501 : i32
      %dma_start3A_503 = arith.constant 0 : i32
      %dma_start3A_504 = tpu.memref_slice %arg9[%add3A_502, %dma_start3A_503] : memref<80x125xi32, #tpu.memory_space<vmem>> -> memref<1x125xi32, #tpu.memory_space<vmem>>
      %dma_start3A_505 = tpu.memref_squeeze %dma_start3A_504 : memref<1x125xi32, #tpu.memory_space<vmem>> -> memref<125xi32, #tpu.memory_space<vmem>>
      %dma_start3A_506 = arith.constant 0 : i32
      %dma_start3A_507 = arith.constant 0 : i32
      %dma_start3A_508 = tpu.memref_slice %arg2[%dma_start3A_506, %dma_start3A_507] : memref<10000x64xf32, #tpu.memory_space<hbm>> -> memref<10000x64xf32, #tpu.memory_space<hbm>>
      tpu.enqueue_indirect_dma source(%dma_start3A_508 : memref<10000x64xf32, #tpu.memory_space<hbm>>) target(%arg13 : memref<125x64xf32, #tpu.memory_space<vmem>>) offsets(%dma_start3A_505 : memref<125xi32, #tpu.memory_space<vmem>>) semaphore(%arg18 : memref<!tpu.dma_semaphore, #tpu.memory_space<semaphore_mem>>)
      %add3A_509 = arith.constant 1 : i32
      %add3A_510 = arith.addi %mul3A_479, %add3A_509 : i32
      %dma_wait3A_511 = arith.constant 0 : i32
      %dma_wait3A_512 = tpu.memref_slice %arg9[%add3A_510, %dma_wait3A_511] : memref<80x125xi32, #tpu.memory_space<vmem>> -> memref<1x125xi32, #tpu.memory_space<vmem>>
      %dma_wait3A_513 = tpu.memref_squeeze %dma_wait3A_512 : memref<1x125xi32, #tpu.memory_space<vmem>> -> memref<125xi32, #tpu.memory_space<vmem>>
      %dma_wait3A_514 = arith.constant 0 : i32
      %dma_wait3A_515 = arith.constant 0 : i32
      %dma_wait3A_516 = tpu.memref_slice %arg2[%dma_wait3A_514, %dma_wait3A_515] : memref<10000x64xf32, #tpu.memory_space<hbm>> -> memref<10000x64xf32, #tpu.memory_space<hbm>>
      tpu.wait_indirect_dma semaphore(%arg17 : memref<!tpu.dma_semaphore, #tpu.memory_space<semaphore_mem>>) src(%dma_wait3A_516 : memref<10000x64xf32, #tpu.memory_space<hbm>>) dst(%arg12 : memref<125x64xf32, #tpu.memory_space<vmem>>)
      %dma_start3A_517 = arith.constant 0 : i32
      %dma_start3A_518 = tpu.memref_slice %arg10[%add3A_510, %dma_start3A_517] : memref<80x125xi32, #tpu.memory_space<vmem>> -> memref<1x125xi32, #tpu.memory_space<vmem>>
      %dma_start3A_519 = tpu.memref_squeeze %dma_start3A_518 : memref<1x125xi32, #tpu.memory_space<vmem>> -> memref<125xi32, #tpu.memory_space<vmem>>
      %dma_start3A_520 = arith.constant 0 : i32
      %dma_start3A_521 = arith.constant 0 : i32
      %dma_start3A_522 = tpu.memref_slice %arg15[%dma_start3A_520, %dma_start3A_521] : memref<10240x64xf32, #tpu.memory_space<vmem_shared>> -> memref<10240x64xf32, #tpu.memory_space<vmem_shared>>
      tpu.enqueue_indirect_dma source(%arg12 : memref<125x64xf32, #tpu.memory_space<vmem>>) target(%dma_start3A_522 : memref<10240x64xf32, #tpu.memory_space<vmem_shared>>) offsets(%dma_start3A_519 : memref<125xi32, #tpu.memory_space<vmem>>) semaphore(%arg21 : memref<!tpu.dma_semaphore, #tpu.memory_space<semaphore_mem>>) {add = true}
      %sub3A_523 = arith.constant 2 : i32
      %sub3A_524 = arith.subi %add3A_510, %sub3A_523 : i32
      %dma_wait3A_525 = arith.constant 0 : i32
      %dma_wait3A_526 = tpu.memref_slice %arg10[%sub3A_524, %dma_wait3A_525] : memref<80x125xi32, #tpu.memory_space<vmem>> -> memref<1x125xi32, #tpu.memory_space<vmem>>
      %dma_wait3A_527 = tpu.memref_squeeze %dma_wait3A_526 : memref<1x125xi32, #tpu.memory_space<vmem>> -> memref<125xi32, #tpu.memory_space<vmem>>
      %dma_wait3A_528 = arith.constant 0 : i32
      %dma_wait3A_529 = arith.constant 0 : i32
      %dma_wait3A_530 = tpu.memref_slice %arg15[%dma_wait3A_528, %dma_wait3A_529] : memref<10240x64xf32, #tpu.memory_space<vmem_shared>> -> memref<10240x64xf32, #tpu.memory_space<vmem_shared>>
      tpu.wait_indirect_dma semaphore(%arg23 : memref<!tpu.dma_semaphore, #tpu.memory_space<semaphore_mem>>) src(%arg14 : memref<125x64xf32, #tpu.memory_space<vmem>>) dst(%dma_wait3A_530 : memref<10240x64xf32, #tpu.memory_space<vmem_shared>>)
      %add3A_531 = arith.constant 2 : i32
      %add3A_532 = arith.addi %add3A_510, %add3A_531 : i32
      %dma_start3A_533 = arith.constant 0 : i32
      %dma_start3A_534 = tpu.memref_slice %arg9[%add3A_532, %dma_start3A_533] : memref<80x125xi32, #tpu.memory_space<vmem>> -> memref<1x125xi32, #tpu.memory_space<vmem>>
      %dma_start3A_535 = tpu.memref_squeeze %dma_start3A_534 : memref<1x125xi32, #tpu.memory_space<vmem>> -> memref<125xi32, #tpu.memory_space<vmem>>
      %dma_start3A_536 = arith.constant 0 : i32
      %dma_start3A_537 = arith.constant 0 : i32
      %dma_start3A_538 = tpu.memref_slice %arg2[%dma_start3A_536, %dma_start3A_537] : memref<10000x64xf32, #tpu.memory_space<hbm>> -> memref<10000x64xf32, #tpu.memory_space<hbm>>
      tpu.enqueue_indirect_dma source(%dma_start3A_538 : memref<10000x64xf32, #tpu.memory_space<hbm>>) target(%arg14 : memref<125x64xf32, #tpu.memory_space<vmem>>) offsets(%dma_start3A_535 : memref<125xi32, #tpu.memory_space<vmem>>) semaphore(%arg19 : memref<!tpu.dma_semaphore, #tpu.memory_space<semaphore_mem>>)
      %add3A_539 = arith.constant 2 : i32
      %add3A_540 = arith.addi %mul3A_479, %add3A_539 : i32
      %dma_wait3A_541 = arith.constant 0 : i32
      %dma_wait3A_542 = tpu.memref_slice %arg9[%add3A_540, %dma_wait3A_541] : memref<80x125xi32, #tpu.memory_space<vmem>> -> memref<1x125xi32, #tpu.memory_space<vmem>>
      %dma_wait3A_543 = tpu.memref_squeeze %dma_wait3A_542 : memref<1x125xi32, #tpu.memory_space<vmem>> -> memref<125xi32, #tpu.memory_space<vmem>>
      %dma_wait3A_544 = arith.constant 0 : i32
      %dma_wait3A_545 = arith.constant 0 : i32
      %dma_wait3A_546 = tpu.memref_slice %arg2[%dma_wait3A_544, %dma_wait3A_545] : memref<10000x64xf32, #tpu.memory_space<hbm>> -> memref<10000x64xf32, #tpu.memory_space<hbm>>
      tpu.wait_indirect_dma semaphore(%arg18 : memref<!tpu.dma_semaphore, #tpu.memory_space<semaphore_mem>>) src(%dma_wait3A_546 : memref<10000x64xf32, #tpu.memory_space<hbm>>) dst(%arg13 : memref<125x64xf32, #tpu.memory_space<vmem>>)
      %dma_start3A_547 = arith.constant 0 : i32
      %dma_start3A_548 = tpu.memref_slice %arg10[%add3A_540, %dma_start3A_547] : memref<80x125xi32, #tpu.memory_space<vmem>> -> memref<1x125xi32, #tpu.memory_space<vmem>>
      %dma_start3A_549 = tpu.memref_squeeze %dma_start3A_548 : memref<1x125xi32, #tpu.memory_space<vmem>> -> memref<125xi32, #tpu.memory_space<vmem>>
      %dma_start3A_550 = arith.constant 0 : i32
      %dma_start3A_551 = arith.constant 0 : i32
      %dma_start3A_552 = tpu.memref_slice %arg15[%dma_start3A_550, %dma_start3A_551] : memref<10240x64xf32, #tpu.memory_space<vmem_shared>> -> memref<10240x64xf32, #tpu.memory_space<vmem_shared>>
      tpu.enqueue_indirect_dma source(%arg13 : memref<125x64xf32, #tpu.memory_space<vmem>>) target(%dma_start3A_552 : memref<10240x64xf32, #tpu.memory_space<vmem_shared>>) offsets(%dma_start3A_549 : memref<125xi32, #tpu.memory_space<vmem>>) semaphore(%arg22 : memref<!tpu.dma_semaphore, #tpu.memory_space<semaphore_mem>>) {add = true}
      %sub3A_553 = arith.constant 2 : i32
      %sub3A_554 = arith.subi %add3A_540, %sub3A_553 : i32
      %dma_wait3A_555 = arith.constant 0 : i32
      %dma_wait3A_556 = tpu.memref_slice %arg10[%sub3A_554, %dma_wait3A_555] : memref<80x125xi32, #tpu.memory_space<vmem>> -> memref<1x125xi32, #tpu.memory_space<vmem>>
      %dma_wait3A_557 = tpu.memref_squeeze %dma_wait3A_556 : memref<1x125xi32, #tpu.memory_space<vmem>> -> memref<125xi32, #tpu.memory_space<vmem>>
      %dma_wait3A_558 = arith.constant 0 : i32
      %dma_wait3A_559 = arith.constant 0 : i32
      %dma_wait3A_560 = tpu.memref_slice %arg15[%dma_wait3A_558, %dma_wait3A_559] : memref<10240x64xf32, #tpu.memory_space<vmem_shared>> -> memref<10240x64xf32, #tpu.memory_space<vmem_shared>>
      tpu.wait_indirect_dma semaphore(%arg20 : memref<!tpu.dma_semaphore, #tpu.memory_space<semaphore_mem>>) src(%arg11 : memref<125x64xf32, #tpu.memory_space<vmem>>) dst(%dma_wait3A_560 : memref<10240x64xf32, #tpu.memory_space<vmem_shared>>)
      %add3A_561 = arith.constant 2 : i32
      %add3A_562 = arith.addi %add3A_540, %add3A_561 : i32
      %dma_start3A_563 = arith.constant 0 : i32
      %dma_start3A_564 = tpu.memref_slice %arg9[%add3A_562, %dma_start3A_563] : memref<80x125xi32, #tpu.memory_space<vmem>> -> memref<1x125xi32, #tpu.memory_space<vmem>>
      %dma_start3A_565 = tpu.memref_squeeze %dma_start3A_564 : memref<1x125xi32, #tpu.memory_space<vmem>> -> memref<125xi32, #tpu.memory_space<vmem>>
      %dma_start3A_566 = arith.constant 0 : i32
      %dma_start3A_567 = arith.constant 0 : i32
      %dma_start3A_568 = tpu.memref_slice %arg2[%dma_start3A_566, %dma_start3A_567] : memref<10000x64xf32, #tpu.memory_space<hbm>> -> memref<10000x64xf32, #tpu.memory_space<hbm>>
      tpu.enqueue_indirect_dma source(%dma_start3A_568 : memref<10000x64xf32, #tpu.memory_space<hbm>>) target(%arg11 : memref<125x64xf32, #tpu.memory_space<vmem>>) offsets(%dma_start3A_565 : memref<125xi32, #tpu.memory_space<vmem>>) semaphore(%arg16 : memref<!tpu.dma_semaphore, #tpu.memory_space<semaphore_mem>>)
      %add3A_569 = arith.constant 3 : i32
      %add3A_570 = arith.addi %mul3A_479, %add3A_569 : i32
      %dma_wait3A_571 = arith.constant 0 : i32
      %dma_wait3A_572 = tpu.memref_slice %arg9[%add3A_570, %dma_wait3A_571] : memref<80x125xi32, #tpu.memory_space<vmem>> -> memref<1x125xi32, #tpu.memory_space<vmem>>
      %dma_wait3A_573 = tpu.memref_squeeze %dma_wait3A_572 : memref<1x125xi32, #tpu.memory_space<vmem>> -> memref<125xi32, #tpu.memory_space<vmem>>
      %dma_wait3A_574 = arith.constant 0 : i32
      %dma_wait3A_575 = arith.constant 0 : i32
      %dma_wait3A_576 = tpu.memref_slice %arg2[%dma_wait3A_574, %dma_wait3A_575] : memref<10000x64xf32, #tpu.memory_space<hbm>> -> memref<10000x64xf32, #tpu.memory_space<hbm>>
      tpu.wait_indirect_dma semaphore(%arg19 : memref<!tpu.dma_semaphore, #tpu.memory_space<semaphore_mem>>) src(%dma_wait3A_576 : memref<10000x64xf32, #tpu.memory_space<hbm>>) dst(%arg14 : memref<125x64xf32, #tpu.memory_space<vmem>>)
      %dma_start3A_577 = arith.constant 0 : i32
      %dma_start3A_578 = tpu.memref_slice %arg10[%add3A_570, %dma_start3A_577] : memref<80x125xi32, #tpu.memory_space<vmem>> -> memref<1x125xi32, #tpu.memory_space<vmem>>
      %dma_start3A_579 = tpu.memref_squeeze %dma_start3A_578 : memref<1x125xi32, #tpu.memory_space<vmem>> -> memref<125xi32, #tpu.memory_space<vmem>>
      %dma_start3A_580 = arith.constant 0 : i32
      %dma_start3A_581 = arith.constant 0 : i32
      %dma_start3A_582 = tpu.memref_slice %arg15[%dma_start3A_580, %dma_start3A_581] : memref<10240x64xf32, #tpu.memory_space<vmem_shared>> -> memref<10240x64xf32, #tpu.memory_space<vmem_shared>>
      tpu.enqueue_indirect_dma source(%arg14 : memref<125x64xf32, #tpu.memory_space<vmem>>) target(%dma_start3A_582 : memref<10240x64xf32, #tpu.memory_space<vmem_shared>>) offsets(%dma_start3A_579 : memref<125xi32, #tpu.memory_space<vmem>>) semaphore(%arg23 : memref<!tpu.dma_semaphore, #tpu.memory_space<semaphore_mem>>) {add = true}
      %sub3A_583 = arith.constant 2 : i32
      %sub3A_584 = arith.subi %add3A_570, %sub3A_583 : i32
      %dma_wait3A_585 = arith.constant 0 : i32
      %dma_wait3A_586 = tpu.memref_slice %arg10[%sub3A_584, %dma_wait3A_585] : memref<80x125xi32, #tpu.memory_space<vmem>> -> memref<1x125xi32, #tpu.memory_space<vmem>>
      %dma_wait3A_587 = tpu.memref_squeeze %dma_wait3A_586 : memref<1x125xi32, #tpu.memory_space<vmem>> -> memref<125xi32, #tpu.memory_space<vmem>>
      %dma_wait3A_588 = arith.constant 0 : i32
      %dma_wait3A_589 = arith.constant 0 : i32
      %dma_wait3A_590 = tpu.memref_slice %arg15[%dma_wait3A_588, %dma_wait3A_589] : memref<10240x64xf32, #tpu.memory_space<vmem_shared>> -> memref<10240x64xf32, #tpu.memory_space<vmem_shared>>
      tpu.wait_indirect_dma semaphore(%arg21 : memref<!tpu.dma_semaphore, #tpu.memory_space<semaphore_mem>>) src(%arg12 : memref<125x64xf32, #tpu.memory_space<vmem>>) dst(%dma_wait3A_590 : memref<10240x64xf32, #tpu.memory_space<vmem_shared>>)
      %add3A_591 = arith.constant 2 : i32
      %add3A_592 = arith.addi %add3A_570, %add3A_591 : i32
      %dma_start3A_593 = arith.constant 0 : i32
      %dma_start3A_594 = tpu.memref_slice %arg9[%add3A_592, %dma_start3A_593] : memref<80x125xi32, #tpu.memory_space<vmem>> -> memref<1x125xi32, #tpu.memory_space<vmem>>
      %dma_start3A_595 = tpu.memref_squeeze %dma_start3A_594 : memref<1x125xi32, #tpu.memory_space<vmem>> -> memref<125xi32, #tpu.memory_space<vmem>>
      %dma_start3A_596 = arith.constant 0 : i32
      %dma_start3A_597 = arith.constant 0 : i32
      %dma_start3A_598 = tpu.memref_slice %arg2[%dma_start3A_596, %dma_start3A_597] : memref<10000x64xf32, #tpu.memory_space<hbm>> -> memref<10000x64xf32, #tpu.memory_space<hbm>>
      tpu.enqueue_indirect_dma source(%dma_start3A_598 : memref<10000x64xf32, #tpu.memory_space<hbm>>) target(%arg12 : memref<125x64xf32, #tpu.memory_space<vmem>>) offsets(%dma_start3A_595 : memref<125xi32, #tpu.memory_space<vmem>>) semaphore(%arg17 : memref<!tpu.dma_semaphore, #tpu.memory_space<semaphore_mem>>)
    }
    %scan3A_119 = arith.constant 18 : i32
    %dma_wait3A_120 = arith.constant 76 : i32
    %dma_wait3A_121 = arith.constant 0 : i32
    %dma_wait3A_122 = tpu.memref_slice %arg9[%dma_wait3A_120, %dma_wait3A_121] : memref<80x125xi32, #tpu.memory_space<vmem>> -> memref<1x125xi32, #tpu.memory_space<vmem>>
    %dma_wait3A_123 = tpu.memref_squeeze %dma_wait3A_122 : memref<1x125xi32, #tpu.memory_space<vmem>> -> memref<125xi32, #tpu.memory_space<vmem>>
    %dma_wait3A_124 = arith.constant 0 : i32
    %dma_wait3A_125 = arith.constant 0 : i32
    %dma_wait3A_126 = tpu.memref_slice %arg2[%dma_wait3A_124, %dma_wait3A_125] : memref<10000x64xf32, #tpu.memory_space<hbm>> -> memref<10000x64xf32, #tpu.memory_space<hbm>>
    tpu.wait_indirect_dma semaphore(%arg16 : memref<!tpu.dma_semaphore, #tpu.memory_space<semaphore_mem>>) src(%dma_wait3A_126 : memref<10000x64xf32, #tpu.memory_space<hbm>>) dst(%arg11 : memref<125x64xf32, #tpu.memory_space<vmem>>)
    %dma_start3A_127 = arith.constant 76 : i32
    %dma_start3A_128 = arith.constant 0 : i32
    %dma_start3A_129 = tpu.memref_slice %arg10[%dma_start3A_127, %dma_start3A_128] : memref<80x125xi32, #tpu.memory_space<vmem>> -> memref<1x125xi32, #tpu.memory_space<vmem>>
    %dma_start3A_130 = tpu.memref_squeeze %dma_start3A_129 : memref<1x125xi32, #tpu.memory_space<vmem>> -> memref<125xi32, #tpu.memory_space<vmem>>
    %dma_start3A_131 = arith.constant 0 : i32
    %dma_start3A_132 = arith.constant 0 : i32
    %dma_start3A_133 = tpu.memref_slice %arg15[%dma_start3A_131, %dma_start3A_132] : memref<10240x64xf32, #tpu.memory_space<vmem_shared>> -> memref<10240x64xf32, #tpu.memory_space<vmem_shared>>
    tpu.enqueue_indirect_dma source(%arg11 : memref<125x64xf32, #tpu.memory_space<vmem>>) target(%dma_start3A_133 : memref<10240x64xf32, #tpu.memory_space<vmem_shared>>) offsets(%dma_start3A_130 : memref<125xi32, #tpu.memory_space<vmem>>) semaphore(%arg20 : memref<!tpu.dma_semaphore, #tpu.memory_space<semaphore_mem>>) {add = true}
    %dma_wait3A_134 = arith.constant 74 : i32
    %dma_wait3A_135 = arith.constant 0 : i32
    %dma_wait3A_136 = tpu.memref_slice %arg10[%dma_wait3A_134, %dma_wait3A_135] : memref<80x125xi32, #tpu.memory_space<vmem>> -> memref<1x125xi32, #tpu.memory_space<vmem>>
    %dma_wait3A_137 = tpu.memref_squeeze %dma_wait3A_136 : memref<1x125xi32, #tpu.memory_space<vmem>> -> memref<125xi32, #tpu.memory_space<vmem>>
    %dma_wait3A_138 = arith.constant 0 : i32
    %dma_wait3A_139 = arith.constant 0 : i32
    %dma_wait3A_140 = tpu.memref_slice %arg15[%dma_wait3A_138, %dma_wait3A_139] : memref<10240x64xf32, #tpu.memory_space<vmem_shared>> -> memref<10240x64xf32, #tpu.memory_space<vmem_shared>>
    tpu.wait_indirect_dma semaphore(%arg22 : memref<!tpu.dma_semaphore, #tpu.memory_space<semaphore_mem>>) src(%arg13 : memref<125x64xf32, #tpu.memory_space<vmem>>) dst(%dma_wait3A_140 : memref<10240x64xf32, #tpu.memory_space<vmem_shared>>)
    %dma_start3A_141 = arith.constant 78 : i32
    %dma_start3A_142 = arith.constant 0 : i32
    %dma_start3A_143 = tpu.memref_slice %arg9[%dma_start3A_141, %dma_start3A_142] : memref<80x125xi32, #tpu.memory_space<vmem>> -> memref<1x125xi32, #tpu.memory_space<vmem>>
    %dma_start3A_144 = tpu.memref_squeeze %dma_start3A_143 : memref<1x125xi32, #tpu.memory_space<vmem>> -> memref<125xi32, #tpu.memory_space<vmem>>
    %dma_start3A_145 = arith.constant 0 : i32
    %dma_start3A_146 = arith.constant 0 : i32
    %dma_start3A_147 = tpu.memref_slice %arg2[%dma_start3A_145, %dma_start3A_146] : memref<10000x64xf32, #tpu.memory_space<hbm>> -> memref<10000x64xf32, #tpu.memory_space<hbm>>
    tpu.enqueue_indirect_dma source(%dma_start3A_147 : memref<10000x64xf32, #tpu.memory_space<hbm>>) target(%arg13 : memref<125x64xf32, #tpu.memory_space<vmem>>) offsets(%dma_start3A_144 : memref<125xi32, #tpu.memory_space<vmem>>) semaphore(%arg18 : memref<!tpu.dma_semaphore, #tpu.memory_space<semaphore_mem>>)
    %dma_wait3A_148 = arith.constant 77 : i32
    %dma_wait3A_149 = arith.constant 0 : i32
    %dma_wait3A_150 = tpu.memref_slice %arg9[%dma_wait3A_148, %dma_wait3A_149] : memref<80x125xi32, #tpu.memory_space<vmem>> -> memref<1x125xi32, #tpu.memory_space<vmem>>
    %dma_wait3A_151 = tpu.memref_squeeze %dma_wait3A_150 : memref<1x125xi32, #tpu.memory_space<vmem>> -> memref<125xi32, #tpu.memory_space<vmem>>
    %dma_wait3A_152 = arith.constant 0 : i32
    %dma_wait3A_153 = arith.constant 0 : i32
    %dma_wait3A_154 = tpu.memref_slice %arg2[%dma_wait3A_152, %dma_wait3A_153] : memref<10000x64xf32, #tpu.memory_space<hbm>> -> memref<10000x64xf32, #tpu.memory_space<hbm>>
    tpu.wait_indirect_dma semaphore(%arg17 : memref<!tpu.dma_semaphore, #tpu.memory_space<semaphore_mem>>) src(%dma_wait3A_154 : memref<10000x64xf32, #tpu.memory_space<hbm>>) dst(%arg12 : memref<125x64xf32, #tpu.memory_space<vmem>>)
    %dma_start3A_155 = arith.constant 77 : i32
    %dma_start3A_156 = arith.constant 0 : i32
    %dma_start3A_157 = tpu.memref_slice %arg10[%dma_start3A_155, %dma_start3A_156] : memref<80x125xi32, #tpu.memory_space<vmem>> -> memref<1x125xi32, #tpu.memory_space<vmem>>
    %dma_start3A_158 = tpu.memref_squeeze %dma_start3A_157 : memref<1x125xi32, #tpu.memory_space<vmem>> -> memref<125xi32, #tpu.memory_space<vmem>>
    %dma_start3A_159 = arith.constant 0 : i32
    %dma_start3A_160 = arith.constant 0 : i32
    %dma_start3A_161 = tpu.memref_slice %arg15[%dma_start3A_159, %dma_start3A_160] : memref<10240x64xf32, #tpu.memory_space<vmem_shared>> -> memref<10240x64xf32, #tpu.memory_space<vmem_shared>>
    tpu.enqueue_indirect_dma source(%arg12 : memref<125x64xf32, #tpu.memory_space<vmem>>) target(%dma_start3A_161 : memref<10240x64xf32, #tpu.memory_space<vmem_shared>>) offsets(%dma_start3A_158 : memref<125xi32, #tpu.memory_space<vmem>>) semaphore(%arg21 : memref<!tpu.dma_semaphore, #tpu.memory_space<semaphore_mem>>) {add = true}
    %dma_wait3A_162 = arith.constant 75 : i32
    %dma_wait3A_163 = arith.constant 0 : i32
    %dma_wait3A_164 = tpu.memref_slice %arg10[%dma_wait3A_162, %dma_wait3A_163] : memref<80x125xi32, #tpu.memory_space<vmem>> -> memref<1x125xi32, #tpu.memory_space<vmem>>
    %dma_wait3A_165 = tpu.memref_squeeze %dma_wait3A_164 : memref<1x125xi32, #tpu.memory_space<vmem>> -> memref<125xi32, #tpu.memory_space<vmem>>
    %dma_wait3A_166 = arith.constant 0 : i32
    %dma_wait3A_167 = arith.constant 0 : i32
    %dma_wait3A_168 = tpu.memref_slice %arg15[%dma_wait3A_166, %dma_wait3A_167] : memref<10240x64xf32, #tpu.memory_space<vmem_shared>> -> memref<10240x64xf32, #tpu.memory_space<vmem_shared>>
    tpu.wait_indirect_dma semaphore(%arg23 : memref<!tpu.dma_semaphore, #tpu.memory_space<semaphore_mem>>) src(%arg14 : memref<125x64xf32, #tpu.memory_space<vmem>>) dst(%dma_wait3A_168 : memref<10240x64xf32, #tpu.memory_space<vmem_shared>>)
    %dma_start3A_169 = arith.constant 79 : i32
    %dma_start3A_170 = arith.constant 0 : i32
    %dma_start3A_171 = tpu.memref_slice %arg9[%dma_start3A_169, %dma_start3A_170] : memref<80x125xi32, #tpu.memory_space<vmem>> -> memref<1x125xi32, #tpu.memory_space<vmem>>
    %dma_start3A_172 = tpu.memref_squeeze %dma_start3A_171 : memref<1x125xi32, #tpu.memory_space<vmem>> -> memref<125xi32, #tpu.memory_space<vmem>>
    %dma_start3A_173 = arith.constant 0 : i32
    %dma_start3A_174 = arith.constant 0 : i32
    %dma_start3A_175 = tpu.memref_slice %arg2[%dma_start3A_173, %dma_start3A_174] : memref<10000x64xf32, #tpu.memory_space<hbm>> -> memref<10000x64xf32, #tpu.memory_space<hbm>>
    tpu.enqueue_indirect_dma source(%dma_start3A_175 : memref<10000x64xf32, #tpu.memory_space<hbm>>) target(%arg14 : memref<125x64xf32, #tpu.memory_space<vmem>>) offsets(%dma_start3A_172 : memref<125xi32, #tpu.memory_space<vmem>>) semaphore(%arg19 : memref<!tpu.dma_semaphore, #tpu.memory_space<semaphore_mem>>)
    %dma_wait3A_176 = arith.constant 78 : i32
    %dma_wait3A_177 = arith.constant 0 : i32
    %dma_wait3A_178 = tpu.memref_slice %arg9[%dma_wait3A_176, %dma_wait3A_177] : memref<80x125xi32, #tpu.memory_space<vmem>> -> memref<1x125xi32, #tpu.memory_space<vmem>>
    %dma_wait3A_179 = tpu.memref_squeeze %dma_wait3A_178 : memref<1x125xi32, #tpu.memory_space<vmem>> -> memref<125xi32, #tpu.memory_space<vmem>>
    %dma_wait3A_180 = arith.constant 0 : i32
    %dma_wait3A_181 = arith.constant 0 : i32
    %dma_wait3A_182 = tpu.memref_slice %arg2[%dma_wait3A_180, %dma_wait3A_181] : memref<10000x64xf32, #tpu.memory_space<hbm>> -> memref<10000x64xf32, #tpu.memory_space<hbm>>
    tpu.wait_indirect_dma semaphore(%arg18 : memref<!tpu.dma_semaphore, #tpu.memory_space<semaphore_mem>>) src(%dma_wait3A_182 : memref<10000x64xf32, #tpu.memory_space<hbm>>) dst(%arg13 : memref<125x64xf32, #tpu.memory_space<vmem>>)
    %dma_start3A_183 = arith.constant 78 : i32
    %dma_start3A_184 = arith.constant 0 : i32
    %dma_start3A_185 = tpu.memref_slice %arg10[%dma_start3A_183, %dma_start3A_184] : memref<80x125xi32, #tpu.memory_space<vmem>> -> memref<1x125xi32, #tpu.memory_space<vmem>>
    %dma_start3A_186 = tpu.memref_squeeze %dma_start3A_185 : memref<1x125xi32, #tpu.memory_space<vmem>> -> memref<125xi32, #tpu.memory_space<vmem>>
    %dma_start3A_187 = arith.constant 0 : i32
    %dma_start3A_188 = arith.constant 0 : i32
    %dma_start3A_189 = tpu.memref_slice %arg15[%dma_start3A_187, %dma_start3A_188] : memref<10240x64xf32, #tpu.memory_space<vmem_shared>> -> memref<10240x64xf32, #tpu.memory_space<vmem_shared>>
    tpu.enqueue_indirect_dma source(%arg13 : memref<125x64xf32, #tpu.memory_space<vmem>>) target(%dma_start3A_189 : memref<10240x64xf32, #tpu.memory_space<vmem_shared>>) offsets(%dma_start3A_186 : memref<125xi32, #tpu.memory_space<vmem>>) semaphore(%arg22 : memref<!tpu.dma_semaphore, #tpu.memory_space<semaphore_mem>>) {add = true}
    %dma_wait3A_190 = arith.constant 76 : i32
    %dma_wait3A_191 = arith.constant 0 : i32
    %dma_wait3A_192 = tpu.memref_slice %arg10[%dma_wait3A_190, %dma_wait3A_191] : memref<80x125xi32, #tpu.memory_space<vmem>> -> memref<1x125xi32, #tpu.memory_space<vmem>>
    %dma_wait3A_193 = tpu.memref_squeeze %dma_wait3A_192 : memref<1x125xi32, #tpu.memory_space<vmem>> -> memref<125xi32, #tpu.memory_space<vmem>>
    %dma_wait3A_194 = arith.constant 0 : i32
    %dma_wait3A_195 = arith.constant 0 : i32
    %dma_wait3A_196 = tpu.memref_slice %arg15[%dma_wait3A_194, %dma_wait3A_195] : memref<10240x64xf32, #tpu.memory_space<vmem_shared>> -> memref<10240x64xf32, #tpu.memory_space<vmem_shared>>
    tpu.wait_indirect_dma semaphore(%arg20 : memref<!tpu.dma_semaphore, #tpu.memory_space<semaphore_mem>>) src(%arg11 : memref<125x64xf32, #tpu.memory_space<vmem>>) dst(%dma_wait3A_196 : memref<10240x64xf32, #tpu.memory_space<vmem_shared>>)
    %dma_wait3A_197 = arith.constant 79 : i32
    %dma_wait3A_198 = arith.constant 0 : i32
    %dma_wait3A_199 = tpu.memref_slice %arg9[%dma_wait3A_197, %dma_wait3A_198] : memref<80x125xi32, #tpu.memory_space<vmem>> -> memref<1x125xi32, #tpu.memory_space<vmem>>
    %dma_wait3A_200 = tpu.memref_squeeze %dma_wait3A_199 : memref<1x125xi32, #tpu.memory_space<vmem>> -> memref<125xi32, #tpu.memory_space<vmem>>
    %dma_wait3A_201 = arith.constant 0 : i32
    %dma_wait3A_202 = arith.constant 0 : i32
    %dma_wait3A_203 = tpu.memref_slice %arg2[%dma_wait3A_201, %dma_wait3A_202] : memref<10000x64xf32, #tpu.memory_space<hbm>> -> memref<10000x64xf32, #tpu.memory_space<hbm>>
    tpu.wait_indirect_dma semaphore(%arg19 : memref<!tpu.dma_semaphore, #tpu.memory_space<semaphore_mem>>) src(%dma_wait3A_203 : memref<10000x64xf32, #tpu.memory_space<hbm>>) dst(%arg14 : memref<125x64xf32, #tpu.memory_space<vmem>>)
    %dma_start3A_204 = arith.constant 79 : i32
    %dma_start3A_205 = arith.constant 0 : i32
    %dma_start3A_206 = tpu.memref_slice %arg10[%dma_start3A_204, %dma_start3A_205] : memref<80x125xi32, #tpu.memory_space<vmem>> -> memref<1x125xi32, #tpu.memory_space<vmem>>
    %dma_start3A_207 = tpu.memref_squeeze %dma_start3A_206 : memref<1x125xi32, #tpu.memory_space<vmem>> -> memref<125xi32, #tpu.memory_space<vmem>>
    %dma_start3A_208 = arith.constant 0 : i32
    %dma_start3A_209 = arith.constant 0 : i32
    %dma_start3A_210 = tpu.memref_slice %arg15[%dma_start3A_208, %dma_start3A_209] : memref<10240x64xf32, #tpu.memory_space<vmem_shared>> -> memref<10240x64xf32, #tpu.memory_space<vmem_shared>>
    tpu.enqueue_indirect_dma source(%arg14 : memref<125x64xf32, #tpu.memory_space<vmem>>) target(%dma_start3A_210 : memref<10240x64xf32, #tpu.memory_space<vmem_shared>>) offsets(%dma_start3A_207 : memref<125xi32, #tpu.memory_space<vmem>>) semaphore(%arg23 : memref<!tpu.dma_semaphore, #tpu.memory_space<semaphore_mem>>) {add = true}
    %dma_wait3A_211 = arith.constant 77 : i32
    %dma_wait3A_212 = arith.constant 0 : i32
    %dma_wait3A_213 = tpu.memref_slice %arg10[%dma_wait3A_211, %dma_wait3A_212] : memref<80x125xi32, #tpu.memory_space<vmem>> -> memref<1x125xi32, #tpu.memory_space<vmem>>
    %dma_wait3A_214 = tpu.memref_squeeze %dma_wait3A_213 : memref<1x125xi32, #tpu.memory_space<vmem>> -> memref<125xi32, #tpu.memory_space<vmem>>
    %dma_wait3A_215 = arith.constant 0 : i32
    %dma_wait3A_216 = arith.constant 0 : i32
    %dma_wait3A_217 = tpu.memref_slice %arg15[%dma_wait3A_215, %dma_wait3A_216] : memref<10240x64xf32, #tpu.memory_space<vmem_shared>> -> memref<10240x64xf32, #tpu.memory_space<vmem_shared>>
    tpu.wait_indirect_dma semaphore(%arg21 : memref<!tpu.dma_semaphore, #tpu.memory_space<semaphore_mem>>) src(%arg12 : memref<125x64xf32, #tpu.memory_space<vmem>>) dst(%dma_wait3A_217 : memref<10240x64xf32, #tpu.memory_space<vmem_shared>>)
    %dma_wait3A_218 = arith.constant 78 : i32
    %dma_wait3A_219 = arith.constant 0 : i32
    %dma_wait3A_220 = tpu.memref_slice %arg10[%dma_wait3A_218, %dma_wait3A_219] : memref<80x125xi32, #tpu.memory_space<vmem>> -> memref<1x125xi32, #tpu.memory_space<vmem>>
    %dma_wait3A_221 = tpu.memref_squeeze %dma_wait3A_220 : memref<1x125xi32, #tpu.memory_space<vmem>> -> memref<125xi32, #tpu.memory_space<vmem>>
    %dma_wait3A_222 = arith.constant 0 : i32
    %dma_wait3A_223 = arith.constant 0 : i32
    %dma_wait3A_224 = tpu.memref_slice %arg15[%dma_wait3A_222, %dma_wait3A_223] : memref<10240x64xf32, #tpu.memory_space<vmem_shared>> -> memref<10240x64xf32, #tpu.memory_space<vmem_shared>>
    tpu.wait_indirect_dma semaphore(%arg22 : memref<!tpu.dma_semaphore, #tpu.memory_space<semaphore_mem>>) src(%arg13 : memref<125x64xf32, #tpu.memory_space<vmem>>) dst(%dma_wait3A_224 : memref<10240x64xf32, #tpu.memory_space<vmem_shared>>)
    %dma_wait3A_225 = arith.constant 79 : i32
    %dma_wait3A_226 = arith.constant 0 : i32
    %dma_wait3A_227 = tpu.memref_slice %arg10[%dma_wait3A_225, %dma_wait3A_226] : memref<80x125xi32, #tpu.memory_space<vmem>> -> memref<1x125xi32, #tpu.memory_space<vmem>>
    %dma_wait3A_228 = tpu.memref_squeeze %dma_wait3A_227 : memref<1x125xi32, #tpu.memory_space<vmem>> -> memref<125xi32, #tpu.memory_space<vmem>>
    %dma_wait3A_229 = arith.constant 0 : i32
    %dma_wait3A_230 = arith.constant 0 : i32
    %dma_wait3A_231 = tpu.memref_slice %arg15[%dma_wait3A_229, %dma_wait3A_230] : memref<10240x64xf32, #tpu.memory_space<vmem_shared>> -> memref<10240x64xf32, #tpu.memory_space<vmem_shared>>
    tpu.wait_indirect_dma semaphore(%arg23 : memref<!tpu.dma_semaphore, #tpu.memory_space<semaphore_mem>>) src(%arg14 : memref<125x64xf32, #tpu.memory_space<vmem>>) dst(%dma_wait3A_231 : memref<10240x64xf32, #tpu.memory_space<vmem_shared>>)
    %barrier3A_232 = arith.constant 0 : index
    tpu.barrier barrier_id(%barrier3A_232)
    %mul3A_233 = arith.constant 640 : i32
    %mul3A_234 = arith.muli %arg1, %mul3A_233 : i32
    %mul3A_235 = arith.constant 640 : i32
    %mul3A_236 = arith.muli %arg1, %mul3A_235 : i32
    "tpu.region"() ({
      %run_scoped3A = tpu.sem_alloc : memref<!tpu.dma_semaphore, #tpu.memory_space<semaphore_mem>>
      %dma_start3A_477 = arith.constant 0 : i32
      %dma_start3A_478 = tpu.memref_slice %arg7[%arg0, %mul3A_236, %dma_start3A_477] : memref<2x10240x64xf32, #tpu.memory_space<hbm>> -> memref<1x640x64xf32, #tpu.memory_space<hbm>>
      %dma_start3A_479 = tpu.memref_squeeze %dma_start3A_478 : memref<1x640x64xf32, #tpu.memory_space<hbm>> -> memref<640x64xf32, #tpu.memory_space<hbm>>
      %dma_start3A_480 = arith.constant 0 : i32
      %dma_start3A_481 = tpu.memref_slice %arg15[%mul3A_234, %dma_start3A_480] : memref<10240x64xf32, #tpu.memory_space<vmem_shared>> -> memref<640x64xf32, #tpu.memory_space<vmem_shared>>
      tpu.enqueue_dma source(%dma_start3A_481 : memref<640x64xf32, #tpu.memory_space<vmem_shared>>) target(%dma_start3A_479 : memref<640x64xf32, #tpu.memory_space<hbm>>) target_semaphore(%run_scoped3A : memref<!tpu.dma_semaphore, #tpu.memory_space<semaphore_mem>>)
      %dma_wait3A_482 = arith.constant 0 : i32
      %dma_wait3A_483 = tpu.memref_slice %arg7[%arg0, %mul3A_236, %dma_wait3A_482] : memref<2x10240x64xf32, #tpu.memory_space<hbm>> -> memref<1x640x64xf32, #tpu.memory_space<hbm>>
      %dma_wait3A_484 = tpu.memref_squeeze %dma_wait3A_483 : memref<1x640x64xf32, #tpu.memory_space<hbm>> -> memref<640x64xf32, #tpu.memory_space<hbm>>
      %dma_wait3A_485 = arith.constant 0 : i32
      %dma_wait3A_486 = tpu.memref_slice %arg15[%mul3A_234, %dma_wait3A_485] : memref<10240x64xf32, #tpu.memory_space<vmem_shared>> -> memref<640x64xf32, #tpu.memory_space<vmem_shared>>
      tpu.wait_dma2 semaphore(%run_scoped3A : memref<!tpu.dma_semaphore, #tpu.memory_space<semaphore_mem>>) src(%dma_wait3A_486 : memref<640x64xf32, #tpu.memory_space<vmem_shared>>) dst(%dma_wait3A_484 : memref<640x64xf32, #tpu.memory_space<hbm>>)
      tpu.yield
    }) : () -> ()
    %mul3A_237 = arith.constant 640 : i32
    %mul3A_238 = arith.muli %arg1, %mul3A_237 : i32
    %mul3A_239 = arith.constant 640 : i32
    %mul3A_240 = arith.muli %arg1, %mul3A_239 : i32
    "tpu.region"() ({
      %run_scoped3A = tpu.sem_alloc : memref<!tpu.dma_semaphore, #tpu.memory_space<semaphore_mem>>
      %dma_start3A_477 = arith.constant 0 : i32
      %dma_start3A_478 = tpu.memref_slice %arg15[%mul3A_240, %dma_start3A_477] : memref<10240x64xf32, #tpu.memory_space<vmem_shared>> -> memref<640x64xf32, #tpu.memory_space<vmem_shared>>
      %dma_start3A_479 = arith.constant 0 : i32
      %dma_start3A_480 = tpu.memref_slice %arg6[%mul3A_238, %dma_start3A_479] : memref<10240x64xf32, #tpu.memory_space<hbm>> -> memref<640x64xf32, #tpu.memory_space<hbm>>
      tpu.enqueue_dma source(%dma_start3A_480 : memref<640x64xf32, #tpu.memory_space<hbm>>) target(%dma_start3A_478 : memref<640x64xf32, #tpu.memory_space<vmem_shared>>) target_semaphore(%run_scoped3A : memref<!tpu.dma_semaphore, #tpu.memory_space<semaphore_mem>>)
      %dma_wait3A_481 = arith.constant 0 : i32
      %dma_wait3A_482 = tpu.memref_slice %arg15[%mul3A_240, %dma_wait3A_481] : memref<10240x64xf32, #tpu.memory_space<vmem_shared>> -> memref<640x64xf32, #tpu.memory_space<vmem_shared>>
      %dma_wait3A_483 = arith.constant 0 : i32
      %dma_wait3A_484 = tpu.memref_slice %arg6[%mul3A_238, %dma_wait3A_483] : memref<10240x64xf32, #tpu.memory_space<hbm>> -> memref<640x64xf32, #tpu.memory_space<hbm>>
      tpu.wait_dma2 semaphore(%run_scoped3A : memref<!tpu.dma_semaphore, #tpu.memory_space<semaphore_mem>>) src(%dma_wait3A_484 : memref<640x64xf32, #tpu.memory_space<hbm>>) dst(%dma_wait3A_482 : memref<640x64xf32, #tpu.memory_space<vmem_shared>>)
      tpu.yield
    }) : () -> ()
    %barrier3A_241 = arith.constant 0 : index
    tpu.barrier barrier_id(%barrier3A_241)
    %dma_start3A_242 = arith.constant 0 : i32
    %dma_start3A_243 = arith.constant 0 : i32
    %dma_start3A_244 = tpu.memref_slice %arg9[%dma_start3A_242, %dma_start3A_243] : memref<80x125xi32, #tpu.memory_space<vmem>> -> memref<1x125xi32, #tpu.memory_space<vmem>>
    %dma_start3A_245 = tpu.memref_squeeze %dma_start3A_244 : memref<1x125xi32, #tpu.memory_space<vmem>> -> memref<125xi32, #tpu.memory_space<vmem>>
    %dma_start3A_246 = arith.constant 0 : i32
    %dma_start3A_247 = arith.constant 0 : i32
    %dma_start3A_248 = tpu.memref_slice %arg3[%dma_start3A_246, %dma_start3A_247] : memref<10000x64xf32, #tpu.memory_space<hbm>> -> memref<10000x64xf32, #tpu.memory_space<hbm>>
    tpu.enqueue_indirect_dma source(%dma_start3A_248 : memref<10000x64xf32, #tpu.memory_space<hbm>>) target(%arg11 : memref<125x64xf32, #tpu.memory_space<vmem>>) offsets(%dma_start3A_245 : memref<125xi32, #tpu.memory_space<vmem>>) semaphore(%arg16 : memref<!tpu.dma_semaphore, #tpu.memory_space<semaphore_mem>>)
    %dma_start3A_249 = arith.constant 1 : i32
    %dma_start3A_250 = arith.constant 0 : i32
    %dma_start3A_251 = tpu.memref_slice %arg9[%dma_start3A_249, %dma_start3A_250] : memref<80x125xi32, #tpu.memory_space<vmem>> -> memref<1x125xi32, #tpu.memory_space<vmem>>
    %dma_start3A_252 = tpu.memref_squeeze %dma_start3A_251 : memref<1x125xi32, #tpu.memory_space<vmem>> -> memref<125xi32, #tpu.memory_space<vmem>>
    %dma_start3A_253 = arith.constant 0 : i32
    %dma_start3A_254 = arith.constant 0 : i32
    %dma_start3A_255 = tpu.memref_slice %arg3[%dma_start3A_253, %dma_start3A_254] : memref<10000x64xf32, #tpu.memory_space<hbm>> -> memref<10000x64xf32, #tpu.memory_space<hbm>>
    tpu.enqueue_indirect_dma source(%dma_start3A_255 : memref<10000x64xf32, #tpu.memory_space<hbm>>) target(%arg12 : memref<125x64xf32, #tpu.memory_space<vmem>>) offsets(%dma_start3A_252 : memref<125xi32, #tpu.memory_space<vmem>>) semaphore(%arg17 : memref<!tpu.dma_semaphore, #tpu.memory_space<semaphore_mem>>)
    %dma_wait3A_256 = arith.constant 0 : i32
    %dma_wait3A_257 = arith.constant 0 : i32
    %dma_wait3A_258 = tpu.memref_slice %arg9[%dma_wait3A_256, %dma_wait3A_257] : memref<80x125xi32, #tpu.memory_space<vmem>> -> memref<1x125xi32, #tpu.memory_space<vmem>>
    %dma_wait3A_259 = tpu.memref_squeeze %dma_wait3A_258 : memref<1x125xi32, #tpu.memory_space<vmem>> -> memref<125xi32, #tpu.memory_space<vmem>>
    %dma_wait3A_260 = arith.constant 0 : i32
    %dma_wait3A_261 = arith.constant 0 : i32
    %dma_wait3A_262 = tpu.memref_slice %arg3[%dma_wait3A_260, %dma_wait3A_261] : memref<10000x64xf32, #tpu.memory_space<hbm>> -> memref<10000x64xf32, #tpu.memory_space<hbm>>
    tpu.wait_indirect_dma semaphore(%arg16 : memref<!tpu.dma_semaphore, #tpu.memory_space<semaphore_mem>>) src(%dma_wait3A_262 : memref<10000x64xf32, #tpu.memory_space<hbm>>) dst(%arg11 : memref<125x64xf32, #tpu.memory_space<vmem>>)
    %dma_start3A_263 = arith.constant 0 : i32
    %dma_start3A_264 = arith.constant 0 : i32
    %dma_start3A_265 = tpu.memref_slice %arg10[%dma_start3A_263, %dma_start3A_264] : memref<80x125xi32, #tpu.memory_space<vmem>> -> memref<1x125xi32, #tpu.memory_space<vmem>>
    %dma_start3A_266 = tpu.memref_squeeze %dma_start3A_265 : memref<1x125xi32, #tpu.memory_space<vmem>> -> memref<125xi32, #tpu.memory_space<vmem>>
    %dma_start3A_267 = arith.constant 0 : i32
    %dma_start3A_268 = arith.constant 0 : i32
    %dma_start3A_269 = tpu.memref_slice %arg15[%dma_start3A_267, %dma_start3A_268] : memref<10240x64xf32, #tpu.memory_space<vmem_shared>> -> memref<10240x64xf32, #tpu.memory_space<vmem_shared>>
    tpu.enqueue_indirect_dma source(%arg11 : memref<125x64xf32, #tpu.memory_space<vmem>>) target(%dma_start3A_269 : memref<10240x64xf32, #tpu.memory_space<vmem_shared>>) offsets(%dma_start3A_266 : memref<125xi32, #tpu.memory_space<vmem>>) semaphore(%arg20 : memref<!tpu.dma_semaphore, #tpu.memory_space<semaphore_mem>>) {add = true}
    %dma_start3A_270 = arith.constant 2 : i32
    %dma_start3A_271 = arith.constant 0 : i32
    %dma_start3A_272 = tpu.memref_slice %arg9[%dma_start3A_270, %dma_start3A_271] : memref<80x125xi32, #tpu.memory_space<vmem>> -> memref<1x125xi32, #tpu.memory_space<vmem>>
    %dma_start3A_273 = tpu.memref_squeeze %dma_start3A_272 : memref<1x125xi32, #tpu.memory_space<vmem>> -> memref<125xi32, #tpu.memory_space<vmem>>
    %dma_start3A_274 = arith.constant 0 : i32
    %dma_start3A_275 = arith.constant 0 : i32
    %dma_start3A_276 = tpu.memref_slice %arg3[%dma_start3A_274, %dma_start3A_275] : memref<10000x64xf32, #tpu.memory_space<hbm>> -> memref<10000x64xf32, #tpu.memory_space<hbm>>
    tpu.enqueue_indirect_dma source(%dma_start3A_276 : memref<10000x64xf32, #tpu.memory_space<hbm>>) target(%arg13 : memref<125x64xf32, #tpu.memory_space<vmem>>) offsets(%dma_start3A_273 : memref<125xi32, #tpu.memory_space<vmem>>) semaphore(%arg18 : memref<!tpu.dma_semaphore, #tpu.memory_space<semaphore_mem>>)
    %dma_wait3A_277 = arith.constant 1 : i32
    %dma_wait3A_278 = arith.constant 0 : i32
    %dma_wait3A_279 = tpu.memref_slice %arg9[%dma_wait3A_277, %dma_wait3A_278] : memref<80x125xi32, #tpu.memory_space<vmem>> -> memref<1x125xi32, #tpu.memory_space<vmem>>
    %dma_wait3A_280 = tpu.memref_squeeze %dma_wait3A_279 : memref<1x125xi32, #tpu.memory_space<vmem>> -> memref<125xi32, #tpu.memory_space<vmem>>
    %dma_wait3A_281 = arith.constant 0 : i32
    %dma_wait3A_282 = arith.constant 0 : i32
    %dma_wait3A_283 = tpu.memref_slice %arg3[%dma_wait3A_281, %dma_wait3A_282] : memref<10000x64xf32, #tpu.memory_space<hbm>> -> memref<10000x64xf32, #tpu.memory_space<hbm>>
    tpu.wait_indirect_dma semaphore(%arg17 : memref<!tpu.dma_semaphore, #tpu.memory_space<semaphore_mem>>) src(%dma_wait3A_283 : memref<10000x64xf32, #tpu.memory_space<hbm>>) dst(%arg12 : memref<125x64xf32, #tpu.memory_space<vmem>>)
    %dma_start3A_284 = arith.constant 1 : i32
    %dma_start3A_285 = arith.constant 0 : i32
    %dma_start3A_286 = tpu.memref_slice %arg10[%dma_start3A_284, %dma_start3A_285] : memref<80x125xi32, #tpu.memory_space<vmem>> -> memref<1x125xi32, #tpu.memory_space<vmem>>
    %dma_start3A_287 = tpu.memref_squeeze %dma_start3A_286 : memref<1x125xi32, #tpu.memory_space<vmem>> -> memref<125xi32, #tpu.memory_space<vmem>>
    %dma_start3A_288 = arith.constant 0 : i32
    %dma_start3A_289 = arith.constant 0 : i32
    %dma_start3A_290 = tpu.memref_slice %arg15[%dma_start3A_288, %dma_start3A_289] : memref<10240x64xf32, #tpu.memory_space<vmem_shared>> -> memref<10240x64xf32, #tpu.memory_space<vmem_shared>>
    tpu.enqueue_indirect_dma source(%arg12 : memref<125x64xf32, #tpu.memory_space<vmem>>) target(%dma_start3A_290 : memref<10240x64xf32, #tpu.memory_space<vmem_shared>>) offsets(%dma_start3A_287 : memref<125xi32, #tpu.memory_space<vmem>>) semaphore(%arg21 : memref<!tpu.dma_semaphore, #tpu.memory_space<semaphore_mem>>) {add = true}
    %dma_start3A_291 = arith.constant 3 : i32
    %dma_start3A_292 = arith.constant 0 : i32
    %dma_start3A_293 = tpu.memref_slice %arg9[%dma_start3A_291, %dma_start3A_292] : memref<80x125xi32, #tpu.memory_space<vmem>> -> memref<1x125xi32, #tpu.memory_space<vmem>>
    %dma_start3A_294 = tpu.memref_squeeze %dma_start3A_293 : memref<1x125xi32, #tpu.memory_space<vmem>> -> memref<125xi32, #tpu.memory_space<vmem>>
    %dma_start3A_295 = arith.constant 0 : i32
    %dma_start3A_296 = arith.constant 0 : i32
    %dma_start3A_297 = tpu.memref_slice %arg3[%dma_start3A_295, %dma_start3A_296] : memref<10000x64xf32, #tpu.memory_space<hbm>> -> memref<10000x64xf32, #tpu.memory_space<hbm>>
    tpu.enqueue_indirect_dma source(%dma_start3A_297 : memref<10000x64xf32, #tpu.memory_space<hbm>>) target(%arg14 : memref<125x64xf32, #tpu.memory_space<vmem>>) offsets(%dma_start3A_294 : memref<125xi32, #tpu.memory_space<vmem>>) semaphore(%arg19 : memref<!tpu.dma_semaphore, #tpu.memory_space<semaphore_mem>>)
    %dma_wait3A_298 = arith.constant 2 : i32
    %dma_wait3A_299 = arith.constant 0 : i32
    %dma_wait3A_300 = tpu.memref_slice %arg9[%dma_wait3A_298, %dma_wait3A_299] : memref<80x125xi32, #tpu.memory_space<vmem>> -> memref<1x125xi32, #tpu.memory_space<vmem>>
    %dma_wait3A_301 = tpu.memref_squeeze %dma_wait3A_300 : memref<1x125xi32, #tpu.memory_space<vmem>> -> memref<125xi32, #tpu.memory_space<vmem>>
    %dma_wait3A_302 = arith.constant 0 : i32
    %dma_wait3A_303 = arith.constant 0 : i32
    %dma_wait3A_304 = tpu.memref_slice %arg3[%dma_wait3A_302, %dma_wait3A_303] : memref<10000x64xf32, #tpu.memory_space<hbm>> -> memref<10000x64xf32, #tpu.memory_space<hbm>>
    tpu.wait_indirect_dma semaphore(%arg18 : memref<!tpu.dma_semaphore, #tpu.memory_space<semaphore_mem>>) src(%dma_wait3A_304 : memref<10000x64xf32, #tpu.memory_space<hbm>>) dst(%arg13 : memref<125x64xf32, #tpu.memory_space<vmem>>)
    %dma_start3A_305 = arith.constant 2 : i32
    %dma_start3A_306 = arith.constant 0 : i32
    %dma_start3A_307 = tpu.memref_slice %arg10[%dma_start3A_305, %dma_start3A_306] : memref<80x125xi32, #tpu.memory_space<vmem>> -> memref<1x125xi32, #tpu.memory_space<vmem>>
    %dma_start3A_308 = tpu.memref_squeeze %dma_start3A_307 : memref<1x125xi32, #tpu.memory_space<vmem>> -> memref<125xi32, #tpu.memory_space<vmem>>
    %dma_start3A_309 = arith.constant 0 : i32
    %dma_start3A_310 = arith.constant 0 : i32
    %dma_start3A_311 = tpu.memref_slice %arg15[%dma_start3A_309, %dma_start3A_310] : memref<10240x64xf32, #tpu.memory_space<vmem_shared>> -> memref<10240x64xf32, #tpu.memory_space<vmem_shared>>
    tpu.enqueue_indirect_dma source(%arg13 : memref<125x64xf32, #tpu.memory_space<vmem>>) target(%dma_start3A_311 : memref<10240x64xf32, #tpu.memory_space<vmem_shared>>) offsets(%dma_start3A_308 : memref<125xi32, #tpu.memory_space<vmem>>) semaphore(%arg22 : memref<!tpu.dma_semaphore, #tpu.memory_space<semaphore_mem>>) {add = true}
    %dma_wait3A_312 = arith.constant 0 : i32
    %dma_wait3A_313 = arith.constant 0 : i32
    %dma_wait3A_314 = tpu.memref_slice %arg10[%dma_wait3A_312, %dma_wait3A_313] : memref<80x125xi32, #tpu.memory_space<vmem>> -> memref<1x125xi32, #tpu.memory_space<vmem>>
    %dma_wait3A_315 = tpu.memref_squeeze %dma_wait3A_314 : memref<1x125xi32, #tpu.memory_space<vmem>> -> memref<125xi32, #tpu.memory_space<vmem>>
    %dma_wait3A_316 = arith.constant 0 : i32
    %dma_wait3A_317 = arith.constant 0 : i32
    %dma_wait3A_318 = tpu.memref_slice %arg15[%dma_wait3A_316, %dma_wait3A_317] : memref<10240x64xf32, #tpu.memory_space<vmem_shared>> -> memref<10240x64xf32, #tpu.memory_space<vmem_shared>>
    tpu.wait_indirect_dma semaphore(%arg20 : memref<!tpu.dma_semaphore, #tpu.memory_space<semaphore_mem>>) src(%arg11 : memref<125x64xf32, #tpu.memory_space<vmem>>) dst(%dma_wait3A_318 : memref<10240x64xf32, #tpu.memory_space<vmem_shared>>)
    %dma_start3A_319 = arith.constant 4 : i32
    %dma_start3A_320 = arith.constant 0 : i32
    %dma_start3A_321 = tpu.memref_slice %arg9[%dma_start3A_319, %dma_start3A_320] : memref<80x125xi32, #tpu.memory_space<vmem>> -> memref<1x125xi32, #tpu.memory_space<vmem>>
    %dma_start3A_322 = tpu.memref_squeeze %dma_start3A_321 : memref<1x125xi32, #tpu.memory_space<vmem>> -> memref<125xi32, #tpu.memory_space<vmem>>
    %dma_start3A_323 = arith.constant 0 : i32
    %dma_start3A_324 = arith.constant 0 : i32
    %dma_start3A_325 = tpu.memref_slice %arg3[%dma_start3A_323, %dma_start3A_324] : memref<10000x64xf32, #tpu.memory_space<hbm>> -> memref<10000x64xf32, #tpu.memory_space<hbm>>
    tpu.enqueue_indirect_dma source(%dma_start3A_325 : memref<10000x64xf32, #tpu.memory_space<hbm>>) target(%arg11 : memref<125x64xf32, #tpu.memory_space<vmem>>) offsets(%dma_start3A_322 : memref<125xi32, #tpu.memory_space<vmem>>) semaphore(%arg16 : memref<!tpu.dma_semaphore, #tpu.memory_space<semaphore_mem>>)
    %dma_wait3A_326 = arith.constant 3 : i32
    %dma_wait3A_327 = arith.constant 0 : i32
    %dma_wait3A_328 = tpu.memref_slice %arg9[%dma_wait3A_326, %dma_wait3A_327] : memref<80x125xi32, #tpu.memory_space<vmem>> -> memref<1x125xi32, #tpu.memory_space<vmem>>
    %dma_wait3A_329 = tpu.memref_squeeze %dma_wait3A_328 : memref<1x125xi32, #tpu.memory_space<vmem>> -> memref<125xi32, #tpu.memory_space<vmem>>
    %dma_wait3A_330 = arith.constant 0 : i32
    %dma_wait3A_331 = arith.constant 0 : i32
    %dma_wait3A_332 = tpu.memref_slice %arg3[%dma_wait3A_330, %dma_wait3A_331] : memref<10000x64xf32, #tpu.memory_space<hbm>> -> memref<10000x64xf32, #tpu.memory_space<hbm>>
    tpu.wait_indirect_dma semaphore(%arg19 : memref<!tpu.dma_semaphore, #tpu.memory_space<semaphore_mem>>) src(%dma_wait3A_332 : memref<10000x64xf32, #tpu.memory_space<hbm>>) dst(%arg14 : memref<125x64xf32, #tpu.memory_space<vmem>>)
    %dma_start3A_333 = arith.constant 3 : i32
    %dma_start3A_334 = arith.constant 0 : i32
    %dma_start3A_335 = tpu.memref_slice %arg10[%dma_start3A_333, %dma_start3A_334] : memref<80x125xi32, #tpu.memory_space<vmem>> -> memref<1x125xi32, #tpu.memory_space<vmem>>
    %dma_start3A_336 = tpu.memref_squeeze %dma_start3A_335 : memref<1x125xi32, #tpu.memory_space<vmem>> -> memref<125xi32, #tpu.memory_space<vmem>>
    %dma_start3A_337 = arith.constant 0 : i32
    %dma_start3A_338 = arith.constant 0 : i32
    %dma_start3A_339 = tpu.memref_slice %arg15[%dma_start3A_337, %dma_start3A_338] : memref<10240x64xf32, #tpu.memory_space<vmem_shared>> -> memref<10240x64xf32, #tpu.memory_space<vmem_shared>>
    tpu.enqueue_indirect_dma source(%arg14 : memref<125x64xf32, #tpu.memory_space<vmem>>) target(%dma_start3A_339 : memref<10240x64xf32, #tpu.memory_space<vmem_shared>>) offsets(%dma_start3A_336 : memref<125xi32, #tpu.memory_space<vmem>>) semaphore(%arg23 : memref<!tpu.dma_semaphore, #tpu.memory_space<semaphore_mem>>) {add = true}
    %dma_wait3A_340 = arith.constant 1 : i32
    %dma_wait3A_341 = arith.constant 0 : i32
    %dma_wait3A_342 = tpu.memref_slice %arg10[%dma_wait3A_340, %dma_wait3A_341] : memref<80x125xi32, #tpu.memory_space<vmem>> -> memref<1x125xi32, #tpu.memory_space<vmem>>
    %dma_wait3A_343 = tpu.memref_squeeze %dma_wait3A_342 : memref<1x125xi32, #tpu.memory_space<vmem>> -> memref<125xi32, #tpu.memory_space<vmem>>
    %dma_wait3A_344 = arith.constant 0 : i32
    %dma_wait3A_345 = arith.constant 0 : i32
    %dma_wait3A_346 = tpu.memref_slice %arg15[%dma_wait3A_344, %dma_wait3A_345] : memref<10240x64xf32, #tpu.memory_space<vmem_shared>> -> memref<10240x64xf32, #tpu.memory_space<vmem_shared>>
    tpu.wait_indirect_dma semaphore(%arg21 : memref<!tpu.dma_semaphore, #tpu.memory_space<semaphore_mem>>) src(%arg12 : memref<125x64xf32, #tpu.memory_space<vmem>>) dst(%dma_wait3A_346 : memref<10240x64xf32, #tpu.memory_space<vmem_shared>>)
    %dma_start3A_347 = arith.constant 5 : i32
    %dma_start3A_348 = arith.constant 0 : i32
    %dma_start3A_349 = tpu.memref_slice %arg9[%dma_start3A_347, %dma_start3A_348] : memref<80x125xi32, #tpu.memory_space<vmem>> -> memref<1x125xi32, #tpu.memory_space<vmem>>
    %dma_start3A_350 = tpu.memref_squeeze %dma_start3A_349 : memref<1x125xi32, #tpu.memory_space<vmem>> -> memref<125xi32, #tpu.memory_space<vmem>>
    %dma_start3A_351 = arith.constant 0 : i32
    %dma_start3A_352 = arith.constant 0 : i32
    %dma_start3A_353 = tpu.memref_slice %arg3[%dma_start3A_351, %dma_start3A_352] : memref<10000x64xf32, #tpu.memory_space<hbm>> -> memref<10000x64xf32, #tpu.memory_space<hbm>>
    tpu.enqueue_indirect_dma source(%dma_start3A_353 : memref<10000x64xf32, #tpu.memory_space<hbm>>) target(%arg12 : memref<125x64xf32, #tpu.memory_space<vmem>>) offsets(%dma_start3A_350 : memref<125xi32, #tpu.memory_space<vmem>>) semaphore(%arg17 : memref<!tpu.dma_semaphore, #tpu.memory_space<semaphore_mem>>)
    %scan3A_354 = arith.constant 0 : i32
    %scan3A_355 = arith.constant 1 : i32
    %scan3A_356 = arith.constant 18 : i32
    %scan3A_357 = arith.addi %scan3A_355, %scan3A_356 : i32
    %scan3A_358 = arith.constant 1 : i32
    scf.for %scan3A_477 = %scan3A_355 to %scan3A_357 step %scan3A_358  : i32 {
      %mul3A_478 = arith.constant 4 : i32
      %mul3A_479 = arith.muli %scan3A_477, %mul3A_478 : i32
      %add3A_480 = arith.constant 0 : i32
      %add3A_481 = arith.addi %mul3A_479, %add3A_480 : i32
      %dma_wait3A_482 = arith.constant 0 : i32
      %dma_wait3A_483 = tpu.memref_slice %arg9[%add3A_481, %dma_wait3A_482] : memref<80x125xi32, #tpu.memory_space<vmem>> -> memref<1x125xi32, #tpu.memory_space<vmem>>
      %dma_wait3A_484 = tpu.memref_squeeze %dma_wait3A_483 : memref<1x125xi32, #tpu.memory_space<vmem>> -> memref<125xi32, #tpu.memory_space<vmem>>
      %dma_wait3A_485 = arith.constant 0 : i32
      %dma_wait3A_486 = arith.constant 0 : i32
      %dma_wait3A_487 = tpu.memref_slice %arg3[%dma_wait3A_485, %dma_wait3A_486] : memref<10000x64xf32, #tpu.memory_space<hbm>> -> memref<10000x64xf32, #tpu.memory_space<hbm>>
      tpu.wait_indirect_dma semaphore(%arg16 : memref<!tpu.dma_semaphore, #tpu.memory_space<semaphore_mem>>) src(%dma_wait3A_487 : memref<10000x64xf32, #tpu.memory_space<hbm>>) dst(%arg11 : memref<125x64xf32, #tpu.memory_space<vmem>>)
      %dma_start3A_488 = arith.constant 0 : i32
      %dma_start3A_489 = tpu.memref_slice %arg10[%add3A_481, %dma_start3A_488] : memref<80x125xi32, #tpu.memory_space<vmem>> -> memref<1x125xi32, #tpu.memory_space<vmem>>
      %dma_start3A_490 = tpu.memref_squeeze %dma_start3A_489 : memref<1x125xi32, #tpu.memory_space<vmem>> -> memref<125xi32, #tpu.memory_space<vmem>>
      %dma_start3A_491 = arith.constant 0 : i32
      %dma_start3A_492 = arith.constant 0 : i32
      %dma_start3A_493 = tpu.memref_slice %arg15[%dma_start3A_491, %dma_start3A_492] : memref<10240x64xf32, #tpu.memory_space<vmem_shared>> -> memref<10240x64xf32, #tpu.memory_space<vmem_shared>>
      tpu.enqueue_indirect_dma source(%arg11 : memref<125x64xf32, #tpu.memory_space<vmem>>) target(%dma_start3A_493 : memref<10240x64xf32, #tpu.memory_space<vmem_shared>>) offsets(%dma_start3A_490 : memref<125xi32, #tpu.memory_space<vmem>>) semaphore(%arg20 : memref<!tpu.dma_semaphore, #tpu.memory_space<semaphore_mem>>) {add = true}
      %sub3A = arith.constant 2 : i32
      %sub3A_494 = arith.subi %add3A_481, %sub3A : i32
      %dma_wait3A_495 = arith.constant 0 : i32
      %dma_wait3A_496 = tpu.memref_slice %arg10[%sub3A_494, %dma_wait3A_495] : memref<80x125xi32, #tpu.memory_space<vmem>> -> memref<1x125xi32, #tpu.memory_space<vmem>>
      %dma_wait3A_497 = tpu.memref_squeeze %dma_wait3A_496 : memref<1x125xi32, #tpu.memory_space<vmem>> -> memref<125xi32, #tpu.memory_space<vmem>>
      %dma_wait3A_498 = arith.constant 0 : i32
      %dma_wait3A_499 = arith.constant 0 : i32
      %dma_wait3A_500 = tpu.memref_slice %arg15[%dma_wait3A_498, %dma_wait3A_499] : memref<10240x64xf32, #tpu.memory_space<vmem_shared>> -> memref<10240x64xf32, #tpu.memory_space<vmem_shared>>
      tpu.wait_indirect_dma semaphore(%arg22 : memref<!tpu.dma_semaphore, #tpu.memory_space<semaphore_mem>>) src(%arg13 : memref<125x64xf32, #tpu.memory_space<vmem>>) dst(%dma_wait3A_500 : memref<10240x64xf32, #tpu.memory_space<vmem_shared>>)
      %add3A_501 = arith.constant 2 : i32
      %add3A_502 = arith.addi %add3A_481, %add3A_501 : i32
      %dma_start3A_503 = arith.constant 0 : i32
      %dma_start3A_504 = tpu.memref_slice %arg9[%add3A_502, %dma_start3A_503] : memref<80x125xi32, #tpu.memory_space<vmem>> -> memref<1x125xi32, #tpu.memory_space<vmem>>
      %dma_start3A_505 = tpu.memref_squeeze %dma_start3A_504 : memref<1x125xi32, #tpu.memory_space<vmem>> -> memref<125xi32, #tpu.memory_space<vmem>>
      %dma_start3A_506 = arith.constant 0 : i32
      %dma_start3A_507 = arith.constant 0 : i32
      %dma_start3A_508 = tpu.memref_slice %arg3[%dma_start3A_506, %dma_start3A_507] : memref<10000x64xf32, #tpu.memory_space<hbm>> -> memref<10000x64xf32, #tpu.memory_space<hbm>>
      tpu.enqueue_indirect_dma source(%dma_start3A_508 : memref<10000x64xf32, #tpu.memory_space<hbm>>) target(%arg13 : memref<125x64xf32, #tpu.memory_space<vmem>>) offsets(%dma_start3A_505 : memref<125xi32, #tpu.memory_space<vmem>>) semaphore(%arg18 : memref<!tpu.dma_semaphore, #tpu.memory_space<semaphore_mem>>)
      %add3A_509 = arith.constant 1 : i32
      %add3A_510 = arith.addi %mul3A_479, %add3A_509 : i32
      %dma_wait3A_511 = arith.constant 0 : i32
      %dma_wait3A_512 = tpu.memref_slice %arg9[%add3A_510, %dma_wait3A_511] : memref<80x125xi32, #tpu.memory_space<vmem>> -> memref<1x125xi32, #tpu.memory_space<vmem>>
      %dma_wait3A_513 = tpu.memref_squeeze %dma_wait3A_512 : memref<1x125xi32, #tpu.memory_space<vmem>> -> memref<125xi32, #tpu.memory_space<vmem>>
      %dma_wait3A_514 = arith.constant 0 : i32
      %dma_wait3A_515 = arith.constant 0 : i32
      %dma_wait3A_516 = tpu.memref_slice %arg3[%dma_wait3A_514, %dma_wait3A_515] : memref<10000x64xf32, #tpu.memory_space<hbm>> -> memref<10000x64xf32, #tpu.memory_space<hbm>>
      tpu.wait_indirect_dma semaphore(%arg17 : memref<!tpu.dma_semaphore, #tpu.memory_space<semaphore_mem>>) src(%dma_wait3A_516 : memref<10000x64xf32, #tpu.memory_space<hbm>>) dst(%arg12 : memref<125x64xf32, #tpu.memory_space<vmem>>)
      %dma_start3A_517 = arith.constant 0 : i32
      %dma_start3A_518 = tpu.memref_slice %arg10[%add3A_510, %dma_start3A_517] : memref<80x125xi32, #tpu.memory_space<vmem>> -> memref<1x125xi32, #tpu.memory_space<vmem>>
      %dma_start3A_519 = tpu.memref_squeeze %dma_start3A_518 : memref<1x125xi32, #tpu.memory_space<vmem>> -> memref<125xi32, #tpu.memory_space<vmem>>
      %dma_start3A_520 = arith.constant 0 : i32
      %dma_start3A_521 = arith.constant 0 : i32
      %dma_start3A_522 = tpu.memref_slice %arg15[%dma_start3A_520, %dma_start3A_521] : memref<10240x64xf32, #tpu.memory_space<vmem_shared>> -> memref<10240x64xf32, #tpu.memory_space<vmem_shared>>
      tpu.enqueue_indirect_dma source(%arg12 : memref<125x64xf32, #tpu.memory_space<vmem>>) target(%dma_start3A_522 : memref<10240x64xf32, #tpu.memory_space<vmem_shared>>) offsets(%dma_start3A_519 : memref<125xi32, #tpu.memory_space<vmem>>) semaphore(%arg21 : memref<!tpu.dma_semaphore, #tpu.memory_space<semaphore_mem>>) {add = true}
      %sub3A_523 = arith.constant 2 : i32
      %sub3A_524 = arith.subi %add3A_510, %sub3A_523 : i32
      %dma_wait3A_525 = arith.constant 0 : i32
      %dma_wait3A_526 = tpu.memref_slice %arg10[%sub3A_524, %dma_wait3A_525] : memref<80x125xi32, #tpu.memory_space<vmem>> -> memref<1x125xi32, #tpu.memory_space<vmem>>
      %dma_wait3A_527 = tpu.memref_squeeze %dma_wait3A_526 : memref<1x125xi32, #tpu.memory_space<vmem>> -> memref<125xi32, #tpu.memory_space<vmem>>
      %dma_wait3A_528 = arith.constant 0 : i32
      %dma_wait3A_529 = arith.constant 0 : i32
      %dma_wait3A_530 = tpu.memref_slice %arg15[%dma_wait3A_528, %dma_wait3A_529] : memref<10240x64xf32, #tpu.memory_space<vmem_shared>> -> memref<10240x64xf32, #tpu.memory_space<vmem_shared>>
      tpu.wait_indirect_dma semaphore(%arg23 : memref<!tpu.dma_semaphore, #tpu.memory_space<semaphore_mem>>) src(%arg14 : memref<125x64xf32, #tpu.memory_space<vmem>>) dst(%dma_wait3A_530 : memref<10240x64xf32, #tpu.memory_space<vmem_shared>>)
      %add3A_531 = arith.constant 2 : i32
      %add3A_532 = arith.addi %add3A_510, %add3A_531 : i32
      %dma_start3A_533 = arith.constant 0 : i32
      %dma_start3A_534 = tpu.memref_slice %arg9[%add3A_532, %dma_start3A_533] : memref<80x125xi32, #tpu.memory_space<vmem>> -> memref<1x125xi32, #tpu.memory_space<vmem>>
      %dma_start3A_535 = tpu.memref_squeeze %dma_start3A_534 : memref<1x125xi32, #tpu.memory_space<vmem>> -> memref<125xi32, #tpu.memory_space<vmem>>
      %dma_start3A_536 = arith.constant 0 : i32
      %dma_start3A_537 = arith.constant 0 : i32
      %dma_start3A_538 = tpu.memref_slice %arg3[%dma_start3A_536, %dma_start3A_537] : memref<10000x64xf32, #tpu.memory_space<hbm>> -> memref<10000x64xf32, #tpu.memory_space<hbm>>
      tpu.enqueue_indirect_dma source(%dma_start3A_538 : memref<10000x64xf32, #tpu.memory_space<hbm>>) target(%arg14 : memref<125x64xf32, #tpu.memory_space<vmem>>) offsets(%dma_start3A_535 : memref<125xi32, #tpu.memory_space<vmem>>) semaphore(%arg19 : memref<!tpu.dma_semaphore, #tpu.memory_space<semaphore_mem>>)
      %add3A_539 = arith.constant 2 : i32
      %add3A_540 = arith.addi %mul3A_479, %add3A_539 : i32
      %dma_wait3A_541 = arith.constant 0 : i32
      %dma_wait3A_542 = tpu.memref_slice %arg9[%add3A_540, %dma_wait3A_541] : memref<80x125xi32, #tpu.memory_space<vmem>> -> memref<1x125xi32, #tpu.memory_space<vmem>>
      %dma_wait3A_543 = tpu.memref_squeeze %dma_wait3A_542 : memref<1x125xi32, #tpu.memory_space<vmem>> -> memref<125xi32, #tpu.memory_space<vmem>>
      %dma_wait3A_544 = arith.constant 0 : i32
      %dma_wait3A_545 = arith.constant 0 : i32
      %dma_wait3A_546 = tpu.memref_slice %arg3[%dma_wait3A_544, %dma_wait3A_545] : memref<10000x64xf32, #tpu.memory_space<hbm>> -> memref<10000x64xf32, #tpu.memory_space<hbm>>
      tpu.wait_indirect_dma semaphore(%arg18 : memref<!tpu.dma_semaphore, #tpu.memory_space<semaphore_mem>>) src(%dma_wait3A_546 : memref<10000x64xf32, #tpu.memory_space<hbm>>) dst(%arg13 : memref<125x64xf32, #tpu.memory_space<vmem>>)
      %dma_start3A_547 = arith.constant 0 : i32
      %dma_start3A_548 = tpu.memref_slice %arg10[%add3A_540, %dma_start3A_547] : memref<80x125xi32, #tpu.memory_space<vmem>> -> memref<1x125xi32, #tpu.memory_space<vmem>>
      %dma_start3A_549 = tpu.memref_squeeze %dma_start3A_548 : memref<1x125xi32, #tpu.memory_space<vmem>> -> memref<125xi32, #tpu.memory_space<vmem>>
      %dma_start3A_550 = arith.constant 0 : i32
      %dma_start3A_551 = arith.constant 0 : i32
      %dma_start3A_552 = tpu.memref_slice %arg15[%dma_start3A_550, %dma_start3A_551] : memref<10240x64xf32, #tpu.memory_space<vmem_shared>> -> memref<10240x64xf32, #tpu.memory_space<vmem_shared>>
      tpu.enqueue_indirect_dma source(%arg13 : memref<125x64xf32, #tpu.memory_space<vmem>>) target(%dma_start3A_552 : memref<10240x64xf32, #tpu.memory_space<vmem_shared>>) offsets(%dma_start3A_549 : memref<125xi32, #tpu.memory_space<vmem>>) semaphore(%arg22 : memref<!tpu.dma_semaphore, #tpu.memory_space<semaphore_mem>>) {add = true}
      %sub3A_553 = arith.constant 2 : i32
      %sub3A_554 = arith.subi %add3A_540, %sub3A_553 : i32
      %dma_wait3A_555 = arith.constant 0 : i32
      %dma_wait3A_556 = tpu.memref_slice %arg10[%sub3A_554, %dma_wait3A_555] : memref<80x125xi32, #tpu.memory_space<vmem>> -> memref<1x125xi32, #tpu.memory_space<vmem>>
      %dma_wait3A_557 = tpu.memref_squeeze %dma_wait3A_556 : memref<1x125xi32, #tpu.memory_space<vmem>> -> memref<125xi32, #tpu.memory_space<vmem>>
      %dma_wait3A_558 = arith.constant 0 : i32
      %dma_wait3A_559 = arith.constant 0 : i32
      %dma_wait3A_560 = tpu.memref_slice %arg15[%dma_wait3A_558, %dma_wait3A_559] : memref<10240x64xf32, #tpu.memory_space<vmem_shared>> -> memref<10240x64xf32, #tpu.memory_space<vmem_shared>>
      tpu.wait_indirect_dma semaphore(%arg20 : memref<!tpu.dma_semaphore, #tpu.memory_space<semaphore_mem>>) src(%arg11 : memref<125x64xf32, #tpu.memory_space<vmem>>) dst(%dma_wait3A_560 : memref<10240x64xf32, #tpu.memory_space<vmem_shared>>)
      %add3A_561 = arith.constant 2 : i32
      %add3A_562 = arith.addi %add3A_540, %add3A_561 : i32
      %dma_start3A_563 = arith.constant 0 : i32
      %dma_start3A_564 = tpu.memref_slice %arg9[%add3A_562, %dma_start3A_563] : memref<80x125xi32, #tpu.memory_space<vmem>> -> memref<1x125xi32, #tpu.memory_space<vmem>>
      %dma_start3A_565 = tpu.memref_squeeze %dma_start3A_564 : memref<1x125xi32, #tpu.memory_space<vmem>> -> memref<125xi32, #tpu.memory_space<vmem>>
      %dma_start3A_566 = arith.constant 0 : i32
      %dma_start3A_567 = arith.constant 0 : i32
      %dma_start3A_568 = tpu.memref_slice %arg3[%dma_start3A_566, %dma_start3A_567] : memref<10000x64xf32, #tpu.memory_space<hbm>> -> memref<10000x64xf32, #tpu.memory_space<hbm>>
      tpu.enqueue_indirect_dma source(%dma_start3A_568 : memref<10000x64xf32, #tpu.memory_space<hbm>>) target(%arg11 : memref<125x64xf32, #tpu.memory_space<vmem>>) offsets(%dma_start3A_565 : memref<125xi32, #tpu.memory_space<vmem>>) semaphore(%arg16 : memref<!tpu.dma_semaphore, #tpu.memory_space<semaphore_mem>>)
      %add3A_569 = arith.constant 3 : i32
      %add3A_570 = arith.addi %mul3A_479, %add3A_569 : i32
      %dma_wait3A_571 = arith.constant 0 : i32
      %dma_wait3A_572 = tpu.memref_slice %arg9[%add3A_570, %dma_wait3A_571] : memref<80x125xi32, #tpu.memory_space<vmem>> -> memref<1x125xi32, #tpu.memory_space<vmem>>
      %dma_wait3A_573 = tpu.memref_squeeze %dma_wait3A_572 : memref<1x125xi32, #tpu.memory_space<vmem>> -> memref<125xi32, #tpu.memory_space<vmem>>
      %dma_wait3A_574 = arith.constant 0 : i32
      %dma_wait3A_575 = arith.constant 0 : i32
      %dma_wait3A_576 = tpu.memref_slice %arg3[%dma_wait3A_574, %dma_wait3A_575] : memref<10000x64xf32, #tpu.memory_space<hbm>> -> memref<10000x64xf32, #tpu.memory_space<hbm>>
      tpu.wait_indirect_dma semaphore(%arg19 : memref<!tpu.dma_semaphore, #tpu.memory_space<semaphore_mem>>) src(%dma_wait3A_576 : memref<10000x64xf32, #tpu.memory_space<hbm>>) dst(%arg14 : memref<125x64xf32, #tpu.memory_space<vmem>>)
      %dma_start3A_577 = arith.constant 0 : i32
      %dma_start3A_578 = tpu.memref_slice %arg10[%add3A_570, %dma_start3A_577] : memref<80x125xi32, #tpu.memory_space<vmem>> -> memref<1x125xi32, #tpu.memory_space<vmem>>
      %dma_start3A_579 = tpu.memref_squeeze %dma_start3A_578 : memref<1x125xi32, #tpu.memory_space<vmem>> -> memref<125xi32, #tpu.memory_space<vmem>>
      %dma_start3A_580 = arith.constant 0 : i32
      %dma_start3A_581 = arith.constant 0 : i32
      %dma_start3A_582 = tpu.memref_slice %arg15[%dma_start3A_580, %dma_start3A_581] : memref<10240x64xf32, #tpu.memory_space<vmem_shared>> -> memref<10240x64xf32, #tpu.memory_space<vmem_shared>>
      tpu.enqueue_indirect_dma source(%arg14 : memref<125x64xf32, #tpu.memory_space<vmem>>) target(%dma_start3A_582 : memref<10240x64xf32, #tpu.memory_space<vmem_shared>>) offsets(%dma_start3A_579 : memref<125xi32, #tpu.memory_space<vmem>>) semaphore(%arg23 : memref<!tpu.dma_semaphore, #tpu.memory_space<semaphore_mem>>) {add = true}
      %sub3A_583 = arith.constant 2 : i32
      %sub3A_584 = arith.subi %add3A_570, %sub3A_583 : i32
      %dma_wait3A_585 = arith.constant 0 : i32
      %dma_wait3A_586 = tpu.memref_slice %arg10[%sub3A_584, %dma_wait3A_585] : memref<80x125xi32, #tpu.memory_space<vmem>> -> memref<1x125xi32, #tpu.memory_space<vmem>>
      %dma_wait3A_587 = tpu.memref_squeeze %dma_wait3A_586 : memref<1x125xi32, #tpu.memory_space<vmem>> -> memref<125xi32, #tpu.memory_space<vmem>>
      %dma_wait3A_588 = arith.constant 0 : i32
      %dma_wait3A_589 = arith.constant 0 : i32
      %dma_wait3A_590 = tpu.memref_slice %arg15[%dma_wait3A_588, %dma_wait3A_589] : memref<10240x64xf32, #tpu.memory_space<vmem_shared>> -> memref<10240x64xf32, #tpu.memory_space<vmem_shared>>
      tpu.wait_indirect_dma semaphore(%arg21 : memref<!tpu.dma_semaphore, #tpu.memory_space<semaphore_mem>>) src(%arg12 : memref<125x64xf32, #tpu.memory_space<vmem>>) dst(%dma_wait3A_590 : memref<10240x64xf32, #tpu.memory_space<vmem_shared>>)
      %add3A_591 = arith.constant 2 : i32
      %add3A_592 = arith.addi %add3A_570, %add3A_591 : i32
      %dma_start3A_593 = arith.constant 0 : i32
      %dma_start3A_594 = tpu.memref_slice %arg9[%add3A_592, %dma_start3A_593] : memref<80x125xi32, #tpu.memory_space<vmem>> -> memref<1x125xi32, #tpu.memory_space<vmem>>
      %dma_start3A_595 = tpu.memref_squeeze %dma_start3A_594 : memref<1x125xi32, #tpu.memory_space<vmem>> -> memref<125xi32, #tpu.memory_space<vmem>>
      %dma_start3A_596 = arith.constant 0 : i32
      %dma_start3A_597 = arith.constant 0 : i32
      %dma_start3A_598 = tpu.memref_slice %arg3[%dma_start3A_596, %dma_start3A_597] : memref<10000x64xf32, #tpu.memory_space<hbm>> -> memref<10000x64xf32, #tpu.memory_space<hbm>>
      tpu.enqueue_indirect_dma source(%dma_start3A_598 : memref<10000x64xf32, #tpu.memory_space<hbm>>) target(%arg12 : memref<125x64xf32, #tpu.memory_space<vmem>>) offsets(%dma_start3A_595 : memref<125xi32, #tpu.memory_space<vmem>>) semaphore(%arg17 : memref<!tpu.dma_semaphore, #tpu.memory_space<semaphore_mem>>)
    }
    %scan3A_359 = arith.constant 18 : i32
    %dma_wait3A_360 = arith.constant 76 : i32
    %dma_wait3A_361 = arith.constant 0 : i32
    %dma_wait3A_362 = tpu.memref_slice %arg9[%dma_wait3A_360, %dma_wait3A_361] : memref<80x125xi32, #tpu.memory_space<vmem>> -> memref<1x125xi32, #tpu.memory_space<vmem>>
    %dma_wait3A_363 = tpu.memref_squeeze %dma_wait3A_362 : memref<1x125xi32, #tpu.memory_space<vmem>> -> memref<125xi32, #tpu.memory_space<vmem>>
    %dma_wait3A_364 = arith.constant 0 : i32
    %dma_wait3A_365 = arith.constant 0 : i32
    %dma_wait3A_366 = tpu.memref_slice %arg3[%dma_wait3A_364, %dma_wait3A_365] : memref<10000x64xf32, #tpu.memory_space<hbm>> -> memref<10000x64xf32, #tpu.memory_space<hbm>>
    tpu.wait_indirect_dma semaphore(%arg16 : memref<!tpu.dma_semaphore, #tpu.memory_space<semaphore_mem>>) src(%dma_wait3A_366 : memref<10000x64xf32, #tpu.memory_space<hbm>>) dst(%arg11 : memref<125x64xf32, #tpu.memory_space<vmem>>)
    %dma_start3A_367 = arith.constant 76 : i32
    %dma_start3A_368 = arith.constant 0 : i32
    %dma_start3A_369 = tpu.memref_slice %arg10[%dma_start3A_367, %dma_start3A_368] : memref<80x125xi32, #tpu.memory_space<vmem>> -> memref<1x125xi32, #tpu.memory_space<vmem>>
    %dma_start3A_370 = tpu.memref_squeeze %dma_start3A_369 : memref<1x125xi32, #tpu.memory_space<vmem>> -> memref<125xi32, #tpu.memory_space<vmem>>
    %dma_start3A_371 = arith.constant 0 : i32
    %dma_start3A_372 = arith.constant 0 : i32
    %dma_start3A_373 = tpu.memref_slice %arg15[%dma_start3A_371, %dma_start3A_372] : memref<10240x64xf32, #tpu.memory_space<vmem_shared>> -> memref<10240x64xf32, #tpu.memory_space<vmem_shared>>
    tpu.enqueue_indirect_dma source(%arg11 : memref<125x64xf32, #tpu.memory_space<vmem>>) target(%dma_start3A_373 : memref<10240x64xf32, #tpu.memory_space<vmem_shared>>) offsets(%dma_start3A_370 : memref<125xi32, #tpu.memory_space<vmem>>) semaphore(%arg20 : memref<!tpu.dma_semaphore, #tpu.memory_space<semaphore_mem>>) {add = true}
    %dma_wait3A_374 = arith.constant 74 : i32
    %dma_wait3A_375 = arith.constant 0 : i32
    %dma_wait3A_376 = tpu.memref_slice %arg10[%dma_wait3A_374, %dma_wait3A_375] : memref<80x125xi32, #tpu.memory_space<vmem>> -> memref<1x125xi32, #tpu.memory_space<vmem>>
    %dma_wait3A_377 = tpu.memref_squeeze %dma_wait3A_376 : memref<1x125xi32, #tpu.memory_space<vmem>> -> memref<125xi32, #tpu.memory_space<vmem>>
    %dma_wait3A_378 = arith.constant 0 : i32
    %dma_wait3A_379 = arith.constant 0 : i32
    %dma_wait3A_380 = tpu.memref_slice %arg15[%dma_wait3A_378, %dma_wait3A_379] : memref<10240x64xf32, #tpu.memory_space<vmem_shared>> -> memref<10240x64xf32, #tpu.memory_space<vmem_shared>>
    tpu.wait_indirect_dma semaphore(%arg22 : memref<!tpu.dma_semaphore, #tpu.memory_space<semaphore_mem>>) src(%arg13 : memref<125x64xf32, #tpu.memory_space<vmem>>) dst(%dma_wait3A_380 : memref<10240x64xf32, #tpu.memory_space<vmem_shared>>)
    %dma_start3A_381 = arith.constant 78 : i32
    %dma_start3A_382 = arith.constant 0 : i32
    %dma_start3A_383 = tpu.memref_slice %arg9[%dma_start3A_381, %dma_start3A_382] : memref<80x125xi32, #tpu.memory_space<vmem>> -> memref<1x125xi32, #tpu.memory_space<vmem>>
    %dma_start3A_384 = tpu.memref_squeeze %dma_start3A_383 : memref<1x125xi32, #tpu.memory_space<vmem>> -> memref<125xi32, #tpu.memory_space<vmem>>
    %dma_start3A_385 = arith.constant 0 : i32
    %dma_start3A_386 = arith.constant 0 : i32
    %dma_start3A_387 = tpu.memref_slice %arg3[%dma_start3A_385, %dma_start3A_386] : memref<10000x64xf32, #tpu.memory_space<hbm>> -> memref<10000x64xf32, #tpu.memory_space<hbm>>
    tpu.enqueue_indirect_dma source(%dma_start3A_387 : memref<10000x64xf32, #tpu.memory_space<hbm>>) target(%arg13 : memref<125x64xf32, #tpu.memory_space<vmem>>) offsets(%dma_start3A_384 : memref<125xi32, #tpu.memory_space<vmem>>) semaphore(%arg18 : memref<!tpu.dma_semaphore, #tpu.memory_space<semaphore_mem>>)
    %dma_wait3A_388 = arith.constant 77 : i32
    %dma_wait3A_389 = arith.constant 0 : i32
    %dma_wait3A_390 = tpu.memref_slice %arg9[%dma_wait3A_388, %dma_wait3A_389] : memref<80x125xi32, #tpu.memory_space<vmem>> -> memref<1x125xi32, #tpu.memory_space<vmem>>
    %dma_wait3A_391 = tpu.memref_squeeze %dma_wait3A_390 : memref<1x125xi32, #tpu.memory_space<vmem>> -> memref<125xi32, #tpu.memory_space<vmem>>
    %dma_wait3A_392 = arith.constant 0 : i32
    %dma_wait3A_393 = arith.constant 0 : i32
    %dma_wait3A_394 = tpu.memref_slice %arg3[%dma_wait3A_392, %dma_wait3A_393] : memref<10000x64xf32, #tpu.memory_space<hbm>> -> memref<10000x64xf32, #tpu.memory_space<hbm>>
    tpu.wait_indirect_dma semaphore(%arg17 : memref<!tpu.dma_semaphore, #tpu.memory_space<semaphore_mem>>) src(%dma_wait3A_394 : memref<10000x64xf32, #tpu.memory_space<hbm>>) dst(%arg12 : memref<125x64xf32, #tpu.memory_space<vmem>>)
    %dma_start3A_395 = arith.constant 77 : i32
    %dma_start3A_396 = arith.constant 0 : i32
    %dma_start3A_397 = tpu.memref_slice %arg10[%dma_start3A_395, %dma_start3A_396] : memref<80x125xi32, #tpu.memory_space<vmem>> -> memref<1x125xi32, #tpu.memory_space<vmem>>
    %dma_start3A_398 = tpu.memref_squeeze %dma_start3A_397 : memref<1x125xi32, #tpu.memory_space<vmem>> -> memref<125xi32, #tpu.memory_space<vmem>>
    %dma_start3A_399 = arith.constant 0 : i32
    %dma_start3A_400 = arith.constant 0 : i32
    %dma_start3A_401 = tpu.memref_slice %arg15[%dma_start3A_399, %dma_start3A_400] : memref<10240x64xf32, #tpu.memory_space<vmem_shared>> -> memref<10240x64xf32, #tpu.memory_space<vmem_shared>>
    tpu.enqueue_indirect_dma source(%arg12 : memref<125x64xf32, #tpu.memory_space<vmem>>) target(%dma_start3A_401 : memref<10240x64xf32, #tpu.memory_space<vmem_shared>>) offsets(%dma_start3A_398 : memref<125xi32, #tpu.memory_space<vmem>>) semaphore(%arg21 : memref<!tpu.dma_semaphore, #tpu.memory_space<semaphore_mem>>) {add = true}
    %dma_wait3A_402 = arith.constant 75 : i32
    %dma_wait3A_403 = arith.constant 0 : i32
    %dma_wait3A_404 = tpu.memref_slice %arg10[%dma_wait3A_402, %dma_wait3A_403] : memref<80x125xi32, #tpu.memory_space<vmem>> -> memref<1x125xi32, #tpu.memory_space<vmem>>
    %dma_wait3A_405 = tpu.memref_squeeze %dma_wait3A_404 : memref<1x125xi32, #tpu.memory_space<vmem>> -> memref<125xi32, #tpu.memory_space<vmem>>
    %dma_wait3A_406 = arith.constant 0 : i32
    %dma_wait3A_407 = arith.constant 0 : i32
    %dma_wait3A_408 = tpu.memref_slice %arg15[%dma_wait3A_406, %dma_wait3A_407] : memref<10240x64xf32, #tpu.memory_space<vmem_shared>> -> memref<10240x64xf32, #tpu.memory_space<vmem_shared>>
    tpu.wait_indirect_dma semaphore(%arg23 : memref<!tpu.dma_semaphore, #tpu.memory_space<semaphore_mem>>) src(%arg14 : memref<125x64xf32, #tpu.memory_space<vmem>>) dst(%dma_wait3A_408 : memref<10240x64xf32, #tpu.memory_space<vmem_shared>>)
    %dma_start3A_409 = arith.constant 79 : i32
    %dma_start3A_410 = arith.constant 0 : i32
    %dma_start3A_411 = tpu.memref_slice %arg9[%dma_start3A_409, %dma_start3A_410] : memref<80x125xi32, #tpu.memory_space<vmem>> -> memref<1x125xi32, #tpu.memory_space<vmem>>
    %dma_start3A_412 = tpu.memref_squeeze %dma_start3A_411 : memref<1x125xi32, #tpu.memory_space<vmem>> -> memref<125xi32, #tpu.memory_space<vmem>>
    %dma_start3A_413 = arith.constant 0 : i32
    %dma_start3A_414 = arith.constant 0 : i32
    %dma_start3A_415 = tpu.memref_slice %arg3[%dma_start3A_413, %dma_start3A_414] : memref<10000x64xf32, #tpu.memory_space<hbm>> -> memref<10000x64xf32, #tpu.memory_space<hbm>>
    tpu.enqueue_indirect_dma source(%dma_start3A_415 : memref<10000x64xf32, #tpu.memory_space<hbm>>) target(%arg14 : memref<125x64xf32, #tpu.memory_space<vmem>>) offsets(%dma_start3A_412 : memref<125xi32, #tpu.memory_space<vmem>>) semaphore(%arg19 : memref<!tpu.dma_semaphore, #tpu.memory_space<semaphore_mem>>)
    %dma_wait3A_416 = arith.constant 78 : i32
    %dma_wait3A_417 = arith.constant 0 : i32
    %dma_wait3A_418 = tpu.memref_slice %arg9[%dma_wait3A_416, %dma_wait3A_417] : memref<80x125xi32, #tpu.memory_space<vmem>> -> memref<1x125xi32, #tpu.memory_space<vmem>>
    %dma_wait3A_419 = tpu.memref_squeeze %dma_wait3A_418 : memref<1x125xi32, #tpu.memory_space<vmem>> -> memref<125xi32, #tpu.memory_space<vmem>>
    %dma_wait3A_420 = arith.constant 0 : i32
    %dma_wait3A_421 = arith.constant 0 : i32
    %dma_wait3A_422 = tpu.memref_slice %arg3[%dma_wait3A_420, %dma_wait3A_421] : memref<10000x64xf32, #tpu.memory_space<hbm>> -> memref<10000x64xf32, #tpu.memory_space<hbm>>
    tpu.wait_indirect_dma semaphore(%arg18 : memref<!tpu.dma_semaphore, #tpu.memory_space<semaphore_mem>>) src(%dma_wait3A_422 : memref<10000x64xf32, #tpu.memory_space<hbm>>) dst(%arg13 : memref<125x64xf32, #tpu.memory_space<vmem>>)
    %dma_start3A_423 = arith.constant 78 : i32
    %dma_start3A_424 = arith.constant 0 : i32
    %dma_start3A_425 = tpu.memref_slice %arg10[%dma_start3A_423, %dma_start3A_424] : memref<80x125xi32, #tpu.memory_space<vmem>> -> memref<1x125xi32, #tpu.memory_space<vmem>>
    %dma_start3A_426 = tpu.memref_squeeze %dma_start3A_425 : memref<1x125xi32, #tpu.memory_space<vmem>> -> memref<125xi32, #tpu.memory_space<vmem>>
    %dma_start3A_427 = arith.constant 0 : i32
    %dma_start3A_428 = arith.constant 0 : i32
    %dma_start3A_429 = tpu.memref_slice %arg15[%dma_start3A_427, %dma_start3A_428] : memref<10240x64xf32, #tpu.memory_space<vmem_shared>> -> memref<10240x64xf32, #tpu.memory_space<vmem_shared>>
    tpu.enqueue_indirect_dma source(%arg13 : memref<125x64xf32, #tpu.memory_space<vmem>>) target(%dma_start3A_429 : memref<10240x64xf32, #tpu.memory_space<vmem_shared>>) offsets(%dma_start3A_426 : memref<125xi32, #tpu.memory_space<vmem>>) semaphore(%arg22 : memref<!tpu.dma_semaphore, #tpu.memory_space<semaphore_mem>>) {add = true}
    %dma_wait3A_430 = arith.constant 76 : i32
    %dma_wait3A_431 = arith.constant 0 : i32
    %dma_wait3A_432 = tpu.memref_slice %arg10[%dma_wait3A_430, %dma_wait3A_431] : memref<80x125xi32, #tpu.memory_space<vmem>> -> memref<1x125xi32, #tpu.memory_space<vmem>>
    %dma_wait3A_433 = tpu.memref_squeeze %dma_wait3A_432 : memref<1x125xi32, #tpu.memory_space<vmem>> -> memref<125xi32, #tpu.memory_space<vmem>>
    %dma_wait3A_434 = arith.constant 0 : i32
    %dma_wait3A_435 = arith.constant 0 : i32
    %dma_wait3A_436 = tpu.memref_slice %arg15[%dma_wait3A_434, %dma_wait3A_435] : memref<10240x64xf32, #tpu.memory_space<vmem_shared>> -> memref<10240x64xf32, #tpu.memory_space<vmem_shared>>
    tpu.wait_indirect_dma semaphore(%arg20 : memref<!tpu.dma_semaphore, #tpu.memory_space<semaphore_mem>>) src(%arg11 : memref<125x64xf32, #tpu.memory_space<vmem>>) dst(%dma_wait3A_436 : memref<10240x64xf32, #tpu.memory_space<vmem_shared>>)
    %dma_wait3A_437 = arith.constant 79 : i32
    %dma_wait3A_438 = arith.constant 0 : i32
    %dma_wait3A_439 = tpu.memref_slice %arg9[%dma_wait3A_437, %dma_wait3A_438] : memref<80x125xi32, #tpu.memory_space<vmem>> -> memref<1x125xi32, #tpu.memory_space<vmem>>
    %dma_wait3A_440 = tpu.memref_squeeze %dma_wait3A_439 : memref<1x125xi32, #tpu.memory_space<vmem>> -> memref<125xi32, #tpu.memory_space<vmem>>
    %dma_wait3A_441 = arith.constant 0 : i32
    %dma_wait3A_442 = arith.constant 0 : i32
    %dma_wait3A_443 = tpu.memref_slice %arg3[%dma_wait3A_441, %dma_wait3A_442] : memref<10000x64xf32, #tpu.memory_space<hbm>> -> memref<10000x64xf32, #tpu.memory_space<hbm>>
    tpu.wait_indirect_dma semaphore(%arg19 : memref<!tpu.dma_semaphore, #tpu.memory_space<semaphore_mem>>) src(%dma_wait3A_443 : memref<10000x64xf32, #tpu.memory_space<hbm>>) dst(%arg14 : memref<125x64xf32, #tpu.memory_space<vmem>>)
    %dma_start3A_444 = arith.constant 79 : i32
    %dma_start3A_445 = arith.constant 0 : i32
    %dma_start3A_446 = tpu.memref_slice %arg10[%dma_start3A_444, %dma_start3A_445] : memref<80x125xi32, #tpu.memory_space<vmem>> -> memref<1x125xi32, #tpu.memory_space<vmem>>
    %dma_start3A_447 = tpu.memref_squeeze %dma_start3A_446 : memref<1x125xi32, #tpu.memory_space<vmem>> -> memref<125xi32, #tpu.memory_space<vmem>>
    %dma_start3A_448 = arith.constant 0 : i32
    %dma_start3A_449 = arith.constant 0 : i32
    %dma_start3A_450 = tpu.memref_slice %arg15[%dma_start3A_448, %dma_start3A_449] : memref<10240x64xf32, #tpu.memory_space<vmem_shared>> -> memref<10240x64xf32, #tpu.memory_space<vmem_shared>>
    tpu.enqueue_indirect_dma source(%arg14 : memref<125x64xf32, #tpu.memory_space<vmem>>) target(%dma_start3A_450 : memref<10240x64xf32, #tpu.memory_space<vmem_shared>>) offsets(%dma_start3A_447 : memref<125xi32, #tpu.memory_space<vmem>>) semaphore(%arg23 : memref<!tpu.dma_semaphore, #tpu.memory_space<semaphore_mem>>) {add = true}
    %dma_wait3A_451 = arith.constant 77 : i32
    %dma_wait3A_452 = arith.constant 0 : i32
    %dma_wait3A_453 = tpu.memref_slice %arg10[%dma_wait3A_451, %dma_wait3A_452] : memref<80x125xi32, #tpu.memory_space<vmem>> -> memref<1x125xi32, #tpu.memory_space<vmem>>
    %dma_wait3A_454 = tpu.memref_squeeze %dma_wait3A_453 : memref<1x125xi32, #tpu.memory_space<vmem>> -> memref<125xi32, #tpu.memory_space<vmem>>
    %dma_wait3A_455 = arith.constant 0 : i32
    %dma_wait3A_456 = arith.constant 0 : i32
    %dma_wait3A_457 = tpu.memref_slice %arg15[%dma_wait3A_455, %dma_wait3A_456] : memref<10240x64xf32, #tpu.memory_space<vmem_shared>> -> memref<10240x64xf32, #tpu.memory_space<vmem_shared>>
    tpu.wait_indirect_dma semaphore(%arg21 : memref<!tpu.dma_semaphore, #tpu.memory_space<semaphore_mem>>) src(%arg12 : memref<125x64xf32, #tpu.memory_space<vmem>>) dst(%dma_wait3A_457 : memref<10240x64xf32, #tpu.memory_space<vmem_shared>>)
    %dma_wait3A_458 = arith.constant 78 : i32
    %dma_wait3A_459 = arith.constant 0 : i32
    %dma_wait3A_460 = tpu.memref_slice %arg10[%dma_wait3A_458, %dma_wait3A_459] : memref<80x125xi32, #tpu.memory_space<vmem>> -> memref<1x125xi32, #tpu.memory_space<vmem>>
    %dma_wait3A_461 = tpu.memref_squeeze %dma_wait3A_460 : memref<1x125xi32, #tpu.memory_space<vmem>> -> memref<125xi32, #tpu.memory_space<vmem>>
    %dma_wait3A_462 = arith.constant 0 : i32
    %dma_wait3A_463 = arith.constant 0 : i32
    %dma_wait3A_464 = tpu.memref_slice %arg15[%dma_wait3A_462, %dma_wait3A_463] : memref<10240x64xf32, #tpu.memory_space<vmem_shared>> -> memref<10240x64xf32, #tpu.memory_space<vmem_shared>>
    tpu.wait_indirect_dma semaphore(%arg22 : memref<!tpu.dma_semaphore, #tpu.memory_space<semaphore_mem>>) src(%arg13 : memref<125x64xf32, #tpu.memory_space<vmem>>) dst(%dma_wait3A_464 : memref<10240x64xf32, #tpu.memory_space<vmem_shared>>)
    %dma_wait3A_465 = arith.constant 79 : i32
    %dma_wait3A_466 = arith.constant 0 : i32
    %dma_wait3A_467 = tpu.memref_slice %arg10[%dma_wait3A_465, %dma_wait3A_466] : memref<80x125xi32, #tpu.memory_space<vmem>> -> memref<1x125xi32, #tpu.memory_space<vmem>>
    %dma_wait3A_468 = tpu.memref_squeeze %dma_wait3A_467 : memref<1x125xi32, #tpu.memory_space<vmem>> -> memref<125xi32, #tpu.memory_space<vmem>>
    %dma_wait3A_469 = arith.constant 0 : i32
    %dma_wait3A_470 = arith.constant 0 : i32
    %dma_wait3A_471 = tpu.memref_slice %arg15[%dma_wait3A_469, %dma_wait3A_470] : memref<10240x64xf32, #tpu.memory_space<vmem_shared>> -> memref<10240x64xf32, #tpu.memory_space<vmem_shared>>
    tpu.wait_indirect_dma semaphore(%arg23 : memref<!tpu.dma_semaphore, #tpu.memory_space<semaphore_mem>>) src(%arg14 : memref<125x64xf32, #tpu.memory_space<vmem>>) dst(%dma_wait3A_471 : memref<10240x64xf32, #tpu.memory_space<vmem_shared>>)
    %barrier3A_472 = arith.constant 0 : index
    tpu.barrier barrier_id(%barrier3A_472)
    %mul3A_473 = arith.constant 640 : i32
    %mul3A_474 = arith.muli %arg1, %mul3A_473 : i32
    %mul3A_475 = arith.constant 640 : i32
    %mul3A_476 = arith.muli %arg1, %mul3A_475 : i32
    "tpu.region"() ({
      %run_scoped3A = tpu.sem_alloc : memref<!tpu.dma_semaphore, #tpu.memory_space<semaphore_mem>>
      %dma_start3A_477 = arith.constant 0 : i32
      %dma_start3A_478 = tpu.memref_slice %arg8[%arg0, %mul3A_476, %dma_start3A_477] : memref<2x10240x64xf32, #tpu.memory_space<hbm>> -> memref<1x640x64xf32, #tpu.memory_space<hbm>>
      %dma_start3A_479 = tpu.memref_squeeze %dma_start3A_478 : memref<1x640x64xf32, #tpu.memory_space<hbm>> -> memref<640x64xf32, #tpu.memory_space<hbm>>
      %dma_start3A_480 = arith.constant 0 : i32
      %dma_start3A_481 = tpu.memref_slice %arg15[%mul3A_474, %dma_start3A_480] : memref<10240x64xf32, #tpu.memory_space<vmem_shared>> -> memref<640x64xf32, #tpu.memory_space<vmem_shared>>
      tpu.enqueue_dma source(%dma_start3A_481 : memref<640x64xf32, #tpu.memory_space<vmem_shared>>) target(%dma_start3A_479 : memref<640x64xf32, #tpu.memory_space<hbm>>) target_semaphore(%run_scoped3A : memref<!tpu.dma_semaphore, #tpu.memory_space<semaphore_mem>>)
      %dma_wait3A_482 = arith.constant 0 : i32
      %dma_wait3A_483 = tpu.memref_slice %arg8[%arg0, %mul3A_476, %dma_wait3A_482] : memref<2x10240x64xf32, #tpu.memory_space<hbm>> -> memref<1x640x64xf32, #tpu.memory_space<hbm>>
      %dma_wait3A_484 = tpu.memref_squeeze %dma_wait3A_483 : memref<1x640x64xf32, #tpu.memory_space<hbm>> -> memref<640x64xf32, #tpu.memory_space<hbm>>
      %dma_wait3A_485 = arith.constant 0 : i32
      %dma_wait3A_486 = tpu.memref_slice %arg15[%mul3A_474, %dma_wait3A_485] : memref<10240x64xf32, #tpu.memory_space<vmem_shared>> -> memref<640x64xf32, #tpu.memory_space<vmem_shared>>
      tpu.wait_dma2 semaphore(%run_scoped3A : memref<!tpu.dma_semaphore, #tpu.memory_space<semaphore_mem>>) src(%dma_wait3A_486 : memref<640x64xf32, #tpu.memory_space<vmem_shared>>) dst(%dma_wait3A_484 : memref<640x64xf32, #tpu.memory_space<hbm>>)
      tpu.yield
    }) : () -> ()
    return
  }
}

module attributes {stable_mosaic.version = 14 : i64} {
  func.func @_tca_body(%arg0: i32, %arg1: memref<2000x128xf32, #tpu.memory_space<vmem>>, %arg2: memref<2000x16xf32, #tpu.memory_space<vmem>>, %arg3: memref<144x128xf32, #tpu.memory_space<vmem>>, %arg4: memref<2x2000x16xf32, #tpu.memory_space<vmem>>, %arg5: memref<2000x64xf32, #tpu.memory_space<vmem>>, %arg6: memref<2000x64xf32, #tpu.memory_space<vmem>>) attributes {dimension_semantics = [#tpu.dimension_semantics<arbitrary>], iteration_bounds = array<i64: 5>, scalar_prefetch = 0 : i64, scratch_operands = 0 : i64, tpu.core_type = #tpu.core_type<tc>, window_params = [{transform_indices = @transform_0, window_bounds = array<i64: 2000, 128>}, {transform_indices = @transform_1, window_bounds = array<i64: 2000, 16>}, {pipeline_mode = #tpu.pipeline_mode<synchronous>, transform_indices = @transform_2, window_bounds = array<i64: 144, 128>}, {transform_indices = @transform_3, window_bounds = array<i64: 2, 2000, 16>}, {transform_indices = @transform_4, window_bounds = array<i64: 2000, 64>}, {transform_indices = @transform_5, window_bounds = array<i64: 2000, 64>}]} {
    %get3A = arith.constant 0 : index
    %get3A_0 = arith.constant 0 : index
    %get3A_1 = arith.constant 0 : index
    %get3A_2 = vector.load %arg4[%get3A, %get3A_0, %get3A_1] : memref<2x2000x16xf32, #tpu.memory_space<vmem>>, vector<2x2000x16xf32>
    %slice3A = vector.extract_strided_slice %get3A_2 {offsets = [0, 0, 0], sizes = [1, 2000, 16], strides = [1, 1, 1]} : vector<2x2000x16xf32> to vector<1x2000x16xf32>
    %squeeze3A = vector.shape_cast %slice3A : vector<1x2000x16xf32> to vector<2000x16xf32>
    %slice3A_3 = vector.extract_strided_slice %get3A_2 {offsets = [1, 0, 0], sizes = [1, 2000, 16], strides = [1, 1, 1]} : vector<2x2000x16xf32> to vector<1x2000x16xf32>
    %squeeze3A_4 = vector.shape_cast %slice3A_3 : vector<1x2000x16xf32> to vector<2000x16xf32>
    %add3A = arith.addf %squeeze3A, %squeeze3A_4 : vector<2000x16xf32>
    %reduce_sum3A = arith.constant dense<0.000000e+00> : vector<2000xf32>
    %reduce_sum3A_5 = vector.multi_reduction <add>, %add3A, %reduce_sum3A [1] : vector<2000x16xf32> to vector<2000xf32>
    %mul3A = arith.constant 6.250000e-02 : f32
    %mul3A_6 = vector.broadcast %mul3A : f32 to vector<2000xf32>
    %mul3A_7 = arith.mulf %reduce_sum3A_5, %mul3A_6 : vector<2000xf32>
    %add3A_8 = arith.constant 1.000000e+00 : f32
    %add3A_9 = vector.broadcast %add3A_8 : f32 to vector<2000xf32>
    %add3A_10 = arith.addf %mul3A_7, %add3A_9 : vector<2000xf32>
    %rsqrt3A = math.rsqrt %add3A_10 : vector<2000xf32>
    %get3A_11 = arith.constant 0 : index
    %get3A_12 = arith.constant 0 : index
    %get3A_13 = vector.load %arg1[%get3A_11, %get3A_12] : memref<2000x128xf32, #tpu.memory_space<vmem>>, vector<2000x128xf32>
    %get3A_14 = arith.constant 0 : index
    %get3A_15 = arith.constant 0 : index
    %get3A_16 = vector.load %arg3[%get3A_14, %get3A_15] : memref<144x128xf32, #tpu.memory_space<vmem>>, vector<128x128xf32>
    %dot_general3A = arith.constant dense<0.000000e+00> : vector<2000x128xf32>
    %dot_general3A_17 = tpu.matmul %get3A_13, %get3A_16, %dot_general3A {dimension_numbers = #tpu.dot_dimension_numbers<[1], [0], [0], [1], [0, 0, 1, 1], [], []>, transpose_lhs_hint = false} : vector<2000x128xf32>, vector<128x128xf32>, vector<2000x128xf32> -> vector<2000x128xf32>
    %get3A_18 = arith.constant 0 : index
    %get3A_19 = arith.constant 0 : index
    %get3A_20 = vector.load %arg2[%get3A_18, %get3A_19] : memref<2000x16xf32, #tpu.memory_space<vmem>>, vector<2000x16xf32>
    %get3A_21 = arith.constant 128 : index
    %get3A_22 = arith.constant 0 : index
    %get3A_23 = vector.load %arg3[%get3A_21, %get3A_22] : memref<144x128xf32, #tpu.memory_space<vmem>>, vector<16x128xf32>
    %dot_general3A_24 = arith.constant dense<0.000000e+00> : vector<2000x128xf32>
    %dot_general3A_25 = tpu.matmul %get3A_20, %get3A_23, %dot_general3A_24 {dimension_numbers = #tpu.dot_dimension_numbers<[1], [0], [0], [1], [0, 0, 1, 1], [], []>, transpose_lhs_hint = false} : vector<2000x16xf32>, vector<16x128xf32>, vector<2000x128xf32> -> vector<2000x128xf32>
    %add3A_26 = arith.addf %dot_general3A_17, %dot_general3A_25 : vector<2000x128xf32>
    %broadcast_in_dim3A = vector.shape_cast %rsqrt3A : vector<2000xf32> to vector<2000x1xf32>
    %mul3A_27 = vector.broadcast %broadcast_in_dim3A : vector<2000x1xf32> to vector<2000x128xf32>
    %mul3A_28 = arith.mulf %add3A_26, %mul3A_27 : vector<2000x128xf32>
    %slice3A_29 = vector.extract_strided_slice %mul3A_28 {offsets = [0, 0], sizes = [2000, 64], strides = [1, 1]} : vector<2000x128xf32> to vector<2000x64xf32>
    %swap3A = arith.constant 0 : index
    %swap3A_30 = arith.constant 0 : index
    %swap3A_31 = vector.load %arg5[%swap3A, %swap3A_30] : memref<2000x64xf32, #tpu.memory_space<vmem>>, vector<2000x64xf32>
    tpu.vector_store %arg5[%swap3A, %swap3A_30], %slice3A_29 {strides = array<i32>} : memref<2000x64xf32, #tpu.memory_space<vmem>>, vector<2000x64xf32>,
    %slice3A_32 = vector.extract_strided_slice %mul3A_28 {offsets = [0, 64], sizes = [2000, 64], strides = [1, 1]} : vector<2000x128xf32> to vector<2000x64xf32>
    %swap3A_33 = arith.constant 0 : index
    %swap3A_34 = arith.constant 0 : index
    %swap3A_35 = vector.load %arg6[%swap3A_33, %swap3A_34] : memref<2000x64xf32, #tpu.memory_space<vmem>>, vector<2000x64xf32>
    tpu.vector_store %arg6[%swap3A_33, %swap3A_34], %slice3A_32 {strides = array<i32>} : memref<2000x64xf32, #tpu.memory_space<vmem>>, vector<2000x64xf32>,
    return
  }
  func.func @transform_0(%arg0: i32) -> (i32, i32) {
    %c0_i32 = arith.constant 0 : i32
    %c0_i32_0 = arith.constant 0 : i32
    return %arg0, %c0_i32 : i32, i32
  }
  func.func @transform_1(%arg0: i32) -> (i32, i32) {
    %c0_i32 = arith.constant 0 : i32
    %c0_i32_0 = arith.constant 0 : i32
    return %arg0, %c0_i32 : i32, i32
  }
  func.func @transform_2(%arg0: i32) -> (i32, i32) {
    %c0_i32 = arith.constant 0 : i32
    %c0_i32_0 = arith.constant 0 : i32
    %c0_i32_1 = arith.constant 0 : i32
    return %c0_i32, %c0_i32_0 : i32, i32
  }
  func.func @transform_3(%arg0: i32) -> (i32, i32, i32) {
    %c0_i32 = arith.constant 0 : i32
    %c0_i32_0 = arith.constant 0 : i32
    %c0_i32_1 = arith.constant 0 : i32
    return %c0_i32, %arg0, %c0_i32_0 : i32, i32, i32
  }
  func.func @transform_4(%arg0: i32) -> (i32, i32) {
    %c0_i32 = arith.constant 0 : i32
    %c0_i32_0 = arith.constant 0 : i32
    return %arg0, %c0_i32 : i32, i32
  }
  func.func @transform_5(%arg0: i32) -> (i32, i32) {
    %c0_i32 = arith.constant 0 : i32
    %c0_i32_0 = arith.constant 0 : i32
    return %arg0, %c0_i32 : i32, i32
  }
}

module attributes {stable_mosaic.version = 14 : i64} {
  func.func @_tcb_body(%arg0: i32, %arg1: memref<2000x64xf32, #tpu.memory_space<vmem>>, %arg2: memref<2000x64xf32, #tpu.memory_space<vmem>>, %arg3: memref<2x2000x64xf32, #tpu.memory_space<vmem>>, %arg4: memref<2x2000x64xf32, #tpu.memory_space<vmem>>, %arg5: memref<2x2000x16xf32, #tpu.memory_space<vmem>>, %arg6: memref<128xf32, #tpu.memory_space<vmem>>, %arg7: memref<128x128xf32, #tpu.memory_space<vmem>>, %arg8: memref<2000x64xf32, #tpu.memory_space<vmem>>, %arg9: memref<2000x64xf32, #tpu.memory_space<vmem>>) attributes {dimension_semantics = [#tpu.dimension_semantics<arbitrary>], iteration_bounds = array<i64: 5>, scalar_prefetch = 0 : i64, scratch_operands = 0 : i64, tpu.core_type = #tpu.core_type<tc>, window_params = [{transform_indices = @transform_0, window_bounds = array<i64: 2000, 64>}, {transform_indices = @transform_1, window_bounds = array<i64: 2000, 64>}, {transform_indices = @transform_2, window_bounds = array<i64: 2, 2000, 64>}, {transform_indices = @transform_3, window_bounds = array<i64: 2, 2000, 64>}, {transform_indices = @transform_4, window_bounds = array<i64: 2, 2000, 16>}, {pipeline_mode = #tpu.pipeline_mode<synchronous>, transform_indices = @transform_5, window_bounds = array<i64: 128>}, {pipeline_mode = #tpu.pipeline_mode<synchronous>, transform_indices = @transform_6, window_bounds = array<i64: 128, 128>}, {transform_indices = @transform_7, window_bounds = array<i64: 2000, 64>}, {transform_indices = @transform_8, window_bounds = array<i64: 2000, 64>}]} {
    %get3A = arith.constant 0 : index
    %get3A_0 = arith.constant 0 : index
    %get3A_1 = arith.constant 0 : index
    %get3A_2 = vector.load %arg5[%get3A, %get3A_0, %get3A_1] : memref<2x2000x16xf32, #tpu.memory_space<vmem>>, vector<2x2000x16xf32>
    %slice3A = vector.extract_strided_slice %get3A_2 {offsets = [0, 0, 0], sizes = [1, 2000, 16], strides = [1, 1, 1]} : vector<2x2000x16xf32> to vector<1x2000x16xf32>
    %squeeze3A = vector.shape_cast %slice3A : vector<1x2000x16xf32> to vector<2000x16xf32>
    %slice3A_3 = vector.extract_strided_slice %get3A_2 {offsets = [1, 0, 0], sizes = [1, 2000, 16], strides = [1, 1, 1]} : vector<2x2000x16xf32> to vector<1x2000x16xf32>
    %squeeze3A_4 = vector.shape_cast %slice3A_3 : vector<1x2000x16xf32> to vector<2000x16xf32>
    %add3A = arith.addf %squeeze3A, %squeeze3A_4 : vector<2000x16xf32>
    %reduce_sum3A = arith.constant dense<0.000000e+00> : vector<2000xf32>
    %reduce_sum3A_5 = vector.multi_reduction <add>, %add3A, %reduce_sum3A [1] : vector<2000x16xf32> to vector<2000xf32>
    %mul3A = arith.constant 6.250000e-02 : f32
    %mul3A_6 = vector.broadcast %mul3A : f32 to vector<2000xf32>
    %mul3A_7 = arith.mulf %reduce_sum3A_5, %mul3A_6 : vector<2000xf32>
    %add3A_8 = arith.constant 1.000000e+00 : f32
    %add3A_9 = vector.broadcast %add3A_8 : f32 to vector<2000xf32>
    %add3A_10 = arith.addf %mul3A_7, %add3A_9 : vector<2000xf32>
    %rsqrt3A = math.rsqrt %add3A_10 : vector<2000xf32>
    %get3A_11 = arith.constant 0 : index
    %get3A_12 = arith.constant 0 : index
    %get3A_13 = vector.load %arg1[%get3A_11, %get3A_12] : memref<2000x64xf32, #tpu.memory_space<vmem>>, vector<2000x64xf32>
    %get3A_14 = arith.constant 0 : index
    %get3A_15 = arith.constant 0 : index
    %get3A_16 = arith.constant 0 : index
    %get3A_17 = vector.load %arg3[%get3A_14, %get3A_15, %get3A_16] : memref<2x2000x64xf32, #tpu.memory_space<vmem>>, vector<1x2000x64xf32>
    %get3A_18 = vector.shape_cast %get3A_17 : vector<1x2000x64xf32> to vector<2000x64xf32>
    %add3A_19 = arith.addf %get3A_13, %get3A_18 : vector<2000x64xf32>
    %get3A_20 = arith.constant 1 : index
    %get3A_21 = arith.constant 0 : index
    %get3A_22 = arith.constant 0 : index
    %get3A_23 = vector.load %arg3[%get3A_20, %get3A_21, %get3A_22] : memref<2x2000x64xf32, #tpu.memory_space<vmem>>, vector<1x2000x64xf32>
    %get3A_24 = vector.shape_cast %get3A_23 : vector<1x2000x64xf32> to vector<2000x64xf32>
    %add3A_25 = arith.addf %add3A_19, %get3A_24 : vector<2000x64xf32>
    %get3A_26 = arith.constant 0 : index
    %get3A_27 = arith.constant 0 : index
    %get3A_28 = vector.load %arg2[%get3A_26, %get3A_27] : memref<2000x64xf32, #tpu.memory_space<vmem>>, vector<2000x64xf32>
    %get3A_29 = arith.constant 0 : index
    %get3A_30 = arith.constant 0 : index
    %get3A_31 = arith.constant 0 : index
    %get3A_32 = vector.load %arg4[%get3A_29, %get3A_30, %get3A_31] : memref<2x2000x64xf32, #tpu.memory_space<vmem>>, vector<1x2000x64xf32>
    %get3A_33 = vector.shape_cast %get3A_32 : vector<1x2000x64xf32> to vector<2000x64xf32>
    %add3A_34 = arith.addf %get3A_28, %get3A_33 : vector<2000x64xf32>
    %get3A_35 = arith.constant 1 : index
    %get3A_36 = arith.constant 0 : index
    %get3A_37 = arith.constant 0 : index
    %get3A_38 = vector.load %arg4[%get3A_35, %get3A_36, %get3A_37] : memref<2x2000x64xf32, #tpu.memory_space<vmem>>, vector<1x2000x64xf32>
    %get3A_39 = vector.shape_cast %get3A_38 : vector<1x2000x64xf32> to vector<2000x64xf32>
    %add3A_40 = arith.addf %add3A_34, %get3A_39 : vector<2000x64xf32>
    %concatenate3A = tpu.concatenate %add3A_25, %add3A_40 in 1 : vector<2000x64xf32>, vector<2000x64xf32> -> vector<2000x128xf32>
    %broadcast_in_dim3A = vector.shape_cast %rsqrt3A : vector<2000xf32> to vector<2000x1xf32>
    %mul3A_41 = vector.broadcast %broadcast_in_dim3A : vector<2000x1xf32> to vector<2000x128xf32>
    %mul3A_42 = arith.mulf %concatenate3A, %mul3A_41 : vector<2000x128xf32>
    %get3A_43 = arith.constant 0 : index
    %get3A_44 = vector.load %arg6[%get3A_43] : memref<128xf32, #tpu.memory_space<vmem>>, vector<128xf32>
    %broadcast_in_dim3A_45 = vector.shape_cast %get3A_44 : vector<128xf32> to vector<1x128xf32>
    %add3A_46 = vector.broadcast %broadcast_in_dim3A_45 : vector<1x128xf32> to vector<2000x128xf32>
    %add3A_47 = arith.addf %mul3A_42, %add3A_46 : vector<2000x128xf32>
    %max3A = arith.constant 0.000000e+00 : f32
    %max3A_48 = vector.broadcast %max3A : f32 to vector<2000x128xf32>
    %max3A_49 = arith.maximumf %add3A_47, %max3A_48 : vector<2000x128xf32>
    %get3A_50 = arith.constant 0 : index
    %get3A_51 = arith.constant 0 : index
    %get3A_52 = vector.load %arg7[%get3A_50, %get3A_51] : memref<128x128xf32, #tpu.memory_space<vmem>>, vector<128x128xf32>
    %dot_general3A = arith.constant dense<0.000000e+00> : vector<2000x128xf32>
    %dot_general3A_53 = tpu.matmul %max3A_49, %get3A_52, %dot_general3A {dimension_numbers = #tpu.dot_dimension_numbers<[1], [0], [0], [1], [0, 0, 1, 1], [], []>, transpose_lhs_hint = false} : vector<2000x128xf32>, vector<128x128xf32>, vector<2000x128xf32> -> vector<2000x128xf32>
    %broadcast_in_dim3A_54 = vector.shape_cast %rsqrt3A : vector<2000xf32> to vector<2000x1xf32>
    %mul3A_55 = vector.broadcast %broadcast_in_dim3A_54 : vector<2000x1xf32> to vector<2000x128xf32>
    %mul3A_56 = arith.mulf %dot_general3A_53, %mul3A_55 : vector<2000x128xf32>
    %slice3A_57 = vector.extract_strided_slice %mul3A_56 {offsets = [0, 0], sizes = [2000, 64], strides = [1, 1]} : vector<2000x128xf32> to vector<2000x64xf32>
    %swap3A = arith.constant 0 : index
    %swap3A_58 = arith.constant 0 : index
    %swap3A_59 = vector.load %arg8[%swap3A, %swap3A_58] : memref<2000x64xf32, #tpu.memory_space<vmem>>, vector<2000x64xf32>
    tpu.vector_store %arg8[%swap3A, %swap3A_58], %slice3A_57 {strides = array<i32>} : memref<2000x64xf32, #tpu.memory_space<vmem>>, vector<2000x64xf32>,
    %slice3A_60 = vector.extract_strided_slice %mul3A_56 {offsets = [0, 64], sizes = [2000, 64], strides = [1, 1]} : vector<2000x128xf32> to vector<2000x64xf32>
    %swap3A_61 = arith.constant 0 : index
    %swap3A_62 = arith.constant 0 : index
    %swap3A_63 = vector.load %arg9[%swap3A_61, %swap3A_62] : memref<2000x64xf32, #tpu.memory_space<vmem>>, vector<2000x64xf32>
    tpu.vector_store %arg9[%swap3A_61, %swap3A_62], %slice3A_60 {strides = array<i32>} : memref<2000x64xf32, #tpu.memory_space<vmem>>, vector<2000x64xf32>,
    return
  }
  func.func @transform_0(%arg0: i32) -> (i32, i32) {
    %c0_i32 = arith.constant 0 : i32
    %c0_i32_0 = arith.constant 0 : i32
    return %arg0, %c0_i32 : i32, i32
  }
  func.func @transform_1(%arg0: i32) -> (i32, i32) {
    %c0_i32 = arith.constant 0 : i32
    %c0_i32_0 = arith.constant 0 : i32
    return %arg0, %c0_i32 : i32, i32
  }
  func.func @transform_2(%arg0: i32) -> (i32, i32, i32) {
    %c0_i32 = arith.constant 0 : i32
    %c0_i32_0 = arith.constant 0 : i32
    %c0_i32_1 = arith.constant 0 : i32
    return %c0_i32, %arg0, %c0_i32_0 : i32, i32, i32
  }
  func.func @transform_3(%arg0: i32) -> (i32, i32, i32) {
    %c0_i32 = arith.constant 0 : i32
    %c0_i32_0 = arith.constant 0 : i32
    %c0_i32_1 = arith.constant 0 : i32
    return %c0_i32, %arg0, %c0_i32_0 : i32, i32, i32
  }
  func.func @transform_4(%arg0: i32) -> (i32, i32, i32) {
    %c0_i32 = arith.constant 0 : i32
    %c0_i32_0 = arith.constant 0 : i32
    %c0_i32_1 = arith.constant 0 : i32
    return %c0_i32, %arg0, %c0_i32_0 : i32, i32, i32
  }
  func.func @transform_5(%arg0: i32) -> i32 {
    %c0_i32 = arith.constant 0 : i32
    %c0_i32_0 = arith.constant 0 : i32
    return %c0_i32 : i32
  }
  func.func @transform_6(%arg0: i32) -> (i32, i32) {
    %c0_i32 = arith.constant 0 : i32
    %c0_i32_0 = arith.constant 0 : i32
    %c0_i32_1 = arith.constant 0 : i32
    return %c0_i32, %c0_i32_0 : i32, i32
  }
  func.func @transform_7(%arg0: i32) -> (i32, i32) {
    %c0_i32 = arith.constant 0 : i32
    %c0_i32_0 = arith.constant 0 : i32
    return %arg0, %c0_i32 : i32, i32
  }
  func.func @transform_8(%arg0: i32) -> (i32, i32) {
    %c0_i32 = arith.constant 0 : i32
    %c0_i32_0 = arith.constant 0 : i32
    return %arg0, %c0_i32 : i32, i32
  }
}

module attributes {stable_mosaic.version = 14 : i64} {
  func.func @_tcc_body(%arg0: i32, %arg1: memref<2000x64xf32, #tpu.memory_space<vmem>>, %arg2: memref<2000x64xf32, #tpu.memory_space<vmem>>, %arg3: memref<2x2000x64xf32, #tpu.memory_space<vmem>>, %arg4: memref<2x2000x64xf32, #tpu.memory_space<vmem>>, %arg5: memref<2x2000x16xf32, #tpu.memory_space<vmem>>, %arg6: memref<128xf32, #tpu.memory_space<vmem>>, %arg7: memref<128x2xf32, #tpu.memory_space<vmem>>, %arg8: memref<2000x128xf32, #tpu.memory_space<vmem>>, %arg9: memref<2000x2xf32, #tpu.memory_space<vmem>>) attributes {dimension_semantics = [#tpu.dimension_semantics<arbitrary>], iteration_bounds = array<i64: 5>, scalar_prefetch = 0 : i64, scratch_operands = 0 : i64, tpu.core_type = #tpu.core_type<tc>, window_params = [{transform_indices = @transform_0, window_bounds = array<i64: 2000, 64>}, {transform_indices = @transform_1, window_bounds = array<i64: 2000, 64>}, {transform_indices = @transform_2, window_bounds = array<i64: 2, 2000, 64>}, {transform_indices = @transform_3, window_bounds = array<i64: 2, 2000, 64>}, {transform_indices = @transform_4, window_bounds = array<i64: 2, 2000, 16>}, {pipeline_mode = #tpu.pipeline_mode<synchronous>, transform_indices = @transform_5, window_bounds = array<i64: 128>}, {pipeline_mode = #tpu.pipeline_mode<synchronous>, transform_indices = @transform_6, window_bounds = array<i64: 128, 2>}, {transform_indices = @transform_7, window_bounds = array<i64: 2000, 128>}, {transform_indices = @transform_8, window_bounds = array<i64: 2000, 2>}]} {
    %get3A = arith.constant 0 : index
    %get3A_0 = arith.constant 0 : index
    %get3A_1 = arith.constant 0 : index
    %get3A_2 = vector.load %arg5[%get3A, %get3A_0, %get3A_1] : memref<2x2000x16xf32, #tpu.memory_space<vmem>>, vector<2x2000x16xf32>
    %slice3A = vector.extract_strided_slice %get3A_2 {offsets = [0, 0, 0], sizes = [1, 2000, 16], strides = [1, 1, 1]} : vector<2x2000x16xf32> to vector<1x2000x16xf32>
    %squeeze3A = vector.shape_cast %slice3A : vector<1x2000x16xf32> to vector<2000x16xf32>
    %slice3A_3 = vector.extract_strided_slice %get3A_2 {offsets = [1, 0, 0], sizes = [1, 2000, 16], strides = [1, 1, 1]} : vector<2x2000x16xf32> to vector<1x2000x16xf32>
    %squeeze3A_4 = vector.shape_cast %slice3A_3 : vector<1x2000x16xf32> to vector<2000x16xf32>
    %add3A = arith.addf %squeeze3A, %squeeze3A_4 : vector<2000x16xf32>
    %reduce_sum3A = arith.constant dense<0.000000e+00> : vector<2000xf32>
    %reduce_sum3A_5 = vector.multi_reduction <add>, %add3A, %reduce_sum3A [1] : vector<2000x16xf32> to vector<2000xf32>
    %mul3A = arith.constant 6.250000e-02 : f32
    %mul3A_6 = vector.broadcast %mul3A : f32 to vector<2000xf32>
    %mul3A_7 = arith.mulf %reduce_sum3A_5, %mul3A_6 : vector<2000xf32>
    %add3A_8 = arith.constant 1.000000e+00 : f32
    %add3A_9 = vector.broadcast %add3A_8 : f32 to vector<2000xf32>
    %add3A_10 = arith.addf %mul3A_7, %add3A_9 : vector<2000xf32>
    %rsqrt3A = math.rsqrt %add3A_10 : vector<2000xf32>
    %get3A_11 = arith.constant 0 : index
    %get3A_12 = arith.constant 0 : index
    %get3A_13 = vector.load %arg1[%get3A_11, %get3A_12] : memref<2000x64xf32, #tpu.memory_space<vmem>>, vector<2000x64xf32>
    %get3A_14 = arith.constant 0 : index
    %get3A_15 = arith.constant 0 : index
    %get3A_16 = arith.constant 0 : index
    %get3A_17 = vector.load %arg3[%get3A_14, %get3A_15, %get3A_16] : memref<2x2000x64xf32, #tpu.memory_space<vmem>>, vector<1x2000x64xf32>
    %get3A_18 = vector.shape_cast %get3A_17 : vector<1x2000x64xf32> to vector<2000x64xf32>
    %add3A_19 = arith.addf %get3A_13, %get3A_18 : vector<2000x64xf32>
    %get3A_20 = arith.constant 1 : index
    %get3A_21 = arith.constant 0 : index
    %get3A_22 = arith.constant 0 : index
    %get3A_23 = vector.load %arg3[%get3A_20, %get3A_21, %get3A_22] : memref<2x2000x64xf32, #tpu.memory_space<vmem>>, vector<1x2000x64xf32>
    %get3A_24 = vector.shape_cast %get3A_23 : vector<1x2000x64xf32> to vector<2000x64xf32>
    %add3A_25 = arith.addf %add3A_19, %get3A_24 : vector<2000x64xf32>
    %get3A_26 = arith.constant 0 : index
    %get3A_27 = arith.constant 0 : index
    %get3A_28 = vector.load %arg2[%get3A_26, %get3A_27] : memref<2000x64xf32, #tpu.memory_space<vmem>>, vector<2000x64xf32>
    %get3A_29 = arith.constant 0 : index
    %get3A_30 = arith.constant 0 : index
    %get3A_31 = arith.constant 0 : index
    %get3A_32 = vector.load %arg4[%get3A_29, %get3A_30, %get3A_31] : memref<2x2000x64xf32, #tpu.memory_space<vmem>>, vector<1x2000x64xf32>
    %get3A_33 = vector.shape_cast %get3A_32 : vector<1x2000x64xf32> to vector<2000x64xf32>
    %add3A_34 = arith.addf %get3A_28, %get3A_33 : vector<2000x64xf32>
    %get3A_35 = arith.constant 1 : index
    %get3A_36 = arith.constant 0 : index
    %get3A_37 = arith.constant 0 : index
    %get3A_38 = vector.load %arg4[%get3A_35, %get3A_36, %get3A_37] : memref<2x2000x64xf32, #tpu.memory_space<vmem>>, vector<1x2000x64xf32>
    %get3A_39 = vector.shape_cast %get3A_38 : vector<1x2000x64xf32> to vector<2000x64xf32>
    %add3A_40 = arith.addf %add3A_34, %get3A_39 : vector<2000x64xf32>
    %concatenate3A = tpu.concatenate %add3A_25, %add3A_40 in 1 : vector<2000x64xf32>, vector<2000x64xf32> -> vector<2000x128xf32>
    %broadcast_in_dim3A = vector.shape_cast %rsqrt3A : vector<2000xf32> to vector<2000x1xf32>
    %mul3A_41 = vector.broadcast %broadcast_in_dim3A : vector<2000x1xf32> to vector<2000x128xf32>
    %mul3A_42 = arith.mulf %concatenate3A, %mul3A_41 : vector<2000x128xf32>
    %get3A_43 = arith.constant 0 : index
    %get3A_44 = vector.load %arg6[%get3A_43] : memref<128xf32, #tpu.memory_space<vmem>>, vector<128xf32>
    %broadcast_in_dim3A_45 = vector.shape_cast %get3A_44 : vector<128xf32> to vector<1x128xf32>
    %add3A_46 = vector.broadcast %broadcast_in_dim3A_45 : vector<1x128xf32> to vector<2000x128xf32>
    %add3A_47 = arith.addf %mul3A_42, %add3A_46 : vector<2000x128xf32>
    %swap3A = arith.constant 0 : index
    %swap3A_48 = arith.constant 0 : index
    %swap3A_49 = vector.load %arg8[%swap3A, %swap3A_48] : memref<2000x128xf32, #tpu.memory_space<vmem>>, vector<2000x128xf32>
    tpu.vector_store %arg8[%swap3A, %swap3A_48], %add3A_47 {strides = array<i32>} : memref<2000x128xf32, #tpu.memory_space<vmem>>, vector<2000x128xf32>,
    %get3A_50 = arith.constant 0 : index
    %get3A_51 = arith.constant 0 : index
    %get3A_52 = vector.load %arg7[%get3A_50, %get3A_51] : memref<128x2xf32, #tpu.memory_space<vmem>>, vector<128x2xf32>
    %dot_general3A = arith.constant dense<0.000000e+00> : vector<2000x2xf32>
    %dot_general3A_53 = tpu.matmul %add3A_47, %get3A_52, %dot_general3A {dimension_numbers = #tpu.dot_dimension_numbers<[1], [0], [0], [1], [0, 0, 1, 1], [], []>, transpose_lhs_hint = false} : vector<2000x128xf32>, vector<128x2xf32>, vector<2000x2xf32> -> vector<2000x2xf32>
    %swap3A_54 = arith.constant 0 : index
    %swap3A_55 = arith.constant 0 : index
    %swap3A_56 = vector.load %arg9[%swap3A_54, %swap3A_55] : memref<2000x2xf32, #tpu.memory_space<vmem>>, vector<2000x2xf32>
    tpu.vector_store %arg9[%swap3A_54, %swap3A_55], %dot_general3A_53 {strides = array<i32>} : memref<2000x2xf32, #tpu.memory_space<vmem>>, vector<2000x2xf32>,
    return
  }
  func.func @transform_0(%arg0: i32) -> (i32, i32) {
    %c0_i32 = arith.constant 0 : i32
    %c0_i32_0 = arith.constant 0 : i32
    return %arg0, %c0_i32 : i32, i32
  }
  func.func @transform_1(%arg0: i32) -> (i32, i32) {
    %c0_i32 = arith.constant 0 : i32
    %c0_i32_0 = arith.constant 0 : i32
    return %arg0, %c0_i32 : i32, i32
  }
  func.func @transform_2(%arg0: i32) -> (i32, i32, i32) {
    %c0_i32 = arith.constant 0 : i32
    %c0_i32_0 = arith.constant 0 : i32
    %c0_i32_1 = arith.constant 0 : i32
    return %c0_i32, %arg0, %c0_i32_0 : i32, i32, i32
  }
  func.func @transform_3(%arg0: i32) -> (i32, i32, i32) {
    %c0_i32 = arith.constant 0 : i32
    %c0_i32_0 = arith.constant 0 : i32
    %c0_i32_1 = arith.constant 0 : i32
    return %c0_i32, %arg0, %c0_i32_0 : i32, i32, i32
  }
  func.func @transform_4(%arg0: i32) -> (i32, i32, i32) {
    %c0_i32 = arith.constant 0 : i32
    %c0_i32_0 = arith.constant 0 : i32
    %c0_i32_1 = arith.constant 0 : i32
    return %c0_i32, %arg0, %c0_i32_0 : i32, i32, i32
  }
  func.func @transform_5(%arg0: i32) -> i32 {
    %c0_i32 = arith.constant 0 : i32
    %c0_i32_0 = arith.constant 0 : i32
    return %c0_i32 : i32
  }
  func.func @transform_6(%arg0: i32) -> (i32, i32) {
    %c0_i32 = arith.constant 0 : i32
    %c0_i32_0 = arith.constant 0 : i32
    %c0_i32_1 = arith.constant 0 : i32
    return %c0_i32, %c0_i32_0 : i32, i32
  }
  func.func @transform_7(%arg0: i32) -> (i32, i32) {
    %c0_i32 = arith.constant 0 : i32
    %c0_i32_0 = arith.constant 0 : i32
    return %arg0, %c0_i32 : i32, i32
  }
  func.func @transform_8(%arg0: i32) -> (i32, i32) {
    %c0_i32 = arith.constant 0 : i32
    %c0_i32_0 = arith.constant 0 : i32
    return %arg0, %c0_i32 : i32, i32
  }
}

</mosaic_0001>

<sc_bundles>
// kernel: kernel.12.cloned.1.call-start
scs
__scs_entry_jumppad:
0x0: {  	(pc) =	sbr.rel $0x88, $3  }
0x1: {  	(tag) =	ssettag $0x0;
	lr =	simm.s32 $0x1  }
0x2: {  	[smem:$0x3F97] =	sst lr;
	_ =	strace $0xD0000000  }
0x3: {  	_ = 	snop  }
0x4: {  	_ = 	snop  }
0x5: {  	_ = 	snop  }
0x6: {  	_ = 	snop  }
0x7: {  	_ = 	snop  }
__scs_overlays_trampoline_lowered:
0x8: {  	[smem:$0x3FA6] =	sst s0  }
0x9: {  	[smem:$0x3FA7] =	sst s1  }
0xa: {  	[smem:$0x3FA8] =	sst s2  }
0xb: {  	[smem:$0x3FA9] =	sst s3  }
0xc: {  	[smem:$0x3FAA] =	sst s4  }
0xd: {  	[smem:$0x3FAB] =	sst s5  }
0xe: {  	[smem:$0x3FAC] =	sst s6  }
0xf: {  	[smem:$0x3FAD] =	sst s7  }
0x10: {  	[smem:$0x3FAE] =	sst s8  }
0x11: {  	[smem:$0x3FAF] =	sst s9;
	s0 =	simm.s32 @!p0 $0x0  }
0x12: {  	s1 =	sld [smem:$0x3F95];
	s0 =	simm.s32 @p0 $0x1  }
0x13: {  	[smem:$0x3FB0] =	sst s0;
	s0 =	simm.s32 @!p1 $0x0  }
0x14: {  	s2 =	sld [smem:$0x3F94];
	s0 =	simm.s32 @p1 $0x1  }
0x15: {  	[smem:$0x3FB1] =	sst s0;
	s0 =	simm.s32 @!p2 $0x0  }
0x16: {  	s3 =	sld [smem:$0x3FDB];
	s0 =	simm.s32 @p2 $0x1  }
0x17: {  	s4 =	simm.s32 $0x1BF5;
	[smem:$0x3FB3] =	sst s0  }
0x18: {  	s0 =	sld [smem:$0x3F96];
	_ =	swait.ge [sflag:s4], $0x0  }
0x19: {  	s7 =	sld [smem:$0x3F97]  }
0x1a: {  	s8 =	sadd.s32 $0xFFFFE003, lr  }
0x1b: {  	s9 =	sadd.s32 $0xFFFFFEF7, lr;
	s5 =	simm.s32 $0xFFFFFFFF;
	p2 =	slt.u32 s8, $0xFFFFF086  }
0x1c: {  	p1 =	slt.u32 s9, $0xF7A;
	s5 =	simm.s32 @!p2 $0x0  }
0x1d: {  	s5 =	simm.s32 @p1 $0x1;
	p0 =	seq.s32 s7, s2  }
0x1e: {  	s7 =	smul.u32 @!p0 $0xF7A, s2;
	p2 =	seq.s32 @!p0 s5, $0x0  }
0x1f: {  	s9 =	smul.u32 $0xF7A, s1;
	s8 =	simm.s32 @!p0 $0x1BF5;
	p2 =	por !p2, p0  }
0x20: {  	[sflag:s8] =	ssyncset.s32 @!p0 $0xFFFFF086;
	s6 =	sadd.s32 @!p0 s3, s7;
	s7 =	simm.s32 @!p0 $0x108  }
0x21: {  	s3 =	sadd.s32 s3, s9;
	s6 =	sadd.s32 @!p0 $0x88, s6;
	s7 =	simm.s32 @p2 $0x1082  }
0x22: {  	[simem:s7], [sflag:s8] =	dma.local @!p0 [hbm:s6], $0xF7A  }
0x23: {  	s9 =	sor.u32 $0xD0000000, s2;
	s6 =	simm.s32 $0x108;
	_ =	swait.ge @!p0 [sflag:s8], $0x0  }
0x24: {  	s3 =	sadd.s32 $0x88, s3;
	s6 =	simm.s32 @!p1 $0x1082;
	[sflag:s4] =	ssyncset.s32 $0xFFFFF086  }
0x25: {  	[simem:s6], [sflag:s4] =	dma.local [hbm:s3], $0xF7A  }
0x26: {  	[smem:$0x3F97] =	sst s1;
	(tag) =	ssettag s2;
	_ =	strace s9  }
0x27: {  	s1 =	sld [smem:$0x3FA7]  }
0x28: {  	s2 =	sld [smem:$0x3FA8]  }
0x29: {  	s4 =	sld [smem:$0x3FAA]  }
0x2a: {  	p0 =	seq.s32 s5, $0x0;
	s5 =	sld [smem:$0x3FAB]  }
0x2b: {  	s6 =	sld [smem:$0x3FAC]  }
0x2c: {  	s7 =	sld [smem:$0x3FAD]  }
0x2d: {  	s3 =	simm.s32 $0x108;
	s8 =	sld [smem:$0x3FAE]  }
0x2e: {  	s3 =	simm.s32 @!p0 $0x1082;
	s9 =	sld [smem:$0x3FAF]  }
0x2f: {  	lr =	sadd.s32 s0, s3;
	s0 =	sld [smem:$0x3FA6]  }
0x30: {  	s3 =	sld [smem:$0x3FA9]  }
0x31: {  	[smem:$0x3FB2] =	sst s10  }
0x32: {  	s10 =	sld [smem:$0x3FB0];
	_ =	sdelay $0x3  }
0x33: {  	p0 =	seq.s32 s10, $0x1;
	s10 =	sld [smem:$0x3FB2];
	_ =	sdelay $0x3  }
0x34: {  	[smem:$0x3FB2] =	sst s10  }
0x35: {  	s10 =	sld [smem:$0x3FB1];
	_ =	sdelay $0x3  }
0x36: {  	p1 =	seq.s32 s10, $0x1;
	s10 =	sld [smem:$0x3FB2];
	_ =	sdelay $0x3  }
0x37: {  	[smem:$0x3FB2] =	sst s10  }
0x38: {  	s10 =	sld [smem:$0x3FB3]  }
0x39: {  	_ = 	snop;
	(pc) =	sbr.ind lr, $3  }
0x3a: {  	_ = 	snop  }
0x3b: {  	_ = 	snop  }
0x3c: {  	p2 =	seq.s32 s10, $0x1;
	s10 =	sld [smem:$0x3FB2]  }
0x3d: {  	_ =	shalt  }
0x3e: {  	_ =	shalt  }
0x3f: {  	_ =	shalt  }
0x40: {  	_ =	shalt  }
0x41: {  	_ =	shalt  }
0x42: {  	_ =	shalt  }
0x43: {  	_ =	shalt  }
0x44: {  	_ =	shalt  }
0x45: {  	_ =	shalt  }
0x46: {  	_ =	shalt  }
0x47: {  	_ =	shalt  }
0x48: {  	_ =	shalt  }
0x49: {  	_ =	shalt  }
0x4a: {  	_ =	shalt  }
0x4b: {  	_ =	shalt  }
0x4c: {  	_ =	shalt  }
0x4d: {  	_ =	shalt  }
0x4e: {  	_ =	shalt  }
0x4f: {  	_ =	shalt  }
0x50: {  	_ =	shalt  }
0x51: {  	_ =	shalt  }
0x52: {  	_ =	shalt  }
0x53: {  	_ =	shalt  }
0x54: {  	_ =	shalt  }
0x55: {  	_ =	shalt  }
0x56: {  	_ =	shalt  }
0x57: {  	_ =	shalt  }
0x58: {  	_ =	shalt  }
0x59: {  	_ =	shalt  }
0x5a: {  	_ =	shalt  }
0x5b: {  	_ =	shalt  }
0x5c: {  	_ =	shalt  }
0x5d: {  	_ =	shalt  }
0x5e: {  	_ =	shalt  }
0x5f: {  	_ =	shalt  }
0x60: {  	_ =	shalt  }
0x61: {  	_ =	shalt  }
0x62: {  	_ =	shalt  }
0x63: {  	_ =	shalt  }
0x64: {  	_ =	shalt  }
0x65: {  	_ =	shalt  }
0x66: {  	_ =	shalt  }
0x67: {  	_ =	shalt  }
0x68: {  	_ =	shalt  }
0x69: {  	_ =	shalt  }
0x6a: {  	_ =	shalt  }
0x6b: {  	_ =	shalt  }
0x6c: {  	_ =	shalt  }
0x6d: {  	_ =	shalt  }
0x6e: {  	_ =	shalt  }
0x6f: {  	_ =	shalt  }
0x70: {  	_ =	shalt  }
0x71: {  	_ =	shalt  }
0x72: {  	_ =	shalt  }
0x73: {  	_ =	shalt  }
0x74: {  	_ =	shalt  }
0x75: {  	_ =	shalt  }
0x76: {  	_ =	shalt  }
0x77: {  	_ =	shalt  }
0x78: {  	_ =	shalt  }
0x79: {  	_ =	shalt  }
0x7a: {  	_ =	shalt  }
0x7b: {  	_ =	shalt  }
0x7c: {  	_ =	shalt  }
0x7d: {  	_ =	shalt  }
0x7e: {  	_ =	shalt  }
0x7f: {  	_ =	shalt  }
0x80: {  	_ =	shalt  }
0x81: {  	_ =	shalt  }
0x82: {  	_ =	shalt  }
0x83: {  	_ =	shalt  }
0x84: {  	_ =	shalt  }
0x85: {  	_ =	shalt  }
0x86: {  	_ =	shalt  }
0x87: {  	_ =	shalt  }
.Lfunc_end0:
.L_simem_size_0:
called_computation.1_lowered:
.L_overlay_start_0:
0x88: {  	s2 =	sld [smem:$0x3FD9]  }
0x89: {  	s3 =	sld [smem:$0x3FFE];
	_ =	sdelay $0x1  }
0x8a: {  	s1 =	srdreg.scid  }
0x8b: {  	s0 =	sand.u32 $0x1, s1  }
0x8c: {  	s16 =	sshll.u32 s0, $0xA;
	s2 =	sadd.s32 s3, s2  }
0x8d: {  	s2 =	sadd.s32 s2, s16  }
0x8e: {  	[smem:$0x3FBE] =	sst s2  }
0x8f: {  	_ = 	snop  }
0x90: {  	(tm) =	ssettm $0x1  }
0x91: {  	s17 =	sld [smem:$0x3FFB];
	_ =	sdelay $0x3  }
0x92: {  	_ =	strace s17  }
0x93: {  	s2 =	sld [smem:$0x3FFC];
	_ =	sdelay $0x3  }
0x94: {  	_ =	strace s2  }
0x95: {  	s2 =	sld [smem:$0x3FFD];
	_ =	sdelay $0x3  }
0x96: {  	_ =	strace s2  }
0x97: {  	_ =	strace $0x8FFFFFFF  }
0x98: {  	s18 =	sld [smem:$0x3FDB];
	_ =	sdelay $0x1  }
0x99: {  	s19 =	simm.s32 $_scs_section_size  }
0x9a: {  	s4 =	simm.s32 $_size__tile_overlayer_lowered;
	s5 =	simm.s32 $_tile_overlayer_lowered  }
0x9b: {  	s22 =	simm.s32 $0x1BFF;
	s21 =	sshll.u32 s5, $0x1;
	s2 =	sadd.s32 s19, s18  }
0x9c: {  	s6 =	simm.s32 $0x0;
	s20 =	sshll.u32 s4, $0x1;
	s4 =	sadd.s32 s21, s2  }
0x9d: {  	[timem:s6], [sflag:s22] =	dma.local [hbm:s4], s20  }
0x9e: {  	_ =	swait.ge [sflag:s22], s20  }
0x9f: {  	s3 =	ssub.s32 $0x0, s20;
	[sflag:s22] =	ssyncset.done $0x0  }
0xa0: {  	[sflag:s22] =	ssyncadd.s32 s3;
	_ =	sdelay $0x1  }
0xa1: {  	s23 =	simm.s32 $0x1B8B  }
0xa2: {  	_ =	swait.ge [sflag:s23], $0x1  }
0xa3: {  	[sflag:s23] =	ssyncset.done $0x0  }
0xa4: {  	s25 =	simm.s32 $0x1B8E;
	s24 =	sld [smem:$0x3FFE];
	[sflag:s23] =	ssyncadd.s32 $0xFFFFFFFF  }
0xa5: {  	s26 =	simm.s32 $execute0_lowered;
	[smem:$0x3FD2] =	sst s25  }
0xa6: {  	s4 =	sshll.u32 s26, $0x1;
	_ =	strace $0x80000049;
	[dreg:$0x1] =	wrdreg $0xFFFFFFFF  }
0xa7: {  	s28 =	simm.s32 $_size_execute0_lowered;
	s2 =	sadd.s32 s2, s4;
	[dreg:$0x0] =	wrdreg $0x0  }
0xa8: {  	s4 =	sshll.u32 s28, $0x1;
	[dreg:$0x2] =	wrdreg s2  }
0xa9: {  	[dreg:$0x3] =	wrdreg s4  }
0xaa: {  	[dreg:$0x4] =	wrdreg $0xC0  }
0xab: {  	_ =	task [dreg:s6], $0x5FFFF  }
0xac: {  	[dreg:$0x1] =	wrdreg $0xFFFFFFFF  }
0xad: {  	[dreg:$0x0] =	wrdreg $0x60  }
0xae: {  	[dreg:$0x2] =	wrdreg s24  }
0xaf: {  	[dreg:$0x3] =	wrdreg $0xCD000  }
0xb0: {  	[dreg:$0x4] =	wrdreg $0x9  }
0xb1: {  	_ =	task.clear_ibuf [dreg:s6], $0x5FFFF;
	_ =	strace $0x90000049  }
0xb2: {  	s29 =	simm.s32 $0x9;
	_ =	strace $0x8000004B  }
0xb3: {  	_ =	swait.ge [sflag:s29], $0x1  }
0xb4: {  	[sflag:s29] =	ssyncadd.s32 $0xFFFFFFFF  }
0xb5: {  	_ =	strace $0x9000004B  }
0xb6: {  	_ =	sfence  }
0xb7: {  	s30 =	sld [smem:$0x0];
	_ =	sdelay $0x2  }
0xb8: {  	s31 =	sshll.u32 s1, $0xD;
	s1 =	sshrl.u32 s1, $0x2  }
0xb9: {  	s3 =	sand.u32 $0x4000, s31;
	s1 =	sadd.s32 s1, s30  }
0xba: {  	s0 =	sor.u32 s3, s0;
	s1 =	sshll.u32 s1, $0x11  }
0xbb: {  	s0 =	sor.u32 s1, s0  }
0xbc: {  	s0 =	sadd.s32 $0x8F2B, s0  }
0xbd: {  	[sflag:s0] =	ssyncadd.remote.s32 $0x1  }
0xbe: {  	_ =	sfence.sel $0xFFFF  }
0xbf: {  	[dreg:$0x0] =	wrdreg $0xFFFFFFFF;
	(pc) =	sbr.abs _section_cstart, $3  }
0xc0: {  	[dreg:$0x1] =	wrdreg $0xFFFFFFFF  }
0xc1: {  	_ =	task.clear_ibuf [dreg:s6], $0x2FFFF;
	_ =	strace $0x9FFFFFFF  }
0xc2: {  	(tm) =	ssettm $0x7FFFFFFF  }
0xc3: {  	_ =	shalt  }
tec
execute0_lowered:
.L_overlay_start_1:
0x0: {  	(tag) =	ssettag $0x1  }
0x1: {  	s0 =	srdreg.scid  }
0x2: {  	s11 =	stileid.u32;
	s1 =	rddreg [dreg:$0x0]  }
0x3: {  	s2 =	rddreg [dreg:$0x1];
	s12 =	simm.s32 $0x9;
	s13 =	simm.s32 $0x2800  }
0x4: {  	s16 =	simm.s32 $0x7D;
	s17 =	simm.s32 $0x5000;
	s19 =	simm.s32 $0x6F40  }
0x5: {  	s20 =	simm.s32 $0x1;
	s22 =	simm.s32 $0x8E80;
	s28 =	simm.s32 $0x3  }
0x6: {  	s30 =	simm.s32 $0x5;
	s18 =	simm.s32 $0x2700;
	s21 =	simm.s32 $0x4E80  }
0x7: {  	s29 =	simm.s32 $0x4F80;
	s31 =	simm.s32 $0x0;
	s0 =	sand.u32 $0x1, s0  }
0x8: {  	s3 =	sshll.u32 s11, $0x1;
	s7 =	smul.u32 $0xA000, s11;
	s5 =	sadd.s32 $0x67400, s1  }
0x9: {  	s26 =	sshll.u32 s11, $0x6;
	s4 =	sor.u32 s0, s3;
	s3 =	simm.s32 $0x0  }
0xa: {  	s8 =	smul.u32 $0xA0000, s0;
	s0 =	ssub.s32 $0x2, s0;
	s14 =	sor.u32 $0x1C09, s26  }
0xb: {  	s26 =	simm.s32 $0xADC0;
	s6 =	smul.u32 $0x500, s4;
	[smem:$0x7FF] =	sst s3  }
0xc: {  	s4 =	sadd.s32 $0x7AE00, s1;
	s9 =	sshrl.u32 s7, $0x3;
	s10 =	sshrl.u32 s0, $0x1  }
0xd: {  	s24 =	sadd.s32 s7, s2;
	_ =	strace $0x8000004A;
	s8 =	sadd.s32 s7, s8  }
0xe: {  	s9 =	sadd.s32 s9, s1;
	s0 =	ssub.s32 s0, s10;
	s15 =	sshrl.u32 s24, $0x3  }
0xf: {  	s10 =	simm.s32 $0x8;
	s24 =	simm.s32 $0x2780;
	s8 =	sshrl.u32 s8, $0x3  }
0x10: {  	s6 =	sadd.s32 s6, s1;
	s0 =	smax.u32 s0, $0x1;
	s1 =	sadd.s32 s8, s1  }
0x11: {  	s23 =	sadd.s32 $0xD400, s6;
	s6 =	sadd.s32 $0x3200, s6;
	[dreg:$0x7] =	wrdreg s0  }
0x12: {  	s8 =	sadd.s32 $0x8E800, s9;
	s9 =	simm.s32 $0x7;
	[dreg:$0x3] =	wrdreg s23  }
0x13: {  	[dreg:$0x4] =	wrdreg s6;
	s25 =	sadd.s32 $0xCA800, s1;
	s1 =	sadd.s32 $0xA2800, s1  }
0x14: {  	s23 =	simm.s32 $0x2;
	s6 =	simm.s32 $0x6;
	[dreg:$0x5] =	wrdreg s25  }
0x15: {  	[dreg:$0x6] =	wrdreg s1;
	s1 =	simm.s32 $0x4;
	s25 =	simm.s32 $0x4F00  }
.LBB2_1:
0x16: {  	s0 =	rddreg [dreg:$0x3]  }
0x17: {  	[tilespmem:s3], [sflag:$0x9] =	stream.linear.gather [hbm4b:s0+s3], $0x2800, $0x38;
	[tilespmem:$0x16D00] =	vst v63  }
0x18: {  	_ =	swait.ge [sflag:s12], $0x2800  }
0x19: {  	[sflag:s12] =	ssyncset.done $0x0  }
0x1a: {  	s7 =	rddreg [dreg:$0x4];
	[sflag:s12] =	ssyncadd.s32 $0xFFFFD800  }
0x1b: {  	[tilespmem:s13], [sflag:$0x9] =	stream.linear.gather [hbm4b:s7+s3], $0x2800, $0x38;
	[tilespmem:$0x16D00] =	vst v63  }
0x1c: {  	_ =	swait.ge [sflag:s12], $0x2800  }
0x1d: {  	[sflag:s12] =	ssyncset.done $0x0  }
0x1e: {  	[sflag:s12] =	ssyncadd.s32 $0xFFFFD800  }
0x1f: {  	[spmem:s15], [sflag:s14] =	dma.local [hbm:s8], $0x1400  }
0x20: {  	_ =	swait.ge [sflag:s12], $0x1400  }
0x21: {  	[sflag:s12] =	ssyncset.done $0x0  }
0x22: {  	[sflag:s12] =	ssyncadd.s32 $0xFFFFEC00  }
0x23: {  	[bflag:$0x0] =	sbarrier.arrive $0xFFFF  }
0x24: {  	[tilespmem:s17], [sflag:$0x1] =	stream.indirect.gather [hbm4b:s4+s16], $0x40, s3, s16, $0xb8;
	[tilespmem:$0x16D00] =	vst v63  }
0x25: {  	s11 =	simm.s32 $0x80  }
0x26: {  	[tilespmem:s19], [sflag:$0x2] =	stream.indirect.gather [hbm4b:s4+s16], $0x40, s11, s16, $0xb8;
	[tilespmem:$0x16D00] =	vst v63  }
0x27: {  	_ =	swait.ge [sflag:s20], $0x1F40  }
0x28: {  	[sflag:s20] =	ssyncset.done $0x0  }
0x29: {  	[sflag:s20] =	ssyncadd.s32 $0xFFFFE0C0  }
0x2a: {  	[spmem:s2] =	stream.indirect.scatter.add.f32 [tilespmem:s17], [sflag:$0x5], $0x40, s13, s16, $0xb8;
	[tilespmem:$0x16D00] =	vst v63  }
0x2b: {  	s7 =	simm.s32 $0x100  }
0x2c: {  	[tilespmem:s22], [sflag:$0x3] =	stream.indirect.gather [hbm4b:s4+s16], $0x40, s7, s16, $0xb8;
	[tilespmem:$0x16D00] =	vst v63  }
0x2d: {  	_ =	swait.ge [sflag:s23], $0x1F40  }
0x2e: {  	[sflag:s23] =	ssyncset.done $0x0  }
0x2f: {  	s11 =	simm.s32 $0x2880;
	[sflag:s23] =	ssyncadd.s32 $0xFFFFE0C0  }
0x30: {  	[spmem:s2] =	stream.indirect.scatter.add.f32 [tilespmem:s19], [sflag:$0x6], $0x40, s11, s16, $0xb8;
	[tilespmem:$0x16D00] =	vst v63  }
0x31: {  	s7 =	simm.s32 $0x180  }
0x32: {  	[tilespmem:s26], [sflag:$0x4] =	stream.indirect.gather [hbm4b:s4+s16], $0x40, s7, s16, $0xb8;
	[tilespmem:$0x16D00] =	vst v63  }
0x33: {  	_ =	swait.ge [sflag:s28], $0x1F40  }
0x34: {  	[sflag:s28] =	ssyncset.done $0x0  }
0x35: {  	s11 =	simm.s32 $0x2900;
	[sflag:s28] =	ssyncadd.s32 $0xFFFFE0C0  }
0x36: {  	[spmem:s2] =	stream.indirect.scatter.add.f32 [tilespmem:s22], [sflag:$0x7], $0x40, s11, s16, $0xb8;
	[tilespmem:$0x16D00] =	vst v63  }
0x37: {  	_ =	swait.ge [sflag:s30], $0x1F40  }
0x38: {  	[sflag:s30] =	ssyncset.done $0x0  }
0x39: {  	s7 =	simm.s32 $0x200;
	[sflag:s30] =	ssyncadd.s32 $0xFFFFE0C0  }
0x3a: {  	[tilespmem:s17], [sflag:$0x1] =	stream.indirect.gather [hbm4b:s4+s16], $0x40, s7, s16, $0xb8;
	[tilespmem:$0x16D00] =	vst v63  }
0x3b: {  	_ =	swait.ge [sflag:s1], $0x1F40  }
0x3c: {  	[sflag:s1] =	ssyncset.done $0x0  }
0x3d: {  	s11 =	simm.s32 $0x2980;
	[sflag:s1] =	ssyncadd.s32 $0xFFFFE0C0  }
0x3e: {  	[spmem:s2] =	stream.indirect.scatter.add.f32 [tilespmem:s26], [sflag:$0x8], $0x40, s11, s16, $0xb8;
	[tilespmem:$0x16D00] =	vst v63  }
0x3f: {  	_ =	swait.ge [sflag:s6], $0x1F40  }
0x40: {  	[sflag:s6] =	ssyncset.done $0x0  }
0x41: {  	s7 =	simm.s32 $0x280;
	[sflag:s6] =	ssyncadd.s32 $0xFFFFE0C0  }
0x42: {  	[tilespmem:s19], [sflag:$0x2] =	stream.indirect.gather [hbm4b:s4+s16], $0x40, s7, s16, $0xb8;
	[tilespmem:$0x16D00] =	vst v63  }
0x43: {  	_ =	swait.ge [sflag:s20], $0x1F40  }
0x44: {  	[sflag:s20] =	ssyncset.done $0x0  }
0x45: {  	s11 =	simm.s32 $0x2A00;
	[sflag:s20] =	ssyncadd.s32 $0xFFFFE0C0  }
0x46: {  	[spmem:s2] =	stream.indirect.scatter.add.f32 [tilespmem:s17], [sflag:$0x5], $0x40, s11, s16, $0xb8;
	[tilespmem:$0x16D00] =	vst v63  }
0x47: {  	_ =	swait.ge [sflag:s9], $0x1F40  }
0x48: {  	[sflag:s9] =	ssyncset.done $0x0  }
0x49: {  	s7 =	simm.s32 $0x300;
	[sflag:s9] =	ssyncadd.s32 $0xFFFFE0C0  }
0x4a: {  	[tilespmem:s22], [sflag:$0x3] =	stream.indirect.gather [hbm4b:s4+s16], $0x40, s7, s16, $0xb8;
	[tilespmem:$0x16D00] =	vst v63  }
0x4b: {  	_ =	swait.ge [sflag:s23], $0x1F40  }
0x4c: {  	[sflag:s23] =	ssyncset.done $0x0  }
0x4d: {  	s11 =	simm.s32 $0x2A80;
	[sflag:s23] =	ssyncadd.s32 $0xFFFFE0C0  }
0x4e: {  	[spmem:s2] =	stream.indirect.scatter.add.f32 [tilespmem:s19], [sflag:$0x6], $0x40, s11, s16, $0xb8;
	[tilespmem:$0x16D00] =	vst v63  }
0x4f: {  	_ =	swait.ge [sflag:s10], $0x1F40  }
0x50: {  	[sflag:s10] =	ssyncset.done $0x0  }
0x51: {  	s7 =	simm.s32 $0x380;
	[sflag:s10] =	ssyncadd.s32 $0xFFFFE0C0  }
0x52: {  	[tilespmem:s26], [sflag:$0x4] =	stream.indirect.gather [hbm4b:s4+s16], $0x40, s7, s16, $0xb8;
	[tilespmem:$0x16D00] =	vst v63  }
0x53: {  	_ =	swait.ge [sflag:s28], $0x1F40  }
0x54: {  	[sflag:s28] =	ssyncset.done $0x0  }
0x55: {  	s11 =	simm.s32 $0x2B00;
	[sflag:s28] =	ssyncadd.s32 $0xFFFFE0C0  }
0x56: {  	[spmem:s2] =	stream.indirect.scatter.add.f32 [tilespmem:s22], [sflag:$0x7], $0x40, s11, s16, $0xb8;
	[tilespmem:$0x16D00] =	vst v63  }
0x57: {  	_ =	swait.ge [sflag:s30], $0x1F40  }
0x58: {  	[sflag:s30] =	ssyncset.done $0x0  }
0x59: {  	s7 =	simm.s32 $0x400;
	[sflag:s30] =	ssyncadd.s32 $0xFFFFE0C0  }
0x5a: {  	[tilespmem:s17], [sflag:$0x1] =	stream.indirect.gather [hbm4b:s4+s16], $0x40, s7, s16, $0xb8;
	[tilespmem:$0x16D00] =	vst v63  }
0x5b: {  	_ =	swait.ge [sflag:s1], $0x1F40  }
0x5c: {  	[sflag:s1] =	ssyncset.done $0x0  }
0x5d: {  	s11 =	simm.s32 $0x2B80;
	[sflag:s1] =	ssyncadd.s32 $0xFFFFE0C0  }
0x5e: {  	[spmem:s2] =	stream.indirect.scatter.add.f32 [tilespmem:s26], [sflag:$0x8], $0x40, s11, s16, $0xb8;
	[tilespmem:$0x16D00] =	vst v63  }
0x5f: {  	_ =	swait.ge [sflag:s6], $0x1F40  }
0x60: {  	[sflag:s6] =	ssyncset.done $0x0  }
0x61: {  	s0 =	simm.s32 $0x800;
	s7 =	simm.s32 $0x480;
	[sflag:s6] =	ssyncadd.s32 $0xFFFFE0C0  }
.LBB2_2:
0x62: {  	[tilespmem:s19], [sflag:$0x2] =	stream.indirect.gather [hbm4b:s4+s16], $0x40, s7, s16, $0xb8;
	[tilespmem:$0x16D00] =	vst v63  }
0x63: {  	s7 =	smov.u32 s0  }
0x64: {  	p0 =	sne.s32 s0, $0x8800;
	s0 =	sadd.s32 $0x800, s0;
	_ =	swait.ge [sflag:s20], $0x1F40  }
0x65: {  	s7 =	sshra.s32 s7, $0x2;
	[sflag:s20] =	ssyncset.done $0x0  }
0x66: {  	s11 =	sadd.s32 $0x2A00, s7;
	[sflag:s20] =	ssyncadd.s32 $0xFFFFE0C0  }
0x67: {  	[spmem:s2] =	stream.indirect.scatter.add.f32 [tilespmem:s17], [sflag:$0x5], $0x40, s11, s16, $0xb8;
	[tilespmem:$0x16D00] =	vst v63  }
0x68: {  	_ =	swait.ge [sflag:s9], $0x1F40  }
0x69: {  	[sflag:s9] =	ssyncset.done $0x0  }
0x6a: {  	s11 =	sadd.s32 $0x300, s7;
	[sflag:s9] =	ssyncadd.s32 $0xFFFFE0C0  }
0x6b: {  	[tilespmem:s22], [sflag:$0x3] =	stream.indirect.gather [hbm4b:s4+s16], $0x40, s11, s16, $0xb8;
	[tilespmem:$0x16D00] =	vst v63  }
0x6c: {  	_ =	swait.ge [sflag:s23], $0x1F40  }
0x6d: {  	[sflag:s23] =	ssyncset.done $0x0  }
0x6e: {  	s11 =	sadd.s32 $0x2A80, s7;
	[sflag:s23] =	ssyncadd.s32 $0xFFFFE0C0  }
0x6f: {  	[spmem:s2] =	stream.indirect.scatter.add.f32 [tilespmem:s19], [sflag:$0x6], $0x40, s11, s16, $0xb8;
	[tilespmem:$0x16D00] =	vst v63  }
0x70: {  	_ =	swait.ge [sflag:s10], $0x1F40  }
0x71: {  	[sflag:s10] =	ssyncset.done $0x0  }
0x72: {  	s11 =	sadd.s32 $0x380, s7;
	[sflag:s10] =	ssyncadd.s32 $0xFFFFE0C0  }
0x73: {  	[tilespmem:s26], [sflag:$0x4] =	stream.indirect.gather [hbm4b:s4+s16], $0x40, s11, s16, $0xb8;
	[tilespmem:$0x16D00] =	vst v63  }
0x74: {  	_ =	swait.ge [sflag:s28], $0x1F40  }
0x75: {  	[sflag:s28] =	ssyncset.done $0x0  }
0x76: {  	s11 =	sadd.s32 $0x2B00, s7;
	[sflag:s28] =	ssyncadd.s32 $0xFFFFE0C0  }
0x77: {  	[spmem:s2] =	stream.indirect.scatter.add.f32 [tilespmem:s22], [sflag:$0x7], $0x40, s11, s16, $0xb8;
	[tilespmem:$0x16D00] =	vst v63  }
0x78: {  	_ =	swait.ge [sflag:s30], $0x1F40  }
0x79: {  	[sflag:s30] =	ssyncset.done $0x0  }
0x7a: {  	s11 =	sadd.s32 $0x400, s7;
	[sflag:s30] =	ssyncadd.s32 $0xFFFFE0C0  }
0x7b: {  	[tilespmem:s17], [sflag:$0x1] =	stream.indirect.gather [hbm4b:s4+s16], $0x40, s11, s16, $0xb8;
	[tilespmem:$0x16D00] =	vst v63  }
0x7c: {  	_ =	swait.ge [sflag:s1], $0x1F40  }
0x7d: {  	[sflag:s1] =	ssyncset.done $0x0  }
.Ltmp0:
0x7e: {  	s11 =	sadd.s32 $0x2B80, s7;
	[sflag:s1] =	ssyncadd.s32 $0xFFFFE0C0;
	(pc) =	sbr.rel @p0 .LBB2_2-.Ltmp0, $4  }
0x7f: {  	[spmem:s2] =	stream.indirect.scatter.add.f32 [tilespmem:s26], [sflag:$0x8], $0x40, s11, s16, $0xb8;
	[tilespmem:$0x16D00] =	vst v63  }
0x80: {  	_ =	swait.ge [sflag:s6], $0x1F40  }
0x81: {  	[sflag:s6] =	ssyncset.done $0x0  }
0x82: {  	s7 =	sadd.s32 $0x480, s7;
	[sflag:s6] =	ssyncadd.s32 $0xFFFFE0C0  }
0x83: {  	[tilespmem:s19], [sflag:$0x2] =	stream.indirect.gather [hbm4b:s4+s16], $0x40, s7, s16, $0xb8;
	[tilespmem:$0x16D00] =	vst v63  }
0x84: {  	_ =	swait.ge [sflag:s20], $0x1F40  }
0x85: {  	[sflag:s20] =	ssyncset.done $0x0  }
0x86: {  	s0 =	simm.s32 $0x4E00;
	[sflag:s20] =	ssyncadd.s32 $0xFFFFE0C0  }
0x87: {  	[spmem:s2] =	stream.indirect.scatter.add.f32 [tilespmem:s17], [sflag:$0x5], $0x40, s0, s16, $0xb8;
	[tilespmem:$0x16D00] =	vst v63  }
0x88: {  	_ =	swait.ge [sflag:s9], $0x1F40  }
0x89: {  	[sflag:s9] =	ssyncset.done $0x0  }
0x8a: {  	[sflag:s9] =	ssyncadd.s32 $0xFFFFE0C0  }
0x8b: {  	[tilespmem:s22], [sflag:$0x3] =	stream.indirect.gather [hbm4b:s4+s16], $0x40, s18, s16, $0xb8;
	[tilespmem:$0x16D00] =	vst v63  }
0x8c: {  	_ =	swait.ge [sflag:s23], $0x1F40  }
0x8d: {  	[sflag:s23] =	ssyncset.done $0x0  }
0x8e: {  	[sflag:s23] =	ssyncadd.s32 $0xFFFFE0C0  }
0x8f: {  	[spmem:s2] =	stream.indirect.scatter.add.f32 [tilespmem:s19], [sflag:$0x6], $0x40, s21, s16, $0xb8;
	[tilespmem:$0x16D00] =	vst v63  }
0x90: {  	_ =	swait.ge [sflag:s10], $0x1F40  }
0x91: {  	[sflag:s10] =	ssyncset.done $0x0  }
0x92: {  	[sflag:s10] =	ssyncadd.s32 $0xFFFFE0C0  }
0x93: {  	[tilespmem:s26], [sflag:$0x4] =	stream.indirect.gather [hbm4b:s4+s16], $0x40, s24, s16, $0xb8;
	[tilespmem:$0x16D00] =	vst v63  }
0x94: {  	_ =	swait.ge [sflag:s28], $0x1F40  }
0x95: {  	[sflag:s28] =	ssyncset.done $0x0  }
0x96: {  	[sflag:s28] =	ssyncadd.s32 $0xFFFFE0C0  }
0x97: {  	[spmem:s2] =	stream.indirect.scatter.add.f32 [tilespmem:s22], [sflag:$0x7], $0x40, s25, s16, $0xb8;
	[tilespmem:$0x16D00] =	vst v63  }
0x98: {  	_ =	swait.ge [sflag:s30], $0x1F40  }
0x99: {  	[sflag:s30] =	ssyncset.done $0x0  }
0x9a: {  	[sflag:s30] =	ssyncadd.s32 $0xFFFFE0C0  }
0x9b: {  	_ =	swait.ge [sflag:s1], $0x1F40  }
0x9c: {  	[sflag:s1] =	ssyncset.done $0x0  }
0x9d: {  	[sflag:s1] =	ssyncadd.s32 $0xFFFFE0C0  }
0x9e: {  	[spmem:s2] =	stream.indirect.scatter.add.f32 [tilespmem:s26], [sflag:$0x8], $0x40, s29, s16, $0xb8;
	[tilespmem:$0x16D00] =	vst v63  }
0x9f: {  	_ =	swait.ge [sflag:s6], $0x1F40  }
0xa0: {  	[sflag:s6] =	ssyncset.done $0x0  }
0xa1: {  	[sflag:s6] =	ssyncadd.s32 $0xFFFFE0C0  }
0xa2: {  	_ =	swait.ge [sflag:s9], $0x1F40  }
0xa3: {  	[sflag:s9] =	ssyncset.done $0x0  }
0xa4: {  	[sflag:s9] =	ssyncadd.s32 $0xFFFFE0C0  }
0xa5: {  	_ =	swait.ge [sflag:s10], $0x1F40  }
0xa6: {  	[sflag:s10] =	ssyncset.done $0x0  }
0xa7: {  	[sflag:s10] =	ssyncadd.s32 $0xFFFFE0C0  }
0xa8: {  	[bflag:$0x0] =	sbarrier.arrive $0xFFFF  }
0xa9: {  	s11 =	rddreg [dreg:$0x5]  }
0xaa: {  	[hbm:s11], [sflag:s14] =	dma.local [spmem:s15], $0x1400  }
0xab: {  	_ =	swait.ge [sflag:s12], $0x1400  }
0xac: {  	[sflag:s12] =	ssyncset.done $0x0  }
0xad: {  	[sflag:s12] =	ssyncadd.s32 $0xFFFFEC00  }
0xae: {  	[spmem:s15], [sflag:s14] =	dma.local [hbm:s8], $0x1400  }
0xaf: {  	_ =	swait.ge [sflag:s12], $0x1400  }
0xb0: {  	[sflag:s12] =	ssyncset.done $0x0  }
0xb1: {  	[sflag:s12] =	ssyncadd.s32 $0xFFFFEC00  }
0xb2: {  	s7 =	simm.s32 $0x0;
	[bflag:$0x0] =	sbarrier.arrive $0xFFFF  }
0xb3: {  	[tilespmem:s17], [sflag:$0x1] =	stream.indirect.gather [hbm4b:s5+s16], $0x40, s7, s16, $0xb8;
	[tilespmem:$0x16D00] =	vst v63  }
0xb4: {  	s11 =	simm.s32 $0x80  }
0xb5: {  	[tilespmem:s19], [sflag:$0x2] =	stream.indirect.gather [hbm4b:s5+s16], $0x40, s11, s16, $0xb8;
	[tilespmem:$0x16D00] =	vst v63  }
0xb6: {  	_ =	swait.ge [sflag:s20], $0x1F40  }
0xb7: {  	[sflag:s20] =	ssyncset.done $0x0  }
0xb8: {  	[sflag:s20] =	ssyncadd.s32 $0xFFFFE0C0  }
0xb9: {  	[spmem:s2] =	stream.indirect.scatter.add.f32 [tilespmem:s17], [sflag:$0x5], $0x40, s13, s16, $0xb8;
	[tilespmem:$0x16D00] =	vst v63  }
0xba: {  	s7 =	simm.s32 $0x100  }
0xbb: {  	[tilespmem:s22], [sflag:$0x3] =	stream.indirect.gather [hbm4b:s5+s16], $0x40, s7, s16, $0xb8;
	[tilespmem:$0x16D00] =	vst v63  }
0xbc: {  	_ =	swait.ge [sflag:s23], $0x1F40  }
0xbd: {  	[sflag:s23] =	ssyncset.done $0x0  }
0xbe: {  	s11 =	simm.s32 $0x2880;
	[sflag:s23] =	ssyncadd.s32 $0xFFFFE0C0  }
0xbf: {  	[spmem:s2] =	stream.indirect.scatter.add.f32 [tilespmem:s19], [sflag:$0x6], $0x40, s11, s16, $0xb8;
	[tilespmem:$0x16D00] =	vst v63  }
0xc0: {  	s7 =	simm.s32 $0x180  }
0xc1: {  	[tilespmem:s26], [sflag:$0x4] =	stream.indirect.gather [hbm4b:s5+s16], $0x40, s7, s16, $0xb8;
	[tilespmem:$0x16D00] =	vst v63  }
0xc2: {  	_ =	swait.ge [sflag:s28], $0x1F40  }
0xc3: {  	[sflag:s28] =	ssyncset.done $0x0  }
0xc4: {  	s11 =	simm.s32 $0x2900;
	[sflag:s28] =	ssyncadd.s32 $0xFFFFE0C0  }
0xc5: {  	[spmem:s2] =	stream.indirect.scatter.add.f32 [tilespmem:s22], [sflag:$0x7], $0x40, s11, s16, $0xb8;
	[tilespmem:$0x16D00] =	vst v63  }
0xc6: {  	_ =	swait.ge [sflag:s30], $0x1F40  }
0xc7: {  	[sflag:s30] =	ssyncset.done $0x0  }
0xc8: {  	s7 =	simm.s32 $0x200;
	[sflag:s30] =	ssyncadd.s32 $0xFFFFE0C0  }
0xc9: {  	[tilespmem:s17], [sflag:$0x1] =	stream.indirect.gather [hbm4b:s5+s16], $0x40, s7, s16, $0xb8;
	[tilespmem:$0x16D00] =	vst v63  }
0xca: {  	_ =	swait.ge [sflag:s1], $0x1F40  }
0xcb: {  	[sflag:s1] =	ssyncset.done $0x0  }
0xcc: {  	s11 =	simm.s32 $0x2980;
	[sflag:s1] =	ssyncadd.s32 $0xFFFFE0C0  }
0xcd: {  	[spmem:s2] =	stream.indirect.scatter.add.f32 [tilespmem:s26], [sflag:$0x8], $0x40, s11, s16, $0xb8;
	[tilespmem:$0x16D00] =	vst v63  }
0xce: {  	_ =	swait.ge [sflag:s6], $0x1F40  }
0xcf: {  	[sflag:s6] =	ssyncset.done $0x0  }
0xd0: {  	s7 =	simm.s32 $0x280;
	[sflag:s6] =	ssyncadd.s32 $0xFFFFE0C0  }
0xd1: {  	[tilespmem:s19], [sflag:$0x2] =	stream.indirect.gather [hbm4b:s5+s16], $0x40, s7, s16, $0xb8;
	[tilespmem:$0x16D00] =	vst v63  }
0xd2: {  	_ =	swait.ge [sflag:s20], $0x1F40  }
0xd3: {  	[sflag:s20] =	ssyncset.done $0x0  }
0xd4: {  	s11 =	simm.s32 $0x2A00;
	[sflag:s20] =	ssyncadd.s32 $0xFFFFE0C0  }
0xd5: {  	[spmem:s2] =	stream.indirect.scatter.add.f32 [tilespmem:s17], [sflag:$0x5], $0x40, s11, s16, $0xb8;
	[tilespmem:$0x16D00] =	vst v63  }
0xd6: {  	_ =	swait.ge [sflag:s9], $0x1F40  }
0xd7: {  	[sflag:s9] =	ssyncset.done $0x0  }
0xd8: {  	s7 =	simm.s32 $0x300;
	[sflag:s9] =	ssyncadd.s32 $0xFFFFE0C0  }
0xd9: {  	[tilespmem:s22], [sflag:$0x3] =	stream.indirect.gather [hbm4b:s5+s16], $0x40, s7, s16, $0xb8;
	[tilespmem:$0x16D00] =	vst v63  }
0xda: {  	_ =	swait.ge [sflag:s23], $0x1F40  }
0xdb: {  	[sflag:s23] =	ssyncset.done $0x0  }
0xdc: {  	s11 =	simm.s32 $0x2A80;
	[sflag:s23] =	ssyncadd.s32 $0xFFFFE0C0  }
0xdd: {  	[spmem:s2] =	stream.indirect.scatter.add.f32 [tilespmem:s19], [sflag:$0x6], $0x40, s11, s16, $0xb8;
	[tilespmem:$0x16D00] =	vst v63  }
0xde: {  	_ =	swait.ge [sflag:s10], $0x1F40  }
0xdf: {  	[sflag:s10] =	ssyncset.done $0x0  }
0xe0: {  	s7 =	simm.s32 $0x380;
	[sflag:s10] =	ssyncadd.s32 $0xFFFFE0C0  }
0xe1: {  	[tilespmem:s26], [sflag:$0x4] =	stream.indirect.gather [hbm4b:s5+s16], $0x40, s7, s16, $0xb8;
	[tilespmem:$0x16D00] =	vst v63  }
0xe2: {  	_ =	swait.ge [sflag:s28], $0x1F40  }
0xe3: {  	[sflag:s28] =	ssyncset.done $0x0  }
0xe4: {  	s11 =	simm.s32 $0x2B00;
	[sflag:s28] =	ssyncadd.s32 $0xFFFFE0C0  }
0xe5: {  	[spmem:s2] =	stream.indirect.scatter.add.f32 [tilespmem:s22], [sflag:$0x7], $0x40, s11, s16, $0xb8;
	[tilespmem:$0x16D00] =	vst v63  }
0xe6: {  	_ =	swait.ge [sflag:s30], $0x1F40  }
0xe7: {  	[sflag:s30] =	ssyncset.done $0x0  }
0xe8: {  	s7 =	simm.s32 $0x400;
	[sflag:s30] =	ssyncadd.s32 $0xFFFFE0C0  }
0xe9: {  	[tilespmem:s17], [sflag:$0x1] =	stream.indirect.gather [hbm4b:s5+s16], $0x40, s7, s16, $0xb8;
	[tilespmem:$0x16D00] =	vst v63  }
0xea: {  	_ =	swait.ge [sflag:s1], $0x1F40  }
0xeb: {  	[sflag:s1] =	ssyncset.done $0x0  }
0xec: {  	s11 =	simm.s32 $0x2B80;
	[sflag:s1] =	ssyncadd.s32 $0xFFFFE0C0  }
0xed: {  	[spmem:s2] =	stream.indirect.scatter.add.f32 [tilespmem:s26], [sflag:$0x8], $0x40, s11, s16, $0xb8;
	[tilespmem:$0x16D00] =	vst v63  }
0xee: {  	_ =	swait.ge [sflag:s6], $0x1F40  }
0xef: {  	[sflag:s6] =	ssyncset.done $0x0  }
0xf0: {  	s0 =	simm.s32 $0x800;
	s7 =	simm.s32 $0x480;
	[sflag:s6] =	ssyncadd.s32 $0xFFFFE0C0  }
.LBB2_4:
0xf1: {  	[tilespmem:s19], [sflag:$0x2] =	stream.indirect.gather [hbm4b:s5+s16], $0x40, s7, s16, $0xb8;
	[tilespmem:$0x16D00] =	vst v63  }
0xf2: {  	s7 =	smov.u32 s0  }
0xf3: {  	p0 =	sne.s32 s0, $0x8800;
	s0 =	sadd.s32 $0x800, s0;
	_ =	swait.ge [sflag:s20], $0x1F40  }
0xf4: {  	s7 =	sshra.s32 s7, $0x2;
	[sflag:s20] =	ssyncset.done $0x0  }
0xf5: {  	s11 =	sadd.s32 $0x2A00, s7;
	[sflag:s20] =	ssyncadd.s32 $0xFFFFE0C0  }
0xf6: {  	[spmem:s2] =	stream.indirect.scatter.add.f32 [tilespmem:s17], [sflag:$0x5], $0x40, s11, s16, $0xb8;
	[tilespmem:$0x16D00] =	vst v63  }
0xf7: {  	_ =	swait.ge [sflag:s9], $0x1F40  }
0xf8: {  	[sflag:s9] =	ssyncset.done $0x0  }
0xf9: {  	s11 =	sadd.s32 $0x300, s7;
	[sflag:s9] =	ssyncadd.s32 $0xFFFFE0C0  }
0xfa: {  	[tilespmem:s22], [sflag:$0x3] =	stream.indirect.gather [hbm4b:s5+s16], $0x40, s11, s16, $0xb8;
	[tilespmem:$0x16D00] =	vst v63  }
0xfb: {  	_ =	swait.ge [sflag:s23], $0x1F40  }
0xfc: {  	[sflag:s23] =	ssyncset.done $0x0  }
0xfd: {  	s11 =	sadd.s32 $0x2A80, s7;
	[sflag:s23] =	ssyncadd.s32 $0xFFFFE0C0  }
0xfe: {  	[spmem:s2] =	stream.indirect.scatter.add.f32 [tilespmem:s19], [sflag:$0x6], $0x40, s11, s16, $0xb8;
	[tilespmem:$0x16D00] =	vst v63  }
0xff: {  	_ =	swait.ge [sflag:s10], $0x1F40  }
0x100: {  	[sflag:s10] =	ssyncset.done $0x0  }
0x101: {  	s11 =	sadd.s32 $0x380, s7;
	[sflag:s10] =	ssyncadd.s32 $0xFFFFE0C0  }
0x102: {  	[tilespmem:s26], [sflag:$0x4] =	stream.indirect.gather [hbm4b:s5+s16], $0x40, s11, s16, $0xb8;
	[tilespmem:$0x16D00] =	vst v63  }
0x103: {  	_ =	swait.ge [sflag:s28], $0x1F40  }
0x104: {  	[sflag:s28] =	ssyncset.done $0x0  }
0x105: {  	s11 =	sadd.s32 $0x2B00, s7;
	[sflag:s28] =	ssyncadd.s32 $0xFFFFE0C0  }
0x106: {  	[spmem:s2] =	stream.indirect.scatter.add.f32 [tilespmem:s22], [sflag:$0x7], $0x40, s11, s16, $0xb8;
	[tilespmem:$0x16D00] =	vst v63  }
0x107: {  	_ =	swait.ge [sflag:s30], $0x1F40  }
0x108: {  	[sflag:s30] =	ssyncset.done $0x0  }
0x109: {  	s11 =	sadd.s32 $0x400, s7;
	[sflag:s30] =	ssyncadd.s32 $0xFFFFE0C0  }
0x10a: {  	[tilespmem:s17], [sflag:$0x1] =	stream.indirect.gather [hbm4b:s5+s16], $0x40, s11, s16, $0xb8;
	[tilespmem:$0x16D00] =	vst v63  }
0x10b: {  	_ =	swait.ge [sflag:s1], $0x1F40  }
0x10c: {  	[sflag:s1] =	ssyncset.done $0x0  }
.Ltmp1:
0x10d: {  	s11 =	sadd.s32 $0x2B80, s7;
	[sflag:s1] =	ssyncadd.s32 $0xFFFFE0C0;
	(pc) =	sbr.rel @p0 .LBB2_4-.Ltmp1, $4  }
0x10e: {  	[spmem:s2] =	stream.indirect.scatter.add.f32 [tilespmem:s26], [sflag:$0x8], $0x40, s11, s16, $0xb8;
	[tilespmem:$0x16D00] =	vst v63  }
0x10f: {  	_ =	swait.ge [sflag:s6], $0x1F40  }
0x110: {  	[sflag:s6] =	ssyncset.done $0x0  }
0x111: {  	s7 =	sadd.s32 $0x480, s7;
	[sflag:s6] =	ssyncadd.s32 $0xFFFFE0C0  }
0x112: {  	[tilespmem:s19], [sflag:$0x2] =	stream.indirect.gather [hbm4b:s5+s16], $0x40, s7, s16, $0xb8;
	[tilespmem:$0x16D00] =	vst v63  }
0x113: {  	_ =	swait.ge [sflag:s20], $0x1F40  }
0x114: {  	[sflag:s20] =	ssyncset.done $0x0  }
0x115: {  	s0 =	simm.s32 $0x4E00;
	[sflag:s20] =	ssyncadd.s32 $0xFFFFE0C0  }
0x116: {  	[spmem:s2] =	stream.indirect.scatter.add.f32 [tilespmem:s17], [sflag:$0x5], $0x40, s0, s16, $0xb8;
	[tilespmem:$0x16D00] =	vst v63  }
0x117: {  	_ =	swait.ge [sflag:s9], $0x1F40  }
0x118: {  	[sflag:s9] =	ssyncset.done $0x0  }
0x119: {  	[sflag:s9] =	ssyncadd.s32 $0xFFFFE0C0  }
0x11a: {  	[tilespmem:s22], [sflag:$0x3] =	stream.indirect.gather [hbm4b:s5+s16], $0x40, s18, s16, $0xb8;
	[tilespmem:$0x16D00] =	vst v63  }
0x11b: {  	_ =	swait.ge [sflag:s23], $0x1F40  }
0x11c: {  	[sflag:s23] =	ssyncset.done $0x0  }
0x11d: {  	[sflag:s23] =	ssyncadd.s32 $0xFFFFE0C0  }
0x11e: {  	[spmem:s2] =	stream.indirect.scatter.add.f32 [tilespmem:s19], [sflag:$0x6], $0x40, s21, s16, $0xb8;
	[tilespmem:$0x16D00] =	vst v63  }
0x11f: {  	_ =	swait.ge [sflag:s10], $0x1F40  }
0x120: {  	[sflag:s10] =	ssyncset.done $0x0  }
0x121: {  	[sflag:s10] =	ssyncadd.s32 $0xFFFFE0C0  }
0x122: {  	[tilespmem:s26], [sflag:$0x4] =	stream.indirect.gather [hbm4b:s5+s16], $0x40, s24, s16, $0xb8;
	[tilespmem:$0x16D00] =	vst v63  }
0x123: {  	_ =	swait.ge [sflag:s28], $0x1F40  }
0x124: {  	[sflag:s28] =	ssyncset.done $0x0  }
0x125: {  	[sflag:s28] =	ssyncadd.s32 $0xFFFFE0C0  }
0x126: {  	[spmem:s2] =	stream.indirect.scatter.add.f32 [tilespmem:s22], [sflag:$0x7], $0x40, s25, s16, $0xb8;
	[tilespmem:$0x16D00] =	vst v63  }
0x127: {  	_ =	swait.ge [sflag:s30], $0x1F40  }
0x128: {  	[sflag:s30] =	ssyncset.done $0x0  }
0x129: {  	[sflag:s30] =	ssyncadd.s32 $0xFFFFE0C0  }
0x12a: {  	_ =	swait.ge [sflag:s1], $0x1F40  }
0x12b: {  	[sflag:s1] =	ssyncset.done $0x0  }
0x12c: {  	[sflag:s1] =	ssyncadd.s32 $0xFFFFE0C0  }
0x12d: {  	[spmem:s2] =	stream.indirect.scatter.add.f32 [tilespmem:s26], [sflag:$0x8], $0x40, s29, s16, $0xb8;
	[tilespmem:$0x16D00] =	vst v63  }
0x12e: {  	_ =	swait.ge [sflag:s6], $0x1F40  }
0x12f: {  	[sflag:s6] =	ssyncset.done $0x0  }
0x130: {  	[sflag:s6] =	ssyncadd.s32 $0xFFFFE0C0  }
0x131: {  	_ =	swait.ge [sflag:s9], $0x1F40  }
0x132: {  	[sflag:s9] =	ssyncset.done $0x0  }
0x133: {  	[sflag:s9] =	ssyncadd.s32 $0xFFFFE0C0  }
0x134: {  	_ =	swait.ge [sflag:s10], $0x1F40  }
0x135: {  	[sflag:s10] =	ssyncset.done $0x0  }
0x136: {  	[sflag:s10] =	ssyncadd.s32 $0xFFFFE0C0  }
0x137: {  	[bflag:$0x0] =	sbarrier.arrive $0xFFFF  }
0x138: {  	s7 =	rddreg [dreg:$0x6]  }
0x139: {  	[hbm:s7], [sflag:s14] =	dma.local [spmem:s15], $0x1400  }
0x13a: {  	_ =	swait.ge [sflag:s12], $0x1400  }
0x13b: {  	s31 =	sadd.s32 $0x1, s31;
	s11 =	rddreg [dreg:$0x7]  }
0x13c: {  	p0 =	sne.s32 s31, s11  }
.Ltmp2:
0x13d: {  	_ = 	snop;
	(pc) =	sbr.rel @p0 .LBB2_1-.Ltmp2, $3  }
0x13e: {  	_ =	sdelay $0x1  }
0x13f: {  	[sflag:s12] =	ssyncset.done $0x0  }
0x140: {  	[sflag:s12] =	ssyncadd.s32 $0xFFFFEC00  }
0x141: {  	_ =	sfence.sel $0x180000  }
0x142: {  	[bflag:$0x0] =	sbarrier.arrive $0xFFFF  }
0x143: {  	_ =	strace $0x9000004A  }
0x144: {  	s0 =	stileid.u32;
	[bflag:$0x2] =	sbarrier.arrive $0xFFFF  }
0x145: {  	p0 =	sne.s32 s0, $0x0;
	s0 =	rddreg [dreg:$0x2]  }
0x146: {  	s0 =	sadd.s32 @!p0 $0x100000, s0  }
0x147: {  	[sflag:s0] =	ssyncadd.tile.s32 @!p0 $0x1;
	_ =	shalt  }
.Lfunc_end2:
_tile_overlayer_lowered:
.L_overlay_start_2:
0x148: {  	(tag) =	ssettag $0x2  }
0x149: {  	s0 =	rddreg [dreg:$0x0];
	s2 =	stileid.u32  }
0x14a: {  	s1 =	rddreg [dreg:$0x1];
	p0 =	sne.s32 s2, $0x0  }
0x14b: {  	s3 =	rddreg [dreg:$0x2];
	[bflag:$0x3] =	sbarrier.arrive $0xFFFF;
	s2 =	simm.s32 @!p0 $0x1C09  }
0x14c: {  	[timem:s3], [sflag:s2] =	dma.local @!p0 [hbm:s0], s1  }
0x14d: {  	s0 =	simm.s32 @!p0 $0x9  }
0x14e: {  	_ =	swait.ge @!p0 [sflag:s0], s1  }
0x14f: {  	s1 =	ssub.s32 @!p0 $0x0, s1;
	[sflag:s0] =	ssyncset.done @!p0 $0x0  }
0x150: {  	[sflag:s0] =	ssyncadd.s32 @!p0 s1  }
0x151: {  	[bflag:$0x3] =	sbarrier.arrive $0xFFFF  }
0x152: {  	_ =	shalt  }

// kernel: kernel.15.cloned.1.call-start
scs
__scs_entry_jumppad:
0x0: {  	(pc) =	sbr.rel $0x88, $3  }
0x1: {  	(tag) =	ssettag $0x0;
	lr =	simm.s32 $0x1  }
0x2: {  	[smem:$0x3F97] =	sst lr;
	_ =	strace $0xD0000000  }
0x3: {  	_ = 	snop  }
0x4: {  	_ = 	snop  }
0x5: {  	_ = 	snop  }
0x6: {  	_ = 	snop  }
0x7: {  	_ = 	snop  }
__scs_overlays_trampoline_lowered:
0x8: {  	[smem:$0x3FA6] =	sst s0  }
0x9: {  	[smem:$0x3FA7] =	sst s1  }
0xa: {  	[smem:$0x3FA8] =	sst s2  }
0xb: {  	[smem:$0x3FA9] =	sst s3  }
0xc: {  	[smem:$0x3FAA] =	sst s4  }
0xd: {  	[smem:$0x3FAB] =	sst s5  }
0xe: {  	[smem:$0x3FAC] =	sst s6  }
0xf: {  	[smem:$0x3FAD] =	sst s7  }
0x10: {  	[smem:$0x3FAE] =	sst s8  }
0x11: {  	[smem:$0x3FAF] =	sst s9;
	s0 =	simm.s32 @!p0 $0x0  }
0x12: {  	s1 =	sld [smem:$0x3F95];
	s0 =	simm.s32 @p0 $0x1  }
0x13: {  	[smem:$0x3FB0] =	sst s0;
	s0 =	simm.s32 @!p1 $0x0  }
0x14: {  	s2 =	sld [smem:$0x3F94];
	s0 =	simm.s32 @p1 $0x1  }
0x15: {  	[smem:$0x3FB1] =	sst s0;
	s0 =	simm.s32 @!p2 $0x0  }
0x16: {  	s3 =	sld [smem:$0x3FDB];
	s0 =	simm.s32 @p2 $0x1  }
0x17: {  	s4 =	simm.s32 $0x1BF5;
	[smem:$0x3FB3] =	sst s0  }
0x18: {  	s0 =	sld [smem:$0x3F96];
	_ =	swait.ge [sflag:s4], $0x0  }
0x19: {  	s7 =	sld [smem:$0x3F97]  }
0x1a: {  	s8 =	sadd.s32 $0xFFFFE003, lr  }
0x1b: {  	s9 =	sadd.s32 $0xFFFFFEF7, lr;
	s5 =	simm.s32 $0xFFFFFFFF;
	p2 =	slt.u32 s8, $0xFFFFF086  }
0x1c: {  	p1 =	slt.u32 s9, $0xF7A;
	s5 =	simm.s32 @!p2 $0x0  }
0x1d: {  	s5 =	simm.s32 @p1 $0x1;
	p0 =	seq.s32 s7, s2  }
0x1e: {  	s7 =	smul.u32 @!p0 $0xF7A, s2;
	p2 =	seq.s32 @!p0 s5, $0x0  }
0x1f: {  	s9 =	smul.u32 $0xF7A, s1;
	s8 =	simm.s32 @!p0 $0x1BF5;
	p2 =	por !p2, p0  }
0x20: {  	[sflag:s8] =	ssyncset.s32 @!p0 $0xFFFFF086;
	s6 =	sadd.s32 @!p0 s3, s7;
	s7 =	simm.s32 @!p0 $0x108  }
0x21: {  	s3 =	sadd.s32 s3, s9;
	s6 =	sadd.s32 @!p0 $0x88, s6;
	s7 =	simm.s32 @p2 $0x1082  }
0x22: {  	[simem:s7], [sflag:s8] =	dma.local @!p0 [hbm:s6], $0xF7A  }
0x23: {  	s9 =	sor.u32 $0xD0000000, s2;
	s6 =	simm.s32 $0x108;
	_ =	swait.ge @!p0 [sflag:s8], $0x0  }
0x24: {  	s3 =	sadd.s32 $0x88, s3;
	s6 =	simm.s32 @!p1 $0x1082;
	[sflag:s4] =	ssyncset.s32 $0xFFFFF086  }
0x25: {  	[simem:s6], [sflag:s4] =	dma.local [hbm:s3], $0xF7A  }
0x26: {  	[smem:$0x3F97] =	sst s1;
	(tag) =	ssettag s2;
	_ =	strace s9  }
0x27: {  	s1 =	sld [smem:$0x3FA7]  }
0x28: {  	s2 =	sld [smem:$0x3FA8]  }
0x29: {  	s4 =	sld [smem:$0x3FAA]  }
0x2a: {  	p0 =	seq.s32 s5, $0x0;
	s5 =	sld [smem:$0x3FAB]  }
0x2b: {  	s6 =	sld [smem:$0x3FAC]  }
0x2c: {  	s7 =	sld [smem:$0x3FAD]  }
0x2d: {  	s3 =	simm.s32 $0x108;
	s8 =	sld [smem:$0x3FAE]  }
0x2e: {  	s3 =	simm.s32 @!p0 $0x1082;
	s9 =	sld [smem:$0x3FAF]  }
0x2f: {  	lr =	sadd.s32 s0, s3;
	s0 =	sld [smem:$0x3FA6]  }
0x30: {  	s3 =	sld [smem:$0x3FA9]  }
0x31: {  	[smem:$0x3FB2] =	sst s10  }
0x32: {  	s10 =	sld [smem:$0x3FB0];
	_ =	sdelay $0x3  }
0x33: {  	p0 =	seq.s32 s10, $0x1;
	s10 =	sld [smem:$0x3FB2];
	_ =	sdelay $0x3  }
0x34: {  	[smem:$0x3FB2] =	sst s10  }
0x35: {  	s10 =	sld [smem:$0x3FB1];
	_ =	sdelay $0x3  }
0x36: {  	p1 =	seq.s32 s10, $0x1;
	s10 =	sld [smem:$0x3FB2];
	_ =	sdelay $0x3  }
0x37: {  	[smem:$0x3FB2] =	sst s10  }
0x38: {  	s10 =	sld [smem:$0x3FB3]  }
0x39: {  	_ = 	snop;
	(pc) =	sbr.ind lr, $3  }
0x3a: {  	_ = 	snop  }
0x3b: {  	_ = 	snop  }
0x3c: {  	p2 =	seq.s32 s10, $0x1;
	s10 =	sld [smem:$0x3FB2]  }
0x3d: {  	_ =	shalt  }
0x3e: {  	_ =	shalt  }
0x3f: {  	_ =	shalt  }
0x40: {  	_ =	shalt  }
0x41: {  	_ =	shalt  }
0x42: {  	_ =	shalt  }
0x43: {  	_ =	shalt  }
0x44: {  	_ =	shalt  }
0x45: {  	_ =	shalt  }
0x46: {  	_ =	shalt  }
0x47: {  	_ =	shalt  }
0x48: {  	_ =	shalt  }
0x49: {  	_ =	shalt  }
0x4a: {  	_ =	shalt  }
0x4b: {  	_ =	shalt  }
0x4c: {  	_ =	shalt  }
0x4d: {  	_ =	shalt  }
0x4e: {  	_ =	shalt  }
0x4f: {  	_ =	shalt  }
0x50: {  	_ =	shalt  }
0x51: {  	_ =	shalt  }
0x52: {  	_ =	shalt  }
0x53: {  	_ =	shalt  }
0x54: {  	_ =	shalt  }
0x55: {  	_ =	shalt  }
0x56: {  	_ =	shalt  }
0x57: {  	_ =	shalt  }
0x58: {  	_ =	shalt  }
0x59: {  	_ =	shalt  }
0x5a: {  	_ =	shalt  }
0x5b: {  	_ =	shalt  }
0x5c: {  	_ =	shalt  }
0x5d: {  	_ =	shalt  }
0x5e: {  	_ =	shalt  }
0x5f: {  	_ =	shalt  }
0x60: {  	_ =	shalt  }
0x61: {  	_ =	shalt  }
0x62: {  	_ =	shalt  }
0x63: {  	_ =	shalt  }
0x64: {  	_ =	shalt  }
0x65: {  	_ =	shalt  }
0x66: {  	_ =	shalt  }
0x67: {  	_ =	shalt  }
0x68: {  	_ =	shalt  }
0x69: {  	_ =	shalt  }
0x6a: {  	_ =	shalt  }
0x6b: {  	_ =	shalt  }
0x6c: {  	_ =	shalt  }
0x6d: {  	_ =	shalt  }
0x6e: {  	_ =	shalt  }
0x6f: {  	_ =	shalt  }
0x70: {  	_ =	shalt  }
0x71: {  	_ =	shalt  }
0x72: {  	_ =	shalt  }
0x73: {  	_ =	shalt  }
0x74: {  	_ =	shalt  }
0x75: {  	_ =	shalt  }
0x76: {  	_ =	shalt  }
0x77: {  	_ =	shalt  }
0x78: {  	_ =	shalt  }
0x79: {  	_ =	shalt  }
0x7a: {  	_ =	shalt  }
0x7b: {  	_ =	shalt  }
0x7c: {  	_ =	shalt  }
0x7d: {  	_ =	shalt  }
0x7e: {  	_ =	shalt  }
0x7f: {  	_ =	shalt  }
0x80: {  	_ =	shalt  }
0x81: {  	_ =	shalt  }
0x82: {  	_ =	shalt  }
0x83: {  	_ =	shalt  }
0x84: {  	_ =	shalt  }
0x85: {  	_ =	shalt  }
0x86: {  	_ =	shalt  }
0x87: {  	_ =	shalt  }
.Lfunc_end0:
.L_simem_size_0:
called_computation.2_lowered:
.L_overlay_start_0:
0x88: {  	s2 =	sld [smem:$0x3FD9]  }
0x89: {  	s3 =	sld [smem:$0x3FFE];
	_ =	sdelay $0x1  }
0x8a: {  	s1 =	srdreg.scid  }
0x8b: {  	s0 =	sand.u32 $0x1, s1  }
0x8c: {  	s14 =	sshll.u32 s0, $0xA;
	s2 =	sadd.s32 s3, s2  }
0x8d: {  	s2 =	sadd.s32 s2, s14  }
0x8e: {  	[smem:$0x3FBE] =	sst s2  }
0x8f: {  	_ = 	snop  }
0x90: {  	s2 =	sld [smem:$0x3FD0];
	_ =	sdelay $0x2  }
0x91: {  	s15 =	simm.s32 $0xA;
	s4 =	simm.s32 $0x10  }
0x92: {  	[smem:s4], [sflag:s15] =	dma.local [hbm:s2], $0x1  }
0x93: {  	_ =	swait.eq [sflag:s15], $0x1  }
0x94: {  	[sflag:s15] =	ssyncset.done $0x0  }
0x95: {  	[sflag:s15] =	ssyncadd.s32 $0xFFFFFFFF  }
0x96: {  	s16 =	sld [smem:$0x10];
	(tm) =	ssettm $0x1  }
0x97: {  	s17 =	sld [smem:$0x3FFB];
	_ =	sdelay $0x3  }
0x98: {  	_ =	strace s17  }
0x99: {  	s3 =	sld [smem:$0x3FFC];
	_ =	sdelay $0x3  }
0x9a: {  	_ =	strace s3  }
0x9b: {  	s3 =	sld [smem:$0x3FFD];
	_ =	sdelay $0x3  }
0x9c: {  	_ =	strace s3  }
0x9d: {  	_ =	strace $0x8FFFFFFF  }
0x9e: {  	s18 =	sld [smem:$0x3FDB];
	_ =	sdelay $0x1  }
0x9f: {  	s19 =	simm.s32 $_scs_section_size  }
0xa0: {  	s5 =	simm.s32 $_size__tile_overlayer_lowered;
	s6 =	simm.s32 $_tile_overlayer_lowered  }
0xa1: {  	s22 =	simm.s32 $0x1BFF;
	s21 =	sshll.u32 s6, $0x1;
	s3 =	sadd.s32 s19, s18  }
0xa2: {  	s7 =	simm.s32 $0x0;
	s20 =	sshll.u32 s5, $0x1;
	s5 =	sadd.s32 s21, s3  }
0xa3: {  	[timem:s7], [sflag:s22] =	dma.local [hbm:s5], s20  }
0xa4: {  	_ =	swait.ge [sflag:s22], s20  }
0xa5: {  	s4 =	ssub.s32 $0x0, s20;
	[sflag:s22] =	ssyncset.done $0x0  }
0xa6: {  	[sflag:s22] =	ssyncadd.s32 s4;
	_ =	sdelay $0x1  }
0xa7: {  	s23 =	simm.s32 $0x1B8B  }
0xa8: {  	_ =	swait.ge [sflag:s23], $0x1  }
0xa9: {  	[sflag:s23] =	ssyncset.done $0x0  }
0xaa: {  	s25 =	simm.s32 $0x1B8E;
	s24 =	sld [smem:$0x3FFE];
	[sflag:s23] =	ssyncadd.s32 $0xFFFFFFFF  }
0xab: {  	s26 =	simm.s32 $execute0_lowered;
	[smem:$0x3FD2] =	sst s25  }
0xac: {  	s5 =	sshll.u32 s26, $0x1;
	_ =	strace $0x8000004C;
	[dreg:$0x1] =	wrdreg $0xFFFFFFFF  }
0xad: {  	s28 =	simm.s32 $_size_execute0_lowered;
	s3 =	sadd.s32 s3, s5;
	[dreg:$0x0] =	wrdreg $0x0  }
0xae: {  	s5 =	sshll.u32 s28, $0x1;
	[dreg:$0x2] =	wrdreg s3  }
0xaf: {  	[dreg:$0x3] =	wrdreg s5  }
0xb0: {  	[dreg:$0x4] =	wrdreg $0xC0  }
0xb1: {  	_ =	task [dreg:s7], $0x5FFFF  }
0xb2: {  	[dreg:$0x1] =	wrdreg $0xFFFFFFFF  }
0xb3: {  	[dreg:$0x0] =	wrdreg $0x60  }
0xb4: {  	[dreg:$0x2] =	wrdreg s16  }
0xb5: {  	[dreg:$0x3] =	wrdreg s24  }
0xb6: {  	[dreg:$0x4] =	wrdreg $0xCD000  }
0xb7: {  	[dreg:$0x5] =	wrdreg $0x9  }
0xb8: {  	_ =	task.clear_ibuf [dreg:s7], $0x6FFFF;
	_ =	strace $0x9000004C  }
0xb9: {  	s29 =	simm.s32 $0x9;
	_ =	strace $0x8000004E  }
0xba: {  	_ =	swait.ge [sflag:s29], $0x1  }
0xbb: {  	[sflag:s29] =	ssyncadd.s32 $0xFFFFFFFF  }
0xbc: {  	_ =	strace $0x9000004E  }
0xbd: {  	_ =	sfence  }
0xbe: {  	s30 =	sld [smem:$0x0];
	_ =	sdelay $0x2  }
0xbf: {  	s31 =	sshll.u32 s1, $0xD;
	s1 =	sshrl.u32 s1, $0x2  }
0xc0: {  	s3 =	sand.u32 $0x4000, s31;
	s1 =	sadd.s32 s1, s30  }
0xc1: {  	s0 =	sor.u32 s3, s0;
	s1 =	sshll.u32 s1, $0x11  }
0xc2: {  	s0 =	sor.u32 s1, s0  }
0xc3: {  	s0 =	sadd.s32 $0x8F2B, s0  }
0xc4: {  	[sflag:s0] =	ssyncadd.remote.s32 $0x1  }
0xc5: {  	_ =	sfence.sel $0xFFFF  }
0xc6: {  	[dreg:$0x0] =	wrdreg $0xFFFFFFFF;
	(pc) =	sbr.abs _section_cstart, $3  }
0xc7: {  	[dreg:$0x1] =	wrdreg $0xFFFFFFFF  }
0xc8: {  	_ =	task.clear_ibuf [dreg:s7], $0x2FFFF;
	_ =	strace $0x9FFFFFFF  }
0xc9: {  	(tm) =	ssettm $0x7FFFFFFF  }
tec
execute0_lowered:
.L_overlay_start_1:
0x0: {  	(tag) =	ssettag $0x1  }
0x1: {  	s1 =	rddreg [dreg:$0x0]  }
0x2: {  	s0 =	srdreg.scid;
	s6 =	rddreg [dreg:$0x1]  }
0x3: {  	s11 =	stileid.u32;
	s3 =	rddreg [dreg:$0x2];
	s4 =	simm.s32 $0x0  }
0x4: {  	s12 =	simm.s32 $0x9;
	s13 =	simm.s32 $0x2800;
	s16 =	simm.s32 $0x7D  }
0x5: {  	s17 =	simm.s32 $0x5000;
	s19 =	simm.s32 $0x6F40;
	s20 =	simm.s32 $0x1  }
0x6: {  	s22 =	simm.s32 $0x8E80;
	s28 =	simm.s32 $0x3;
	s30 =	simm.s32 $0x5  }
0x7: {  	s18 =	simm.s32 $0x2700;
	s21 =	simm.s32 $0x4E80;
	s29 =	simm.s32 $0x4F80  }
0x8: {  	s31 =	simm.s32 $0x0;
	s0 =	sand.u32 $0x1, s0;
	s2 =	sshll.u32 s11, $0x1  }
0x9: {  	s7 =	smul.u32 $0xA000, s11;
	[smem:$0x7FF] =	sst s4;
	s5 =	sadd.s32 $0x67400, s6  }
0xa: {  	s26 =	sshll.u32 s11, $0x6;
	s2 =	sor.u32 s0, s2;
	s8 =	smul.u32 $0xA0000, s0  }
0xb: {  	_ =	strace $0x8000004D;
	s0 =	ssub.s32 $0x2, s0;
	s14 =	sor.u32 $0x1C09, s26  }
0xc: {  	s26 =	simm.s32 $0xADC0;
	s2 =	smul.u32 $0x500, s2;
	s9 =	sshrl.u32 s7, $0x3  }
0xd: {  	s10 =	sshrl.u32 s0, $0x1;
	s24 =	sadd.s32 s7, s3;
	s8 =	sadd.s32 s7, s8  }
0xe: {  	s9 =	sadd.s32 s9, s6;
	s0 =	ssub.s32 s0, s10;
	s15 =	sshrl.u32 s24, $0x3  }
0xf: {  	s10 =	simm.s32 $0x8;
	s24 =	simm.s32 $0x2780;
	s8 =	sshrl.u32 s8, $0x3  }
0x10: {  	s2 =	sadd.s32 s2, s6;
	s0 =	smax.u32 s0, $0x1;
	s6 =	sadd.s32 s8, s6  }
0x11: {  	s23 =	sadd.s32 $0xD400, s2;
	s2 =	sadd.s32 $0x3200, s2;
	[dreg:$0x8] =	wrdreg s0  }
0x12: {  	s8 =	sadd.s32 $0x8E800, s9;
	s9 =	simm.s32 $0x7;
	[dreg:$0x4] =	wrdreg s23  }
0x13: {  	[dreg:$0x5] =	wrdreg s2;
	s25 =	sadd.s32 $0xCA800, s6;
	s6 =	sadd.s32 $0xA2800, s6  }
0x14: {  	s23 =	simm.s32 $0x2;
	s2 =	simm.s32 $0x4;
	[dreg:$0x6] =	wrdreg s25  }
0x15: {  	[dreg:$0x7] =	wrdreg s6;
	s6 =	simm.s32 $0x6;
	s25 =	simm.s32 $0x4F00  }
.LBB2_1:
0x16: {  	s0 =	rddreg [dreg:$0x4]  }
0x17: {  	[tilespmem:s4], [sflag:$0x9] =	stream.linear.gather [hbm4b:s0+s4], $0x2800, $0x38;
	[tilespmem:$0x16D00] =	vst v63  }
0x18: {  	_ =	swait.ge [sflag:s12], $0x2800  }
0x19: {  	[sflag:s12] =	ssyncset.done $0x0  }
0x1a: {  	s7 =	rddreg [dreg:$0x5];
	[sflag:s12] =	ssyncadd.s32 $0xFFFFD800  }
0x1b: {  	[tilespmem:s13], [sflag:$0x9] =	stream.linear.gather [hbm4b:s7+s4], $0x2800, $0x38;
	[tilespmem:$0x16D00] =	vst v63  }
0x1c: {  	_ =	swait.ge [sflag:s12], $0x2800  }
0x1d: {  	[sflag:s12] =	ssyncset.done $0x0  }
0x1e: {  	[sflag:s12] =	ssyncadd.s32 $0xFFFFD800  }
0x1f: {  	[spmem:s15], [sflag:s14] =	dma.local [hbm:s8], $0x1400  }
0x20: {  	_ =	swait.ge [sflag:s12], $0x1400  }
0x21: {  	[sflag:s12] =	ssyncset.done $0x0  }
0x22: {  	[sflag:s12] =	ssyncadd.s32 $0xFFFFEC00  }
0x23: {  	[bflag:$0x0] =	sbarrier.arrive $0xFFFF  }
0x24: {  	[tilespmem:s17], [sflag:$0x1] =	stream.indirect.gather [hbm4b:s1+s16], $0x40, s4, s16, $0xb8;
	[tilespmem:$0x16D00] =	vst v63  }
0x25: {  	s11 =	simm.s32 $0x80  }
0x26: {  	[tilespmem:s19], [sflag:$0x2] =	stream.indirect.gather [hbm4b:s1+s16], $0x40, s11, s16, $0xb8;
	[tilespmem:$0x16D00] =	vst v63  }
0x27: {  	_ =	swait.ge [sflag:s20], $0x1F40  }
0x28: {  	[sflag:s20] =	ssyncset.done $0x0  }
0x29: {  	[sflag:s20] =	ssyncadd.s32 $0xFFFFE0C0  }
0x2a: {  	[spmem:s3] =	stream.indirect.scatter.add.f32 [tilespmem:s17], [sflag:$0x5], $0x40, s13, s16, $0xb8;
	[tilespmem:$0x16D00] =	vst v63  }
0x2b: {  	s7 =	simm.s32 $0x100  }
0x2c: {  	[tilespmem:s22], [sflag:$0x3] =	stream.indirect.gather [hbm4b:s1+s16], $0x40, s7, s16, $0xb8;
	[tilespmem:$0x16D00] =	vst v63  }
0x2d: {  	_ =	swait.ge [sflag:s23], $0x1F40  }
0x2e: {  	[sflag:s23] =	ssyncset.done $0x0  }
0x2f: {  	s11 =	simm.s32 $0x2880;
	[sflag:s23] =	ssyncadd.s32 $0xFFFFE0C0  }
0x30: {  	[spmem:s3] =	stream.indirect.scatter.add.f32 [tilespmem:s19], [sflag:$0x6], $0x40, s11, s16, $0xb8;
	[tilespmem:$0x16D00] =	vst v63  }
0x31: {  	s7 =	simm.s32 $0x180  }
0x32: {  	[tilespmem:s26], [sflag:$0x4] =	stream.indirect.gather [hbm4b:s1+s16], $0x40, s7, s16, $0xb8;
	[tilespmem:$0x16D00] =	vst v63  }
0x33: {  	_ =	swait.ge [sflag:s28], $0x1F40  }
0x34: {  	[sflag:s28] =	ssyncset.done $0x0  }
0x35: {  	s11 =	simm.s32 $0x2900;
	[sflag:s28] =	ssyncadd.s32 $0xFFFFE0C0  }
0x36: {  	[spmem:s3] =	stream.indirect.scatter.add.f32 [tilespmem:s22], [sflag:$0x7], $0x40, s11, s16, $0xb8;
	[tilespmem:$0x16D00] =	vst v63  }
0x37: {  	_ =	swait.ge [sflag:s30], $0x1F40  }
0x38: {  	[sflag:s30] =	ssyncset.done $0x0  }
0x39: {  	s7 =	simm.s32 $0x200;
	[sflag:s30] =	ssyncadd.s32 $0xFFFFE0C0  }
0x3a: {  	[tilespmem:s17], [sflag:$0x1] =	stream.indirect.gather [hbm4b:s1+s16], $0x40, s7, s16, $0xb8;
	[tilespmem:$0x16D00] =	vst v63  }
0x3b: {  	_ =	swait.ge [sflag:s2], $0x1F40  }
0x3c: {  	[sflag:s2] =	ssyncset.done $0x0  }
0x3d: {  	s11 =	simm.s32 $0x2980;
	[sflag:s2] =	ssyncadd.s32 $0xFFFFE0C0  }
0x3e: {  	[spmem:s3] =	stream.indirect.scatter.add.f32 [tilespmem:s26], [sflag:$0x8], $0x40, s11, s16, $0xb8;
	[tilespmem:$0x16D00] =	vst v63  }
0x3f: {  	_ =	swait.ge [sflag:s6], $0x1F40  }
0x40: {  	[sflag:s6] =	ssyncset.done $0x0  }
0x41: {  	s7 =	simm.s32 $0x280;
	[sflag:s6] =	ssyncadd.s32 $0xFFFFE0C0  }
0x42: {  	[tilespmem:s19], [sflag:$0x2] =	stream.indirect.gather [hbm4b:s1+s16], $0x40, s7, s16, $0xb8;
	[tilespmem:$0x16D00] =	vst v63  }
0x43: {  	_ =	swait.ge [sflag:s20], $0x1F40  }
0x44: {  	[sflag:s20] =	ssyncset.done $0x0  }
0x45: {  	s11 =	simm.s32 $0x2A00;
	[sflag:s20] =	ssyncadd.s32 $0xFFFFE0C0  }
0x46: {  	[spmem:s3] =	stream.indirect.scatter.add.f32 [tilespmem:s17], [sflag:$0x5], $0x40, s11, s16, $0xb8;
	[tilespmem:$0x16D00] =	vst v63  }
0x47: {  	_ =	swait.ge [sflag:s9], $0x1F40  }
0x48: {  	[sflag:s9] =	ssyncset.done $0x0  }
0x49: {  	s7 =	simm.s32 $0x300;
	[sflag:s9] =	ssyncadd.s32 $0xFFFFE0C0  }
0x4a: {  	[tilespmem:s22], [sflag:$0x3] =	stream.indirect.gather [hbm4b:s1+s16], $0x40, s7, s16, $0xb8;
	[tilespmem:$0x16D00] =	vst v63  }
0x4b: {  	_ =	swait.ge [sflag:s23], $0x1F40  }
0x4c: {  	[sflag:s23] =	ssyncset.done $0x0  }
0x4d: {  	s11 =	simm.s32 $0x2A80;
	[sflag:s23] =	ssyncadd.s32 $0xFFFFE0C0  }
0x4e: {  	[spmem:s3] =	stream.indirect.scatter.add.f32 [tilespmem:s19], [sflag:$0x6], $0x40, s11, s16, $0xb8;
	[tilespmem:$0x16D00] =	vst v63  }
0x4f: {  	_ =	swait.ge [sflag:s10], $0x1F40  }
0x50: {  	[sflag:s10] =	ssyncset.done $0x0  }
0x51: {  	s7 =	simm.s32 $0x380;
	[sflag:s10] =	ssyncadd.s32 $0xFFFFE0C0  }
0x52: {  	[tilespmem:s26], [sflag:$0x4] =	stream.indirect.gather [hbm4b:s1+s16], $0x40, s7, s16, $0xb8;
	[tilespmem:$0x16D00] =	vst v63  }
0x53: {  	_ =	swait.ge [sflag:s28], $0x1F40  }
0x54: {  	[sflag:s28] =	ssyncset.done $0x0  }
0x55: {  	s11 =	simm.s32 $0x2B00;
	[sflag:s28] =	ssyncadd.s32 $0xFFFFE0C0  }
0x56: {  	[spmem:s3] =	stream.indirect.scatter.add.f32 [tilespmem:s22], [sflag:$0x7], $0x40, s11, s16, $0xb8;
	[tilespmem:$0x16D00] =	vst v63  }
0x57: {  	_ =	swait.ge [sflag:s30], $0x1F40  }
0x58: {  	[sflag:s30] =	ssyncset.done $0x0  }
0x59: {  	s7 =	simm.s32 $0x400;
	[sflag:s30] =	ssyncadd.s32 $0xFFFFE0C0  }
0x5a: {  	[tilespmem:s17], [sflag:$0x1] =	stream.indirect.gather [hbm4b:s1+s16], $0x40, s7, s16, $0xb8;
	[tilespmem:$0x16D00] =	vst v63  }
0x5b: {  	_ =	swait.ge [sflag:s2], $0x1F40  }
0x5c: {  	[sflag:s2] =	ssyncset.done $0x0  }
0x5d: {  	s11 =	simm.s32 $0x2B80;
	[sflag:s2] =	ssyncadd.s32 $0xFFFFE0C0  }
0x5e: {  	[spmem:s3] =	stream.indirect.scatter.add.f32 [tilespmem:s26], [sflag:$0x8], $0x40, s11, s16, $0xb8;
	[tilespmem:$0x16D00] =	vst v63  }
0x5f: {  	_ =	swait.ge [sflag:s6], $0x1F40  }
0x60: {  	[sflag:s6] =	ssyncset.done $0x0  }
0x61: {  	s0 =	simm.s32 $0x800;
	s7 =	simm.s32 $0x480;
	[sflag:s6] =	ssyncadd.s32 $0xFFFFE0C0  }
.LBB2_2:
0x62: {  	[tilespmem:s19], [sflag:$0x2] =	stream.indirect.gather [hbm4b:s1+s16], $0x40, s7, s16, $0xb8;
	[tilespmem:$0x16D00] =	vst v63  }
0x63: {  	s7 =	smov.u32 s0  }
0x64: {  	p0 =	sne.s32 s0, $0x8800;
	s0 =	sadd.s32 $0x800, s0;
	_ =	swait.ge [sflag:s20], $0x1F40  }
0x65: {  	s7 =	sshra.s32 s7, $0x2;
	[sflag:s20] =	ssyncset.done $0x0  }
0x66: {  	s11 =	sadd.s32 $0x2A00, s7;
	[sflag:s20] =	ssyncadd.s32 $0xFFFFE0C0  }
0x67: {  	[spmem:s3] =	stream.indirect.scatter.add.f32 [tilespmem:s17], [sflag:$0x5], $0x40, s11, s16, $0xb8;
	[tilespmem:$0x16D00] =	vst v63  }
0x68: {  	_ =	swait.ge [sflag:s9], $0x1F40  }
0x69: {  	[sflag:s9] =	ssyncset.done $0x0  }
0x6a: {  	s11 =	sadd.s32 $0x300, s7;
	[sflag:s9] =	ssyncadd.s32 $0xFFFFE0C0  }
0x6b: {  	[tilespmem:s22], [sflag:$0x3] =	stream.indirect.gather [hbm4b:s1+s16], $0x40, s11, s16, $0xb8;
	[tilespmem:$0x16D00] =	vst v63  }
0x6c: {  	_ =	swait.ge [sflag:s23], $0x1F40  }
0x6d: {  	[sflag:s23] =	ssyncset.done $0x0  }
0x6e: {  	s11 =	sadd.s32 $0x2A80, s7;
	[sflag:s23] =	ssyncadd.s32 $0xFFFFE0C0  }
0x6f: {  	[spmem:s3] =	stream.indirect.scatter.add.f32 [tilespmem:s19], [sflag:$0x6], $0x40, s11, s16, $0xb8;
	[tilespmem:$0x16D00] =	vst v63  }
0x70: {  	_ =	swait.ge [sflag:s10], $0x1F40  }
0x71: {  	[sflag:s10] =	ssyncset.done $0x0  }
0x72: {  	s11 =	sadd.s32 $0x380, s7;
	[sflag:s10] =	ssyncadd.s32 $0xFFFFE0C0  }
0x73: {  	[tilespmem:s26], [sflag:$0x4] =	stream.indirect.gather [hbm4b:s1+s16], $0x40, s11, s16, $0xb8;
	[tilespmem:$0x16D00] =	vst v63  }
0x74: {  	_ =	swait.ge [sflag:s28], $0x1F40  }
0x75: {  	[sflag:s28] =	ssyncset.done $0x0  }
0x76: {  	s11 =	sadd.s32 $0x2B00, s7;
	[sflag:s28] =	ssyncadd.s32 $0xFFFFE0C0  }
0x77: {  	[spmem:s3] =	stream.indirect.scatter.add.f32 [tilespmem:s22], [sflag:$0x7], $0x40, s11, s16, $0xb8;
	[tilespmem:$0x16D00] =	vst v63  }
0x78: {  	_ =	swait.ge [sflag:s30], $0x1F40  }
0x79: {  	[sflag:s30] =	ssyncset.done $0x0  }
0x7a: {  	s11 =	sadd.s32 $0x400, s7;
	[sflag:s30] =	ssyncadd.s32 $0xFFFFE0C0  }
0x7b: {  	[tilespmem:s17], [sflag:$0x1] =	stream.indirect.gather [hbm4b:s1+s16], $0x40, s11, s16, $0xb8;
	[tilespmem:$0x16D00] =	vst v63  }
0x7c: {  	_ =	swait.ge [sflag:s2], $0x1F40  }
0x7d: {  	[sflag:s2] =	ssyncset.done $0x0  }
.Ltmp0:
0x7e: {  	s11 =	sadd.s32 $0x2B80, s7;
	[sflag:s2] =	ssyncadd.s32 $0xFFFFE0C0;
	(pc) =	sbr.rel @p0 .LBB2_2-.Ltmp0, $4  }
0x7f: {  	[spmem:s3] =	stream.indirect.scatter.add.f32 [tilespmem:s26], [sflag:$0x8], $0x40, s11, s16, $0xb8;
	[tilespmem:$0x16D00] =	vst v63  }
0x80: {  	_ =	swait.ge [sflag:s6], $0x1F40  }
0x81: {  	[sflag:s6] =	ssyncset.done $0x0  }
0x82: {  	s7 =	sadd.s32 $0x480, s7;
	[sflag:s6] =	ssyncadd.s32 $0xFFFFE0C0  }
0x83: {  	[tilespmem:s19], [sflag:$0x2] =	stream.indirect.gather [hbm4b:s1+s16], $0x40, s7, s16, $0xb8;
	[tilespmem:$0x16D00] =	vst v63  }
0x84: {  	_ =	swait.ge [sflag:s20], $0x1F40  }
0x85: {  	[sflag:s20] =	ssyncset.done $0x0  }
0x86: {  	s0 =	simm.s32 $0x4E00;
	[sflag:s20] =	ssyncadd.s32 $0xFFFFE0C0  }
0x87: {  	[spmem:s3] =	stream.indirect.scatter.add.f32 [tilespmem:s17], [sflag:$0x5], $0x40, s0, s16, $0xb8;
	[tilespmem:$0x16D00] =	vst v63  }
0x88: {  	_ =	swait.ge [sflag:s9], $0x1F40  }
0x89: {  	[sflag:s9] =	ssyncset.done $0x0  }
0x8a: {  	[sflag:s9] =	ssyncadd.s32 $0xFFFFE0C0  }
0x8b: {  	[tilespmem:s22], [sflag:$0x3] =	stream.indirect.gather [hbm4b:s1+s16], $0x40, s18, s16, $0xb8;
	[tilespmem:$0x16D00] =	vst v63  }
0x8c: {  	_ =	swait.ge [sflag:s23], $0x1F40  }
0x8d: {  	[sflag:s23] =	ssyncset.done $0x0  }
0x8e: {  	[sflag:s23] =	ssyncadd.s32 $0xFFFFE0C0  }
0x8f: {  	[spmem:s3] =	stream.indirect.scatter.add.f32 [tilespmem:s19], [sflag:$0x6], $0x40, s21, s16, $0xb8;
	[tilespmem:$0x16D00] =	vst v63  }
0x90: {  	_ =	swait.ge [sflag:s10], $0x1F40  }
0x91: {  	[sflag:s10] =	ssyncset.done $0x0  }
0x92: {  	[sflag:s10] =	ssyncadd.s32 $0xFFFFE0C0  }
0x93: {  	[tilespmem:s26], [sflag:$0x4] =	stream.indirect.gather [hbm4b:s1+s16], $0x40, s24, s16, $0xb8;
	[tilespmem:$0x16D00] =	vst v63  }
0x94: {  	_ =	swait.ge [sflag:s28], $0x1F40  }
0x95: {  	[sflag:s28] =	ssyncset.done $0x0  }
0x96: {  	[sflag:s28] =	ssyncadd.s32 $0xFFFFE0C0  }
0x97: {  	[spmem:s3] =	stream.indirect.scatter.add.f32 [tilespmem:s22], [sflag:$0x7], $0x40, s25, s16, $0xb8;
	[tilespmem:$0x16D00] =	vst v63  }
0x98: {  	_ =	swait.ge [sflag:s30], $0x1F40  }
0x99: {  	[sflag:s30] =	ssyncset.done $0x0  }
0x9a: {  	[sflag:s30] =	ssyncadd.s32 $0xFFFFE0C0  }
0x9b: {  	_ =	swait.ge [sflag:s2], $0x1F40  }
0x9c: {  	[sflag:s2] =	ssyncset.done $0x0  }
0x9d: {  	[sflag:s2] =	ssyncadd.s32 $0xFFFFE0C0  }
0x9e: {  	[spmem:s3] =	stream.indirect.scatter.add.f32 [tilespmem:s26], [sflag:$0x8], $0x40, s29, s16, $0xb8;
	[tilespmem:$0x16D00] =	vst v63  }
0x9f: {  	_ =	swait.ge [sflag:s6], $0x1F40  }
0xa0: {  	[sflag:s6] =	ssyncset.done $0x0  }
0xa1: {  	[sflag:s6] =	ssyncadd.s32 $0xFFFFE0C0  }
0xa2: {  	_ =	swait.ge [sflag:s9], $0x1F40  }
0xa3: {  	[sflag:s9] =	ssyncset.done $0x0  }
0xa4: {  	[sflag:s9] =	ssyncadd.s32 $0xFFFFE0C0  }
0xa5: {  	_ =	swait.ge [sflag:s10], $0x1F40  }
0xa6: {  	[sflag:s10] =	ssyncset.done $0x0  }
0xa7: {  	[sflag:s10] =	ssyncadd.s32 $0xFFFFE0C0  }
0xa8: {  	[bflag:$0x0] =	sbarrier.arrive $0xFFFF  }
0xa9: {  	s11 =	rddreg [dreg:$0x6]  }
0xaa: {  	[hbm:s11], [sflag:s14] =	dma.local [spmem:s15], $0x1400  }
0xab: {  	_ =	swait.ge [sflag:s12], $0x1400  }
0xac: {  	[sflag:s12] =	ssyncset.done $0x0  }
0xad: {  	[sflag:s12] =	ssyncadd.s32 $0xFFFFEC00  }
0xae: {  	[spmem:s15], [sflag:s14] =	dma.local [hbm:s8], $0x1400  }
0xaf: {  	_ =	swait.ge [sflag:s12], $0x1400  }
0xb0: {  	[sflag:s12] =	ssyncset.done $0x0  }
0xb1: {  	[sflag:s12] =	ssyncadd.s32 $0xFFFFEC00  }
0xb2: {  	s7 =	simm.s32 $0x0;
	[bflag:$0x0] =	sbarrier.arrive $0xFFFF  }
0xb3: {  	[tilespmem:s17], [sflag:$0x1] =	stream.indirect.gather [hbm4b:s5+s16], $0x40, s7, s16, $0xb8;
	[tilespmem:$0x16D00] =	vst v63  }
0xb4: {  	s11 =	simm.s32 $0x80  }
0xb5: {  	[tilespmem:s19], [sflag:$0x2] =	stream.indirect.gather [hbm4b:s5+s16], $0x40, s11, s16, $0xb8;
	[tilespmem:$0x16D00] =	vst v63  }
0xb6: {  	_ =	swait.ge [sflag:s20], $0x1F40  }
0xb7: {  	[sflag:s20] =	ssyncset.done $0x0  }
0xb8: {  	[sflag:s20] =	ssyncadd.s32 $0xFFFFE0C0  }
0xb9: {  	[spmem:s3] =	stream.indirect.scatter.add.f32 [tilespmem:s17], [sflag:$0x5], $0x40, s13, s16, $0xb8;
	[tilespmem:$0x16D00] =	vst v63  }
0xba: {  	s7 =	simm.s32 $0x100  }
0xbb: {  	[tilespmem:s22], [sflag:$0x3] =	stream.indirect.gather [hbm4b:s5+s16], $0x40, s7, s16, $0xb8;
	[tilespmem:$0x16D00] =	vst v63  }
0xbc: {  	_ =	swait.ge [sflag:s23], $0x1F40  }
0xbd: {  	[sflag:s23] =	ssyncset.done $0x0  }
0xbe: {  	s11 =	simm.s32 $0x2880;
	[sflag:s23] =	ssyncadd.s32 $0xFFFFE0C0  }
0xbf: {  	[spmem:s3] =	stream.indirect.scatter.add.f32 [tilespmem:s19], [sflag:$0x6], $0x40, s11, s16, $0xb8;
	[tilespmem:$0x16D00] =	vst v63  }
0xc0: {  	s7 =	simm.s32 $0x180  }
0xc1: {  	[tilespmem:s26], [sflag:$0x4] =	stream.indirect.gather [hbm4b:s5+s16], $0x40, s7, s16, $0xb8;
	[tilespmem:$0x16D00] =	vst v63  }
0xc2: {  	_ =	swait.ge [sflag:s28], $0x1F40  }
0xc3: {  	[sflag:s28] =	ssyncset.done $0x0  }
0xc4: {  	s11 =	simm.s32 $0x2900;
	[sflag:s28] =	ssyncadd.s32 $0xFFFFE0C0  }
0xc5: {  	[spmem:s3] =	stream.indirect.scatter.add.f32 [tilespmem:s22], [sflag:$0x7], $0x40, s11, s16, $0xb8;
	[tilespmem:$0x16D00] =	vst v63  }
0xc6: {  	_ =	swait.ge [sflag:s30], $0x1F40  }
0xc7: {  	[sflag:s30] =	ssyncset.done $0x0  }
0xc8: {  	s7 =	simm.s32 $0x200;
	[sflag:s30] =	ssyncadd.s32 $0xFFFFE0C0  }
0xc9: {  	[tilespmem:s17], [sflag:$0x1] =	stream.indirect.gather [hbm4b:s5+s16], $0x40, s7, s16, $0xb8;
	[tilespmem:$0x16D00] =	vst v63  }
0xca: {  	_ =	swait.ge [sflag:s2], $0x1F40  }
0xcb: {  	[sflag:s2] =	ssyncset.done $0x0  }
0xcc: {  	s11 =	simm.s32 $0x2980;
	[sflag:s2] =	ssyncadd.s32 $0xFFFFE0C0  }
0xcd: {  	[spmem:s3] =	stream.indirect.scatter.add.f32 [tilespmem:s26], [sflag:$0x8], $0x40, s11, s16, $0xb8;
	[tilespmem:$0x16D00] =	vst v63  }
0xce: {  	_ =	swait.ge [sflag:s6], $0x1F40  }
0xcf: {  	[sflag:s6] =	ssyncset.done $0x0  }
0xd0: {  	s7 =	simm.s32 $0x280;
	[sflag:s6] =	ssyncadd.s32 $0xFFFFE0C0  }
0xd1: {  	[tilespmem:s19], [sflag:$0x2] =	stream.indirect.gather [hbm4b:s5+s16], $0x40, s7, s16, $0xb8;
	[tilespmem:$0x16D00] =	vst v63  }
0xd2: {  	_ =	swait.ge [sflag:s20], $0x1F40  }
0xd3: {  	[sflag:s20] =	ssyncset.done $0x0  }
0xd4: {  	s11 =	simm.s32 $0x2A00;
	[sflag:s20] =	ssyncadd.s32 $0xFFFFE0C0  }
0xd5: {  	[spmem:s3] =	stream.indirect.scatter.add.f32 [tilespmem:s17], [sflag:$0x5], $0x40, s11, s16, $0xb8;
	[tilespmem:$0x16D00] =	vst v63  }
0xd6: {  	_ =	swait.ge [sflag:s9], $0x1F40  }
0xd7: {  	[sflag:s9] =	ssyncset.done $0x0  }
0xd8: {  	s7 =	simm.s32 $0x300;
	[sflag:s9] =	ssyncadd.s32 $0xFFFFE0C0  }
0xd9: {  	[tilespmem:s22], [sflag:$0x3] =	stream.indirect.gather [hbm4b:s5+s16], $0x40, s7, s16, $0xb8;
	[tilespmem:$0x16D00] =	vst v63  }
0xda: {  	_ =	swait.ge [sflag:s23], $0x1F40  }
0xdb: {  	[sflag:s23] =	ssyncset.done $0x0  }
0xdc: {  	s11 =	simm.s32 $0x2A80;
	[sflag:s23] =	ssyncadd.s32 $0xFFFFE0C0  }
0xdd: {  	[spmem:s3] =	stream.indirect.scatter.add.f32 [tilespmem:s19], [sflag:$0x6], $0x40, s11, s16, $0xb8;
	[tilespmem:$0x16D00] =	vst v63  }
0xde: {  	_ =	swait.ge [sflag:s10], $0x1F40  }
0xdf: {  	[sflag:s10] =	ssyncset.done $0x0  }
0xe0: {  	s7 =	simm.s32 $0x380;
	[sflag:s10] =	ssyncadd.s32 $0xFFFFE0C0  }
0xe1: {  	[tilespmem:s26], [sflag:$0x4] =	stream.indirect.gather [hbm4b:s5+s16], $0x40, s7, s16, $0xb8;
	[tilespmem:$0x16D00] =	vst v63  }
0xe2: {  	_ =	swait.ge [sflag:s28], $0x1F40  }
0xe3: {  	[sflag:s28] =	ssyncset.done $0x0  }
0xe4: {  	s11 =	simm.s32 $0x2B00;
	[sflag:s28] =	ssyncadd.s32 $0xFFFFE0C0  }
0xe5: {  	[spmem:s3] =	stream.indirect.scatter.add.f32 [tilespmem:s22], [sflag:$0x7], $0x40, s11, s16, $0xb8;
	[tilespmem:$0x16D00] =	vst v63  }
0xe6: {  	_ =	swait.ge [sflag:s30], $0x1F40  }
0xe7: {  	[sflag:s30] =	ssyncset.done $0x0  }
0xe8: {  	s7 =	simm.s32 $0x400;
	[sflag:s30] =	ssyncadd.s32 $0xFFFFE0C0  }
0xe9: {  	[tilespmem:s17], [sflag:$0x1] =	stream.indirect.gather [hbm4b:s5+s16], $0x40, s7, s16, $0xb8;
	[tilespmem:$0x16D00] =	vst v63  }
0xea: {  	_ =	swait.ge [sflag:s2], $0x1F40  }
0xeb: {  	[sflag:s2] =	ssyncset.done $0x0  }
0xec: {  	s11 =	simm.s32 $0x2B80;
	[sflag:s2] =	ssyncadd.s32 $0xFFFFE0C0  }
0xed: {  	[spmem:s3] =	stream.indirect.scatter.add.f32 [tilespmem:s26], [sflag:$0x8], $0x40, s11, s16, $0xb8;
	[tilespmem:$0x16D00] =	vst v63  }
0xee: {  	_ =	swait.ge [sflag:s6], $0x1F40  }
0xef: {  	[sflag:s6] =	ssyncset.done $0x0  }
0xf0: {  	s0 =	simm.s32 $0x800;
	s7 =	simm.s32 $0x480;
	[sflag:s6] =	ssyncadd.s32 $0xFFFFE0C0  }
.LBB2_4:
0xf1: {  	[tilespmem:s19], [sflag:$0x2] =	stream.indirect.gather [hbm4b:s5+s16], $0x40, s7, s16, $0xb8;
	[tilespmem:$0x16D00] =	vst v63  }
0xf2: {  	s7 =	smov.u32 s0  }
0xf3: {  	p0 =	sne.s32 s0, $0x8800;
	s0 =	sadd.s32 $0x800, s0;
	_ =	swait.ge [sflag:s20], $0x1F40  }
0xf4: {  	s7 =	sshra.s32 s7, $0x2;
	[sflag:s20] =	ssyncset.done $0x0  }
0xf5: {  	s11 =	sadd.s32 $0x2A00, s7;
	[sflag:s20] =	ssyncadd.s32 $0xFFFFE0C0  }
0xf6: {  	[spmem:s3] =	stream.indirect.scatter.add.f32 [tilespmem:s17], [sflag:$0x5], $0x40, s11, s16, $0xb8;
	[tilespmem:$0x16D00] =	vst v63  }
0xf7: {  	_ =	swait.ge [sflag:s9], $0x1F40  }
0xf8: {  	[sflag:s9] =	ssyncset.done $0x0  }
0xf9: {  	s11 =	sadd.s32 $0x300, s7;
	[sflag:s9] =	ssyncadd.s32 $0xFFFFE0C0  }
0xfa: {  	[tilespmem:s22], [sflag:$0x3] =	stream.indirect.gather [hbm4b:s5+s16], $0x40, s11, s16, $0xb8;
	[tilespmem:$0x16D00] =	vst v63  }
0xfb: {  	_ =	swait.ge [sflag:s23], $0x1F40  }
0xfc: {  	[sflag:s23] =	ssyncset.done $0x0  }
0xfd: {  	s11 =	sadd.s32 $0x2A80, s7;
	[sflag:s23] =	ssyncadd.s32 $0xFFFFE0C0  }
0xfe: {  	[spmem:s3] =	stream.indirect.scatter.add.f32 [tilespmem:s19], [sflag:$0x6], $0x40, s11, s16, $0xb8;
	[tilespmem:$0x16D00] =	vst v63  }
0xff: {  	_ =	swait.ge [sflag:s10], $0x1F40  }
0x100: {  	[sflag:s10] =	ssyncset.done $0x0  }
0x101: {  	s11 =	sadd.s32 $0x380, s7;
	[sflag:s10] =	ssyncadd.s32 $0xFFFFE0C0  }
0x102: {  	[tilespmem:s26], [sflag:$0x4] =	stream.indirect.gather [hbm4b:s5+s16], $0x40, s11, s16, $0xb8;
	[tilespmem:$0x16D00] =	vst v63  }
0x103: {  	_ =	swait.ge [sflag:s28], $0x1F40  }
0x104: {  	[sflag:s28] =	ssyncset.done $0x0  }
0x105: {  	s11 =	sadd.s32 $0x2B00, s7;
	[sflag:s28] =	ssyncadd.s32 $0xFFFFE0C0  }
0x106: {  	[spmem:s3] =	stream.indirect.scatter.add.f32 [tilespmem:s22], [sflag:$0x7], $0x40, s11, s16, $0xb8;
	[tilespmem:$0x16D00] =	vst v63  }
0x107: {  	_ =	swait.ge [sflag:s30], $0x1F40  }
0x108: {  	[sflag:s30] =	ssyncset.done $0x0  }
0x109: {  	s11 =	sadd.s32 $0x400, s7;
	[sflag:s30] =	ssyncadd.s32 $0xFFFFE0C0  }
0x10a: {  	[tilespmem:s17], [sflag:$0x1] =	stream.indirect.gather [hbm4b:s5+s16], $0x40, s11, s16, $0xb8;
	[tilespmem:$0x16D00] =	vst v63  }
0x10b: {  	_ =	swait.ge [sflag:s2], $0x1F40  }
0x10c: {  	[sflag:s2] =	ssyncset.done $0x0  }
.Ltmp1:
0x10d: {  	s11 =	sadd.s32 $0x2B80, s7;
	[sflag:s2] =	ssyncadd.s32 $0xFFFFE0C0;
	(pc) =	sbr.rel @p0 .LBB2_4-.Ltmp1, $4  }
0x10e: {  	[spmem:s3] =	stream.indirect.scatter.add.f32 [tilespmem:s26], [sflag:$0x8], $0x40, s11, s16, $0xb8;
	[tilespmem:$0x16D00] =	vst v63  }
0x10f: {  	_ =	swait.ge [sflag:s6], $0x1F40  }
0x110: {  	[sflag:s6] =	ssyncset.done $0x0  }
0x111: {  	s7 =	sadd.s32 $0x480, s7;
	[sflag:s6] =	ssyncadd.s32 $0xFFFFE0C0  }
0x112: {  	[tilespmem:s19], [sflag:$0x2] =	stream.indirect.gather [hbm4b:s5+s16], $0x40, s7, s16, $0xb8;
	[tilespmem:$0x16D00] =	vst v63  }
0x113: {  	_ =	swait.ge [sflag:s20], $0x1F40  }
0x114: {  	[sflag:s20] =	ssyncset.done $0x0  }
0x115: {  	s0 =	simm.s32 $0x4E00;
	[sflag:s20] =	ssyncadd.s32 $0xFFFFE0C0  }
0x116: {  	[spmem:s3] =	stream.indirect.scatter.add.f32 [tilespmem:s17], [sflag:$0x5], $0x40, s0, s16, $0xb8;
	[tilespmem:$0x16D00] =	vst v63  }
0x117: {  	_ =	swait.ge [sflag:s9], $0x1F40  }
0x118: {  	[sflag:s9] =	ssyncset.done $0x0  }
0x119: {  	[sflag:s9] =	ssyncadd.s32 $0xFFFFE0C0  }
0x11a: {  	[tilespmem:s22], [sflag:$0x3] =	stream.indirect.gather [hbm4b:s5+s16], $0x40, s18, s16, $0xb8;
	[tilespmem:$0x16D00] =	vst v63  }
0x11b: {  	_ =	swait.ge [sflag:s23], $0x1F40  }
0x11c: {  	[sflag:s23] =	ssyncset.done $0x0  }
0x11d: {  	[sflag:s23] =	ssyncadd.s32 $0xFFFFE0C0  }
0x11e: {  	[spmem:s3] =	stream.indirect.scatter.add.f32 [tilespmem:s19], [sflag:$0x6], $0x40, s21, s16, $0xb8;
	[tilespmem:$0x16D00] =	vst v63  }
0x11f: {  	_ =	swait.ge [sflag:s10], $0x1F40  }
0x120: {  	[sflag:s10] =	ssyncset.done $0x0  }
0x121: {  	[sflag:s10] =	ssyncadd.s32 $0xFFFFE0C0  }
0x122: {  	[tilespmem:s26], [sflag:$0x4] =	stream.indirect.gather [hbm4b:s5+s16], $0x40, s24, s16, $0xb8;
	[tilespmem:$0x16D00] =	vst v63  }
0x123: {  	_ =	swait.ge [sflag:s28], $0x1F40  }
0x124: {  	[sflag:s28] =	ssyncset.done $0x0  }
0x125: {  	[sflag:s28] =	ssyncadd.s32 $0xFFFFE0C0  }
0x126: {  	[spmem:s3] =	stream.indirect.scatter.add.f32 [tilespmem:s22], [sflag:$0x7], $0x40, s25, s16, $0xb8;
	[tilespmem:$0x16D00] =	vst v63  }
0x127: {  	_ =	swait.ge [sflag:s30], $0x1F40  }
0x128: {  	[sflag:s30] =	ssyncset.done $0x0  }
0x129: {  	[sflag:s30] =	ssyncadd.s32 $0xFFFFE0C0  }
0x12a: {  	_ =	swait.ge [sflag:s2], $0x1F40  }
0x12b: {  	[sflag:s2] =	ssyncset.done $0x0  }
0x12c: {  	[sflag:s2] =	ssyncadd.s32 $0xFFFFE0C0  }
0x12d: {  	[spmem:s3] =	stream.indirect.scatter.add.f32 [tilespmem:s26], [sflag:$0x8], $0x40, s29, s16, $0xb8;
	[tilespmem:$0x16D00] =	vst v63  }
0x12e: {  	_ =	swait.ge [sflag:s6], $0x1F40  }
0x12f: {  	[sflag:s6] =	ssyncset.done $0x0  }
0x130: {  	[sflag:s6] =	ssyncadd.s32 $0xFFFFE0C0  }
0x131: {  	_ =	swait.ge [sflag:s9], $0x1F40  }
0x132: {  	[sflag:s9] =	ssyncset.done $0x0  }
0x133: {  	[sflag:s9] =	ssyncadd.s32 $0xFFFFE0C0  }
0x134: {  	_ =	swait.ge [sflag:s10], $0x1F40  }
0x135: {  	[sflag:s10] =	ssyncset.done $0x0  }
0x136: {  	[sflag:s10] =	ssyncadd.s32 $0xFFFFE0C0  }
0x137: {  	[bflag:$0x0] =	sbarrier.arrive $0xFFFF  }
0x138: {  	s7 =	rddreg [dreg:$0x7]  }
0x139: {  	[hbm:s7], [sflag:s14] =	dma.local [spmem:s15], $0x1400  }
0x13a: {  	_ =	swait.ge [sflag:s12], $0x1400  }
0x13b: {  	s31 =	sadd.s32 $0x1, s31;
	s11 =	rddreg [dreg:$0x8]  }
0x13c: {  	p0 =	sne.s32 s31, s11  }
.Ltmp2:
0x13d: {  	_ = 	snop;
	(pc) =	sbr.rel @p0 .LBB2_1-.Ltmp2, $3  }
0x13e: {  	_ =	sdelay $0x1  }
0x13f: {  	[sflag:s12] =	ssyncset.done $0x0  }
0x140: {  	[sflag:s12] =	ssyncadd.s32 $0xFFFFEC00  }
0x141: {  	_ =	sfence.sel $0x180000  }
0x142: {  	[bflag:$0x0] =	sbarrier.arrive $0xFFFF  }
0x143: {  	_ =	strace $0x9000004D  }
0x144: {  	s0 =	stileid.u32;
	[bflag:$0x2] =	sbarrier.arrive $0xFFFF  }
0x145: {  	p0 =	sne.s32 s0, $0x0;
	s0 =	rddreg [dreg:$0x3]  }
0x146: {  	s0 =	sadd.s32 @!p0 $0x100000, s0  }
0x147: {  	[sflag:s0] =	ssyncadd.tile.s32 @!p0 $0x1;
	_ =	shalt  }
.Lfunc_end2:
_tile_overlayer_lowered:
.L_overlay_start_2:
0x148: {  	(tag) =	ssettag $0x2  }
0x149: {  	s0 =	rddreg [dreg:$0x0];
	s2 =	stileid.u32  }
0x14a: {  	s1 =	rddreg [dreg:$0x1];
	p0 =	sne.s32 s2, $0x0  }
0x14b: {  	s3 =	rddreg [dreg:$0x2];
	[bflag:$0x3] =	sbarrier.arrive $0xFFFF;
	s2 =	simm.s32 @!p0 $0x1C09  }
0x14c: {  	[timem:s3], [sflag:s2] =	dma.local @!p0 [hbm:s0], s1  }
0x14d: {  	s0 =	simm.s32 @!p0 $0x9  }
0x14e: {  	_ =	swait.ge @!p0 [sflag:s0], s1  }
0x14f: {  	s1 =	ssub.s32 @!p0 $0x0, s1;
	[sflag:s0] =	ssyncset.done @!p0 $0x0  }
0x150: {  	[sflag:s0] =	ssyncadd.s32 @!p0 s1  }
0x151: {  	[bflag:$0x3] =	sbarrier.arrive $0xFFFF  }
0x152: {  	_ =	shalt  }

// kernel: kernel.18.cloned.1.call-start
scs
__scs_entry_jumppad:
0x0: {  	(pc) =	sbr.rel $0x88, $3  }
0x1: {  	(tag) =	ssettag $0x0;
	lr =	simm.s32 $0x1  }
0x2: {  	[smem:$0x3F97] =	sst lr;
	_ =	strace $0xD0000000  }
0x3: {  	_ = 	snop  }
0x4: {  	_ = 	snop  }
0x5: {  	_ = 	snop  }
0x6: {  	_ = 	snop  }
0x7: {  	_ = 	snop  }
__scs_overlays_trampoline_lowered:
0x8: {  	[smem:$0x3FA6] =	sst s0  }
0x9: {  	[smem:$0x3FA7] =	sst s1  }
0xa: {  	[smem:$0x3FA8] =	sst s2  }
0xb: {  	[smem:$0x3FA9] =	sst s3  }
0xc: {  	[smem:$0x3FAA] =	sst s4  }
0xd: {  	[smem:$0x3FAB] =	sst s5  }
0xe: {  	[smem:$0x3FAC] =	sst s6  }
0xf: {  	[smem:$0x3FAD] =	sst s7  }
0x10: {  	[smem:$0x3FAE] =	sst s8  }
0x11: {  	[smem:$0x3FAF] =	sst s9;
	s0 =	simm.s32 @!p0 $0x0  }
0x12: {  	s1 =	sld [smem:$0x3F95];
	s0 =	simm.s32 @p0 $0x1  }
0x13: {  	[smem:$0x3FB0] =	sst s0;
	s0 =	simm.s32 @!p1 $0x0  }
0x14: {  	s2 =	sld [smem:$0x3F94];
	s0 =	simm.s32 @p1 $0x1  }
0x15: {  	[smem:$0x3FB1] =	sst s0;
	s0 =	simm.s32 @!p2 $0x0  }
0x16: {  	s3 =	sld [smem:$0x3FDB];
	s0 =	simm.s32 @p2 $0x1  }
0x17: {  	s4 =	simm.s32 $0x1BF5;
	[smem:$0x3FB3] =	sst s0  }
0x18: {  	s0 =	sld [smem:$0x3F96];
	_ =	swait.ge [sflag:s4], $0x0  }
0x19: {  	s7 =	sld [smem:$0x3F97]  }
0x1a: {  	s8 =	sadd.s32 $0xFFFFE003, lr  }
0x1b: {  	s9 =	sadd.s32 $0xFFFFFEF7, lr;
	s5 =	simm.s32 $0xFFFFFFFF;
	p2 =	slt.u32 s8, $0xFFFFF086  }
0x1c: {  	p1 =	slt.u32 s9, $0xF7A;
	s5 =	simm.s32 @!p2 $0x0  }
0x1d: {  	s5 =	simm.s32 @p1 $0x1;
	p0 =	seq.s32 s7, s2  }
0x1e: {  	s7 =	smul.u32 @!p0 $0xF7A, s2;
	p2 =	seq.s32 @!p0 s5, $0x0  }
0x1f: {  	s9 =	smul.u32 $0xF7A, s1;
	s8 =	simm.s32 @!p0 $0x1BF5;
	p2 =	por !p2, p0  }
0x20: {  	[sflag:s8] =	ssyncset.s32 @!p0 $0xFFFFF086;
	s6 =	sadd.s32 @!p0 s3, s7;
	s7 =	simm.s32 @!p0 $0x108  }
0x21: {  	s3 =	sadd.s32 s3, s9;
	s6 =	sadd.s32 @!p0 $0x88, s6;
	s7 =	simm.s32 @p2 $0x1082  }
0x22: {  	[simem:s7], [sflag:s8] =	dma.local @!p0 [hbm:s6], $0xF7A  }
0x23: {  	s9 =	sor.u32 $0xD0000000, s2;
	s6 =	simm.s32 $0x108;
	_ =	swait.ge @!p0 [sflag:s8], $0x0  }
0x24: {  	s3 =	sadd.s32 $0x88, s3;
	s6 =	simm.s32 @!p1 $0x1082;
	[sflag:s4] =	ssyncset.s32 $0xFFFFF086  }
0x25: {  	[simem:s6], [sflag:s4] =	dma.local [hbm:s3], $0xF7A  }
0x26: {  	[smem:$0x3F97] =	sst s1;
	(tag) =	ssettag s2;
	_ =	strace s9  }
0x27: {  	s1 =	sld [smem:$0x3FA7]  }
0x28: {  	s2 =	sld [smem:$0x3FA8]  }
0x29: {  	s4 =	sld [smem:$0x3FAA]  }
0x2a: {  	p0 =	seq.s32 s5, $0x0;
	s5 =	sld [smem:$0x3FAB]  }
0x2b: {  	s6 =	sld [smem:$0x3FAC]  }
0x2c: {  	s7 =	sld [smem:$0x3FAD]  }
0x2d: {  	s3 =	simm.s32 $0x108;
	s8 =	sld [smem:$0x3FAE]  }
0x2e: {  	s3 =	simm.s32 @!p0 $0x1082;
	s9 =	sld [smem:$0x3FAF]  }
0x2f: {  	lr =	sadd.s32 s0, s3;
	s0 =	sld [smem:$0x3FA6]  }
0x30: {  	s3 =	sld [smem:$0x3FA9]  }
0x31: {  	[smem:$0x3FB2] =	sst s10  }
0x32: {  	s10 =	sld [smem:$0x3FB0];
	_ =	sdelay $0x3  }
0x33: {  	p0 =	seq.s32 s10, $0x1;
	s10 =	sld [smem:$0x3FB2];
	_ =	sdelay $0x3  }
0x34: {  	[smem:$0x3FB2] =	sst s10  }
0x35: {  	s10 =	sld [smem:$0x3FB1];
	_ =	sdelay $0x3  }
0x36: {  	p1 =	seq.s32 s10, $0x1;
	s10 =	sld [smem:$0x3FB2];
	_ =	sdelay $0x3  }
0x37: {  	[smem:$0x3FB2] =	sst s10  }
0x38: {  	s10 =	sld [smem:$0x3FB3]  }
0x39: {  	_ = 	snop;
	(pc) =	sbr.ind lr, $3  }
0x3a: {  	_ = 	snop  }
0x3b: {  	_ = 	snop  }
0x3c: {  	p2 =	seq.s32 s10, $0x1;
	s10 =	sld [smem:$0x3FB2]  }
0x3d: {  	_ =	shalt  }
0x3e: {  	_ =	shalt  }
0x3f: {  	_ =	shalt  }
0x40: {  	_ =	shalt  }
0x41: {  	_ =	shalt  }
0x42: {  	_ =	shalt  }
0x43: {  	_ =	shalt  }
0x44: {  	_ =	shalt  }
0x45: {  	_ =	shalt  }
0x46: {  	_ =	shalt  }
0x47: {  	_ =	shalt  }
0x48: {  	_ =	shalt  }
0x49: {  	_ =	shalt  }
0x4a: {  	_ =	shalt  }
0x4b: {  	_ =	shalt  }
0x4c: {  	_ =	shalt  }
0x4d: {  	_ =	shalt  }
0x4e: {  	_ =	shalt  }
0x4f: {  	_ =	shalt  }
0x50: {  	_ =	shalt  }
0x51: {  	_ =	shalt  }
0x52: {  	_ =	shalt  }
0x53: {  	_ =	shalt  }
0x54: {  	_ =	shalt  }
0x55: {  	_ =	shalt  }
0x56: {  	_ =	shalt  }
0x57: {  	_ =	shalt  }
0x58: {  	_ =	shalt  }
0x59: {  	_ =	shalt  }
0x5a: {  	_ =	shalt  }
0x5b: {  	_ =	shalt  }
0x5c: {  	_ =	shalt  }
0x5d: {  	_ =	shalt  }
0x5e: {  	_ =	shalt  }
0x5f: {  	_ =	shalt  }
0x60: {  	_ =	shalt  }
0x61: {  	_ =	shalt  }
0x62: {  	_ =	shalt  }
0x63: {  	_ =	shalt  }
0x64: {  	_ =	shalt  }
0x65: {  	_ =	shalt  }
0x66: {  	_ =	shalt  }
0x67: {  	_ =	shalt  }
0x68: {  	_ =	shalt  }
0x69: {  	_ =	shalt  }
0x6a: {  	_ =	shalt  }
0x6b: {  	_ =	shalt  }
0x6c: {  	_ =	shalt  }
0x6d: {  	_ =	shalt  }
0x6e: {  	_ =	shalt  }
0x6f: {  	_ =	shalt  }
0x70: {  	_ =	shalt  }
0x71: {  	_ =	shalt  }
0x72: {  	_ =	shalt  }
0x73: {  	_ =	shalt  }
0x74: {  	_ =	shalt  }
0x75: {  	_ =	shalt  }
0x76: {  	_ =	shalt  }
0x77: {  	_ =	shalt  }
0x78: {  	_ =	shalt  }
0x79: {  	_ =	shalt  }
0x7a: {  	_ =	shalt  }
0x7b: {  	_ =	shalt  }
0x7c: {  	_ =	shalt  }
0x7d: {  	_ =	shalt  }
0x7e: {  	_ =	shalt  }
0x7f: {  	_ =	shalt  }
0x80: {  	_ =	shalt  }
0x81: {  	_ =	shalt  }
0x82: {  	_ =	shalt  }
0x83: {  	_ =	shalt  }
0x84: {  	_ =	shalt  }
0x85: {  	_ =	shalt  }
0x86: {  	_ =	shalt  }
0x87: {  	_ =	shalt  }
.Lfunc_end0:
.L_simem_size_0:
called_computation.3_lowered:
.L_overlay_start_0:
0x88: {  	s2 =	sld [smem:$0x3FD9]  }
0x89: {  	s3 =	sld [smem:$0x3FFE];
	_ =	sdelay $0x1  }
0x8a: {  	s1 =	srdreg.scid  }
0x8b: {  	s0 =	sand.u32 $0x1, s1  }
0x8c: {  	s14 =	sshll.u32 s0, $0xA;
	s2 =	sadd.s32 s3, s2  }
0x8d: {  	s2 =	sadd.s32 s2, s14  }
0x8e: {  	[smem:$0x3FBE] =	sst s2  }
0x8f: {  	_ = 	snop  }
0x90: {  	s2 =	sld [smem:$0x3FD0];
	_ =	sdelay $0x2  }
0x91: {  	s15 =	simm.s32 $0xA;
	s4 =	simm.s32 $0x10  }
0x92: {  	[smem:s4], [sflag:s15] =	dma.local [hbm:s2], $0x1  }
0x93: {  	_ =	swait.eq [sflag:s15], $0x1  }
0x94: {  	[sflag:s15] =	ssyncset.done $0x0  }
0x95: {  	[sflag:s15] =	ssyncadd.s32 $0xFFFFFFFF  }
0x96: {  	s16 =	sld [smem:$0x11];
	(tm) =	ssettm $0x1  }
0x97: {  	s17 =	sld [smem:$0x3FFB];
	_ =	sdelay $0x3  }
0x98: {  	_ =	strace s17  }
0x99: {  	s3 =	sld [smem:$0x3FFC];
	_ =	sdelay $0x3  }
0x9a: {  	_ =	strace s3  }
0x9b: {  	s3 =	sld [smem:$0x3FFD];
	_ =	sdelay $0x3  }
0x9c: {  	_ =	strace s3  }
0x9d: {  	_ =	strace $0x8FFFFFFF  }
0x9e: {  	s18 =	sld [smem:$0x3FDB];
	_ =	sdelay $0x1  }
0x9f: {  	s19 =	simm.s32 $_scs_section_size  }
0xa0: {  	s5 =	simm.s32 $_size__tile_overlayer_lowered;
	s6 =	simm.s32 $_tile_overlayer_lowered  }
0xa1: {  	s22 =	simm.s32 $0x1BFF;
	s21 =	sshll.u32 s6, $0x1;
	s3 =	sadd.s32 s19, s18  }
0xa2: {  	s7 =	simm.s32 $0x0;
	s20 =	sshll.u32 s5, $0x1;
	s5 =	sadd.s32 s21, s3  }
0xa3: {  	[timem:s7], [sflag:s22] =	dma.local [hbm:s5], s20  }
0xa4: {  	_ =	swait.ge [sflag:s22], s20  }
0xa5: {  	s4 =	ssub.s32 $0x0, s20;
	[sflag:s22] =	ssyncset.done $0x0  }
0xa6: {  	[sflag:s22] =	ssyncadd.s32 s4;
	_ =	sdelay $0x1  }
0xa7: {  	s23 =	simm.s32 $0x1B8B  }
0xa8: {  	_ =	swait.ge [sflag:s23], $0x1  }
0xa9: {  	[sflag:s23] =	ssyncset.done $0x0  }
0xaa: {  	s25 =	simm.s32 $0x1B8E;
	s24 =	sld [smem:$0x3FFE];
	[sflag:s23] =	ssyncadd.s32 $0xFFFFFFFF  }
0xab: {  	s26 =	simm.s32 $execute0_lowered;
	[smem:$0x3FD2] =	sst s25  }
0xac: {  	s5 =	sshll.u32 s26, $0x1;
	_ =	strace $0x8000004F;
	[dreg:$0x1] =	wrdreg $0xFFFFFFFF  }
0xad: {  	s28 =	simm.s32 $_size_execute0_lowered;
	s3 =	sadd.s32 s3, s5;
	[dreg:$0x0] =	wrdreg $0x0  }
0xae: {  	s5 =	sshll.u32 s28, $0x1;
	[dreg:$0x2] =	wrdreg s3  }
0xaf: {  	[dreg:$0x3] =	wrdreg s5  }
0xb0: {  	[dreg:$0x4] =	wrdreg $0xC0  }
0xb1: {  	_ =	task [dreg:s7], $0x5FFFF  }
0xb2: {  	[dreg:$0x1] =	wrdreg $0xFFFFFFFF  }
0xb3: {  	[dreg:$0x0] =	wrdreg $0x60  }
0xb4: {  	[dreg:$0x2] =	wrdreg s24  }
0xb5: {  	[dreg:$0x3] =	wrdreg s16  }
0xb6: {  	[dreg:$0x4] =	wrdreg $0x9  }
0xb7: {  	_ =	task.clear_ibuf [dreg:s7], $0x5FFFF;
	_ =	strace $0x9000004F  }
0xb8: {  	s29 =	simm.s32 $0x9;
	_ =	strace $0x80000051  }
0xb9: {  	_ =	swait.ge [sflag:s29], $0x1  }
0xba: {  	[sflag:s29] =	ssyncadd.s32 $0xFFFFFFFF  }
0xbb: {  	_ =	strace $0x90000051  }
0xbc: {  	_ =	sfence  }
0xbd: {  	s30 =	sld [smem:$0x0];
	_ =	sdelay $0x2  }
0xbe: {  	s31 =	sshll.u32 s1, $0xD;
	s1 =	sshrl.u32 s1, $0x2  }
0xbf: {  	s3 =	sand.u32 $0x4000, s31;
	s1 =	sadd.s32 s1, s30  }
0xc0: {  	s0 =	sor.u32 s3, s0;
	s1 =	sshll.u32 s1, $0x11  }
0xc1: {  	s0 =	sor.u32 s1, s0  }
0xc2: {  	s0 =	sadd.s32 $0x8F2B, s0  }
0xc3: {  	[sflag:s0] =	ssyncadd.remote.s32 $0x1  }
0xc4: {  	_ =	sfence.sel $0xFFFF  }
0xc5: {  	[dreg:$0x0] =	wrdreg $0xFFFFFFFF;
	(pc) =	sbr.abs _section_cstart, $3  }
0xc6: {  	[dreg:$0x1] =	wrdreg $0xFFFFFFFF  }
0xc7: {  	_ =	task.clear_ibuf [dreg:s7], $0x2FFFF;
	_ =	strace $0x9FFFFFFF  }
0xc8: {  	(tm) =	ssettm $0x7FFFFFFF  }
0xc9: {  	_ =	shalt  }
tec
execute0_lowered:
.L_overlay_start_1:
0x0: {  	(tag) =	ssettag $0x1  }
0x1: {  	s4 =	rddreg [dreg:$0x0];
	s1 =	srdreg.scid  }
0x2: {  	s0 =	stileid.u32;
	s7 =	rddreg [dreg:$0x1]  }
0x3: {  	s2 =	simm.s32 $0x0;
	s10 =	simm.s32 $0x13880;
	s11 =	simm.s32 $0x15F90  }
0x4: {  	s12 =	simm.s32 $0x1ADB0;
	s3 =	sand.u32 $0x1, s1;
	s5 =	sshll.u32 s0, $0x1  }
0x5: {  	s13 =	simm.s32 $0x186A0;
	s14 =	simm.s32 $0x0;
	s5 =	sor.u32 s3, s5  }
0x6: {  	[smem:$0x7FF] =	sst s2;
	s31 =	ssub.s32 $0x2, s3;
	s8 =	smul.u32 $0x4E2, s5  }
0x7: {  	s1 =	rddreg [dreg:$0x2];
	_ =	strace $0x80000050;
	s9 =	sshrl.u32 s31, $0x1  }
0x8: {  	s3 =	sadd.s32 $0x84C00, s4;
	s9 =	ssub.s32 s31, s9;
	s6 =	sadd.s32 s8, s4  }
0x9: {  	s4 =	sadd.s32 $0x87400, s4;
	s7 =	sadd.s32 s7, s8;
	s8 =	smax.u32 s9, $0x1  }
0xa: {  	s9 =	simm.s32 $0x1;
	s5 =	sadd.s32 $0xF2800, s6;
	s6 =	sadd.s32 $0x7AE00, s6  }
.LBB2_1:
0xb: {  	[tilespmem:s2], [sflag:$0x1] =	stream.linear.gather [hbm4b:s3+s2], $0x13880, $0x38;
	[tilespmem:$0x1ADC0] =	vst v63  }
0xc: {  	_ =	swait.ge [sflag:s9], $0x13880  }
0xd: {  	[sflag:s9] =	ssyncset.done $0x0  }
0xe: {  	[sflag:s9] =	ssyncadd.s32 $0xFFFEC780  }
0xf: {  	[tilespmem:s10], [sflag:$0x1] =	stream.linear.gather [hbm4b:s5+s2], $0x2710, $0x38;
	[tilespmem:$0x1ADC0] =	vst v63  }
0x10: {  	_ =	swait.ge [sflag:s9], $0x2710  }
0x11: {  	[sflag:s9] =	ssyncset.done $0x0  }
0x12: {  	[sflag:s9] =	ssyncadd.s32 $0xFFFFD8F0  }
0x13: {  	[tilespmem:s11], [sflag:$0x1] =	stream.linear.gather [hbm4b:s6+s2], $0x2710, $0x38;
	[tilespmem:$0x1ADC0] =	vst v63  }
0x14: {  	_ =	swait.ge [sflag:s9], $0x2710  }
0x15: {  	[sflag:s9] =	ssyncset.done $0x0  }
0x16: {  	[sflag:s9] =	ssyncadd.s32 $0xFFFFD8F0  }
0x17: {  	[tilespmem:s12], [sflag:$0x1] =	stream.linear.gather [hbm4b:s4+s2], $0x10, $0x38;
	[tilespmem:$0x1ADC0] =	vst v63  }
0x18: {  	_ =	swait.ge [sflag:s9], $0x10  }
0x19: {  	[sflag:s9] =	ssyncset.done $0x0  }
0x1a: {  	s15 =	simm.s32 $0x0;
	[sflag:s9] =	ssyncadd.s32 $0xFFFFFFF0  }
0x1b: {  	v0 =	vld [tilespmem:s15+$0x15F90]  }
0x1c: {  	v1 =	vld [tilespmem:s15+$0x13880];
	_ =	sdelay $0x4  }
0x1d: {  	v0 =	vshll.u32 v0, $0x3;
	v1 =	vshll.u32 v1, $0x3  }
0x1e: {  	v0 =	vor.u32 $0x1, v0;
	_ =	sdelay $0x1  }
0x1f: {  	v2 =	vld [tilespmem:s15+$0x13890]  }
0x20: {  	v3 =	vld [tilespmem:s15+$0x15FA0]  }
0x21: {  	v1 =	vld.idx.msk [tilespmem:v1+s2+$0x0], $0xffff  }
0x22: {  	v4 =	vld.idx.msk [tilespmem:v0+s2+$0x0], $0xffff;
	_ =	sdelay $0x1  }
0x23: {  	v0 =	vld [tilespmem:$0x1ADB0];
	_ =	sdelay $0x2  }
0x24: {  	v3 =	vshll.u32 v3, $0x3;
	v2 =	vshll.u32 v2, $0x3;
	v1 =	vadd.f32 v4, v1  }
0x25: {  	v3 =	vor.u32 $0x1, v3  }
0x26: {  	v1 =	vadd.f32 v1, v0  }
0x27: {  	v5 =	vld [tilespmem:s15+$0x138A0]  }
0x28: {  	v6 =	vld [tilespmem:s15+$0x15FB0];
	[tilespmem:s15+$0x186A0] =	vst v1  }
0x29: {  	v1 =	vld.idx.msk [tilespmem:v2+s2+$0x0], $0xffff  }
0x2a: {  	v2 =	vld.idx.msk [tilespmem:v3+s2+$0x0], $0xffff;
	_ =	sdelay $0x4  }
0x2b: {  	v3 =	vshll.u32 v6, $0x3;
	v1 =	vadd.f32 v2, v1;
	v2 =	vshll.u32 v5, $0x3  }
0x2c: {  	v3 =	vor.u32 $0x1, v3  }
0x2d: {  	v1 =	vadd.f32 v1, v0  }
0x2e: {  	v7 =	vld [tilespmem:s15+$0x138B0]  }
0x2f: {  	v4 =	vld [tilespmem:s15+$0x15FC0];
	[tilespmem:s15+$0x186B0] =	vst v1  }
0x30: {  	v1 =	vld.idx.msk [tilespmem:v2+s2+$0x0], $0xffff  }
0x31: {  	v2 =	vld.idx.msk [tilespmem:v3+s2+$0x0], $0xffff;
	_ =	sdelay $0x4  }
0x32: {  	v3 =	vshll.u32 v4, $0x3;
	v1 =	vadd.f32 v2, v1;
	v2 =	vshll.u32 v7, $0x3  }
0x33: {  	v3 =	vor.u32 $0x1, v3  }
0x34: {  	v1 =	vadd.f32 v1, v0  }
0x35: {  	v8 =	vld [tilespmem:s15+$0x138C0]  }
0x36: {  	v9 =	vld [tilespmem:s15+$0x15FD0];
	[tilespmem:s15+$0x186C0] =	vst v1  }
0x37: {  	v1 =	vld.idx.msk [tilespmem:v2+s2+$0x0], $0xffff  }
0x38: {  	v2 =	vld.idx.msk [tilespmem:v3+s2+$0x0], $0xffff;
	_ =	sdelay $0x4  }
0x39: {  	v3 =	vshll.u32 v9, $0x3;
	v1 =	vadd.f32 v2, v1;
	v2 =	vshll.u32 v8, $0x3  }
0x3a: {  	v4 =	vor.u32 $0x1, v3  }
0x3b: {  	s17 =	simm.s32 $0x50;
	v1 =	vadd.f32 v1, v0  }
0x3c: {  	v5 =	vld [tilespmem:s17+$0x15F90]  }
0x3d: {  	v3 =	vld [tilespmem:s17+$0x13880];
	[tilespmem:s15+$0x186D0] =	vst v1  }
0x3e: {  	v2 =	vld.idx.msk [tilespmem:v2+s2+$0x0], $0xffff  }
0x3f: {  	v4 =	vld.idx.msk [tilespmem:v4+s2+$0x0], $0xffff  }
0x40: {  	s16 =	simm.s32 $0x280;
	v1 =	vld [tilespmem:s17+$0x13890]  }
.LBB2_2:
0x41: {  	p0 =	sne.s32 s16, $0x9B00;
	v6 =	vld [tilespmem:s17+$0x15FA0];
	s18 =	smov.u32 s16;
	s16 =	sadd.s32 $0x140, s16  }
0x42: {  	v3 =	vshll.u32 v3, $0x3;
	v5 =	vshll.u32 v5, $0x3;
	v7 =	vld [tilespmem:s17+$0x138A0]  }
0x43: {  	v5 =	vor.u32 $0x1, v5;
	v8 =	vld [tilespmem:s17+$0x15FB0]  }
0x44: {  	v9 =	vld [tilespmem:s17+$0x138B0]  }
0x45: {  	v2 =	vadd.f32 v4, v2;
	v10 =	vld [tilespmem:s17+$0x15FC0]  }
0x46: {  	v4 =	vshll.u32 v6, $0x3;
	v6 =	vld [tilespmem:s17+$0x138C0]  }
0x47: {  	v2 =	vadd.f32 v2, v0;
	v11 =	vld [tilespmem:s17+$0x15FD0]  }
0x48: {  	v8 =	vshll.u32 v8, $0x3  }
0x49: {  	[tilespmem:s15+$0x186E0] =	vst v2;
	s15 =	smov.u32 s17  }
0x4a: {  	v2 =	vld.idx.msk [tilespmem:v5+s2+$0x0], $0xffff;
	v5 =	vshll.u32 v10, $0x3  }
0x4b: {  	v3 =	vld.idx.msk [tilespmem:v3+s2+$0x0], $0xffff  }
0x4c: {  	v10 =	vshll.u32 v11, $0x3;
	_ =	sdelay $0x4  }
0x4d: {  	v1 =	vshll.u32 v1, $0x3;
	v2 =	vadd.f32 v2, v3  }
0x4e: {  	v3 =	vor.u32 $0x1, v4  }
0x4f: {  	v2 =	vadd.f32 v2, v0;
	_ =	sdelay $0x1  }
0x50: {  	[tilespmem:s15+$0x186A0] =	vst v2  }
0x51: {  	v1 =	vld.idx.msk [tilespmem:v1+s2+$0x0], $0xffff  }
0x52: {  	v2 =	vld.idx.msk [tilespmem:v3+s2+$0x0], $0xffff;
	_ =	sdelay $0x5  }
0x53: {  	v1 =	vadd.f32 v2, v1;
	v2 =	vshll.u32 v7, $0x3  }
0x54: {  	v3 =	vor.u32 $0x1, v8  }
0x55: {  	v1 =	vadd.f32 v1, v0;
	_ =	sdelay $0x1  }
0x56: {  	[tilespmem:s15+$0x186B0] =	vst v1  }
0x57: {  	v1 =	vld.idx.msk [tilespmem:v2+s2+$0x0], $0xffff  }
0x58: {  	v2 =	vld.idx.msk [tilespmem:v3+s2+$0x0], $0xffff;
	_ =	sdelay $0x5  }
0x59: {  	v1 =	vadd.f32 v2, v1;
	v2 =	vshll.u32 v9, $0x3  }
0x5a: {  	v3 =	vor.u32 $0x1, v5  }
0x5b: {  	v1 =	vadd.f32 v1, v0;
	_ =	sdelay $0x1  }
0x5c: {  	[tilespmem:s15+$0x186C0] =	vst v1  }
0x5d: {  	v1 =	vld.idx.msk [tilespmem:v2+s2+$0x0], $0xffff  }
0x5e: {  	v2 =	vld.idx.msk [tilespmem:v3+s2+$0x0], $0xffff;
	_ =	sdelay $0x5  }
0x5f: {  	v1 =	vadd.f32 v2, v1;
	v2 =	vshll.u32 v6, $0x3  }
0x60: {  	v4 =	vor.u32 $0x1, v10  }
0x61: {  	s17 =	sshra.s32 s18, $0x2;
	v1 =	vadd.f32 v1, v0  }
.Ltmp0:
0x62: {  	v3 =	vld [tilespmem:s17+$0x13880];
	(pc) =	sbr.rel @p0 .LBB2_2-.Ltmp0, $4  }
0x63: {  	v5 =	vld [tilespmem:s17+$0x15F90];
	[tilespmem:s15+$0x186D0] =	vst v1  }
0x64: {  	v2 =	vld.idx.msk [tilespmem:v2+s2+$0x0], $0xffff  }
0x65: {  	v4 =	vld.idx.msk [tilespmem:v4+s2+$0x0], $0xffff  }
0x66: {  	v1 =	vld [tilespmem:s17+$0x13890]  }
0x67: {  	_ = 	snop  }
0x68: {  	v6 =	vld [tilespmem:s17+$0x15FA0]  }
0x69: {  	v7 =	vld [tilespmem:s17+$0x138A0];
	v5 =	vshll.u32 v5, $0x3  }
0x6a: {  	v8 =	vld [tilespmem:s17+$0x15FB0];
	v5 =	vor.u32 $0x1, v5;
	v2 =	vadd.f32 v4, v2  }
0x6b: {  	v9 =	vld [tilespmem:s17+$0x138B0];
	v3 =	vshll.u32 v3, $0x3  }
0x6c: {  	v51 =	vld [tilespmem:s17+$0x15FC0];
	v2 =	vadd.f32 v2, v0  }
0x6d: {  	v10 =	vld [tilespmem:s17+$0x138C0]  }
0x6e: {  	v11 =	vld [tilespmem:s17+$0x15FD0];
	[tilespmem:s15+$0x186E0] =	vst v2  }
0x6f: {  	v2 =	vld.idx.msk [tilespmem:v5+s2+$0x0], $0xffff  }
0x70: {  	v3 =	vld.idx.msk [tilespmem:v3+s2+$0x0], $0xffff;
	_ =	sdelay $0x4  }
0x71: {  	v1 =	vshll.u32 v1, $0x3;
	v52 =	vshll.u32 v6, $0x3;
	v2 =	vadd.f32 v2, v3  }
0x72: {  	v53 =	vor.u32 $0x1, v52  }
0x73: {  	v2 =	vadd.f32 v2, v0;
	_ =	sdelay $0x1  }
0x74: {  	[tilespmem:s17+$0x186A0] =	vst v2  }
0x75: {  	v1 =	vld.idx.msk [tilespmem:v1+s2+$0x0], $0xffff  }
0x76: {  	v2 =	vld.idx.msk [tilespmem:v53+s2+$0x0], $0xffff;
	_ =	sdelay $0x4  }
0x77: {  	v54 =	vshll.u32 v8, $0x3;
	v55 =	vshll.u32 v7, $0x3;
	v1 =	vadd.f32 v2, v1  }
0x78: {  	v3 =	vor.u32 $0x1, v54  }
0x79: {  	v1 =	vadd.f32 v1, v0;
	_ =	sdelay $0x1  }
0x7a: {  	[tilespmem:s17+$0x186B0] =	vst v1  }
0x7b: {  	v1 =	vld.idx.msk [tilespmem:v55+s2+$0x0], $0xffff  }
0x7c: {  	v56 =	vld.idx.msk [tilespmem:v3+s2+$0x0], $0xffff;
	_ =	sdelay $0x4  }
0x7d: {  	v57 =	vshll.u32 v51, $0x3;
	v58 =	vshll.u32 v9, $0x3;
	v1 =	vadd.f32 v56, v1  }
0x7e: {  	v3 =	vor.u32 $0x1, v57  }
0x7f: {  	v1 =	vadd.f32 v1, v0;
	_ =	sdelay $0x1  }
0x80: {  	[tilespmem:s17+$0x186C0] =	vst v1  }
0x81: {  	v1 =	vld.idx.msk [tilespmem:v58+s2+$0x0], $0xffff  }
0x82: {  	v59 =	vld.idx.msk [tilespmem:v3+s2+$0x0], $0xffff;
	_ =	sdelay $0x4  }
0x83: {  	v60 =	vshll.u32 v11, $0x3;
	v61 =	vshll.u32 v10, $0x3;
	v1 =	vadd.f32 v59, v1  }
0x84: {  	v3 =	vor.u32 $0x1, v60  }
0x85: {  	v1 =	vadd.f32 v1, v0;
	_ =	sdelay $0x1  }
0x86: {  	[tilespmem:s17+$0x186D0] =	vst v1  }
0x87: {  	v1 =	vld.idx.msk [tilespmem:v61+s2+$0x0], $0xffff  }
0x88: {  	v62 =	vld.idx.msk [tilespmem:v3+s2+$0x0], $0xffff;
	_ =	sdelay $0x4  }
0x89: {  	v1 =	vadd.f32 v62, v1;
	_ =	sdelay $0x1  }
0x8a: {  	s14 =	sadd.s32 $0x1, s14;
	v63 =	vadd.f32 v1, v0  }
0x8b: {  	p0 =	sne.s32 s14, s8  }
.Ltmp1:
0x8c: {  	[tilespmem:s17+$0x186E0] =	vst v63;
	(pc) =	sbr.rel @p0 .LBB2_1-.Ltmp1, $4  }
0x8d: {  	[hbm4b:s7+s2] =	stream.linear.scatter [tilespmem:s13], [sflag:$0x1], $0x2710, $0x38;
	[tilespmem:$0x1ADC0] =	vst v63  }
0x8e: {  	_ =	swait.ge [sflag:s9], $0x2710  }
0x8f: {  	[sflag:s9] =	ssyncset.done $0x0  }
0x90: {  	[sflag:s9] =	ssyncadd.s32 $0xFFFFD8F0  }
0x91: {  	_ =	sfence.sel $0x180000  }
0x92: {  	[bflag:$0x0] =	sbarrier.arrive $0xFFFF  }
0x93: {  	p0 =	sne.s32 s0, $0x0;
	_ =	strace $0x90000050  }
0x94: {  	s0 =	sadd.s32 @!p0 $0x100000, s1;
	[bflag:$0x2] =	sbarrier.arrive $0xFFFF  }
0x95: {  	[sflag:s0] =	ssyncadd.tile.s32 @!p0 $0x1;
	_ =	shalt  }
.Lfunc_end2:
_tile_overlayer_lowered:
.L_overlay_start_2:
0x96: {  	(tag) =	ssettag $0x2  }
0x97: {  	s0 =	rddreg [dreg:$0x0];
	s2 =	stileid.u32  }
0x98: {  	s1 =	rddreg [dreg:$0x1];
	p0 =	sne.s32 s2, $0x0  }
0x99: {  	s3 =	rddreg [dreg:$0x2];
	[bflag:$0x3] =	sbarrier.arrive $0xFFFF;
	s2 =	simm.s32 @!p0 $0x1C01  }
0x9a: {  	[timem:s3], [sflag:s2] =	dma.local @!p0 [hbm:s0], s1  }
0x9b: {  	s0 =	simm.s32 @!p0 $0x1  }
0x9c: {  	_ =	swait.ge @!p0 [sflag:s0], s1  }
0x9d: {  	s1 =	ssub.s32 @!p0 $0x0, s1;
	[sflag:s0] =	ssyncset.done @!p0 $0x0  }
0x9e: {  	[sflag:s0] =	ssyncadd.s32 @!p0 s1  }
0x9f: {  	[bflag:$0x3] =	sbarrier.arrive $0xFFFF  }
0xa0: {  	_ =	shalt  }

// kernel: kernel.9.cloned.1.call-start
scs
__scs_entry_jumppad:
0x0: {  	(pc) =	sbr.rel $0x88, $3  }
0x1: {  	(tag) =	ssettag $0x0;
	lr =	simm.s32 $0x1  }
0x2: {  	[smem:$0x3F97] =	sst lr;
	_ =	strace $0xD0000000  }
0x3: {  	_ = 	snop  }
0x4: {  	_ = 	snop  }
0x5: {  	_ = 	snop  }
0x6: {  	_ = 	snop  }
0x7: {  	_ = 	snop  }
__scs_overlays_trampoline_lowered:
0x8: {  	[smem:$0x3FA6] =	sst s0  }
0x9: {  	[smem:$0x3FA7] =	sst s1  }
0xa: {  	[smem:$0x3FA8] =	sst s2  }
0xb: {  	[smem:$0x3FA9] =	sst s3  }
0xc: {  	[smem:$0x3FAA] =	sst s4  }
0xd: {  	[smem:$0x3FAB] =	sst s5  }
0xe: {  	[smem:$0x3FAC] =	sst s6  }
0xf: {  	[smem:$0x3FAD] =	sst s7  }
0x10: {  	[smem:$0x3FAE] =	sst s8  }
0x11: {  	[smem:$0x3FAF] =	sst s9;
	s0 =	simm.s32 @!p0 $0x0  }
0x12: {  	s1 =	sld [smem:$0x3F95];
	s0 =	simm.s32 @p0 $0x1  }
0x13: {  	[smem:$0x3FB0] =	sst s0;
	s0 =	simm.s32 @!p1 $0x0  }
0x14: {  	s2 =	sld [smem:$0x3F94];
	s0 =	simm.s32 @p1 $0x1  }
0x15: {  	[smem:$0x3FB1] =	sst s0;
	s0 =	simm.s32 @!p2 $0x0  }
0x16: {  	s3 =	sld [smem:$0x3FDB];
	s0 =	simm.s32 @p2 $0x1  }
0x17: {  	s4 =	simm.s32 $0x1BF5;
	[smem:$0x3FB3] =	sst s0  }
0x18: {  	s0 =	sld [smem:$0x3F96];
	_ =	swait.ge [sflag:s4], $0x0  }
0x19: {  	s7 =	sld [smem:$0x3F97]  }
0x1a: {  	s8 =	sadd.s32 $0xFFFFE003, lr  }
0x1b: {  	s9 =	sadd.s32 $0xFFFFFEF7, lr;
	s5 =	simm.s32 $0xFFFFFFFF;
	p2 =	slt.u32 s8, $0xFFFFF086  }
0x1c: {  	p1 =	slt.u32 s9, $0xF7A;
	s5 =	simm.s32 @!p2 $0x0  }
0x1d: {  	s5 =	simm.s32 @p1 $0x1;
	p0 =	seq.s32 s7, s2  }
0x1e: {  	s7 =	smul.u32 @!p0 $0xF7A, s2;
	p2 =	seq.s32 @!p0 s5, $0x0  }
0x1f: {  	s9 =	smul.u32 $0xF7A, s1;
	s8 =	simm.s32 @!p0 $0x1BF5;
	p2 =	por !p2, p0  }
0x20: {  	[sflag:s8] =	ssyncset.s32 @!p0 $0xFFFFF086;
	s6 =	sadd.s32 @!p0 s3, s7;
	s7 =	simm.s32 @!p0 $0x108  }
0x21: {  	s3 =	sadd.s32 s3, s9;
	s6 =	sadd.s32 @!p0 $0x88, s6;
	s7 =	simm.s32 @p2 $0x1082  }
0x22: {  	[simem:s7], [sflag:s8] =	dma.local @!p0 [hbm:s6], $0xF7A  }
0x23: {  	s9 =	sor.u32 $0xD0000000, s2;
	s6 =	simm.s32 $0x108;
	_ =	swait.ge @!p0 [sflag:s8], $0x0  }
0x24: {  	s3 =	sadd.s32 $0x88, s3;
	s6 =	simm.s32 @!p1 $0x1082;
	[sflag:s4] =	ssyncset.s32 $0xFFFFF086  }
0x25: {  	[simem:s6], [sflag:s4] =	dma.local [hbm:s3], $0xF7A  }
0x26: {  	[smem:$0x3F97] =	sst s1;
	(tag) =	ssettag s2;
	_ =	strace s9  }
0x27: {  	s1 =	sld [smem:$0x3FA7]  }
0x28: {  	s2 =	sld [smem:$0x3FA8]  }
0x29: {  	s4 =	sld [smem:$0x3FAA]  }
0x2a: {  	p0 =	seq.s32 s5, $0x0;
	s5 =	sld [smem:$0x3FAB]  }
0x2b: {  	s6 =	sld [smem:$0x3FAC]  }
0x2c: {  	s7 =	sld [smem:$0x3FAD]  }
0x2d: {  	s3 =	simm.s32 $0x108;
	s8 =	sld [smem:$0x3FAE]  }
0x2e: {  	s3 =	simm.s32 @!p0 $0x1082;
	s9 =	sld [smem:$0x3FAF]  }
0x2f: {  	lr =	sadd.s32 s0, s3;
	s0 =	sld [smem:$0x3FA6]  }
0x30: {  	s3 =	sld [smem:$0x3FA9]  }
0x31: {  	[smem:$0x3FB2] =	sst s10  }
0x32: {  	s10 =	sld [smem:$0x3FB0];
	_ =	sdelay $0x3  }
0x33: {  	p0 =	seq.s32 s10, $0x1;
	s10 =	sld [smem:$0x3FB2];
	_ =	sdelay $0x3  }
0x34: {  	[smem:$0x3FB2] =	sst s10  }
0x35: {  	s10 =	sld [smem:$0x3FB1];
	_ =	sdelay $0x3  }
0x36: {  	p1 =	seq.s32 s10, $0x1;
	s10 =	sld [smem:$0x3FB2];
	_ =	sdelay $0x3  }
0x37: {  	[smem:$0x3FB2] =	sst s10  }
0x38: {  	s10 =	sld [smem:$0x3FB3]  }
0x39: {  	_ = 	snop;
	(pc) =	sbr.ind lr, $3  }
0x3a: {  	_ = 	snop  }
0x3b: {  	_ = 	snop  }
0x3c: {  	p2 =	seq.s32 s10, $0x1;
	s10 =	sld [smem:$0x3FB2]  }
0x3d: {  	_ =	shalt  }
0x3e: {  	_ =	shalt  }
0x3f: {  	_ =	shalt  }
0x40: {  	_ =	shalt  }
0x41: {  	_ =	shalt  }
0x42: {  	_ =	shalt  }
0x43: {  	_ =	shalt  }
0x44: {  	_ =	shalt  }
0x45: {  	_ =	shalt  }
0x46: {  	_ =	shalt  }
0x47: {  	_ =	shalt  }
0x48: {  	_ =	shalt  }
0x49: {  	_ =	shalt  }
0x4a: {  	_ =	shalt  }
0x4b: {  	_ =	shalt  }
0x4c: {  	_ =	shalt  }
0x4d: {  	_ =	shalt  }
0x4e: {  	_ =	shalt  }
0x4f: {  	_ =	shalt  }
0x50: {  	_ =	shalt  }
0x51: {  	_ =	shalt  }
0x52: {  	_ =	shalt  }
0x53: {  	_ =	shalt  }
0x54: {  	_ =	shalt  }
0x55: {  	_ =	shalt  }
0x56: {  	_ =	shalt  }
0x57: {  	_ =	shalt  }
0x58: {  	_ =	shalt  }
0x59: {  	_ =	shalt  }
0x5a: {  	_ =	shalt  }
0x5b: {  	_ =	shalt  }
0x5c: {  	_ =	shalt  }
0x5d: {  	_ =	shalt  }
0x5e: {  	_ =	shalt  }
0x5f: {  	_ =	shalt  }
0x60: {  	_ =	shalt  }
0x61: {  	_ =	shalt  }
0x62: {  	_ =	shalt  }
0x63: {  	_ =	shalt  }
0x64: {  	_ =	shalt  }
0x65: {  	_ =	shalt  }
0x66: {  	_ =	shalt  }
0x67: {  	_ =	shalt  }
0x68: {  	_ =	shalt  }
0x69: {  	_ =	shalt  }
0x6a: {  	_ =	shalt  }
0x6b: {  	_ =	shalt  }
0x6c: {  	_ =	shalt  }
0x6d: {  	_ =	shalt  }
0x6e: {  	_ =	shalt  }
0x6f: {  	_ =	shalt  }
0x70: {  	_ =	shalt  }
0x71: {  	_ =	shalt  }
0x72: {  	_ =	shalt  }
0x73: {  	_ =	shalt  }
0x74: {  	_ =	shalt  }
0x75: {  	_ =	shalt  }
0x76: {  	_ =	shalt  }
0x77: {  	_ =	shalt  }
0x78: {  	_ =	shalt  }
0x79: {  	_ =	shalt  }
0x7a: {  	_ =	shalt  }
0x7b: {  	_ =	shalt  }
0x7c: {  	_ =	shalt  }
0x7d: {  	_ =	shalt  }
0x7e: {  	_ =	shalt  }
0x7f: {  	_ =	shalt  }
0x80: {  	_ =	shalt  }
0x81: {  	_ =	shalt  }
0x82: {  	_ =	shalt  }
0x83: {  	_ =	shalt  }
0x84: {  	_ =	shalt  }
0x85: {  	_ =	shalt  }
0x86: {  	_ =	shalt  }
0x87: {  	_ =	shalt  }
.Lfunc_end0:
.L_simem_size_0:
called_computation_lowered:
.L_overlay_start_0:
0x88: {  	s2 =	sld [smem:$0x3FD9]  }
0x89: {  	s3 =	sld [smem:$0x3FFE];
	_ =	sdelay $0x1  }
0x8a: {  	s1 =	srdreg.scid  }
0x8b: {  	s0 =	sand.u32 $0x1, s1  }
0x8c: {  	s14 =	sshll.u32 s0, $0xA;
	s2 =	sadd.s32 s3, s2  }
0x8d: {  	s2 =	sadd.s32 s2, s14  }
0x8e: {  	[smem:$0x3FBE] =	sst s2  }
0x8f: {  	_ = 	snop  }
0x90: {  	s2 =	sld [smem:$0x3FD0];
	_ =	sdelay $0x2  }
0x91: {  	s15 =	simm.s32 $0xA;
	s4 =	simm.s32 $0x10  }
0x92: {  	[smem:s4], [sflag:s15] =	dma.local [hbm:s2], $0x1  }
0x93: {  	_ =	swait.eq [sflag:s15], $0x1  }
0x94: {  	[sflag:s15] =	ssyncset.done $0x0  }
0x95: {  	s16 =	sld [smem:$0x10];
	[sflag:s15] =	ssyncadd.s32 $0xFFFFFFFF  }
0x96: {  	s17 =	sld [smem:$0x11];
	(tm) =	ssettm $0x1  }
0x97: {  	s18 =	sld [smem:$0x3FFB];
	_ =	sdelay $0x3  }
0x98: {  	_ =	strace s18  }
0x99: {  	s4 =	sld [smem:$0x3FFC];
	_ =	sdelay $0x3  }
0x9a: {  	_ =	strace s4  }
0x9b: {  	s4 =	sld [smem:$0x3FFD];
	_ =	sdelay $0x3  }
0x9c: {  	_ =	strace s4  }
0x9d: {  	_ =	strace $0x8FFFFFFF  }
0x9e: {  	s19 =	sld [smem:$0x3FDB];
	_ =	sdelay $0x1  }
0x9f: {  	s5 =	simm.s32 $_scs_section_size  }
0xa0: {  	s6 =	simm.s32 $_size__tile_overlayer_lowered;
	s7 =	simm.s32 $_tile_overlayer_lowered  }
0xa1: {  	s22 =	simm.s32 $0x1BFF;
	s21 =	sshll.u32 s7, $0x1;
	s4 =	sadd.s32 s5, s19  }
0xa2: {  	s8 =	simm.s32 $0x0;
	s20 =	sshll.u32 s6, $0x1;
	s6 =	sadd.s32 s21, s4  }
0xa3: {  	[timem:s8], [sflag:s22] =	dma.local [hbm:s6], s20  }
0xa4: {  	_ =	swait.ge [sflag:s22], s20  }
0xa5: {  	s5 =	ssub.s32 $0x0, s20;
	[sflag:s22] =	ssyncset.done $0x0  }
0xa6: {  	[sflag:s22] =	ssyncadd.s32 s5;
	_ =	sdelay $0x1  }
0xa7: {  	s23 =	simm.s32 $0x1B8B  }
0xa8: {  	_ =	swait.ge [sflag:s23], $0x1  }
0xa9: {  	[sflag:s23] =	ssyncset.done $0x0  }
0xaa: {  	s25 =	simm.s32 $0x1B8E;
	s24 =	sld [smem:$0x3FFE];
	[sflag:s23] =	ssyncadd.s32 $0xFFFFFFFF  }
0xab: {  	s26 =	simm.s32 $execute0_lowered;
	[smem:$0x3FD2] =	sst s25  }
0xac: {  	s6 =	sshll.u32 s26, $0x1;
	_ =	strace $0x80000046;
	[dreg:$0x1] =	wrdreg $0xFFFFFFFF  }
0xad: {  	s28 =	simm.s32 $_size_execute0_lowered;
	s4 =	sadd.s32 s4, s6;
	[dreg:$0x0] =	wrdreg $0x0  }
0xae: {  	s6 =	sshll.u32 s28, $0x1;
	[dreg:$0x2] =	wrdreg s4  }
0xaf: {  	[dreg:$0x3] =	wrdreg s6  }
0xb0: {  	[dreg:$0x4] =	wrdreg $0xC0  }
0xb1: {  	_ =	task [dreg:s8], $0x5FFFF  }
0xb2: {  	[dreg:$0x1] =	wrdreg $0xFFFFFFFF  }
0xb3: {  	[dreg:$0x0] =	wrdreg $0x60  }
0xb4: {  	[dreg:$0x2] =	wrdreg s24  }
0xb5: {  	[dreg:$0x3] =	wrdreg s17  }
0xb6: {  	[dreg:$0x4] =	wrdreg s16  }
0xb7: {  	[dreg:$0x5] =	wrdreg $0x2FD00  }
0xb8: {  	[dreg:$0x6] =	wrdreg $0x9  }
0xb9: {  	_ =	task.clear_ibuf [dreg:s8], $0x7FFFF;
	_ =	strace $0x90000046  }
0xba: {  	s29 =	simm.s32 $0x9;
	_ =	strace $0x80000048  }
0xbb: {  	_ =	swait.ge [sflag:s29], $0x1  }
0xbc: {  	[sflag:s29] =	ssyncadd.s32 $0xFFFFFFFF  }
0xbd: {  	_ =	strace $0x90000048  }
0xbe: {  	_ =	sfence  }
0xbf: {  	s30 =	sld [smem:$0x0];
	_ =	sdelay $0x2  }
0xc0: {  	s31 =	sshll.u32 s1, $0xD;
	s1 =	sshrl.u32 s1, $0x2  }
0xc1: {  	s3 =	sand.u32 $0x4000, s31;
	s1 =	sadd.s32 s1, s30  }
0xc2: {  	s0 =	sor.u32 s3, s0;
	s1 =	sshll.u32 s1, $0x11  }
0xc3: {  	s0 =	sor.u32 s1, s0  }
0xc4: {  	s0 =	sadd.s32 $0x8F2B, s0  }
0xc5: {  	[sflag:s0] =	ssyncadd.remote.s32 $0x1  }
0xc6: {  	_ =	sfence.sel $0xFFFF  }
0xc7: {  	[dreg:$0x0] =	wrdreg $0xFFFFFFFF;
	(pc) =	sbr.abs _section_cstart, $3  }
0xc8: {  	[dreg:$0x1] =	wrdreg $0xFFFFFFFF  }
0xc9: {  	_ =	task.clear_ibuf [dreg:s8], $0x2FFFF;
	_ =	strace $0x9FFFFFFF  }
0xca: {  	(tm) =	ssettm $0x7FFFFFFF  }
0xcb: {  	_ =	shalt  }
tec
execute0_lowered:
.L_overlay_start_1:
0x0: {  	(tag) =	ssettag $0x1  }
0x1: {  	s4 =	rddreg [dreg:$0x0]  }
0x2: {  	s6 =	rddreg [dreg:$0x1]  }
0x3: {  	s1 =	srdreg.scid;
	s7 =	rddreg [dreg:$0x2]  }
0x4: {  	s0 =	stileid.u32;
	s2 =	rddreg [dreg:$0x3]  }
0x5: {  	s3 =	simm.s32 $0x0;
	s13 =	simm.s32 $0x7D;
	s14 =	simm.s32 $0x80  }
0x6: {  	s15 =	simm.s32 $0x1;
	s16 =	simm.s32 $0x2;
	s17 =	simm.s32 $0x0  }
0x7: {  	s5 =	sand.u32 $0x1, s1;
	s23 =	sshll.u32 s0, $0x1;
	s1 =	rddreg [dreg:$0x4]  }
0x8: {  	[smem:$0x7FF] =	sst s3;
	s10 =	smul.u32 $0x2800, s0;
	s31 =	sshll.u32 s0, $0x6  }
0x9: {  	s8 =	sor.u32 s5, s23;
	s9 =	ssub.s32 $0x2, s5;
	s12 =	smul.u32 $0x28000, s5  }
0xa: {  	_ =	strace $0x80000047;
	s8 =	smul.u32 $0x500, s8;
	s11 =	sshrl.u32 s9, $0x1  }
0xb: {  	s26 =	sshrl.u32 s10, $0x3;
	s29 =	sadd.s32 s10, s2;
	s25 =	ssub.s32 s9, s11  }
0xc: {  	s28 =	sadd.s32 s10, s12;
	s6 =	sadd.s32 s6, s26;
	s9 =	simm.s32 $0x3  }
0xd: {  	s10 =	simm.s32 $0x2800;
	s11 =	sor.u32 $0x1C03, s31;
	s12 =	sshrl.u32 s29, $0x3  }
0xe: {  	s24 =	sadd.s32 s8, s4;
	s4 =	sadd.s32 $0xD200, s4;
	s30 =	sshrl.u32 s28, $0x3  }
0xf: {  	s8 =	smax.u32 s25, $0x1;
	s5 =	sadd.s32 $0x3200, s24;
	s7 =	sadd.s32 s7, s30  }
.LBB2_1:
0x10: {  	[tilespmem:s3], [sflag:$0x3] =	stream.linear.gather [hbm4b:s5+s3], $0x2800, $0x38;
	[tilespmem:$0x57D0] =	vst v63  }
0x11: {  	_ =	swait.ge [sflag:s9], $0x2800  }
0x12: {  	[sflag:s9] =	ssyncset.done $0x0  }
0x13: {  	[sflag:s9] =	ssyncadd.s32 $0xFFFFD800  }
0x14: {  	[tilespmem:s10], [sflag:$0x3] =	stream.linear.gather [hbm4b:s4+s3], $0x7D0, $0x38;
	[tilespmem:$0x57D0] =	vst v63  }
0x15: {  	_ =	swait.ge [sflag:s9], $0x7D0  }
0x16: {  	[sflag:s9] =	ssyncset.done $0x0  }
0x17: {  	[sflag:s9] =	ssyncadd.s32 $0xFFFFF830  }
0x18: {  	[spmem:s12], [sflag:s11] =	dma.local [hbm:s6], $0x500  }
0x19: {  	_ =	swait.ge [sflag:s9], $0x500  }
0x1a: {  	[sflag:s9] =	ssyncset.done $0x0  }
0x1b: {  	[sflag:s9] =	ssyncadd.s32 $0xFFFFFB00  }
0x1c: {  	[bflag:$0x0] =	sbarrier.arrive $0xFFFF  }
0x1d: {  	[spmem:s2] =	stream.indirect.scatter.add.f32 [tilespmem:s10], [sflag:$0x1], $0x10, s3, s13, $0xb8;
	[tilespmem:$0x57D0] =	vst v63  }
0x1e: {  	_ = 	snop  }
0x1f: {  	[spmem:s2] =	stream.indirect.scatter.add.f32 [tilespmem:s10], [sflag:$0x2], $0x10, s14, s13, $0xb8;
	[tilespmem:$0x57D0] =	vst v63  }
0x20: {  	_ =	swait.ge [sflag:s15], $0x7D0  }
0x21: {  	[sflag:s15] =	ssyncset.done $0x0  }
0x22: {  	s18 =	simm.s32 $0x100;
	[sflag:s15] =	ssyncadd.s32 $0xFFFFF830  }
0x23: {  	[spmem:s2] =	stream.indirect.scatter.add.f32 [tilespmem:s10], [sflag:$0x1], $0x10, s18, s13, $0xb8;
	[tilespmem:$0x57D0] =	vst v63  }
0x24: {  	_ =	swait.ge [sflag:s16], $0x7D0  }
0x25: {  	[sflag:s16] =	ssyncset.done $0x0  }
0x26: {  	s19 =	simm.s32 $0x180;
	s18 =	simm.s32 $0xFFFF6800;
	[sflag:s16] =	ssyncadd.s32 $0xFFFFF830  }
.LBB2_2:
0x27: {  	[spmem:s2] =	stream.indirect.scatter.add.f32 [tilespmem:s10], [sflag:$0x2], $0x10, s19, s13, $0xb8;
	[tilespmem:$0x57D0] =	vst v63  }
0x28: {  	s19 =	smov.u32 s18  }
0x29: {  	p0 =	sne.s32 s18, $0xFFFFFC00;
	s18 =	sadd.s32 $0x400, s18;
	_ =	swait.ge [sflag:s15], $0x7D0  }
0x2a: {  	s19 =	sshra.s32 s19, $0x2;
	[sflag:s15] =	ssyncset.done $0x0  }
.Ltmp0:
0x2b: {  	s20 =	sadd.s32 $0x2800, s19;
	[sflag:s15] =	ssyncadd.s32 $0xFFFFF830;
	(pc) =	sbr.rel @p0 .LBB2_2-.Ltmp0, $4  }
0x2c: {  	[spmem:s2] =	stream.indirect.scatter.add.f32 [tilespmem:s10], [sflag:$0x1], $0x10, s20, s13, $0xb8;
	[tilespmem:$0x57D0] =	vst v63  }
0x2d: {  	_ =	swait.ge [sflag:s16], $0x7D0  }
0x2e: {  	[sflag:s16] =	ssyncset.done $0x0  }
0x2f: {  	s19 =	sadd.s32 $0x2880, s19;
	[sflag:s16] =	ssyncadd.s32 $0xFFFFF830  }
0x30: {  	[spmem:s2] =	stream.indirect.scatter.add.f32 [tilespmem:s10], [sflag:$0x2], $0x10, s19, s13, $0xb8;
	[tilespmem:$0x57D0] =	vst v63  }
0x31: {  	_ =	swait.ge [sflag:s15], $0x7D0  }
0x32: {  	[sflag:s15] =	ssyncset.done $0x0  }
0x33: {  	[sflag:s15] =	ssyncadd.s32 $0xFFFFF830  }
0x34: {  	_ =	swait.ge [sflag:s16], $0x7D0  }
0x35: {  	s17 =	sadd.s32 $0x1, s17;
	[sflag:s16] =	ssyncset.done $0x0  }
0x36: {  	p0 =	sne.s32 s17, s8;
	[sflag:s16] =	ssyncadd.s32 $0xFFFFF830  }
.Ltmp1:
0x37: {  	[bflag:$0x0] =	sbarrier.arrive $0xFFFF;
	(pc) =	sbr.rel @p0 .LBB2_1-.Ltmp1, $4  }
0x38: {  	[hbm:s7], [sflag:s11] =	dma.local [spmem:s12], $0x500  }
0x39: {  	_ =	swait.ge [sflag:s9], $0x500  }
0x3a: {  	[sflag:s9] =	ssyncset.done $0x0  }
0x3b: {  	[sflag:s9] =	ssyncadd.s32 $0xFFFFFB00  }
0x3c: {  	_ =	sfence.sel $0x180000  }
0x3d: {  	[bflag:$0x0] =	sbarrier.arrive $0xFFFF  }
0x3e: {  	p0 =	sne.s32 s0, $0x0;
	_ =	strace $0x90000047  }
0x3f: {  	s0 =	sadd.s32 @!p0 $0x100000, s1;
	[bflag:$0x2] =	sbarrier.arrive $0xFFFF  }
0x40: {  	[sflag:s0] =	ssyncadd.tile.s32 @!p0 $0x1;
	_ =	shalt  }
.Lfunc_end2:
_tile_overlayer_lowered:
.L_overlay_start_2:
0x41: {  	(tag) =	ssettag $0x2  }
0x42: {  	s0 =	rddreg [dreg:$0x0];
	s2 =	stileid.u32  }
0x43: {  	s1 =	rddreg [dreg:$0x1];
	p0 =	sne.s32 s2, $0x0  }
0x44: {  	s3 =	rddreg [dreg:$0x2];
	[bflag:$0x3] =	sbarrier.arrive $0xFFFF;
	s2 =	simm.s32 @!p0 $0x1C03  }
0x45: {  	[timem:s3], [sflag:s2] =	dma.local @!p0 [hbm:s0], s1  }
0x46: {  	s0 =	simm.s32 @!p0 $0x3  }
0x47: {  	_ =	swait.ge @!p0 [sflag:s0], s1  }
0x48: {  	s1 =	ssub.s32 @!p0 $0x0, s1;
	[sflag:s0] =	ssyncset.done @!p0 $0x0  }
0x49: {  	[sflag:s0] =	ssyncadd.s32 @!p0 s1  }
0x4a: {  	[bflag:$0x3] =	sbarrier.arrive $0xFFFF  }
0x4b: {  	_ =	shalt  }

</sc_bundles>
